<compile_context>
chip_gen: v7x
topology: tpu7x:2x2x1
jax: 0.10.2.dev20260603
libtpu: 0.0.44.dev20260713+nightly
codegen_flags: <defaults>
</compile_context>

<pallas_src>
import functools

import jax
import jax.numpy as jnp
from jax import lax
from jax.experimental import pallas as pl
from jax.experimental.pallas import tpu as pltpu
from jax.experimental.pallas import tpu_sc as plsc

N = 10000
C = 128
E = 320000
NC, NS = 2, 16
NW = NC * NS
CHUNK = 128
CPW = 80
E_PAD = NW * CPW * CHUNK
N_ACC = 10240
ZR = N_ACC // NS

@functools.lru_cache(maxsize=None)
def _sc_mesh():
    return plsc.VectorSubcoreMesh(
        core_axis_name="c", subcore_axis_name="s",
        num_cores=NC, num_subcores=NS)


HROWS = N_ACC // CHUNK


def _deg_body(dst_hbm, out_hbm, idxv, hist, rowidx, shared, sem):
    c = lax.axis_index("c")
    s = lax.axis_index("s")
    wid = c * NS + s
    pltpu.sync_copy(dst_hbm.at[pl.ds(wid * CPW, CPW)], idxv)
    ones16 = jnp.ones((16,), jnp.float32)
    zeros16 = jnp.zeros((16,), jnp.float32)
    iota16 = lax.iota(jnp.int32, 16)
    for k in range(HROWS // 16):
        rowidx[pl.ds(k * 16, 16)] = iota16 + k * 16

    def zbody(r, carry):
        for k in range(8):
            hist[r, pl.ds(k * 16, 16)] = zeros16
        return carry

    lax.fori_loop(0, HROWS, zbody, 0)

    @pl.when(s == 0)
    def _():
        pltpu.sync_copy(hist, shared)
    plsc.subcore_barrier()

    def body(r, carry):
        for k in range(8):
            idx = idxv[r, pl.ds(k * 16, 16)]
            plsc.addupdate_scatter(
                hist, [lax.shift_right_logical(idx, 7),
                       lax.bitwise_and(idx, 127)], ones16)
        return carry

    lax.fori_loop(0, CPW, body, 0)
    pltpu.sync_copy(hist, shared.at[rowidx], add=True)
    plsc.subcore_barrier()

    @pl.when(s == 0)
    def _():
        pltpu.sync_copy(shared, hist)
        pltpu.sync_copy(hist, out_hbm.at[pl.ds(c * HROWS, HROWS)])


@functools.lru_cache(maxsize=None)
def _deg_kernel():
    return pl.kernel(
        _deg_body,
        out_type=jax.ShapeDtypeStruct((NC * HROWS, CHUNK), jnp.float32),
        mesh=_sc_mesh(),
        compiler_params=pltpu.CompilerParams(needs_layout_passes=False),
        scratch_types=[
            pltpu.VMEM((CPW, CHUNK), jnp.int32),
            pltpu.VMEM((HROWS, CHUNK), jnp.float32),
            pltpu.VMEM((HROWS,), jnp.int32),
            pltpu.VMEM_SHARED((HROWS, CHUNK), jnp.float32),
            pltpu.SemaphoreType.DMA,
        ],
    )


GSZ = 8
CPW0 = 152
CPW1 = 2 * CPW - CPW0


def _scat_body(g_hbm, src_hbm, dst_hbm, zeros_hbm, out_hbm,
               s0, s1, d0, d1, bufA, bufB, acc, gsA, gsB, is0, is1):
    sidx = [s0, s1]
    didx = [d0, d1]
    bufs = [bufA, bufB]
    gsems = [gsA, gsB]
    isems = [is0, is1]
    c = lax.axis_index("c")
    s = lax.axis_index("s")
    row0 = jnp.where(c == 0, s * CPW0, NS * CPW0 + s * CPW1)
    ngi = jnp.where(c == 0, CPW0 // GSZ, CPW1 // GSZ)
    pltpu.sync_copy(zeros_hbm, bufA)
    base = s * ZR
    for k in range(5):
        pltpu.sync_copy(bufA, acc.at[pl.ds(base + k * 128, 128)])
    plsc.subcore_barrier()

    pltpu.sync_copy(src_hbm.at[pl.ds(row0, GSZ)], sidx[0])
    pltpu.sync_copy(dst_hbm.at[pl.ds(row0, GSZ)], didx[0])
    pltpu.async_copy(g_hbm.at[sidx[0].at[0]], bufA, gsA)
    pltpu.async_copy(g_hbm.at[sidx[0].at[1]], bufB, gsB)

    @pl.when(ngi > 1)
    def _():
        pltpu.async_copy(src_hbm.at[pl.ds(row0 + GSZ, GSZ)], sidx[1], is1)
        pltpu.async_copy(dst_hbm.at[pl.ds(row0 + GSZ, GSZ)], didx[1], is1)

    def body(g, carry):
        p = lax.rem(g, 2)
        q = 1 - p
        for b in range(GSZ):
            buf = bufs[b % 2]
            gsem = gsems[b % 2]
            pltpu.make_async_copy(g_hbm.at[sidx[0].at[0]], buf, gsem).wait()
            for pp in range(2):
                @pl.when(p == pp)
                def _():
                    pltpu.sync_copy(buf, acc.at[didx[pp].at[b]], add=True)
            if b == GSZ - 3:
                @pl.when(g < ngi - 1)
                def _():
                    for pp in range(2):
                        @pl.when(q == pp)
                        def _():
                            pltpu.make_async_copy(
                                src_hbm.at[pl.ds(row0, GSZ)], sidx[pp],
                                isems[pp]).wait()
                            pltpu.make_async_copy(
                                dst_hbm.at[pl.ds(row0, GSZ)], didx[pp],
                                isems[pp]).wait()
            if b < GSZ - 2:
                for pp in range(2):
                    @pl.when(p == pp)
                    def _():
                        pltpu.async_copy(
                            g_hbm.at[sidx[pp].at[b + 2]], buf, gsem)
            else:
                @pl.when(g < ngi - 1)
                def _():
                    for pp in range(2):
                        @pl.when(q == pp)
                        def _():
                            pltpu.async_copy(
                                g_hbm.at[sidx[pp].at[b + 2 - GSZ]], buf, gsem)
        @pl.when(g < ngi - 2)
        def _():
            gr = row0 + (g + 2) * GSZ
            for pp in range(2):
                @pl.when(p == pp)
                def _():
                    pltpu.async_copy(src_hbm.at[pl.ds(gr, GSZ)], sidx[pp],
                                     isems[pp])
                    pltpu.async_copy(dst_hbm.at[pl.ds(gr, GSZ)], didx[pp],
                                     isems[pp])
        return carry

    lax.fori_loop(0, ngi, body, 0)
    plsc.subcore_barrier()
    for k in range(5):
        pltpu.sync_copy(acc.at[pl.ds(base + k * 128, 128)], bufA)
        pltpu.sync_copy(bufA,
                        out_hbm.at[pl.ds(c * N_ACC + base + k * 128, 128)])


@functools.lru_cache(maxsize=None)
def _scat_kernel():
    return pl.kernel(
        _scat_body,
        out_type=jax.ShapeDtypeStruct((NC * N_ACC, C), jnp.float32),
        mesh=_sc_mesh(),
        scratch_types=[
            pltpu.VMEM((GSZ, CHUNK), jnp.int32),
            pltpu.VMEM((GSZ, CHUNK), jnp.int32),
            pltpu.VMEM((GSZ, CHUNK), jnp.int32),
            pltpu.VMEM((GSZ, CHUNK), jnp.int32),
            pltpu.VMEM((CHUNK, C), jnp.float32),
            pltpu.VMEM((CHUNK, C), jnp.float32),
            pltpu.VMEM_SHARED((N_ACC, C), jnp.float32),
        ] + [pltpu.SemaphoreType.DMA] * 4,
    )


BL = 2000


def _d_from_hist(hp_ref):
    deg = hp_ref[0] + hp_ref[1] + 1.0
    return lax.rsqrt(deg)


def _lin1_body(x_ref, w_ref, b_ref, hp_ref, g_ref, diag_ref):
    d = _d_from_hist(hp_ref)
    h = jnp.dot(x_ref[...], w_ref[...], preferred_element_type=jnp.float32)
    g_ref[...] = d * h
    diag_ref[...] = (d * d) * h + b_ref[...]


def _mid_body(p_ref, diag1_ref, w_ref, b_ref, hp_ref, g_ref, diag2_ref):
    d = _d_from_hist(hp_ref)
    out1 = jnp.maximum(d * (p_ref[0] + p_ref[1]) + diag1_ref[...], 0.0)
    h2 = jnp.dot(out1, w_ref[...], preferred_element_type=jnp.float32)
    g_ref[...] = d * h2
    diag2_ref[...] = (d * d) * h2 + b_ref[...]


def _fin_body(q_ref, diag2_ref, hp_ref, o_ref):
    d = _d_from_hist(hp_ref)
    o_ref[...] = d * (q_ref[0] + q_ref[1]) + diag2_ref[...]


def _row_spec():
    return pl.BlockSpec((BL, C), lambda i: (i, 0))


def _pair_spec():
    return pl.BlockSpec((2, BL, C), lambda i: (0, i, 0))


def _hist_spec():
    return pl.BlockSpec((2, BL, 1), lambda i: (0, i, 0))


def _const_spec(shape):
    return pl.BlockSpec(shape, lambda i: (0,) * len(shape))


_lin1 = pl.pallas_call(
    _lin1_body,
    grid=(N // BL,),
    in_specs=[_row_spec(), _const_spec((C, C)), _const_spec((1, C)),
              _hist_spec()],
    out_specs=[_row_spec(), _row_spec()],
    out_shape=[jax.ShapeDtypeStruct((N, C), jnp.float32)] * 2,
)

_mid = pl.pallas_call(
    _mid_body,
    grid=(N // BL,),
    in_specs=[_pair_spec(), _row_spec(), _const_spec((C, C)),
              _const_spec((1, C)), _hist_spec()],
    out_specs=[_row_spec(), _row_spec()],
    out_shape=[jax.ShapeDtypeStruct((N, C), jnp.float32)] * 2,
)

_fin = pl.pallas_call(
    _fin_body,
    grid=(N // BL,),
    in_specs=[_pair_spec(), _row_spec(), _hist_spec()],
    out_specs=_row_spec(),
    out_shape=jax.ShapeDtypeStruct((N, C), jnp.float32),
)


def kernel(x, edge_index, W1, b1, W2, b2):
    src = edge_index[0].astype(jnp.int32)
    dst = edge_index[1].astype(jnp.int32)
    pad = E_PAD - E
    src2d = jnp.concatenate([src, jnp.zeros((pad,), jnp.int32)]).reshape(
        NW * CPW, CHUNK)
    dst2d = jnp.concatenate([dst, jnp.full((pad,), N, jnp.int32)]).reshape(
        NW * CPW, CHUNK)
    zeros_c = jnp.zeros((CHUNK, C), jnp.float32)

    hp = _deg_kernel()(dst2d).reshape(NC, N_ACC, 1)
    g1, diag1 = _lin1(x, W1, b1.reshape(1, C), hp)
    p = _scat_kernel()(g1, src2d, dst2d, zeros_c).reshape(NC, N_ACC, C)
    g2, diag2 = _mid(p, diag1, W2, b2.reshape(1, C), hp)
    q = _scat_kernel()(g2, src2d, dst2d, zeros_c).reshape(NC, N_ACC, C)
    return _fin(q, diag2, hp)

# --- scband reference (transcript-rebuilt; emitter-appended) ---
"""Pipeline reference for scband-encoder-14345190768997 (READ-ONLY COPY).

The authoritative reference and input builder live on the scoring server;
editing this copy changes nothing except your own understanding.
"""

import jax, jax.numpy as jnp
import numpy as np

N_NODES = 10000
IN_CH = 128
HID_CH = 128
OUT_CH = 128
N_EDGES = 320000


def setup_inputs(seed: int = 0) -> dict:
    key = jax.random.key(seed)
    k_x, k_e, k_w1, k_b1, k_w2, k_b2 = jax.random.split(key, 6)
    x = jax.random.normal(k_x, (N_NODES, IN_CH), dtype=jnp.float32)
    edge_index = jax.random.randint(k_e, (2, N_EDGES), 0, N_NODES, dtype=jnp.int64)
    W1 = jax.random.normal(k_w1, (IN_CH, HID_CH), dtype=jnp.float32) * (1.0 / np.sqrt(IN_CH))
    b1 = jnp.zeros((HID_CH,), dtype=jnp.float32)
    W2 = jax.random.normal(k_w2, (HID_CH, OUT_CH), dtype=jnp.float32) * (1.0 / np.sqrt(HID_CH))
    b2 = jnp.zeros((OUT_CH,), dtype=jnp.float32)
    return {"x": x, "edge_index": edge_index, "W1": W1, "b1": b1, "W2": W2, "b2": b2}


def _gcn_conv(x, edge_index, W, b, num_nodes):
    # Faithful GCNConv: add self-loops, symmetric normalization, linear transform,
    # gather messages by src, scatter-add by dst, add bias.
    src = edge_index[0]
    dst = edge_index[1]
    loop = jnp.arange(num_nodes, dtype=edge_index.dtype)
    src = jnp.concatenate([src, loop])
    dst = jnp.concatenate([dst, loop])
    deg = jnp.zeros((num_nodes,), dtype=x.dtype).at[dst].add(1.0)
    deg_inv_sqrt = jnp.where(deg > 0, jax.lax.rsqrt(deg), 0.0)
    norm = deg_inv_sqrt[src] * deg_inv_sqrt[dst]
    h = x @ W
    msgs = h[src] * norm[:, None]
    out = jnp.zeros((num_nodes, W.shape[1]), dtype=x.dtype).at[dst].add(msgs)
    return out + b


def reference(x, edge_index, W1, b1, W2, b2):
    h = jax.nn.relu(_gcn_conv(x, edge_index, W1, b1, N_NODES))
    return _gcn_conv(h, edge_index, W2, b2, N_NODES)

if __name__ == "__main__":
    import jax
    _d = setup_inputs()
    print(jax.jit(kernel)(*tuple(_d.values())))

</pallas_src>

<mosaic_0001>
#map = affine_map<(d0, d1) -> (0, 0)>
module attributes {stable_mosaic.version = 14 : i64} {
  func.func @_scat_body(%arg0: i32, %arg1: i32, %arg2: memref<10000x128xf32, #tpu.memory_space<hbm>>, %arg3: memref<2560x128xi32, #tpu.memory_space<hbm>>, %arg4: memref<2560x128xi32, #tpu.memory_space<hbm>>, %arg5: memref<128x128xf32, #tpu.memory_space<hbm>>, %arg6: memref<20480x128xf32, #tpu.memory_space<hbm>>, %arg7: memref<8x128xi32, #tpu.memory_space<vmem>>, %arg8: memref<8x128xi32, #tpu.memory_space<vmem>>, %arg9: memref<8x128xi32, #tpu.memory_space<vmem>>, %arg10: memref<8x128xi32, #tpu.memory_space<vmem>>, %arg11: memref<128x128xf32, #tpu.memory_space<vmem>>, %arg12: memref<128x128xf32, #tpu.memory_space<vmem>>, %arg13: memref<10240x128xf32, #tpu.memory_space<vmem_shared>>, %arg14: memref<!tpu.dma_semaphore, #tpu.memory_space<semaphore_mem>>, %arg15: memref<!tpu.dma_semaphore, #tpu.memory_space<semaphore_mem>>, %arg16: memref<!tpu.dma_semaphore, #tpu.memory_space<semaphore_mem>>, %arg17: memref<!tpu.dma_semaphore, #tpu.memory_space<semaphore_mem>>) attributes {dimension_semantics = [#tpu.dimension_semantics<core_parallel>, #tpu.dimension_semantics<subcore_parallel>], iteration_bounds = array<i64: 2, 16>, scalar_prefetch = 0 : i64, scratch_operands = 11 : i64, tpu.core_type = #tpu.core_type<sc_vector_subcore>, window_params = [{transform_indices = #map}, {transform_indices = #map}, {transform_indices = #map}, {transform_indices = #map}, {transform_indices = #map}]} {
    %eq3A = arith.constant 0 : i32
    %eq3A_0 = arith.cmpi eq, %arg0, %eq3A : i32
    %mul3A = arith.constant 152 : i32
    %mul3A_1 = arith.muli %arg1, %mul3A : i32
    %mul3A_2 = arith.constant 8 : i32
    %mul3A_3 = arith.muli %arg1, %mul3A_2 : i32
    %add3A = arith.constant 2432 : i32
    %add3A_4 = arith.addi %add3A, %mul3A_3 : i32
    %select_n3A = arith.select %eq3A_0, %mul3A_1, %add3A_4 : i32
    %eq3A_5 = arith.constant 0 : i32
    %eq3A_6 = arith.cmpi eq, %arg0, %eq3A_5 : i32
    %jit3A = arith.constant 19 : i32
    %jit3A_7 = arith.constant 1 : i32
    %select_n3A_8 = arith.select %eq3A_6, %jit3A, %jit3A_7 : i32
    "tpu.region"() ({
      %run_scoped3A = tpu.sem_alloc : memref<!tpu.dma_semaphore, #tpu.memory_space<semaphore_mem>>
      tpu.enqueue_dma source(%arg5 : memref<128x128xf32, #tpu.memory_space<hbm>>) target(%arg11 : memref<128x128xf32, #tpu.memory_space<vmem>>) target_semaphore(%run_scoped3A : memref<!tpu.dma_semaphore, #tpu.memory_space<semaphore_mem>>)
      tpu.wait_dma2 semaphore(%run_scoped3A : memref<!tpu.dma_semaphore, #tpu.memory_space<semaphore_mem>>) src(%arg5 : memref<128x128xf32, #tpu.memory_space<hbm>>) dst(%arg11 : memref<128x128xf32, #tpu.memory_space<vmem>>)
      tpu.yield
    }) : () -> ()
    %mul3A_9 = arith.constant 640 : i32
    %mul3A_10 = arith.muli %arg1, %mul3A_9 : i32
    %add3A_11 = arith.constant 0 : i32
    %add3A_12 = arith.addi %mul3A_10, %add3A_11 : i32
    "tpu.region"() ({
      %run_scoped3A = tpu.sem_alloc : memref<!tpu.dma_semaphore, #tpu.memory_space<semaphore_mem>>
      %dma_start3A_81 = arith.constant 0 : i32
      %dma_start3A_82 = tpu.memref_slice %arg13[%add3A_12, %dma_start3A_81] : memref<10240x128xf32, #tpu.memory_space<vmem_shared>> -> memref<128x128xf32, #tpu.memory_space<vmem_shared>>
      %dma_start3A_83 = arith.constant 0 : i32
      %dma_start3A_84 = tpu.memref_slice %arg13[%add3A_12, %dma_start3A_83] : memref<10240x128xf32, #tpu.memory_space<vmem_shared>> -> memref<128x128xf32, #tpu.memory_space<vmem_shared>>
      tpu.enqueue_dma source(%arg11 : memref<128x128xf32, #tpu.memory_space<vmem>>) target(%dma_start3A_84 : memref<128x128xf32, #tpu.memory_space<vmem_shared>>) target_semaphore(%run_scoped3A : memref<!tpu.dma_semaphore, #tpu.memory_space<semaphore_mem>>)
      %dma_wait3A = arith.constant 0 : i32
      %dma_wait3A_85 = tpu.memref_slice %arg13[%add3A_12, %dma_wait3A] : memref<10240x128xf32, #tpu.memory_space<vmem_shared>> -> memref<128x128xf32, #tpu.memory_space<vmem_shared>>
      %dma_wait3A_86 = arith.constant 0 : i32
      %dma_wait3A_87 = tpu.memref_slice %arg13[%add3A_12, %dma_wait3A_86] : memref<10240x128xf32, #tpu.memory_space<vmem_shared>> -> memref<128x128xf32, #tpu.memory_space<vmem_shared>>
      tpu.wait_dma2 semaphore(%run_scoped3A : memref<!tpu.dma_semaphore, #tpu.memory_space<semaphore_mem>>) src(%arg11 : memref<128x128xf32, #tpu.memory_space<vmem>>) dst(%dma_wait3A_87 : memref<128x128xf32, #tpu.memory_space<vmem_shared>>)
      tpu.yield
    }) : () -> ()
    %add3A_13 = arith.constant 128 : i32
    %add3A_14 = arith.addi %mul3A_10, %add3A_13 : i32
    "tpu.region"() ({
      %run_scoped3A = tpu.sem_alloc : memref<!tpu.dma_semaphore, #tpu.memory_space<semaphore_mem>>
      %dma_start3A_81 = arith.constant 0 : i32
      %dma_start3A_82 = tpu.memref_slice %arg13[%add3A_14, %dma_start3A_81] : memref<10240x128xf32, #tpu.memory_space<vmem_shared>> -> memref<128x128xf32, #tpu.memory_space<vmem_shared>>
      %dma_start3A_83 = arith.constant 0 : i32
      %dma_start3A_84 = tpu.memref_slice %arg13[%add3A_14, %dma_start3A_83] : memref<10240x128xf32, #tpu.memory_space<vmem_shared>> -> memref<128x128xf32, #tpu.memory_space<vmem_shared>>
      tpu.enqueue_dma source(%arg11 : memref<128x128xf32, #tpu.memory_space<vmem>>) target(%dma_start3A_84 : memref<128x128xf32, #tpu.memory_space<vmem_shared>>) target_semaphore(%run_scoped3A : memref<!tpu.dma_semaphore, #tpu.memory_space<semaphore_mem>>)
      %dma_wait3A = arith.constant 0 : i32
      %dma_wait3A_85 = tpu.memref_slice %arg13[%add3A_14, %dma_wait3A] : memref<10240x128xf32, #tpu.memory_space<vmem_shared>> -> memref<128x128xf32, #tpu.memory_space<vmem_shared>>
      %dma_wait3A_86 = arith.constant 0 : i32
      %dma_wait3A_87 = tpu.memref_slice %arg13[%add3A_14, %dma_wait3A_86] : memref<10240x128xf32, #tpu.memory_space<vmem_shared>> -> memref<128x128xf32, #tpu.memory_space<vmem_shared>>
      tpu.wait_dma2 semaphore(%run_scoped3A : memref<!tpu.dma_semaphore, #tpu.memory_space<semaphore_mem>>) src(%arg11 : memref<128x128xf32, #tpu.memory_space<vmem>>) dst(%dma_wait3A_87 : memref<128x128xf32, #tpu.memory_space<vmem_shared>>)
      tpu.yield
    }) : () -> ()
    %add3A_15 = arith.constant 256 : i32
    %add3A_16 = arith.addi %mul3A_10, %add3A_15 : i32
    "tpu.region"() ({
      %run_scoped3A = tpu.sem_alloc : memref<!tpu.dma_semaphore, #tpu.memory_space<semaphore_mem>>
      %dma_start3A_81 = arith.constant 0 : i32
      %dma_start3A_82 = tpu.memref_slice %arg13[%add3A_16, %dma_start3A_81] : memref<10240x128xf32, #tpu.memory_space<vmem_shared>> -> memref<128x128xf32, #tpu.memory_space<vmem_shared>>
      %dma_start3A_83 = arith.constant 0 : i32
      %dma_start3A_84 = tpu.memref_slice %arg13[%add3A_16, %dma_start3A_83] : memref<10240x128xf32, #tpu.memory_space<vmem_shared>> -> memref<128x128xf32, #tpu.memory_space<vmem_shared>>
      tpu.enqueue_dma source(%arg11 : memref<128x128xf32, #tpu.memory_space<vmem>>) target(%dma_start3A_84 : memref<128x128xf32, #tpu.memory_space<vmem_shared>>) target_semaphore(%run_scoped3A : memref<!tpu.dma_semaphore, #tpu.memory_space<semaphore_mem>>)
      %dma_wait3A = arith.constant 0 : i32
      %dma_wait3A_85 = tpu.memref_slice %arg13[%add3A_16, %dma_wait3A] : memref<10240x128xf32, #tpu.memory_space<vmem_shared>> -> memref<128x128xf32, #tpu.memory_space<vmem_shared>>
      %dma_wait3A_86 = arith.constant 0 : i32
      %dma_wait3A_87 = tpu.memref_slice %arg13[%add3A_16, %dma_wait3A_86] : memref<10240x128xf32, #tpu.memory_space<vmem_shared>> -> memref<128x128xf32, #tpu.memory_space<vmem_shared>>
      tpu.wait_dma2 semaphore(%run_scoped3A : memref<!tpu.dma_semaphore, #tpu.memory_space<semaphore_mem>>) src(%arg11 : memref<128x128xf32, #tpu.memory_space<vmem>>) dst(%dma_wait3A_87 : memref<128x128xf32, #tpu.memory_space<vmem_shared>>)
      tpu.yield
    }) : () -> ()
    %add3A_17 = arith.constant 384 : i32
    %add3A_18 = arith.addi %mul3A_10, %add3A_17 : i32
    "tpu.region"() ({
      %run_scoped3A = tpu.sem_alloc : memref<!tpu.dma_semaphore, #tpu.memory_space<semaphore_mem>>
      %dma_start3A_81 = arith.constant 0 : i32
      %dma_start3A_82 = tpu.memref_slice %arg13[%add3A_18, %dma_start3A_81] : memref<10240x128xf32, #tpu.memory_space<vmem_shared>> -> memref<128x128xf32, #tpu.memory_space<vmem_shared>>
      %dma_start3A_83 = arith.constant 0 : i32
      %dma_start3A_84 = tpu.memref_slice %arg13[%add3A_18, %dma_start3A_83] : memref<10240x128xf32, #tpu.memory_space<vmem_shared>> -> memref<128x128xf32, #tpu.memory_space<vmem_shared>>
      tpu.enqueue_dma source(%arg11 : memref<128x128xf32, #tpu.memory_space<vmem>>) target(%dma_start3A_84 : memref<128x128xf32, #tpu.memory_space<vmem_shared>>) target_semaphore(%run_scoped3A : memref<!tpu.dma_semaphore, #tpu.memory_space<semaphore_mem>>)
      %dma_wait3A = arith.constant 0 : i32
      %dma_wait3A_85 = tpu.memref_slice %arg13[%add3A_18, %dma_wait3A] : memref<10240x128xf32, #tpu.memory_space<vmem_shared>> -> memref<128x128xf32, #tpu.memory_space<vmem_shared>>
      %dma_wait3A_86 = arith.constant 0 : i32
      %dma_wait3A_87 = tpu.memref_slice %arg13[%add3A_18, %dma_wait3A_86] : memref<10240x128xf32, #tpu.memory_space<vmem_shared>> -> memref<128x128xf32, #tpu.memory_space<vmem_shared>>
      tpu.wait_dma2 semaphore(%run_scoped3A : memref<!tpu.dma_semaphore, #tpu.memory_space<semaphore_mem>>) src(%arg11 : memref<128x128xf32, #tpu.memory_space<vmem>>) dst(%dma_wait3A_87 : memref<128x128xf32, #tpu.memory_space<vmem_shared>>)
      tpu.yield
    }) : () -> ()
    %add3A_19 = arith.constant 512 : i32
    %add3A_20 = arith.addi %mul3A_10, %add3A_19 : i32
    "tpu.region"() ({
      %run_scoped3A = tpu.sem_alloc : memref<!tpu.dma_semaphore, #tpu.memory_space<semaphore_mem>>
      %dma_start3A_81 = arith.constant 0 : i32
      %dma_start3A_82 = tpu.memref_slice %arg13[%add3A_20, %dma_start3A_81] : memref<10240x128xf32, #tpu.memory_space<vmem_shared>> -> memref<128x128xf32, #tpu.memory_space<vmem_shared>>
      %dma_start3A_83 = arith.constant 0 : i32
      %dma_start3A_84 = tpu.memref_slice %arg13[%add3A_20, %dma_start3A_83] : memref<10240x128xf32, #tpu.memory_space<vmem_shared>> -> memref<128x128xf32, #tpu.memory_space<vmem_shared>>
      tpu.enqueue_dma source(%arg11 : memref<128x128xf32, #tpu.memory_space<vmem>>) target(%dma_start3A_84 : memref<128x128xf32, #tpu.memory_space<vmem_shared>>) target_semaphore(%run_scoped3A : memref<!tpu.dma_semaphore, #tpu.memory_space<semaphore_mem>>)
      %dma_wait3A = arith.constant 0 : i32
      %dma_wait3A_85 = tpu.memref_slice %arg13[%add3A_20, %dma_wait3A] : memref<10240x128xf32, #tpu.memory_space<vmem_shared>> -> memref<128x128xf32, #tpu.memory_space<vmem_shared>>
      %dma_wait3A_86 = arith.constant 0 : i32
      %dma_wait3A_87 = tpu.memref_slice %arg13[%add3A_20, %dma_wait3A_86] : memref<10240x128xf32, #tpu.memory_space<vmem_shared>> -> memref<128x128xf32, #tpu.memory_space<vmem_shared>>
      tpu.wait_dma2 semaphore(%run_scoped3A : memref<!tpu.dma_semaphore, #tpu.memory_space<semaphore_mem>>) src(%arg11 : memref<128x128xf32, #tpu.memory_space<vmem>>) dst(%dma_wait3A_87 : memref<128x128xf32, #tpu.memory_space<vmem_shared>>)
      tpu.yield
    }) : () -> ()
    %barrier3A = arith.constant 0 : index
    tpu.barrier barrier_id(%barrier3A)
    "tpu.region"() ({
      %run_scoped3A = tpu.sem_alloc : memref<!tpu.dma_semaphore, #tpu.memory_space<semaphore_mem>>
      %dma_start3A_81 = arith.constant 0 : i32
      %dma_start3A_82 = tpu.memref_slice %arg3[%select_n3A, %dma_start3A_81] : memref<2560x128xi32, #tpu.memory_space<hbm>> -> memref<8x128xi32, #tpu.memory_space<hbm>>
      %dma_start3A_83 = arith.constant 0 : i32
      %dma_start3A_84 = tpu.memref_slice %arg3[%select_n3A, %dma_start3A_83] : memref<2560x128xi32, #tpu.memory_space<hbm>> -> memref<8x128xi32, #tpu.memory_space<hbm>>
      tpu.enqueue_dma source(%dma_start3A_84 : memref<8x128xi32, #tpu.memory_space<hbm>>) target(%arg7 : memref<8x128xi32, #tpu.memory_space<vmem>>) target_semaphore(%run_scoped3A : memref<!tpu.dma_semaphore, #tpu.memory_space<semaphore_mem>>)
      %dma_wait3A = arith.constant 0 : i32
      %dma_wait3A_85 = tpu.memref_slice %arg3[%select_n3A, %dma_wait3A] : memref<2560x128xi32, #tpu.memory_space<hbm>> -> memref<8x128xi32, #tpu.memory_space<hbm>>
      %dma_wait3A_86 = arith.constant 0 : i32
      %dma_wait3A_87 = tpu.memref_slice %arg3[%select_n3A, %dma_wait3A_86] : memref<2560x128xi32, #tpu.memory_space<hbm>> -> memref<8x128xi32, #tpu.memory_space<hbm>>
      tpu.wait_dma2 semaphore(%run_scoped3A : memref<!tpu.dma_semaphore, #tpu.memory_space<semaphore_mem>>) src(%dma_wait3A_87 : memref<8x128xi32, #tpu.memory_space<hbm>>) dst(%arg7 : memref<8x128xi32, #tpu.memory_space<vmem>>)
      tpu.yield
    }) : () -> ()
    "tpu.region"() ({
      %run_scoped3A = tpu.sem_alloc : memref<!tpu.dma_semaphore, #tpu.memory_space<semaphore_mem>>
      %dma_start3A_81 = arith.constant 0 : i32
      %dma_start3A_82 = tpu.memref_slice %arg4[%select_n3A, %dma_start3A_81] : memref<2560x128xi32, #tpu.memory_space<hbm>> -> memref<8x128xi32, #tpu.memory_space<hbm>>
      %dma_start3A_83 = arith.constant 0 : i32
      %dma_start3A_84 = tpu.memref_slice %arg4[%select_n3A, %dma_start3A_83] : memref<2560x128xi32, #tpu.memory_space<hbm>> -> memref<8x128xi32, #tpu.memory_space<hbm>>
      tpu.enqueue_dma source(%dma_start3A_84 : memref<8x128xi32, #tpu.memory_space<hbm>>) target(%arg9 : memref<8x128xi32, #tpu.memory_space<vmem>>) target_semaphore(%run_scoped3A : memref<!tpu.dma_semaphore, #tpu.memory_space<semaphore_mem>>)
      %dma_wait3A = arith.constant 0 : i32
      %dma_wait3A_85 = tpu.memref_slice %arg4[%select_n3A, %dma_wait3A] : memref<2560x128xi32, #tpu.memory_space<hbm>> -> memref<8x128xi32, #tpu.memory_space<hbm>>
      %dma_wait3A_86 = arith.constant 0 : i32
      %dma_wait3A_87 = tpu.memref_slice %arg4[%select_n3A, %dma_wait3A_86] : memref<2560x128xi32, #tpu.memory_space<hbm>> -> memref<8x128xi32, #tpu.memory_space<hbm>>
      tpu.wait_dma2 semaphore(%run_scoped3A : memref<!tpu.dma_semaphore, #tpu.memory_space<semaphore_mem>>) src(%dma_wait3A_87 : memref<8x128xi32, #tpu.memory_space<hbm>>) dst(%arg9 : memref<8x128xi32, #tpu.memory_space<vmem>>)
      tpu.yield
    }) : () -> ()
    %dma_start3A = arith.constant 0 : i32
    %dma_start3A_21 = arith.constant 0 : i32
    %dma_start3A_22 = tpu.memref_slice %arg7[%dma_start3A, %dma_start3A_21] : memref<8x128xi32, #tpu.memory_space<vmem>> -> memref<1x128xi32, #tpu.memory_space<vmem>>
    %dma_start3A_23 = tpu.memref_squeeze %dma_start3A_22 : memref<1x128xi32, #tpu.memory_space<vmem>> -> memref<128xi32, #tpu.memory_space<vmem>>
    %dma_start3A_24 = arith.constant 0 : i32
    %dma_start3A_25 = arith.constant 0 : i32
    %dma_start3A_26 = tpu.memref_slice %arg2[%dma_start3A_24, %dma_start3A_25] : memref<10000x128xf32, #tpu.memory_space<hbm>> -> memref<10000x128xf32, #tpu.memory_space<hbm>>
    tpu.enqueue_indirect_dma source(%dma_start3A_26 : memref<10000x128xf32, #tpu.memory_space<hbm>>) target(%arg11 : memref<128x128xf32, #tpu.memory_space<vmem>>) offsets(%dma_start3A_23 : memref<128xi32, #tpu.memory_space<vmem>>) semaphore(%arg14 : memref<!tpu.dma_semaphore, #tpu.memory_space<semaphore_mem>>)
    %dma_start3A_27 = arith.constant 1 : i32
    %dma_start3A_28 = arith.constant 0 : i32
    %dma_start3A_29 = tpu.memref_slice %arg7[%dma_start3A_27, %dma_start3A_28] : memref<8x128xi32, #tpu.memory_space<vmem>> -> memref<1x128xi32, #tpu.memory_space<vmem>>
    %dma_start3A_30 = tpu.memref_squeeze %dma_start3A_29 : memref<1x128xi32, #tpu.memory_space<vmem>> -> memref<128xi32, #tpu.memory_space<vmem>>
    %dma_start3A_31 = arith.constant 0 : i32
    %dma_start3A_32 = arith.constant 0 : i32
    %dma_start3A_33 = tpu.memref_slice %arg2[%dma_start3A_31, %dma_start3A_32] : memref<10000x128xf32, #tpu.memory_space<hbm>> -> memref<10000x128xf32, #tpu.memory_space<hbm>>
    tpu.enqueue_indirect_dma source(%dma_start3A_33 : memref<10000x128xf32, #tpu.memory_space<hbm>>) target(%arg12 : memref<128x128xf32, #tpu.memory_space<vmem>>) offsets(%dma_start3A_30 : memref<128xi32, #tpu.memory_space<vmem>>) semaphore(%arg15 : memref<!tpu.dma_semaphore, #tpu.memory_space<semaphore_mem>>)
    %gt3A = arith.constant 1 : i32
    %gt3A_34 = arith.cmpi sgt, %select_n3A_8, %gt3A : i32
    %convert_element_type3A = arith.extui %gt3A_34 : i1 to i32
    %cond3A = arith.constant 0 : i32
    %cond3A_35 = arith.cmpi ne, %convert_element_type3A, %cond3A : i32
    scf.if %cond3A_35 {
      %add3A_81 = arith.constant 8 : i32
      %add3A_82 = arith.addi %select_n3A, %add3A_81 : i32
      %dma_start3A_83 = arith.constant 0 : i32
      %dma_start3A_84 = tpu.memref_slice %arg3[%add3A_82, %dma_start3A_83] : memref<2560x128xi32, #tpu.memory_space<hbm>> -> memref<8x128xi32, #tpu.memory_space<hbm>>
      %dma_start3A_85 = arith.constant 0 : i32
      %dma_start3A_86 = tpu.memref_slice %arg3[%add3A_82, %dma_start3A_85] : memref<2560x128xi32, #tpu.memory_space<hbm>> -> memref<8x128xi32, #tpu.memory_space<hbm>>
      tpu.enqueue_dma source(%dma_start3A_86 : memref<8x128xi32, #tpu.memory_space<hbm>>) target(%arg8 : memref<8x128xi32, #tpu.memory_space<vmem>>) target_semaphore(%arg17 : memref<!tpu.dma_semaphore, #tpu.memory_space<semaphore_mem>>)
      %add3A_87 = arith.constant 8 : i32
      %add3A_88 = arith.addi %select_n3A, %add3A_87 : i32
      %dma_start3A_89 = arith.constant 0 : i32
      %dma_start3A_90 = tpu.memref_slice %arg4[%add3A_88, %dma_start3A_89] : memref<2560x128xi32, #tpu.memory_space<hbm>> -> memref<8x128xi32, #tpu.memory_space<hbm>>
      %dma_start3A_91 = arith.constant 0 : i32
      %dma_start3A_92 = tpu.memref_slice %arg4[%add3A_88, %dma_start3A_91] : memref<2560x128xi32, #tpu.memory_space<hbm>> -> memref<8x128xi32, #tpu.memory_space<hbm>>
      tpu.enqueue_dma source(%dma_start3A_92 : memref<8x128xi32, #tpu.memory_space<hbm>>) target(%arg10 : memref<8x128xi32, #tpu.memory_space<vmem>>) target_semaphore(%arg17 : memref<!tpu.dma_semaphore, #tpu.memory_space<semaphore_mem>>)
    } else {
    }
    %while3A = arith.constant 0 : i32
    %while3A_36 = arith.constant 0 : i32
    %while3A_37 = arith.subi %select_n3A_8, %while3A_36 : i32
    %while3A_38 = arith.addi %while3A_36, %while3A_37 : i32
    %while3A_39 = arith.constant 1 : i32
    %while3A_40 = arith.divsi %while3A_37, %while3A_39 : i32
    %while3A_41 = arith.muli %while3A_40, %while3A_39 : i32
    %while3A_42 = arith.addi %while3A_36, %while3A_41 : i32
    %while3A_43 = arith.constant 1 : i32
    scf.for %while3A_81 = %while3A_36 to %while3A_42 step %while3A_43  : i32 {
      %rem3A = arith.constant 2 : i32
      %rem3A_82 = arith.remsi %while3A_81, %rem3A : i32
      %sub3A = arith.constant 1 : i32
      %sub3A_83 = arith.subi %sub3A, %rem3A_82 : i32
      %dma_wait3A = arith.constant 0 : i32
      %dma_wait3A_84 = arith.constant 0 : i32
      %dma_wait3A_85 = tpu.memref_slice %arg7[%dma_wait3A, %dma_wait3A_84] : memref<8x128xi32, #tpu.memory_space<vmem>> -> memref<1x128xi32, #tpu.memory_space<vmem>>
      %dma_wait3A_86 = tpu.memref_squeeze %dma_wait3A_85 : memref<1x128xi32, #tpu.memory_space<vmem>> -> memref<128xi32, #tpu.memory_space<vmem>>
      %dma_wait3A_87 = arith.constant 0 : i32
      %dma_wait3A_88 = arith.constant 0 : i32
      %dma_wait3A_89 = tpu.memref_slice %arg2[%dma_wait3A_87, %dma_wait3A_88] : memref<10000x128xf32, #tpu.memory_space<hbm>> -> memref<10000x128xf32, #tpu.memory_space<hbm>>
      tpu.wait_indirect_dma semaphore(%arg14 : memref<!tpu.dma_semaphore, #tpu.memory_space<semaphore_mem>>) src(%dma_wait3A_89 : memref<10000x128xf32, #tpu.memory_space<hbm>>) dst(%arg11 : memref<128x128xf32, #tpu.memory_space<vmem>>)
      %eq3A_90 = arith.constant 0 : i32
      %eq3A_91 = arith.cmpi eq, %rem3A_82, %eq3A_90 : i32
      %convert_element_type3A_92 = arith.extui %eq3A_91 : i1 to i32
      %cond3A_93 = arith.constant 0 : i32
      %cond3A_94 = arith.cmpi ne, %convert_element_type3A_92, %cond3A_93 : i32
      scf.if %cond3A_94 {
        %run_scoped3A = arith.constant 0 : i32
        "tpu.region"() ({
          %run_scoped3A_302 = tpu.sem_alloc : memref<!tpu.dma_semaphore, #tpu.memory_space<semaphore_mem>>
          %dma_start3A_303 = arith.constant 0 : i32
          %dma_start3A_304 = tpu.memref_slice %arg9[%run_scoped3A, %dma_start3A_303] : memref<8x128xi32, #tpu.memory_space<vmem>> -> memref<1x128xi32, #tpu.memory_space<vmem>>
          %dma_start3A_305 = tpu.memref_squeeze %dma_start3A_304 : memref<1x128xi32, #tpu.memory_space<vmem>> -> memref<128xi32, #tpu.memory_space<vmem>>
          %dma_start3A_306 = arith.constant 0 : i32
          %dma_start3A_307 = arith.constant 0 : i32
          %dma_start3A_308 = tpu.memref_slice %arg13[%dma_start3A_306, %dma_start3A_307] : memref<10240x128xf32, #tpu.memory_space<vmem_shared>> -> memref<10240x128xf32, #tpu.memory_space<vmem_shared>>
          tpu.enqueue_indirect_dma source(%arg11 : memref<128x128xf32, #tpu.memory_space<vmem>>) target(%dma_start3A_308 : memref<10240x128xf32, #tpu.memory_space<vmem_shared>>) offsets(%dma_start3A_305 : memref<128xi32, #tpu.memory_space<vmem>>) semaphore(%run_scoped3A_302 : memref<!tpu.dma_semaphore, #tpu.memory_space<semaphore_mem>>) {add = true}
          %dma_wait3A_309 = arith.constant 0 : i32
          %dma_wait3A_310 = tpu.memref_slice %arg9[%run_scoped3A, %dma_wait3A_309] : memref<8x128xi32, #tpu.memory_space<vmem>> -> memref<1x128xi32, #tpu.memory_space<vmem>>
          %dma_wait3A_311 = tpu.memref_squeeze %dma_wait3A_310 : memref<1x128xi32, #tpu.memory_space<vmem>> -> memref<128xi32, #tpu.memory_space<vmem>>
          %dma_wait3A_312 = arith.constant 0 : i32
          %dma_wait3A_313 = arith.constant 0 : i32
          %dma_wait3A_314 = tpu.memref_slice %arg13[%dma_wait3A_312, %dma_wait3A_313] : memref<10240x128xf32, #tpu.memory_space<vmem_shared>> -> memref<10240x128xf32, #tpu.memory_space<vmem_shared>>
          tpu.wait_indirect_dma semaphore(%run_scoped3A_302 : memref<!tpu.dma_semaphore, #tpu.memory_space<semaphore_mem>>) src(%arg11 : memref<128x128xf32, #tpu.memory_space<vmem>>) dst(%dma_wait3A_314 : memref<10240x128xf32, #tpu.memory_space<vmem_shared>>)
          tpu.yield
        }) : () -> ()
      } else {
      }
      %eq3A_95 = arith.constant 1 : i32
      %eq3A_96 = arith.cmpi eq, %rem3A_82, %eq3A_95 : i32
      %convert_element_type3A_97 = arith.extui %eq3A_96 : i1 to i32
      %cond3A_98 = arith.constant 0 : i32
      %cond3A_99 = arith.cmpi ne, %convert_element_type3A_97, %cond3A_98 : i32
      scf.if %cond3A_99 {
        %run_scoped3A = arith.constant 0 : i32
        "tpu.region"() ({
          %run_scoped3A_302 = tpu.sem_alloc : memref<!tpu.dma_semaphore, #tpu.memory_space<semaphore_mem>>
          %dma_start3A_303 = arith.constant 0 : i32
          %dma_start3A_304 = tpu.memref_slice %arg10[%run_scoped3A, %dma_start3A_303] : memref<8x128xi32, #tpu.memory_space<vmem>> -> memref<1x128xi32, #tpu.memory_space<vmem>>
          %dma_start3A_305 = tpu.memref_squeeze %dma_start3A_304 : memref<1x128xi32, #tpu.memory_space<vmem>> -> memref<128xi32, #tpu.memory_space<vmem>>
          %dma_start3A_306 = arith.constant 0 : i32
          %dma_start3A_307 = arith.constant 0 : i32
          %dma_start3A_308 = tpu.memref_slice %arg13[%dma_start3A_306, %dma_start3A_307] : memref<10240x128xf32, #tpu.memory_space<vmem_shared>> -> memref<10240x128xf32, #tpu.memory_space<vmem_shared>>
          tpu.enqueue_indirect_dma source(%arg11 : memref<128x128xf32, #tpu.memory_space<vmem>>) target(%dma_start3A_308 : memref<10240x128xf32, #tpu.memory_space<vmem_shared>>) offsets(%dma_start3A_305 : memref<128xi32, #tpu.memory_space<vmem>>) semaphore(%run_scoped3A_302 : memref<!tpu.dma_semaphore, #tpu.memory_space<semaphore_mem>>) {add = true}
          %dma_wait3A_309 = arith.constant 0 : i32
          %dma_wait3A_310 = tpu.memref_slice %arg10[%run_scoped3A, %dma_wait3A_309] : memref<8x128xi32, #tpu.memory_space<vmem>> -> memref<1x128xi32, #tpu.memory_space<vmem>>
          %dma_wait3A_311 = tpu.memref_squeeze %dma_wait3A_310 : memref<1x128xi32, #tpu.memory_space<vmem>> -> memref<128xi32, #tpu.memory_space<vmem>>
          %dma_wait3A_312 = arith.constant 0 : i32
          %dma_wait3A_313 = arith.constant 0 : i32
          %dma_wait3A_314 = tpu.memref_slice %arg13[%dma_wait3A_312, %dma_wait3A_313] : memref<10240x128xf32, #tpu.memory_space<vmem_shared>> -> memref<10240x128xf32, #tpu.memory_space<vmem_shared>>
          tpu.wait_indirect_dma semaphore(%run_scoped3A_302 : memref<!tpu.dma_semaphore, #tpu.memory_space<semaphore_mem>>) src(%arg11 : memref<128x128xf32, #tpu.memory_space<vmem>>) dst(%dma_wait3A_314 : memref<10240x128xf32, #tpu.memory_space<vmem_shared>>)
          tpu.yield
        }) : () -> ()
      } else {
      }
      %eq3A_100 = arith.constant 0 : i32
      %eq3A_101 = arith.cmpi eq, %rem3A_82, %eq3A_100 : i32
      %convert_element_type3A_102 = arith.extui %eq3A_101 : i1 to i32
      %cond3A_103 = arith.constant 0 : i32
      %cond3A_104 = arith.cmpi ne, %convert_element_type3A_102, %cond3A_103 : i32
      scf.if %cond3A_104 {
        %dma_start3A_302 = arith.constant 2 : i32
        %dma_start3A_303 = arith.constant 0 : i32
        %dma_start3A_304 = tpu.memref_slice %arg7[%dma_start3A_302, %dma_start3A_303] : memref<8x128xi32, #tpu.memory_space<vmem>> -> memref<1x128xi32, #tpu.memory_space<vmem>>
        %dma_start3A_305 = tpu.memref_squeeze %dma_start3A_304 : memref<1x128xi32, #tpu.memory_space<vmem>> -> memref<128xi32, #tpu.memory_space<vmem>>
        %dma_start3A_306 = arith.constant 0 : i32
        %dma_start3A_307 = arith.constant 0 : i32
        %dma_start3A_308 = tpu.memref_slice %arg2[%dma_start3A_306, %dma_start3A_307] : memref<10000x128xf32, #tpu.memory_space<hbm>> -> memref<10000x128xf32, #tpu.memory_space<hbm>>
        tpu.enqueue_indirect_dma source(%dma_start3A_308 : memref<10000x128xf32, #tpu.memory_space<hbm>>) target(%arg11 : memref<128x128xf32, #tpu.memory_space<vmem>>) offsets(%dma_start3A_305 : memref<128xi32, #tpu.memory_space<vmem>>) semaphore(%arg14 : memref<!tpu.dma_semaphore, #tpu.memory_space<semaphore_mem>>)
      } else {
      }
      %eq3A_105 = arith.constant 1 : i32
      %eq3A_106 = arith.cmpi eq, %rem3A_82, %eq3A_105 : i32
      %convert_element_type3A_107 = arith.extui %eq3A_106 : i1 to i32
      %cond3A_108 = arith.constant 0 : i32
      %cond3A_109 = arith.cmpi ne, %convert_element_type3A_107, %cond3A_108 : i32
      scf.if %cond3A_109 {
        %dma_start3A_302 = arith.constant 2 : i32
        %dma_start3A_303 = arith.constant 0 : i32
        %dma_start3A_304 = tpu.memref_slice %arg8[%dma_start3A_302, %dma_start3A_303] : memref<8x128xi32, #tpu.memory_space<vmem>> -> memref<1x128xi32, #tpu.memory_space<vmem>>
        %dma_start3A_305 = tpu.memref_squeeze %dma_start3A_304 : memref<1x128xi32, #tpu.memory_space<vmem>> -> memref<128xi32, #tpu.memory_space<vmem>>
        %dma_start3A_306 = arith.constant 0 : i32
        %dma_start3A_307 = arith.constant 0 : i32
        %dma_start3A_308 = tpu.memref_slice %arg2[%dma_start3A_306, %dma_start3A_307] : memref<10000x128xf32, #tpu.memory_space<hbm>> -> memref<10000x128xf32, #tpu.memory_space<hbm>>
        tpu.enqueue_indirect_dma source(%dma_start3A_308 : memref<10000x128xf32, #tpu.memory_space<hbm>>) target(%arg11 : memref<128x128xf32, #tpu.memory_space<vmem>>) offsets(%dma_start3A_305 : memref<128xi32, #tpu.memory_space<vmem>>) semaphore(%arg14 : memref<!tpu.dma_semaphore, #tpu.memory_space<semaphore_mem>>)
      } else {
      }
      %dma_wait3A_110 = arith.constant 0 : i32
      %dma_wait3A_111 = arith.constant 0 : i32
      %dma_wait3A_112 = tpu.memref_slice %arg7[%dma_wait3A_110, %dma_wait3A_111] : memref<8x128xi32, #tpu.memory_space<vmem>> -> memref<1x128xi32, #tpu.memory_space<vmem>>
      %dma_wait3A_113 = tpu.memref_squeeze %dma_wait3A_112 : memref<1x128xi32, #tpu.memory_space<vmem>> -> memref<128xi32, #tpu.memory_space<vmem>>
      %dma_wait3A_114 = arith.constant 0 : i32
      %dma_wait3A_115 = arith.constant 0 : i32
      %dma_wait3A_116 = tpu.memref_slice %arg2[%dma_wait3A_114, %dma_wait3A_115] : memref<10000x128xf32, #tpu.memory_space<hbm>> -> memref<10000x128xf32, #tpu.memory_space<hbm>>
      tpu.wait_indirect_dma semaphore(%arg15 : memref<!tpu.dma_semaphore, #tpu.memory_space<semaphore_mem>>) src(%dma_wait3A_116 : memref<10000x128xf32, #tpu.memory_space<hbm>>) dst(%arg12 : memref<128x128xf32, #tpu.memory_space<vmem>>)
      %eq3A_117 = arith.constant 0 : i32
      %eq3A_118 = arith.cmpi eq, %rem3A_82, %eq3A_117 : i32
      %convert_element_type3A_119 = arith.extui %eq3A_118 : i1 to i32
      %cond3A_120 = arith.constant 0 : i32
      %cond3A_121 = arith.cmpi ne, %convert_element_type3A_119, %cond3A_120 : i32
      scf.if %cond3A_121 {
        %run_scoped3A = arith.constant 1 : i32
        "tpu.region"() ({
          %run_scoped3A_302 = tpu.sem_alloc : memref<!tpu.dma_semaphore, #tpu.memory_space<semaphore_mem>>
          %dma_start3A_303 = arith.constant 0 : i32
          %dma_start3A_304 = tpu.memref_slice %arg9[%run_scoped3A, %dma_start3A_303] : memref<8x128xi32, #tpu.memory_space<vmem>> -> memref<1x128xi32, #tpu.memory_space<vmem>>
          %dma_start3A_305 = tpu.memref_squeeze %dma_start3A_304 : memref<1x128xi32, #tpu.memory_space<vmem>> -> memref<128xi32, #tpu.memory_space<vmem>>
          %dma_start3A_306 = arith.constant 0 : i32
          %dma_start3A_307 = arith.constant 0 : i32
          %dma_start3A_308 = tpu.memref_slice %arg13[%dma_start3A_306, %dma_start3A_307] : memref<10240x128xf32, #tpu.memory_space<vmem_shared>> -> memref<10240x128xf32, #tpu.memory_space<vmem_shared>>
          tpu.enqueue_indirect_dma source(%arg12 : memref<128x128xf32, #tpu.memory_space<vmem>>) target(%dma_start3A_308 : memref<10240x128xf32, #tpu.memory_space<vmem_shared>>) offsets(%dma_start3A_305 : memref<128xi32, #tpu.memory_space<vmem>>) semaphore(%run_scoped3A_302 : memref<!tpu.dma_semaphore, #tpu.memory_space<semaphore_mem>>) {add = true}
          %dma_wait3A_309 = arith.constant 0 : i32
          %dma_wait3A_310 = tpu.memref_slice %arg9[%run_scoped3A, %dma_wait3A_309] : memref<8x128xi32, #tpu.memory_space<vmem>> -> memref<1x128xi32, #tpu.memory_space<vmem>>
          %dma_wait3A_311 = tpu.memref_squeeze %dma_wait3A_310 : memref<1x128xi32, #tpu.memory_space<vmem>> -> memref<128xi32, #tpu.memory_space<vmem>>
          %dma_wait3A_312 = arith.constant 0 : i32
          %dma_wait3A_313 = arith.constant 0 : i32
          %dma_wait3A_314 = tpu.memref_slice %arg13[%dma_wait3A_312, %dma_wait3A_313] : memref<10240x128xf32, #tpu.memory_space<vmem_shared>> -> memref<10240x128xf32, #tpu.memory_space<vmem_shared>>
          tpu.wait_indirect_dma semaphore(%run_scoped3A_302 : memref<!tpu.dma_semaphore, #tpu.memory_space<semaphore_mem>>) src(%arg12 : memref<128x128xf32, #tpu.memory_space<vmem>>) dst(%dma_wait3A_314 : memref<10240x128xf32, #tpu.memory_space<vmem_shared>>)
          tpu.yield
        }) : () -> ()
      } else {
      }
      %eq3A_122 = arith.constant 1 : i32
      %eq3A_123 = arith.cmpi eq, %rem3A_82, %eq3A_122 : i32
      %convert_element_type3A_124 = arith.extui %eq3A_123 : i1 to i32
      %cond3A_125 = arith.constant 0 : i32
      %cond3A_126 = arith.cmpi ne, %convert_element_type3A_124, %cond3A_125 : i32
      scf.if %cond3A_126 {
        %run_scoped3A = arith.constant 1 : i32
        "tpu.region"() ({
          %run_scoped3A_302 = tpu.sem_alloc : memref<!tpu.dma_semaphore, #tpu.memory_space<semaphore_mem>>
          %dma_start3A_303 = arith.constant 0 : i32
          %dma_start3A_304 = tpu.memref_slice %arg10[%run_scoped3A, %dma_start3A_303] : memref<8x128xi32, #tpu.memory_space<vmem>> -> memref<1x128xi32, #tpu.memory_space<vmem>>
          %dma_start3A_305 = tpu.memref_squeeze %dma_start3A_304 : memref<1x128xi32, #tpu.memory_space<vmem>> -> memref<128xi32, #tpu.memory_space<vmem>>
          %dma_start3A_306 = arith.constant 0 : i32
          %dma_start3A_307 = arith.constant 0 : i32
          %dma_start3A_308 = tpu.memref_slice %arg13[%dma_start3A_306, %dma_start3A_307] : memref<10240x128xf32, #tpu.memory_space<vmem_shared>> -> memref<10240x128xf32, #tpu.memory_space<vmem_shared>>
          tpu.enqueue_indirect_dma source(%arg12 : memref<128x128xf32, #tpu.memory_space<vmem>>) target(%dma_start3A_308 : memref<10240x128xf32, #tpu.memory_space<vmem_shared>>) offsets(%dma_start3A_305 : memref<128xi32, #tpu.memory_space<vmem>>) semaphore(%run_scoped3A_302 : memref<!tpu.dma_semaphore, #tpu.memory_space<semaphore_mem>>) {add = true}
          %dma_wait3A_309 = arith.constant 0 : i32
          %dma_wait3A_310 = tpu.memref_slice %arg10[%run_scoped3A, %dma_wait3A_309] : memref<8x128xi32, #tpu.memory_space<vmem>> -> memref<1x128xi32, #tpu.memory_space<vmem>>
          %dma_wait3A_311 = tpu.memref_squeeze %dma_wait3A_310 : memref<1x128xi32, #tpu.memory_space<vmem>> -> memref<128xi32, #tpu.memory_space<vmem>>
          %dma_wait3A_312 = arith.constant 0 : i32
          %dma_wait3A_313 = arith.constant 0 : i32
          %dma_wait3A_314 = tpu.memref_slice %arg13[%dma_wait3A_312, %dma_wait3A_313] : memref<10240x128xf32, #tpu.memory_space<vmem_shared>> -> memref<10240x128xf32, #tpu.memory_space<vmem_shared>>
          tpu.wait_indirect_dma semaphore(%run_scoped3A_302 : memref<!tpu.dma_semaphore, #tpu.memory_space<semaphore_mem>>) src(%arg12 : memref<128x128xf32, #tpu.memory_space<vmem>>) dst(%dma_wait3A_314 : memref<10240x128xf32, #tpu.memory_space<vmem_shared>>)
          tpu.yield
        }) : () -> ()
      } else {
      }
      %eq3A_127 = arith.constant 0 : i32
      %eq3A_128 = arith.cmpi eq, %rem3A_82, %eq3A_127 : i32
      %convert_element_type3A_129 = arith.extui %eq3A_128 : i1 to i32
      %cond3A_130 = arith.constant 0 : i32
      %cond3A_131 = arith.cmpi ne, %convert_element_type3A_129, %cond3A_130 : i32
      scf.if %cond3A_131 {
        %dma_start3A_302 = arith.constant 3 : i32
        %dma_start3A_303 = arith.constant 0 : i32
        %dma_start3A_304 = tpu.memref_slice %arg7[%dma_start3A_302, %dma_start3A_303] : memref<8x128xi32, #tpu.memory_space<vmem>> -> memref<1x128xi32, #tpu.memory_space<vmem>>
        %dma_start3A_305 = tpu.memref_squeeze %dma_start3A_304 : memref<1x128xi32, #tpu.memory_space<vmem>> -> memref<128xi32, #tpu.memory_space<vmem>>
        %dma_start3A_306 = arith.constant 0 : i32
        %dma_start3A_307 = arith.constant 0 : i32
        %dma_start3A_308 = tpu.memref_slice %arg2[%dma_start3A_306, %dma_start3A_307] : memref<10000x128xf32, #tpu.memory_space<hbm>> -> memref<10000x128xf32, #tpu.memory_space<hbm>>
        tpu.enqueue_indirect_dma source(%dma_start3A_308 : memref<10000x128xf32, #tpu.memory_space<hbm>>) target(%arg12 : memref<128x128xf32, #tpu.memory_space<vmem>>) offsets(%dma_start3A_305 : memref<128xi32, #tpu.memory_space<vmem>>) semaphore(%arg15 : memref<!tpu.dma_semaphore, #tpu.memory_space<semaphore_mem>>)
      } else {
      }
      %eq3A_132 = arith.constant 1 : i32
      %eq3A_133 = arith.cmpi eq, %rem3A_82, %eq3A_132 : i32
      %convert_element_type3A_134 = arith.extui %eq3A_133 : i1 to i32
      %cond3A_135 = arith.constant 0 : i32
      %cond3A_136 = arith.cmpi ne, %convert_element_type3A_134, %cond3A_135 : i32
      scf.if %cond3A_136 {
        %dma_start3A_302 = arith.constant 3 : i32
        %dma_start3A_303 = arith.constant 0 : i32
        %dma_start3A_304 = tpu.memref_slice %arg8[%dma_start3A_302, %dma_start3A_303] : memref<8x128xi32, #tpu.memory_space<vmem>> -> memref<1x128xi32, #tpu.memory_space<vmem>>
        %dma_start3A_305 = tpu.memref_squeeze %dma_start3A_304 : memref<1x128xi32, #tpu.memory_space<vmem>> -> memref<128xi32, #tpu.memory_space<vmem>>
        %dma_start3A_306 = arith.constant 0 : i32
        %dma_start3A_307 = arith.constant 0 : i32
        %dma_start3A_308 = tpu.memref_slice %arg2[%dma_start3A_306, %dma_start3A_307] : memref<10000x128xf32, #tpu.memory_space<hbm>> -> memref<10000x128xf32, #tpu.memory_space<hbm>>
        tpu.enqueue_indirect_dma source(%dma_start3A_308 : memref<10000x128xf32, #tpu.memory_space<hbm>>) target(%arg12 : memref<128x128xf32, #tpu.memory_space<vmem>>) offsets(%dma_start3A_305 : memref<128xi32, #tpu.memory_space<vmem>>) semaphore(%arg15 : memref<!tpu.dma_semaphore, #tpu.memory_space<semaphore_mem>>)
      } else {
      }
      %dma_wait3A_137 = arith.constant 0 : i32
      %dma_wait3A_138 = arith.constant 0 : i32
      %dma_wait3A_139 = tpu.memref_slice %arg7[%dma_wait3A_137, %dma_wait3A_138] : memref<8x128xi32, #tpu.memory_space<vmem>> -> memref<1x128xi32, #tpu.memory_space<vmem>>
      %dma_wait3A_140 = tpu.memref_squeeze %dma_wait3A_139 : memref<1x128xi32, #tpu.memory_space<vmem>> -> memref<128xi32, #tpu.memory_space<vmem>>
      %dma_wait3A_141 = arith.constant 0 : i32
      %dma_wait3A_142 = arith.constant 0 : i32
      %dma_wait3A_143 = tpu.memref_slice %arg2[%dma_wait3A_141, %dma_wait3A_142] : memref<10000x128xf32, #tpu.memory_space<hbm>> -> memref<10000x128xf32, #tpu.memory_space<hbm>>
      tpu.wait_indirect_dma semaphore(%arg14 : memref<!tpu.dma_semaphore, #tpu.memory_space<semaphore_mem>>) src(%dma_wait3A_143 : memref<10000x128xf32, #tpu.memory_space<hbm>>) dst(%arg11 : memref<128x128xf32, #tpu.memory_space<vmem>>)
      %eq3A_144 = arith.constant 0 : i32
      %eq3A_145 = arith.cmpi eq, %rem3A_82, %eq3A_144 : i32
      %convert_element_type3A_146 = arith.extui %eq3A_145 : i1 to i32
      %cond3A_147 = arith.constant 0 : i32
      %cond3A_148 = arith.cmpi ne, %convert_element_type3A_146, %cond3A_147 : i32
      scf.if %cond3A_148 {
        %run_scoped3A = arith.constant 2 : i32
        "tpu.region"() ({
          %run_scoped3A_302 = tpu.sem_alloc : memref<!tpu.dma_semaphore, #tpu.memory_space<semaphore_mem>>
          %dma_start3A_303 = arith.constant 0 : i32
          %dma_start3A_304 = tpu.memref_slice %arg9[%run_scoped3A, %dma_start3A_303] : memref<8x128xi32, #tpu.memory_space<vmem>> -> memref<1x128xi32, #tpu.memory_space<vmem>>
          %dma_start3A_305 = tpu.memref_squeeze %dma_start3A_304 : memref<1x128xi32, #tpu.memory_space<vmem>> -> memref<128xi32, #tpu.memory_space<vmem>>
          %dma_start3A_306 = arith.constant 0 : i32
          %dma_start3A_307 = arith.constant 0 : i32
          %dma_start3A_308 = tpu.memref_slice %arg13[%dma_start3A_306, %dma_start3A_307] : memref<10240x128xf32, #tpu.memory_space<vmem_shared>> -> memref<10240x128xf32, #tpu.memory_space<vmem_shared>>
          tpu.enqueue_indirect_dma source(%arg11 : memref<128x128xf32, #tpu.memory_space<vmem>>) target(%dma_start3A_308 : memref<10240x128xf32, #tpu.memory_space<vmem_shared>>) offsets(%dma_start3A_305 : memref<128xi32, #tpu.memory_space<vmem>>) semaphore(%run_scoped3A_302 : memref<!tpu.dma_semaphore, #tpu.memory_space<semaphore_mem>>) {add = true}
          %dma_wait3A_309 = arith.constant 0 : i32
          %dma_wait3A_310 = tpu.memref_slice %arg9[%run_scoped3A, %dma_wait3A_309] : memref<8x128xi32, #tpu.memory_space<vmem>> -> memref<1x128xi32, #tpu.memory_space<vmem>>
          %dma_wait3A_311 = tpu.memref_squeeze %dma_wait3A_310 : memref<1x128xi32, #tpu.memory_space<vmem>> -> memref<128xi32, #tpu.memory_space<vmem>>
          %dma_wait3A_312 = arith.constant 0 : i32
          %dma_wait3A_313 = arith.constant 0 : i32
          %dma_wait3A_314 = tpu.memref_slice %arg13[%dma_wait3A_312, %dma_wait3A_313] : memref<10240x128xf32, #tpu.memory_space<vmem_shared>> -> memref<10240x128xf32, #tpu.memory_space<vmem_shared>>
          tpu.wait_indirect_dma semaphore(%run_scoped3A_302 : memref<!tpu.dma_semaphore, #tpu.memory_space<semaphore_mem>>) src(%arg11 : memref<128x128xf32, #tpu.memory_space<vmem>>) dst(%dma_wait3A_314 : memref<10240x128xf32, #tpu.memory_space<vmem_shared>>)
          tpu.yield
        }) : () -> ()
      } else {
      }
      %eq3A_149 = arith.constant 1 : i32
      %eq3A_150 = arith.cmpi eq, %rem3A_82, %eq3A_149 : i32
      %convert_element_type3A_151 = arith.extui %eq3A_150 : i1 to i32
      %cond3A_152 = arith.constant 0 : i32
      %cond3A_153 = arith.cmpi ne, %convert_element_type3A_151, %cond3A_152 : i32
      scf.if %cond3A_153 {
        %run_scoped3A = arith.constant 2 : i32
        "tpu.region"() ({
          %run_scoped3A_302 = tpu.sem_alloc : memref<!tpu.dma_semaphore, #tpu.memory_space<semaphore_mem>>
          %dma_start3A_303 = arith.constant 0 : i32
          %dma_start3A_304 = tpu.memref_slice %arg10[%run_scoped3A, %dma_start3A_303] : memref<8x128xi32, #tpu.memory_space<vmem>> -> memref<1x128xi32, #tpu.memory_space<vmem>>
          %dma_start3A_305 = tpu.memref_squeeze %dma_start3A_304 : memref<1x128xi32, #tpu.memory_space<vmem>> -> memref<128xi32, #tpu.memory_space<vmem>>
          %dma_start3A_306 = arith.constant 0 : i32
          %dma_start3A_307 = arith.constant 0 : i32
          %dma_start3A_308 = tpu.memref_slice %arg13[%dma_start3A_306, %dma_start3A_307] : memref<10240x128xf32, #tpu.memory_space<vmem_shared>> -> memref<10240x128xf32, #tpu.memory_space<vmem_shared>>
          tpu.enqueue_indirect_dma source(%arg11 : memref<128x128xf32, #tpu.memory_space<vmem>>) target(%dma_start3A_308 : memref<10240x128xf32, #tpu.memory_space<vmem_shared>>) offsets(%dma_start3A_305 : memref<128xi32, #tpu.memory_space<vmem>>) semaphore(%run_scoped3A_302 : memref<!tpu.dma_semaphore, #tpu.memory_space<semaphore_mem>>) {add = true}
          %dma_wait3A_309 = arith.constant 0 : i32
          %dma_wait3A_310 = tpu.memref_slice %arg10[%run_scoped3A, %dma_wait3A_309] : memref<8x128xi32, #tpu.memory_space<vmem>> -> memref<1x128xi32, #tpu.memory_space<vmem>>
          %dma_wait3A_311 = tpu.memref_squeeze %dma_wait3A_310 : memref<1x128xi32, #tpu.memory_space<vmem>> -> memref<128xi32, #tpu.memory_space<vmem>>
          %dma_wait3A_312 = arith.constant 0 : i32
          %dma_wait3A_313 = arith.constant 0 : i32
          %dma_wait3A_314 = tpu.memref_slice %arg13[%dma_wait3A_312, %dma_wait3A_313] : memref<10240x128xf32, #tpu.memory_space<vmem_shared>> -> memref<10240x128xf32, #tpu.memory_space<vmem_shared>>
          tpu.wait_indirect_dma semaphore(%run_scoped3A_302 : memref<!tpu.dma_semaphore, #tpu.memory_space<semaphore_mem>>) src(%arg11 : memref<128x128xf32, #tpu.memory_space<vmem>>) dst(%dma_wait3A_314 : memref<10240x128xf32, #tpu.memory_space<vmem_shared>>)
          tpu.yield
        }) : () -> ()
      } else {
      }
      %eq3A_154 = arith.constant 0 : i32
      %eq3A_155 = arith.cmpi eq, %rem3A_82, %eq3A_154 : i32
      %convert_element_type3A_156 = arith.extui %eq3A_155 : i1 to i32
      %cond3A_157 = arith.constant 0 : i32
      %cond3A_158 = arith.cmpi ne, %convert_element_type3A_156, %cond3A_157 : i32
      scf.if %cond3A_158 {
        %dma_start3A_302 = arith.constant 4 : i32
        %dma_start3A_303 = arith.constant 0 : i32
        %dma_start3A_304 = tpu.memref_slice %arg7[%dma_start3A_302, %dma_start3A_303] : memref<8x128xi32, #tpu.memory_space<vmem>> -> memref<1x128xi32, #tpu.memory_space<vmem>>
        %dma_start3A_305 = tpu.memref_squeeze %dma_start3A_304 : memref<1x128xi32, #tpu.memory_space<vmem>> -> memref<128xi32, #tpu.memory_space<vmem>>
        %dma_start3A_306 = arith.constant 0 : i32
        %dma_start3A_307 = arith.constant 0 : i32
        %dma_start3A_308 = tpu.memref_slice %arg2[%dma_start3A_306, %dma_start3A_307] : memref<10000x128xf32, #tpu.memory_space<hbm>> -> memref<10000x128xf32, #tpu.memory_space<hbm>>
        tpu.enqueue_indirect_dma source(%dma_start3A_308 : memref<10000x128xf32, #tpu.memory_space<hbm>>) target(%arg11 : memref<128x128xf32, #tpu.memory_space<vmem>>) offsets(%dma_start3A_305 : memref<128xi32, #tpu.memory_space<vmem>>) semaphore(%arg14 : memref<!tpu.dma_semaphore, #tpu.memory_space<semaphore_mem>>)
      } else {
      }
      %eq3A_159 = arith.constant 1 : i32
      %eq3A_160 = arith.cmpi eq, %rem3A_82, %eq3A_159 : i32
      %convert_element_type3A_161 = arith.extui %eq3A_160 : i1 to i32
      %cond3A_162 = arith.constant 0 : i32
      %cond3A_163 = arith.cmpi ne, %convert_element_type3A_161, %cond3A_162 : i32
      scf.if %cond3A_163 {
        %dma_start3A_302 = arith.constant 4 : i32
        %dma_start3A_303 = arith.constant 0 : i32
        %dma_start3A_304 = tpu.memref_slice %arg8[%dma_start3A_302, %dma_start3A_303] : memref<8x128xi32, #tpu.memory_space<vmem>> -> memref<1x128xi32, #tpu.memory_space<vmem>>
        %dma_start3A_305 = tpu.memref_squeeze %dma_start3A_304 : memref<1x128xi32, #tpu.memory_space<vmem>> -> memref<128xi32, #tpu.memory_space<vmem>>
        %dma_start3A_306 = arith.constant 0 : i32
        %dma_start3A_307 = arith.constant 0 : i32
        %dma_start3A_308 = tpu.memref_slice %arg2[%dma_start3A_306, %dma_start3A_307] : memref<10000x128xf32, #tpu.memory_space<hbm>> -> memref<10000x128xf32, #tpu.memory_space<hbm>>
        tpu.enqueue_indirect_dma source(%dma_start3A_308 : memref<10000x128xf32, #tpu.memory_space<hbm>>) target(%arg11 : memref<128x128xf32, #tpu.memory_space<vmem>>) offsets(%dma_start3A_305 : memref<128xi32, #tpu.memory_space<vmem>>) semaphore(%arg14 : memref<!tpu.dma_semaphore, #tpu.memory_space<semaphore_mem>>)
      } else {
      }
      %dma_wait3A_164 = arith.constant 0 : i32
      %dma_wait3A_165 = arith.constant 0 : i32
      %dma_wait3A_166 = tpu.memref_slice %arg7[%dma_wait3A_164, %dma_wait3A_165] : memref<8x128xi32, #tpu.memory_space<vmem>> -> memref<1x128xi32, #tpu.memory_space<vmem>>
      %dma_wait3A_167 = tpu.memref_squeeze %dma_wait3A_166 : memref<1x128xi32, #tpu.memory_space<vmem>> -> memref<128xi32, #tpu.memory_space<vmem>>
      %dma_wait3A_168 = arith.constant 0 : i32
      %dma_wait3A_169 = arith.constant 0 : i32
      %dma_wait3A_170 = tpu.memref_slice %arg2[%dma_wait3A_168, %dma_wait3A_169] : memref<10000x128xf32, #tpu.memory_space<hbm>> -> memref<10000x128xf32, #tpu.memory_space<hbm>>
      tpu.wait_indirect_dma semaphore(%arg15 : memref<!tpu.dma_semaphore, #tpu.memory_space<semaphore_mem>>) src(%dma_wait3A_170 : memref<10000x128xf32, #tpu.memory_space<hbm>>) dst(%arg12 : memref<128x128xf32, #tpu.memory_space<vmem>>)
      %eq3A_171 = arith.constant 0 : i32
      %eq3A_172 = arith.cmpi eq, %rem3A_82, %eq3A_171 : i32
      %convert_element_type3A_173 = arith.extui %eq3A_172 : i1 to i32
      %cond3A_174 = arith.constant 0 : i32
      %cond3A_175 = arith.cmpi ne, %convert_element_type3A_173, %cond3A_174 : i32
      scf.if %cond3A_175 {
        %run_scoped3A = arith.constant 3 : i32
        "tpu.region"() ({
          %run_scoped3A_302 = tpu.sem_alloc : memref<!tpu.dma_semaphore, #tpu.memory_space<semaphore_mem>>
          %dma_start3A_303 = arith.constant 0 : i32
          %dma_start3A_304 = tpu.memref_slice %arg9[%run_scoped3A, %dma_start3A_303] : memref<8x128xi32, #tpu.memory_space<vmem>> -> memref<1x128xi32, #tpu.memory_space<vmem>>
          %dma_start3A_305 = tpu.memref_squeeze %dma_start3A_304 : memref<1x128xi32, #tpu.memory_space<vmem>> -> memref<128xi32, #tpu.memory_space<vmem>>
          %dma_start3A_306 = arith.constant 0 : i32
          %dma_start3A_307 = arith.constant 0 : i32
          %dma_start3A_308 = tpu.memref_slice %arg13[%dma_start3A_306, %dma_start3A_307] : memref<10240x128xf32, #tpu.memory_space<vmem_shared>> -> memref<10240x128xf32, #tpu.memory_space<vmem_shared>>
          tpu.enqueue_indirect_dma source(%arg12 : memref<128x128xf32, #tpu.memory_space<vmem>>) target(%dma_start3A_308 : memref<10240x128xf32, #tpu.memory_space<vmem_shared>>) offsets(%dma_start3A_305 : memref<128xi32, #tpu.memory_space<vmem>>) semaphore(%run_scoped3A_302 : memref<!tpu.dma_semaphore, #tpu.memory_space<semaphore_mem>>) {add = true}
          %dma_wait3A_309 = arith.constant 0 : i32
          %dma_wait3A_310 = tpu.memref_slice %arg9[%run_scoped3A, %dma_wait3A_309] : memref<8x128xi32, #tpu.memory_space<vmem>> -> memref<1x128xi32, #tpu.memory_space<vmem>>
          %dma_wait3A_311 = tpu.memref_squeeze %dma_wait3A_310 : memref<1x128xi32, #tpu.memory_space<vmem>> -> memref<128xi32, #tpu.memory_space<vmem>>
          %dma_wait3A_312 = arith.constant 0 : i32
          %dma_wait3A_313 = arith.constant 0 : i32
          %dma_wait3A_314 = tpu.memref_slice %arg13[%dma_wait3A_312, %dma_wait3A_313] : memref<10240x128xf32, #tpu.memory_space<vmem_shared>> -> memref<10240x128xf32, #tpu.memory_space<vmem_shared>>
          tpu.wait_indirect_dma semaphore(%run_scoped3A_302 : memref<!tpu.dma_semaphore, #tpu.memory_space<semaphore_mem>>) src(%arg12 : memref<128x128xf32, #tpu.memory_space<vmem>>) dst(%dma_wait3A_314 : memref<10240x128xf32, #tpu.memory_space<vmem_shared>>)
          tpu.yield
        }) : () -> ()
      } else {
      }
      %eq3A_176 = arith.constant 1 : i32
      %eq3A_177 = arith.cmpi eq, %rem3A_82, %eq3A_176 : i32
      %convert_element_type3A_178 = arith.extui %eq3A_177 : i1 to i32
      %cond3A_179 = arith.constant 0 : i32
      %cond3A_180 = arith.cmpi ne, %convert_element_type3A_178, %cond3A_179 : i32
      scf.if %cond3A_180 {
        %run_scoped3A = arith.constant 3 : i32
        "tpu.region"() ({
          %run_scoped3A_302 = tpu.sem_alloc : memref<!tpu.dma_semaphore, #tpu.memory_space<semaphore_mem>>
          %dma_start3A_303 = arith.constant 0 : i32
          %dma_start3A_304 = tpu.memref_slice %arg10[%run_scoped3A, %dma_start3A_303] : memref<8x128xi32, #tpu.memory_space<vmem>> -> memref<1x128xi32, #tpu.memory_space<vmem>>
          %dma_start3A_305 = tpu.memref_squeeze %dma_start3A_304 : memref<1x128xi32, #tpu.memory_space<vmem>> -> memref<128xi32, #tpu.memory_space<vmem>>
          %dma_start3A_306 = arith.constant 0 : i32
          %dma_start3A_307 = arith.constant 0 : i32
          %dma_start3A_308 = tpu.memref_slice %arg13[%dma_start3A_306, %dma_start3A_307] : memref<10240x128xf32, #tpu.memory_space<vmem_shared>> -> memref<10240x128xf32, #tpu.memory_space<vmem_shared>>
          tpu.enqueue_indirect_dma source(%arg12 : memref<128x128xf32, #tpu.memory_space<vmem>>) target(%dma_start3A_308 : memref<10240x128xf32, #tpu.memory_space<vmem_shared>>) offsets(%dma_start3A_305 : memref<128xi32, #tpu.memory_space<vmem>>) semaphore(%run_scoped3A_302 : memref<!tpu.dma_semaphore, #tpu.memory_space<semaphore_mem>>) {add = true}
          %dma_wait3A_309 = arith.constant 0 : i32
          %dma_wait3A_310 = tpu.memref_slice %arg10[%run_scoped3A, %dma_wait3A_309] : memref<8x128xi32, #tpu.memory_space<vmem>> -> memref<1x128xi32, #tpu.memory_space<vmem>>
          %dma_wait3A_311 = tpu.memref_squeeze %dma_wait3A_310 : memref<1x128xi32, #tpu.memory_space<vmem>> -> memref<128xi32, #tpu.memory_space<vmem>>
          %dma_wait3A_312 = arith.constant 0 : i32
          %dma_wait3A_313 = arith.constant 0 : i32
          %dma_wait3A_314 = tpu.memref_slice %arg13[%dma_wait3A_312, %dma_wait3A_313] : memref<10240x128xf32, #tpu.memory_space<vmem_shared>> -> memref<10240x128xf32, #tpu.memory_space<vmem_shared>>
          tpu.wait_indirect_dma semaphore(%run_scoped3A_302 : memref<!tpu.dma_semaphore, #tpu.memory_space<semaphore_mem>>) src(%arg12 : memref<128x128xf32, #tpu.memory_space<vmem>>) dst(%dma_wait3A_314 : memref<10240x128xf32, #tpu.memory_space<vmem_shared>>)
          tpu.yield
        }) : () -> ()
      } else {
      }
      %eq3A_181 = arith.constant 0 : i32
      %eq3A_182 = arith.cmpi eq, %rem3A_82, %eq3A_181 : i32
      %convert_element_type3A_183 = arith.extui %eq3A_182 : i1 to i32
      %cond3A_184 = arith.constant 0 : i32
      %cond3A_185 = arith.cmpi ne, %convert_element_type3A_183, %cond3A_184 : i32
      scf.if %cond3A_185 {
        %dma_start3A_302 = arith.constant 5 : i32
        %dma_start3A_303 = arith.constant 0 : i32
        %dma_start3A_304 = tpu.memref_slice %arg7[%dma_start3A_302, %dma_start3A_303] : memref<8x128xi32, #tpu.memory_space<vmem>> -> memref<1x128xi32, #tpu.memory_space<vmem>>
        %dma_start3A_305 = tpu.memref_squeeze %dma_start3A_304 : memref<1x128xi32, #tpu.memory_space<vmem>> -> memref<128xi32, #tpu.memory_space<vmem>>
        %dma_start3A_306 = arith.constant 0 : i32
        %dma_start3A_307 = arith.constant 0 : i32
        %dma_start3A_308 = tpu.memref_slice %arg2[%dma_start3A_306, %dma_start3A_307] : memref<10000x128xf32, #tpu.memory_space<hbm>> -> memref<10000x128xf32, #tpu.memory_space<hbm>>
        tpu.enqueue_indirect_dma source(%dma_start3A_308 : memref<10000x128xf32, #tpu.memory_space<hbm>>) target(%arg12 : memref<128x128xf32, #tpu.memory_space<vmem>>) offsets(%dma_start3A_305 : memref<128xi32, #tpu.memory_space<vmem>>) semaphore(%arg15 : memref<!tpu.dma_semaphore, #tpu.memory_space<semaphore_mem>>)
      } else {
      }
      %eq3A_186 = arith.constant 1 : i32
      %eq3A_187 = arith.cmpi eq, %rem3A_82, %eq3A_186 : i32
      %convert_element_type3A_188 = arith.extui %eq3A_187 : i1 to i32
      %cond3A_189 = arith.constant 0 : i32
      %cond3A_190 = arith.cmpi ne, %convert_element_type3A_188, %cond3A_189 : i32
      scf.if %cond3A_190 {
        %dma_start3A_302 = arith.constant 5 : i32
        %dma_start3A_303 = arith.constant 0 : i32
        %dma_start3A_304 = tpu.memref_slice %arg8[%dma_start3A_302, %dma_start3A_303] : memref<8x128xi32, #tpu.memory_space<vmem>> -> memref<1x128xi32, #tpu.memory_space<vmem>>
        %dma_start3A_305 = tpu.memref_squeeze %dma_start3A_304 : memref<1x128xi32, #tpu.memory_space<vmem>> -> memref<128xi32, #tpu.memory_space<vmem>>
        %dma_start3A_306 = arith.constant 0 : i32
        %dma_start3A_307 = arith.constant 0 : i32
        %dma_start3A_308 = tpu.memref_slice %arg2[%dma_start3A_306, %dma_start3A_307] : memref<10000x128xf32, #tpu.memory_space<hbm>> -> memref<10000x128xf32, #tpu.memory_space<hbm>>
        tpu.enqueue_indirect_dma source(%dma_start3A_308 : memref<10000x128xf32, #tpu.memory_space<hbm>>) target(%arg12 : memref<128x128xf32, #tpu.memory_space<vmem>>) offsets(%dma_start3A_305 : memref<128xi32, #tpu.memory_space<vmem>>) semaphore(%arg15 : memref<!tpu.dma_semaphore, #tpu.memory_space<semaphore_mem>>)
      } else {
      }
      %dma_wait3A_191 = arith.constant 0 : i32
      %dma_wait3A_192 = arith.constant 0 : i32
      %dma_wait3A_193 = tpu.memref_slice %arg7[%dma_wait3A_191, %dma_wait3A_192] : memref<8x128xi32, #tpu.memory_space<vmem>> -> memref<1x128xi32, #tpu.memory_space<vmem>>
      %dma_wait3A_194 = tpu.memref_squeeze %dma_wait3A_193 : memref<1x128xi32, #tpu.memory_space<vmem>> -> memref<128xi32, #tpu.memory_space<vmem>>
      %dma_wait3A_195 = arith.constant 0 : i32
      %dma_wait3A_196 = arith.constant 0 : i32
      %dma_wait3A_197 = tpu.memref_slice %arg2[%dma_wait3A_195, %dma_wait3A_196] : memref<10000x128xf32, #tpu.memory_space<hbm>> -> memref<10000x128xf32, #tpu.memory_space<hbm>>
      tpu.wait_indirect_dma semaphore(%arg14 : memref<!tpu.dma_semaphore, #tpu.memory_space<semaphore_mem>>) src(%dma_wait3A_197 : memref<10000x128xf32, #tpu.memory_space<hbm>>) dst(%arg11 : memref<128x128xf32, #tpu.memory_space<vmem>>)
      %eq3A_198 = arith.constant 0 : i32
      %eq3A_199 = arith.cmpi eq, %rem3A_82, %eq3A_198 : i32
      %convert_element_type3A_200 = arith.extui %eq3A_199 : i1 to i32
      %cond3A_201 = arith.constant 0 : i32
      %cond3A_202 = arith.cmpi ne, %convert_element_type3A_200, %cond3A_201 : i32
      scf.if %cond3A_202 {
        %run_scoped3A = arith.constant 4 : i32
        "tpu.region"() ({
          %run_scoped3A_302 = tpu.sem_alloc : memref<!tpu.dma_semaphore, #tpu.memory_space<semaphore_mem>>
          %dma_start3A_303 = arith.constant 0 : i32
          %dma_start3A_304 = tpu.memref_slice %arg9[%run_scoped3A, %dma_start3A_303] : memref<8x128xi32, #tpu.memory_space<vmem>> -> memref<1x128xi32, #tpu.memory_space<vmem>>
          %dma_start3A_305 = tpu.memref_squeeze %dma_start3A_304 : memref<1x128xi32, #tpu.memory_space<vmem>> -> memref<128xi32, #tpu.memory_space<vmem>>
          %dma_start3A_306 = arith.constant 0 : i32
          %dma_start3A_307 = arith.constant 0 : i32
          %dma_start3A_308 = tpu.memref_slice %arg13[%dma_start3A_306, %dma_start3A_307] : memref<10240x128xf32, #tpu.memory_space<vmem_shared>> -> memref<10240x128xf32, #tpu.memory_space<vmem_shared>>
          tpu.enqueue_indirect_dma source(%arg11 : memref<128x128xf32, #tpu.memory_space<vmem>>) target(%dma_start3A_308 : memref<10240x128xf32, #tpu.memory_space<vmem_shared>>) offsets(%dma_start3A_305 : memref<128xi32, #tpu.memory_space<vmem>>) semaphore(%run_scoped3A_302 : memref<!tpu.dma_semaphore, #tpu.memory_space<semaphore_mem>>) {add = true}
          %dma_wait3A_309 = arith.constant 0 : i32
          %dma_wait3A_310 = tpu.memref_slice %arg9[%run_scoped3A, %dma_wait3A_309] : memref<8x128xi32, #tpu.memory_space<vmem>> -> memref<1x128xi32, #tpu.memory_space<vmem>>
          %dma_wait3A_311 = tpu.memref_squeeze %dma_wait3A_310 : memref<1x128xi32, #tpu.memory_space<vmem>> -> memref<128xi32, #tpu.memory_space<vmem>>
          %dma_wait3A_312 = arith.constant 0 : i32
          %dma_wait3A_313 = arith.constant 0 : i32
          %dma_wait3A_314 = tpu.memref_slice %arg13[%dma_wait3A_312, %dma_wait3A_313] : memref<10240x128xf32, #tpu.memory_space<vmem_shared>> -> memref<10240x128xf32, #tpu.memory_space<vmem_shared>>
          tpu.wait_indirect_dma semaphore(%run_scoped3A_302 : memref<!tpu.dma_semaphore, #tpu.memory_space<semaphore_mem>>) src(%arg11 : memref<128x128xf32, #tpu.memory_space<vmem>>) dst(%dma_wait3A_314 : memref<10240x128xf32, #tpu.memory_space<vmem_shared>>)
          tpu.yield
        }) : () -> ()
      } else {
      }
      %eq3A_203 = arith.constant 1 : i32
      %eq3A_204 = arith.cmpi eq, %rem3A_82, %eq3A_203 : i32
      %convert_element_type3A_205 = arith.extui %eq3A_204 : i1 to i32
      %cond3A_206 = arith.constant 0 : i32
      %cond3A_207 = arith.cmpi ne, %convert_element_type3A_205, %cond3A_206 : i32
      scf.if %cond3A_207 {
        %run_scoped3A = arith.constant 4 : i32
        "tpu.region"() ({
          %run_scoped3A_302 = tpu.sem_alloc : memref<!tpu.dma_semaphore, #tpu.memory_space<semaphore_mem>>
          %dma_start3A_303 = arith.constant 0 : i32
          %dma_start3A_304 = tpu.memref_slice %arg10[%run_scoped3A, %dma_start3A_303] : memref<8x128xi32, #tpu.memory_space<vmem>> -> memref<1x128xi32, #tpu.memory_space<vmem>>
          %dma_start3A_305 = tpu.memref_squeeze %dma_start3A_304 : memref<1x128xi32, #tpu.memory_space<vmem>> -> memref<128xi32, #tpu.memory_space<vmem>>
          %dma_start3A_306 = arith.constant 0 : i32
          %dma_start3A_307 = arith.constant 0 : i32
          %dma_start3A_308 = tpu.memref_slice %arg13[%dma_start3A_306, %dma_start3A_307] : memref<10240x128xf32, #tpu.memory_space<vmem_shared>> -> memref<10240x128xf32, #tpu.memory_space<vmem_shared>>
          tpu.enqueue_indirect_dma source(%arg11 : memref<128x128xf32, #tpu.memory_space<vmem>>) target(%dma_start3A_308 : memref<10240x128xf32, #tpu.memory_space<vmem_shared>>) offsets(%dma_start3A_305 : memref<128xi32, #tpu.memory_space<vmem>>) semaphore(%run_scoped3A_302 : memref<!tpu.dma_semaphore, #tpu.memory_space<semaphore_mem>>) {add = true}
          %dma_wait3A_309 = arith.constant 0 : i32
          %dma_wait3A_310 = tpu.memref_slice %arg10[%run_scoped3A, %dma_wait3A_309] : memref<8x128xi32, #tpu.memory_space<vmem>> -> memref<1x128xi32, #tpu.memory_space<vmem>>
          %dma_wait3A_311 = tpu.memref_squeeze %dma_wait3A_310 : memref<1x128xi32, #tpu.memory_space<vmem>> -> memref<128xi32, #tpu.memory_space<vmem>>
          %dma_wait3A_312 = arith.constant 0 : i32
          %dma_wait3A_313 = arith.constant 0 : i32
          %dma_wait3A_314 = tpu.memref_slice %arg13[%dma_wait3A_312, %dma_wait3A_313] : memref<10240x128xf32, #tpu.memory_space<vmem_shared>> -> memref<10240x128xf32, #tpu.memory_space<vmem_shared>>
          tpu.wait_indirect_dma semaphore(%run_scoped3A_302 : memref<!tpu.dma_semaphore, #tpu.memory_space<semaphore_mem>>) src(%arg11 : memref<128x128xf32, #tpu.memory_space<vmem>>) dst(%dma_wait3A_314 : memref<10240x128xf32, #tpu.memory_space<vmem_shared>>)
          tpu.yield
        }) : () -> ()
      } else {
      }
      %eq3A_208 = arith.constant 0 : i32
      %eq3A_209 = arith.cmpi eq, %rem3A_82, %eq3A_208 : i32
      %convert_element_type3A_210 = arith.extui %eq3A_209 : i1 to i32
      %cond3A_211 = arith.constant 0 : i32
      %cond3A_212 = arith.cmpi ne, %convert_element_type3A_210, %cond3A_211 : i32
      scf.if %cond3A_212 {
        %dma_start3A_302 = arith.constant 6 : i32
        %dma_start3A_303 = arith.constant 0 : i32
        %dma_start3A_304 = tpu.memref_slice %arg7[%dma_start3A_302, %dma_start3A_303] : memref<8x128xi32, #tpu.memory_space<vmem>> -> memref<1x128xi32, #tpu.memory_space<vmem>>
        %dma_start3A_305 = tpu.memref_squeeze %dma_start3A_304 : memref<1x128xi32, #tpu.memory_space<vmem>> -> memref<128xi32, #tpu.memory_space<vmem>>
        %dma_start3A_306 = arith.constant 0 : i32
        %dma_start3A_307 = arith.constant 0 : i32
        %dma_start3A_308 = tpu.memref_slice %arg2[%dma_start3A_306, %dma_start3A_307] : memref<10000x128xf32, #tpu.memory_space<hbm>> -> memref<10000x128xf32, #tpu.memory_space<hbm>>
        tpu.enqueue_indirect_dma source(%dma_start3A_308 : memref<10000x128xf32, #tpu.memory_space<hbm>>) target(%arg11 : memref<128x128xf32, #tpu.memory_space<vmem>>) offsets(%dma_start3A_305 : memref<128xi32, #tpu.memory_space<vmem>>) semaphore(%arg14 : memref<!tpu.dma_semaphore, #tpu.memory_space<semaphore_mem>>)
      } else {
      }
      %eq3A_213 = arith.constant 1 : i32
      %eq3A_214 = arith.cmpi eq, %rem3A_82, %eq3A_213 : i32
      %convert_element_type3A_215 = arith.extui %eq3A_214 : i1 to i32
      %cond3A_216 = arith.constant 0 : i32
      %cond3A_217 = arith.cmpi ne, %convert_element_type3A_215, %cond3A_216 : i32
      scf.if %cond3A_217 {
        %dma_start3A_302 = arith.constant 6 : i32
        %dma_start3A_303 = arith.constant 0 : i32
        %dma_start3A_304 = tpu.memref_slice %arg8[%dma_start3A_302, %dma_start3A_303] : memref<8x128xi32, #tpu.memory_space<vmem>> -> memref<1x128xi32, #tpu.memory_space<vmem>>
        %dma_start3A_305 = tpu.memref_squeeze %dma_start3A_304 : memref<1x128xi32, #tpu.memory_space<vmem>> -> memref<128xi32, #tpu.memory_space<vmem>>
        %dma_start3A_306 = arith.constant 0 : i32
        %dma_start3A_307 = arith.constant 0 : i32
        %dma_start3A_308 = tpu.memref_slice %arg2[%dma_start3A_306, %dma_start3A_307] : memref<10000x128xf32, #tpu.memory_space<hbm>> -> memref<10000x128xf32, #tpu.memory_space<hbm>>
        tpu.enqueue_indirect_dma source(%dma_start3A_308 : memref<10000x128xf32, #tpu.memory_space<hbm>>) target(%arg11 : memref<128x128xf32, #tpu.memory_space<vmem>>) offsets(%dma_start3A_305 : memref<128xi32, #tpu.memory_space<vmem>>) semaphore(%arg14 : memref<!tpu.dma_semaphore, #tpu.memory_space<semaphore_mem>>)
      } else {
      }
      %dma_wait3A_218 = arith.constant 0 : i32
      %dma_wait3A_219 = arith.constant 0 : i32
      %dma_wait3A_220 = tpu.memref_slice %arg7[%dma_wait3A_218, %dma_wait3A_219] : memref<8x128xi32, #tpu.memory_space<vmem>> -> memref<1x128xi32, #tpu.memory_space<vmem>>
      %dma_wait3A_221 = tpu.memref_squeeze %dma_wait3A_220 : memref<1x128xi32, #tpu.memory_space<vmem>> -> memref<128xi32, #tpu.memory_space<vmem>>
      %dma_wait3A_222 = arith.constant 0 : i32
      %dma_wait3A_223 = arith.constant 0 : i32
      %dma_wait3A_224 = tpu.memref_slice %arg2[%dma_wait3A_222, %dma_wait3A_223] : memref<10000x128xf32, #tpu.memory_space<hbm>> -> memref<10000x128xf32, #tpu.memory_space<hbm>>
      tpu.wait_indirect_dma semaphore(%arg15 : memref<!tpu.dma_semaphore, #tpu.memory_space<semaphore_mem>>) src(%dma_wait3A_224 : memref<10000x128xf32, #tpu.memory_space<hbm>>) dst(%arg12 : memref<128x128xf32, #tpu.memory_space<vmem>>)
      %eq3A_225 = arith.constant 0 : i32
      %eq3A_226 = arith.cmpi eq, %rem3A_82, %eq3A_225 : i32
      %convert_element_type3A_227 = arith.extui %eq3A_226 : i1 to i32
      %cond3A_228 = arith.constant 0 : i32
      %cond3A_229 = arith.cmpi ne, %convert_element_type3A_227, %cond3A_228 : i32
      scf.if %cond3A_229 {
        %run_scoped3A = arith.constant 5 : i32
        "tpu.region"() ({
          %run_scoped3A_302 = tpu.sem_alloc : memref<!tpu.dma_semaphore, #tpu.memory_space<semaphore_mem>>
          %dma_start3A_303 = arith.constant 0 : i32
          %dma_start3A_304 = tpu.memref_slice %arg9[%run_scoped3A, %dma_start3A_303] : memref<8x128xi32, #tpu.memory_space<vmem>> -> memref<1x128xi32, #tpu.memory_space<vmem>>
          %dma_start3A_305 = tpu.memref_squeeze %dma_start3A_304 : memref<1x128xi32, #tpu.memory_space<vmem>> -> memref<128xi32, #tpu.memory_space<vmem>>
          %dma_start3A_306 = arith.constant 0 : i32
          %dma_start3A_307 = arith.constant 0 : i32
          %dma_start3A_308 = tpu.memref_slice %arg13[%dma_start3A_306, %dma_start3A_307] : memref<10240x128xf32, #tpu.memory_space<vmem_shared>> -> memref<10240x128xf32, #tpu.memory_space<vmem_shared>>
          tpu.enqueue_indirect_dma source(%arg12 : memref<128x128xf32, #tpu.memory_space<vmem>>) target(%dma_start3A_308 : memref<10240x128xf32, #tpu.memory_space<vmem_shared>>) offsets(%dma_start3A_305 : memref<128xi32, #tpu.memory_space<vmem>>) semaphore(%run_scoped3A_302 : memref<!tpu.dma_semaphore, #tpu.memory_space<semaphore_mem>>) {add = true}
          %dma_wait3A_309 = arith.constant 0 : i32
          %dma_wait3A_310 = tpu.memref_slice %arg9[%run_scoped3A, %dma_wait3A_309] : memref<8x128xi32, #tpu.memory_space<vmem>> -> memref<1x128xi32, #tpu.memory_space<vmem>>
          %dma_wait3A_311 = tpu.memref_squeeze %dma_wait3A_310 : memref<1x128xi32, #tpu.memory_space<vmem>> -> memref<128xi32, #tpu.memory_space<vmem>>
          %dma_wait3A_312 = arith.constant 0 : i32
          %dma_wait3A_313 = arith.constant 0 : i32
          %dma_wait3A_314 = tpu.memref_slice %arg13[%dma_wait3A_312, %dma_wait3A_313] : memref<10240x128xf32, #tpu.memory_space<vmem_shared>> -> memref<10240x128xf32, #tpu.memory_space<vmem_shared>>
          tpu.wait_indirect_dma semaphore(%run_scoped3A_302 : memref<!tpu.dma_semaphore, #tpu.memory_space<semaphore_mem>>) src(%arg12 : memref<128x128xf32, #tpu.memory_space<vmem>>) dst(%dma_wait3A_314 : memref<10240x128xf32, #tpu.memory_space<vmem_shared>>)
          tpu.yield
        }) : () -> ()
      } else {
      }
      %eq3A_230 = arith.constant 1 : i32
      %eq3A_231 = arith.cmpi eq, %rem3A_82, %eq3A_230 : i32
      %convert_element_type3A_232 = arith.extui %eq3A_231 : i1 to i32
      %cond3A_233 = arith.constant 0 : i32
      %cond3A_234 = arith.cmpi ne, %convert_element_type3A_232, %cond3A_233 : i32
      scf.if %cond3A_234 {
        %run_scoped3A = arith.constant 5 : i32
        "tpu.region"() ({
          %run_scoped3A_302 = tpu.sem_alloc : memref<!tpu.dma_semaphore, #tpu.memory_space<semaphore_mem>>
          %dma_start3A_303 = arith.constant 0 : i32
          %dma_start3A_304 = tpu.memref_slice %arg10[%run_scoped3A, %dma_start3A_303] : memref<8x128xi32, #tpu.memory_space<vmem>> -> memref<1x128xi32, #tpu.memory_space<vmem>>
          %dma_start3A_305 = tpu.memref_squeeze %dma_start3A_304 : memref<1x128xi32, #tpu.memory_space<vmem>> -> memref<128xi32, #tpu.memory_space<vmem>>
          %dma_start3A_306 = arith.constant 0 : i32
          %dma_start3A_307 = arith.constant 0 : i32
          %dma_start3A_308 = tpu.memref_slice %arg13[%dma_start3A_306, %dma_start3A_307] : memref<10240x128xf32, #tpu.memory_space<vmem_shared>> -> memref<10240x128xf32, #tpu.memory_space<vmem_shared>>
          tpu.enqueue_indirect_dma source(%arg12 : memref<128x128xf32, #tpu.memory_space<vmem>>) target(%dma_start3A_308 : memref<10240x128xf32, #tpu.memory_space<vmem_shared>>) offsets(%dma_start3A_305 : memref<128xi32, #tpu.memory_space<vmem>>) semaphore(%run_scoped3A_302 : memref<!tpu.dma_semaphore, #tpu.memory_space<semaphore_mem>>) {add = true}
          %dma_wait3A_309 = arith.constant 0 : i32
          %dma_wait3A_310 = tpu.memref_slice %arg10[%run_scoped3A, %dma_wait3A_309] : memref<8x128xi32, #tpu.memory_space<vmem>> -> memref<1x128xi32, #tpu.memory_space<vmem>>
          %dma_wait3A_311 = tpu.memref_squeeze %dma_wait3A_310 : memref<1x128xi32, #tpu.memory_space<vmem>> -> memref<128xi32, #tpu.memory_space<vmem>>
          %dma_wait3A_312 = arith.constant 0 : i32
          %dma_wait3A_313 = arith.constant 0 : i32
          %dma_wait3A_314 = tpu.memref_slice %arg13[%dma_wait3A_312, %dma_wait3A_313] : memref<10240x128xf32, #tpu.memory_space<vmem_shared>> -> memref<10240x128xf32, #tpu.memory_space<vmem_shared>>
          tpu.wait_indirect_dma semaphore(%run_scoped3A_302 : memref<!tpu.dma_semaphore, #tpu.memory_space<semaphore_mem>>) src(%arg12 : memref<128x128xf32, #tpu.memory_space<vmem>>) dst(%dma_wait3A_314 : memref<10240x128xf32, #tpu.memory_space<vmem_shared>>)
          tpu.yield
        }) : () -> ()
      } else {
      }
      %sub3A_235 = arith.constant 1 : i32
      %sub3A_236 = arith.subi %select_n3A_8, %sub3A_235 : i32
      %lt3A = arith.cmpi slt, %while3A_81, %sub3A_236 : i32
      %convert_element_type3A_237 = arith.extui %lt3A : i1 to i32
      %cond3A_238 = arith.constant 0 : i32
      %cond3A_239 = arith.cmpi ne, %convert_element_type3A_237, %cond3A_238 : i32
      scf.if %cond3A_239 {
        %eq3A_302 = arith.constant 0 : i32
        %eq3A_303 = arith.cmpi eq, %sub3A_83, %eq3A_302 : i32
        %convert_element_type3A_304 = arith.extui %eq3A_303 : i1 to i32
        %cond3A_305 = arith.constant 0 : i32
        %cond3A_306 = arith.cmpi ne, %convert_element_type3A_304, %cond3A_305 : i32
        scf.if %cond3A_306 {
          %dma_wait3A_312 = arith.constant 0 : i32
          %dma_wait3A_313 = tpu.memref_slice %arg3[%select_n3A, %dma_wait3A_312] : memref<2560x128xi32, #tpu.memory_space<hbm>> -> memref<8x128xi32, #tpu.memory_space<hbm>>
          %dma_wait3A_314 = arith.constant 0 : i32
          %dma_wait3A_315 = tpu.memref_slice %arg3[%select_n3A, %dma_wait3A_314] : memref<2560x128xi32, #tpu.memory_space<hbm>> -> memref<8x128xi32, #tpu.memory_space<hbm>>
          tpu.wait_dma2 semaphore(%arg16 : memref<!tpu.dma_semaphore, #tpu.memory_space<semaphore_mem>>) src(%dma_wait3A_315 : memref<8x128xi32, #tpu.memory_space<hbm>>) dst(%arg7 : memref<8x128xi32, #tpu.memory_space<vmem>>)
          %dma_wait3A_316 = arith.constant 0 : i32
          %dma_wait3A_317 = tpu.memref_slice %arg4[%select_n3A, %dma_wait3A_316] : memref<2560x128xi32, #tpu.memory_space<hbm>> -> memref<8x128xi32, #tpu.memory_space<hbm>>
          %dma_wait3A_318 = arith.constant 0 : i32
          %dma_wait3A_319 = tpu.memref_slice %arg4[%select_n3A, %dma_wait3A_318] : memref<2560x128xi32, #tpu.memory_space<hbm>> -> memref<8x128xi32, #tpu.memory_space<hbm>>
          tpu.wait_dma2 semaphore(%arg16 : memref<!tpu.dma_semaphore, #tpu.memory_space<semaphore_mem>>) src(%dma_wait3A_319 : memref<8x128xi32, #tpu.memory_space<hbm>>) dst(%arg9 : memref<8x128xi32, #tpu.memory_space<vmem>>)
        } else {
        }
        %eq3A_307 = arith.constant 1 : i32
        %eq3A_308 = arith.cmpi eq, %sub3A_83, %eq3A_307 : i32
        %convert_element_type3A_309 = arith.extui %eq3A_308 : i1 to i32
        %cond3A_310 = arith.constant 0 : i32
        %cond3A_311 = arith.cmpi ne, %convert_element_type3A_309, %cond3A_310 : i32
        scf.if %cond3A_311 {
          %dma_wait3A_312 = arith.constant 0 : i32
          %dma_wait3A_313 = tpu.memref_slice %arg3[%select_n3A, %dma_wait3A_312] : memref<2560x128xi32, #tpu.memory_space<hbm>> -> memref<8x128xi32, #tpu.memory_space<hbm>>
          %dma_wait3A_314 = arith.constant 0 : i32
          %dma_wait3A_315 = tpu.memref_slice %arg3[%select_n3A, %dma_wait3A_314] : memref<2560x128xi32, #tpu.memory_space<hbm>> -> memref<8x128xi32, #tpu.memory_space<hbm>>
          tpu.wait_dma2 semaphore(%arg17 : memref<!tpu.dma_semaphore, #tpu.memory_space<semaphore_mem>>) src(%dma_wait3A_315 : memref<8x128xi32, #tpu.memory_space<hbm>>) dst(%arg8 : memref<8x128xi32, #tpu.memory_space<vmem>>)
          %dma_wait3A_316 = arith.constant 0 : i32
          %dma_wait3A_317 = tpu.memref_slice %arg4[%select_n3A, %dma_wait3A_316] : memref<2560x128xi32, #tpu.memory_space<hbm>> -> memref<8x128xi32, #tpu.memory_space<hbm>>
          %dma_wait3A_318 = arith.constant 0 : i32
          %dma_wait3A_319 = tpu.memref_slice %arg4[%select_n3A, %dma_wait3A_318] : memref<2560x128xi32, #tpu.memory_space<hbm>> -> memref<8x128xi32, #tpu.memory_space<hbm>>
          tpu.wait_dma2 semaphore(%arg17 : memref<!tpu.dma_semaphore, #tpu.memory_space<semaphore_mem>>) src(%dma_wait3A_319 : memref<8x128xi32, #tpu.memory_space<hbm>>) dst(%arg10 : memref<8x128xi32, #tpu.memory_space<vmem>>)
        } else {
        }
      } else {
      }
      %eq3A_240 = arith.constant 0 : i32
      %eq3A_241 = arith.cmpi eq, %rem3A_82, %eq3A_240 : i32
      %convert_element_type3A_242 = arith.extui %eq3A_241 : i1 to i32
      %cond3A_243 = arith.constant 0 : i32
      %cond3A_244 = arith.cmpi ne, %convert_element_type3A_242, %cond3A_243 : i32
      scf.if %cond3A_244 {
        %dma_start3A_302 = arith.constant 7 : i32
        %dma_start3A_303 = arith.constant 0 : i32
        %dma_start3A_304 = tpu.memref_slice %arg7[%dma_start3A_302, %dma_start3A_303] : memref<8x128xi32, #tpu.memory_space<vmem>> -> memref<1x128xi32, #tpu.memory_space<vmem>>
        %dma_start3A_305 = tpu.memref_squeeze %dma_start3A_304 : memref<1x128xi32, #tpu.memory_space<vmem>> -> memref<128xi32, #tpu.memory_space<vmem>>
        %dma_start3A_306 = arith.constant 0 : i32
        %dma_start3A_307 = arith.constant 0 : i32
        %dma_start3A_308 = tpu.memref_slice %arg2[%dma_start3A_306, %dma_start3A_307] : memref<10000x128xf32, #tpu.memory_space<hbm>> -> memref<10000x128xf32, #tpu.memory_space<hbm>>
        tpu.enqueue_indirect_dma source(%dma_start3A_308 : memref<10000x128xf32, #tpu.memory_space<hbm>>) target(%arg12 : memref<128x128xf32, #tpu.memory_space<vmem>>) offsets(%dma_start3A_305 : memref<128xi32, #tpu.memory_space<vmem>>) semaphore(%arg15 : memref<!tpu.dma_semaphore, #tpu.memory_space<semaphore_mem>>)
      } else {
      }
      %eq3A_245 = arith.constant 1 : i32
      %eq3A_246 = arith.cmpi eq, %rem3A_82, %eq3A_245 : i32
      %convert_element_type3A_247 = arith.extui %eq3A_246 : i1 to i32
      %cond3A_248 = arith.constant 0 : i32
      %cond3A_249 = arith.cmpi ne, %convert_element_type3A_247, %cond3A_248 : i32
      scf.if %cond3A_249 {
        %dma_start3A_302 = arith.constant 7 : i32
        %dma_start3A_303 = arith.constant 0 : i32
        %dma_start3A_304 = tpu.memref_slice %arg8[%dma_start3A_302, %dma_start3A_303] : memref<8x128xi32, #tpu.memory_space<vmem>> -> memref<1x128xi32, #tpu.memory_space<vmem>>
        %dma_start3A_305 = tpu.memref_squeeze %dma_start3A_304 : memref<1x128xi32, #tpu.memory_space<vmem>> -> memref<128xi32, #tpu.memory_space<vmem>>
        %dma_start3A_306 = arith.constant 0 : i32
        %dma_start3A_307 = arith.constant 0 : i32
        %dma_start3A_308 = tpu.memref_slice %arg2[%dma_start3A_306, %dma_start3A_307] : memref<10000x128xf32, #tpu.memory_space<hbm>> -> memref<10000x128xf32, #tpu.memory_space<hbm>>
        tpu.enqueue_indirect_dma source(%dma_start3A_308 : memref<10000x128xf32, #tpu.memory_space<hbm>>) target(%arg12 : memref<128x128xf32, #tpu.memory_space<vmem>>) offsets(%dma_start3A_305 : memref<128xi32, #tpu.memory_space<vmem>>) semaphore(%arg15 : memref<!tpu.dma_semaphore, #tpu.memory_space<semaphore_mem>>)
      } else {
      }
      %dma_wait3A_250 = arith.constant 0 : i32
      %dma_wait3A_251 = arith.constant 0 : i32
      %dma_wait3A_252 = tpu.memref_slice %arg7[%dma_wait3A_250, %dma_wait3A_251] : memref<8x128xi32, #tpu.memory_space<vmem>> -> memref<1x128xi32, #tpu.memory_space<vmem>>
      %dma_wait3A_253 = tpu.memref_squeeze %dma_wait3A_252 : memref<1x128xi32, #tpu.memory_space<vmem>> -> memref<128xi32, #tpu.memory_space<vmem>>
      %dma_wait3A_254 = arith.constant 0 : i32
      %dma_wait3A_255 = arith.constant 0 : i32
      %dma_wait3A_256 = tpu.memref_slice %arg2[%dma_wait3A_254, %dma_wait3A_255] : memref<10000x128xf32, #tpu.memory_space<hbm>> -> memref<10000x128xf32, #tpu.memory_space<hbm>>
      tpu.wait_indirect_dma semaphore(%arg14 : memref<!tpu.dma_semaphore, #tpu.memory_space<semaphore_mem>>) src(%dma_wait3A_256 : memref<10000x128xf32, #tpu.memory_space<hbm>>) dst(%arg11 : memref<128x128xf32, #tpu.memory_space<vmem>>)
      %eq3A_257 = arith.constant 0 : i32
      %eq3A_258 = arith.cmpi eq, %rem3A_82, %eq3A_257 : i32
      %convert_element_type3A_259 = arith.extui %eq3A_258 : i1 to i32
      %cond3A_260 = arith.constant 0 : i32
      %cond3A_261 = arith.cmpi ne, %convert_element_type3A_259, %cond3A_260 : i32
      scf.if %cond3A_261 {
        %run_scoped3A = arith.constant 6 : i32
        "tpu.region"() ({
          %run_scoped3A_302 = tpu.sem_alloc : memref<!tpu.dma_semaphore, #tpu.memory_space<semaphore_mem>>
          %dma_start3A_303 = arith.constant 0 : i32
          %dma_start3A_304 = tpu.memref_slice %arg9[%run_scoped3A, %dma_start3A_303] : memref<8x128xi32, #tpu.memory_space<vmem>> -> memref<1x128xi32, #tpu.memory_space<vmem>>
          %dma_start3A_305 = tpu.memref_squeeze %dma_start3A_304 : memref<1x128xi32, #tpu.memory_space<vmem>> -> memref<128xi32, #tpu.memory_space<vmem>>
          %dma_start3A_306 = arith.constant 0 : i32
          %dma_start3A_307 = arith.constant 0 : i32
          %dma_start3A_308 = tpu.memref_slice %arg13[%dma_start3A_306, %dma_start3A_307] : memref<10240x128xf32, #tpu.memory_space<vmem_shared>> -> memref<10240x128xf32, #tpu.memory_space<vmem_shared>>
          tpu.enqueue_indirect_dma source(%arg11 : memref<128x128xf32, #tpu.memory_space<vmem>>) target(%dma_start3A_308 : memref<10240x128xf32, #tpu.memory_space<vmem_shared>>) offsets(%dma_start3A_305 : memref<128xi32, #tpu.memory_space<vmem>>) semaphore(%run_scoped3A_302 : memref<!tpu.dma_semaphore, #tpu.memory_space<semaphore_mem>>) {add = true}
          %dma_wait3A_309 = arith.constant 0 : i32
          %dma_wait3A_310 = tpu.memref_slice %arg9[%run_scoped3A, %dma_wait3A_309] : memref<8x128xi32, #tpu.memory_space<vmem>> -> memref<1x128xi32, #tpu.memory_space<vmem>>
          %dma_wait3A_311 = tpu.memref_squeeze %dma_wait3A_310 : memref<1x128xi32, #tpu.memory_space<vmem>> -> memref<128xi32, #tpu.memory_space<vmem>>
          %dma_wait3A_312 = arith.constant 0 : i32
          %dma_wait3A_313 = arith.constant 0 : i32
          %dma_wait3A_314 = tpu.memref_slice %arg13[%dma_wait3A_312, %dma_wait3A_313] : memref<10240x128xf32, #tpu.memory_space<vmem_shared>> -> memref<10240x128xf32, #tpu.memory_space<vmem_shared>>
          tpu.wait_indirect_dma semaphore(%run_scoped3A_302 : memref<!tpu.dma_semaphore, #tpu.memory_space<semaphore_mem>>) src(%arg11 : memref<128x128xf32, #tpu.memory_space<vmem>>) dst(%dma_wait3A_314 : memref<10240x128xf32, #tpu.memory_space<vmem_shared>>)
          tpu.yield
        }) : () -> ()
      } else {
      }
      %eq3A_262 = arith.constant 1 : i32
      %eq3A_263 = arith.cmpi eq, %rem3A_82, %eq3A_262 : i32
      %convert_element_type3A_264 = arith.extui %eq3A_263 : i1 to i32
      %cond3A_265 = arith.constant 0 : i32
      %cond3A_266 = arith.cmpi ne, %convert_element_type3A_264, %cond3A_265 : i32
      scf.if %cond3A_266 {
        %run_scoped3A = arith.constant 6 : i32
        "tpu.region"() ({
          %run_scoped3A_302 = tpu.sem_alloc : memref<!tpu.dma_semaphore, #tpu.memory_space<semaphore_mem>>
          %dma_start3A_303 = arith.constant 0 : i32
          %dma_start3A_304 = tpu.memref_slice %arg10[%run_scoped3A, %dma_start3A_303] : memref<8x128xi32, #tpu.memory_space<vmem>> -> memref<1x128xi32, #tpu.memory_space<vmem>>
          %dma_start3A_305 = tpu.memref_squeeze %dma_start3A_304 : memref<1x128xi32, #tpu.memory_space<vmem>> -> memref<128xi32, #tpu.memory_space<vmem>>
          %dma_start3A_306 = arith.constant 0 : i32
          %dma_start3A_307 = arith.constant 0 : i32
          %dma_start3A_308 = tpu.memref_slice %arg13[%dma_start3A_306, %dma_start3A_307] : memref<10240x128xf32, #tpu.memory_space<vmem_shared>> -> memref<10240x128xf32, #tpu.memory_space<vmem_shared>>
          tpu.enqueue_indirect_dma source(%arg11 : memref<128x128xf32, #tpu.memory_space<vmem>>) target(%dma_start3A_308 : memref<10240x128xf32, #tpu.memory_space<vmem_shared>>) offsets(%dma_start3A_305 : memref<128xi32, #tpu.memory_space<vmem>>) semaphore(%run_scoped3A_302 : memref<!tpu.dma_semaphore, #tpu.memory_space<semaphore_mem>>) {add = true}
          %dma_wait3A_309 = arith.constant 0 : i32
          %dma_wait3A_310 = tpu.memref_slice %arg10[%run_scoped3A, %dma_wait3A_309] : memref<8x128xi32, #tpu.memory_space<vmem>> -> memref<1x128xi32, #tpu.memory_space<vmem>>
          %dma_wait3A_311 = tpu.memref_squeeze %dma_wait3A_310 : memref<1x128xi32, #tpu.memory_space<vmem>> -> memref<128xi32, #tpu.memory_space<vmem>>
          %dma_wait3A_312 = arith.constant 0 : i32
          %dma_wait3A_313 = arith.constant 0 : i32
          %dma_wait3A_314 = tpu.memref_slice %arg13[%dma_wait3A_312, %dma_wait3A_313] : memref<10240x128xf32, #tpu.memory_space<vmem_shared>> -> memref<10240x128xf32, #tpu.memory_space<vmem_shared>>
          tpu.wait_indirect_dma semaphore(%run_scoped3A_302 : memref<!tpu.dma_semaphore, #tpu.memory_space<semaphore_mem>>) src(%arg11 : memref<128x128xf32, #tpu.memory_space<vmem>>) dst(%dma_wait3A_314 : memref<10240x128xf32, #tpu.memory_space<vmem_shared>>)
          tpu.yield
        }) : () -> ()
      } else {
      }
      %sub3A_267 = arith.constant 1 : i32
      %sub3A_268 = arith.subi %select_n3A_8, %sub3A_267 : i32
      %lt3A_269 = arith.cmpi slt, %while3A_81, %sub3A_268 : i32
      %convert_element_type3A_270 = arith.extui %lt3A_269 : i1 to i32
      %cond3A_271 = arith.constant 0 : i32
      %cond3A_272 = arith.cmpi ne, %convert_element_type3A_270, %cond3A_271 : i32
      scf.if %cond3A_272 {
        %eq3A_302 = arith.constant 0 : i32
        %eq3A_303 = arith.cmpi eq, %sub3A_83, %eq3A_302 : i32
        %convert_element_type3A_304 = arith.extui %eq3A_303 : i1 to i32
        %cond3A_305 = arith.constant 0 : i32
        %cond3A_306 = arith.cmpi ne, %convert_element_type3A_304, %cond3A_305 : i32
        scf.if %cond3A_306 {
          %dma_start3A_312 = arith.constant 0 : i32
          %dma_start3A_313 = arith.constant 0 : i32
          %dma_start3A_314 = tpu.memref_slice %arg7[%dma_start3A_312, %dma_start3A_313] : memref<8x128xi32, #tpu.memory_space<vmem>> -> memref<1x128xi32, #tpu.memory_space<vmem>>
          %dma_start3A_315 = tpu.memref_squeeze %dma_start3A_314 : memref<1x128xi32, #tpu.memory_space<vmem>> -> memref<128xi32, #tpu.memory_space<vmem>>
          %dma_start3A_316 = arith.constant 0 : i32
          %dma_start3A_317 = arith.constant 0 : i32
          %dma_start3A_318 = tpu.memref_slice %arg2[%dma_start3A_316, %dma_start3A_317] : memref<10000x128xf32, #tpu.memory_space<hbm>> -> memref<10000x128xf32, #tpu.memory_space<hbm>>
          tpu.enqueue_indirect_dma source(%dma_start3A_318 : memref<10000x128xf32, #tpu.memory_space<hbm>>) target(%arg11 : memref<128x128xf32, #tpu.memory_space<vmem>>) offsets(%dma_start3A_315 : memref<128xi32, #tpu.memory_space<vmem>>) semaphore(%arg14 : memref<!tpu.dma_semaphore, #tpu.memory_space<semaphore_mem>>)
        } else {
        }
        %eq3A_307 = arith.constant 1 : i32
        %eq3A_308 = arith.cmpi eq, %sub3A_83, %eq3A_307 : i32
        %convert_element_type3A_309 = arith.extui %eq3A_308 : i1 to i32
        %cond3A_310 = arith.constant 0 : i32
        %cond3A_311 = arith.cmpi ne, %convert_element_type3A_309, %cond3A_310 : i32
        scf.if %cond3A_311 {
          %dma_start3A_312 = arith.constant 0 : i32
          %dma_start3A_313 = arith.constant 0 : i32
          %dma_start3A_314 = tpu.memref_slice %arg8[%dma_start3A_312, %dma_start3A_313] : memref<8x128xi32, #tpu.memory_space<vmem>> -> memref<1x128xi32, #tpu.memory_space<vmem>>
          %dma_start3A_315 = tpu.memref_squeeze %dma_start3A_314 : memref<1x128xi32, #tpu.memory_space<vmem>> -> memref<128xi32, #tpu.memory_space<vmem>>
          %dma_start3A_316 = arith.constant 0 : i32
          %dma_start3A_317 = arith.constant 0 : i32
          %dma_start3A_318 = tpu.memref_slice %arg2[%dma_start3A_316, %dma_start3A_317] : memref<10000x128xf32, #tpu.memory_space<hbm>> -> memref<10000x128xf32, #tpu.memory_space<hbm>>
          tpu.enqueue_indirect_dma source(%dma_start3A_318 : memref<10000x128xf32, #tpu.memory_space<hbm>>) target(%arg11 : memref<128x128xf32, #tpu.memory_space<vmem>>) offsets(%dma_start3A_315 : memref<128xi32, #tpu.memory_space<vmem>>) semaphore(%arg14 : memref<!tpu.dma_semaphore, #tpu.memory_space<semaphore_mem>>)
        } else {
        }
      } else {
      }
      %dma_wait3A_273 = arith.constant 0 : i32
      %dma_wait3A_274 = arith.constant 0 : i32
      %dma_wait3A_275 = tpu.memref_slice %arg7[%dma_wait3A_273, %dma_wait3A_274] : memref<8x128xi32, #tpu.memory_space<vmem>> -> memref<1x128xi32, #tpu.memory_space<vmem>>
      %dma_wait3A_276 = tpu.memref_squeeze %dma_wait3A_275 : memref<1x128xi32, #tpu.memory_space<vmem>> -> memref<128xi32, #tpu.memory_space<vmem>>
      %dma_wait3A_277 = arith.constant 0 : i32
      %dma_wait3A_278 = arith.constant 0 : i32
      %dma_wait3A_279 = tpu.memref_slice %arg2[%dma_wait3A_277, %dma_wait3A_278] : memref<10000x128xf32, #tpu.memory_space<hbm>> -> memref<10000x128xf32, #tpu.memory_space<hbm>>
      tpu.wait_indirect_dma semaphore(%arg15 : memref<!tpu.dma_semaphore, #tpu.memory_space<semaphore_mem>>) src(%dma_wait3A_279 : memref<10000x128xf32, #tpu.memory_space<hbm>>) dst(%arg12 : memref<128x128xf32, #tpu.memory_space<vmem>>)
      %eq3A_280 = arith.constant 0 : i32
      %eq3A_281 = arith.cmpi eq, %rem3A_82, %eq3A_280 : i32
      %convert_element_type3A_282 = arith.extui %eq3A_281 : i1 to i32
      %cond3A_283 = arith.constant 0 : i32
      %cond3A_284 = arith.cmpi ne, %convert_element_type3A_282, %cond3A_283 : i32
      scf.if %cond3A_284 {
        %run_scoped3A = arith.constant 7 : i32
        "tpu.region"() ({
          %run_scoped3A_302 = tpu.sem_alloc : memref<!tpu.dma_semaphore, #tpu.memory_space<semaphore_mem>>
          %dma_start3A_303 = arith.constant 0 : i32
          %dma_start3A_304 = tpu.memref_slice %arg9[%run_scoped3A, %dma_start3A_303] : memref<8x128xi32, #tpu.memory_space<vmem>> -> memref<1x128xi32, #tpu.memory_space<vmem>>
          %dma_start3A_305 = tpu.memref_squeeze %dma_start3A_304 : memref<1x128xi32, #tpu.memory_space<vmem>> -> memref<128xi32, #tpu.memory_space<vmem>>
          %dma_start3A_306 = arith.constant 0 : i32
          %dma_start3A_307 = arith.constant 0 : i32
          %dma_start3A_308 = tpu.memref_slice %arg13[%dma_start3A_306, %dma_start3A_307] : memref<10240x128xf32, #tpu.memory_space<vmem_shared>> -> memref<10240x128xf32, #tpu.memory_space<vmem_shared>>
          tpu.enqueue_indirect_dma source(%arg12 : memref<128x128xf32, #tpu.memory_space<vmem>>) target(%dma_start3A_308 : memref<10240x128xf32, #tpu.memory_space<vmem_shared>>) offsets(%dma_start3A_305 : memref<128xi32, #tpu.memory_space<vmem>>) semaphore(%run_scoped3A_302 : memref<!tpu.dma_semaphore, #tpu.memory_space<semaphore_mem>>) {add = true}
          %dma_wait3A_309 = arith.constant 0 : i32
          %dma_wait3A_310 = tpu.memref_slice %arg9[%run_scoped3A, %dma_wait3A_309] : memref<8x128xi32, #tpu.memory_space<vmem>> -> memref<1x128xi32, #tpu.memory_space<vmem>>
          %dma_wait3A_311 = tpu.memref_squeeze %dma_wait3A_310 : memref<1x128xi32, #tpu.memory_space<vmem>> -> memref<128xi32, #tpu.memory_space<vmem>>
          %dma_wait3A_312 = arith.constant 0 : i32
          %dma_wait3A_313 = arith.constant 0 : i32
          %dma_wait3A_314 = tpu.memref_slice %arg13[%dma_wait3A_312, %dma_wait3A_313] : memref<10240x128xf32, #tpu.memory_space<vmem_shared>> -> memref<10240x128xf32, #tpu.memory_space<vmem_shared>>
          tpu.wait_indirect_dma semaphore(%run_scoped3A_302 : memref<!tpu.dma_semaphore, #tpu.memory_space<semaphore_mem>>) src(%arg12 : memref<128x128xf32, #tpu.memory_space<vmem>>) dst(%dma_wait3A_314 : memref<10240x128xf32, #tpu.memory_space<vmem_shared>>)
          tpu.yield
        }) : () -> ()
      } else {
      }
      %eq3A_285 = arith.constant 1 : i32
      %eq3A_286 = arith.cmpi eq, %rem3A_82, %eq3A_285 : i32
      %convert_element_type3A_287 = arith.extui %eq3A_286 : i1 to i32
      %cond3A_288 = arith.constant 0 : i32
      %cond3A_289 = arith.cmpi ne, %convert_element_type3A_287, %cond3A_288 : i32
      scf.if %cond3A_289 {
        %run_scoped3A = arith.constant 7 : i32
        "tpu.region"() ({
          %run_scoped3A_302 = tpu.sem_alloc : memref<!tpu.dma_semaphore, #tpu.memory_space<semaphore_mem>>
          %dma_start3A_303 = arith.constant 0 : i32
          %dma_start3A_304 = tpu.memref_slice %arg10[%run_scoped3A, %dma_start3A_303] : memref<8x128xi32, #tpu.memory_space<vmem>> -> memref<1x128xi32, #tpu.memory_space<vmem>>
          %dma_start3A_305 = tpu.memref_squeeze %dma_start3A_304 : memref<1x128xi32, #tpu.memory_space<vmem>> -> memref<128xi32, #tpu.memory_space<vmem>>
          %dma_start3A_306 = arith.constant 0 : i32
          %dma_start3A_307 = arith.constant 0 : i32
          %dma_start3A_308 = tpu.memref_slice %arg13[%dma_start3A_306, %dma_start3A_307] : memref<10240x128xf32, #tpu.memory_space<vmem_shared>> -> memref<10240x128xf32, #tpu.memory_space<vmem_shared>>
          tpu.enqueue_indirect_dma source(%arg12 : memref<128x128xf32, #tpu.memory_space<vmem>>) target(%dma_start3A_308 : memref<10240x128xf32, #tpu.memory_space<vmem_shared>>) offsets(%dma_start3A_305 : memref<128xi32, #tpu.memory_space<vmem>>) semaphore(%run_scoped3A_302 : memref<!tpu.dma_semaphore, #tpu.memory_space<semaphore_mem>>) {add = true}
          %dma_wait3A_309 = arith.constant 0 : i32
          %dma_wait3A_310 = tpu.memref_slice %arg10[%run_scoped3A, %dma_wait3A_309] : memref<8x128xi32, #tpu.memory_space<vmem>> -> memref<1x128xi32, #tpu.memory_space<vmem>>
          %dma_wait3A_311 = tpu.memref_squeeze %dma_wait3A_310 : memref<1x128xi32, #tpu.memory_space<vmem>> -> memref<128xi32, #tpu.memory_space<vmem>>
          %dma_wait3A_312 = arith.constant 0 : i32
          %dma_wait3A_313 = arith.constant 0 : i32
          %dma_wait3A_314 = tpu.memref_slice %arg13[%dma_wait3A_312, %dma_wait3A_313] : memref<10240x128xf32, #tpu.memory_space<vmem_shared>> -> memref<10240x128xf32, #tpu.memory_space<vmem_shared>>
          tpu.wait_indirect_dma semaphore(%run_scoped3A_302 : memref<!tpu.dma_semaphore, #tpu.memory_space<semaphore_mem>>) src(%arg12 : memref<128x128xf32, #tpu.memory_space<vmem>>) dst(%dma_wait3A_314 : memref<10240x128xf32, #tpu.memory_space<vmem_shared>>)
          tpu.yield
        }) : () -> ()
      } else {
      }
      %sub3A_290 = arith.constant 1 : i32
      %sub3A_291 = arith.subi %select_n3A_8, %sub3A_290 : i32
      %lt3A_292 = arith.cmpi slt, %while3A_81, %sub3A_291 : i32
      %convert_element_type3A_293 = arith.extui %lt3A_292 : i1 to i32
      %cond3A_294 = arith.constant 0 : i32
      %cond3A_295 = arith.cmpi ne, %convert_element_type3A_293, %cond3A_294 : i32
      scf.if %cond3A_295 {
        %eq3A_302 = arith.constant 0 : i32
        %eq3A_303 = arith.cmpi eq, %sub3A_83, %eq3A_302 : i32
        %convert_element_type3A_304 = arith.extui %eq3A_303 : i1 to i32
        %cond3A_305 = arith.constant 0 : i32
        %cond3A_306 = arith.cmpi ne, %convert_element_type3A_304, %cond3A_305 : i32
        scf.if %cond3A_306 {
          %dma_start3A_312 = arith.constant 1 : i32
          %dma_start3A_313 = arith.constant 0 : i32
          %dma_start3A_314 = tpu.memref_slice %arg7[%dma_start3A_312, %dma_start3A_313] : memref<8x128xi32, #tpu.memory_space<vmem>> -> memref<1x128xi32, #tpu.memory_space<vmem>>
          %dma_start3A_315 = tpu.memref_squeeze %dma_start3A_314 : memref<1x128xi32, #tpu.memory_space<vmem>> -> memref<128xi32, #tpu.memory_space<vmem>>
          %dma_start3A_316 = arith.constant 0 : i32
          %dma_start3A_317 = arith.constant 0 : i32
          %dma_start3A_318 = tpu.memref_slice %arg2[%dma_start3A_316, %dma_start3A_317] : memref<10000x128xf32, #tpu.memory_space<hbm>> -> memref<10000x128xf32, #tpu.memory_space<hbm>>
          tpu.enqueue_indirect_dma source(%dma_start3A_318 : memref<10000x128xf32, #tpu.memory_space<hbm>>) target(%arg12 : memref<128x128xf32, #tpu.memory_space<vmem>>) offsets(%dma_start3A_315 : memref<128xi32, #tpu.memory_space<vmem>>) semaphore(%arg15 : memref<!tpu.dma_semaphore, #tpu.memory_space<semaphore_mem>>)
        } else {
        }
        %eq3A_307 = arith.constant 1 : i32
        %eq3A_308 = arith.cmpi eq, %sub3A_83, %eq3A_307 : i32
        %convert_element_type3A_309 = arith.extui %eq3A_308 : i1 to i32
        %cond3A_310 = arith.constant 0 : i32
        %cond3A_311 = arith.cmpi ne, %convert_element_type3A_309, %cond3A_310 : i32
        scf.if %cond3A_311 {
          %dma_start3A_312 = arith.constant 1 : i32
          %dma_start3A_313 = arith.constant 0 : i32
          %dma_start3A_314 = tpu.memref_slice %arg8[%dma_start3A_312, %dma_start3A_313] : memref<8x128xi32, #tpu.memory_space<vmem>> -> memref<1x128xi32, #tpu.memory_space<vmem>>
          %dma_start3A_315 = tpu.memref_squeeze %dma_start3A_314 : memref<1x128xi32, #tpu.memory_space<vmem>> -> memref<128xi32, #tpu.memory_space<vmem>>
          %dma_start3A_316 = arith.constant 0 : i32
          %dma_start3A_317 = arith.constant 0 : i32
          %dma_start3A_318 = tpu.memref_slice %arg2[%dma_start3A_316, %dma_start3A_317] : memref<10000x128xf32, #tpu.memory_space<hbm>> -> memref<10000x128xf32, #tpu.memory_space<hbm>>
          tpu.enqueue_indirect_dma source(%dma_start3A_318 : memref<10000x128xf32, #tpu.memory_space<hbm>>) target(%arg12 : memref<128x128xf32, #tpu.memory_space<vmem>>) offsets(%dma_start3A_315 : memref<128xi32, #tpu.memory_space<vmem>>) semaphore(%arg15 : memref<!tpu.dma_semaphore, #tpu.memory_space<semaphore_mem>>)
        } else {
        }
      } else {
      }
      %sub3A_296 = arith.constant 2 : i32
      %sub3A_297 = arith.subi %select_n3A_8, %sub3A_296 : i32
      %lt3A_298 = arith.cmpi slt, %while3A_81, %sub3A_297 : i32
      %convert_element_type3A_299 = arith.extui %lt3A_298 : i1 to i32
      %cond3A_300 = arith.constant 0 : i32
      %cond3A_301 = arith.cmpi ne, %convert_element_type3A_299, %cond3A_300 : i32
      scf.if %cond3A_301 {
        %add3A_302 = arith.constant 2 : i32
        %add3A_303 = arith.addi %while3A_81, %add3A_302 : i32
        %mul3A_304 = arith.constant 8 : i32
        %mul3A_305 = arith.muli %add3A_303, %mul3A_304 : i32
        %add3A_306 = arith.addi %select_n3A, %mul3A_305 : i32
        %eq3A_307 = arith.constant 0 : i32
        %eq3A_308 = arith.cmpi eq, %rem3A_82, %eq3A_307 : i32
        %convert_element_type3A_309 = arith.extui %eq3A_308 : i1 to i32
        %cond3A_310 = arith.constant 0 : i32
        %cond3A_311 = arith.cmpi ne, %convert_element_type3A_309, %cond3A_310 : i32
        scf.if %cond3A_311 {
          %dma_start3A_317 = arith.constant 0 : i32
          %dma_start3A_318 = tpu.memref_slice %arg3[%add3A_306, %dma_start3A_317] : memref<2560x128xi32, #tpu.memory_space<hbm>> -> memref<8x128xi32, #tpu.memory_space<hbm>>
          %dma_start3A_319 = arith.constant 0 : i32
          %dma_start3A_320 = tpu.memref_slice %arg3[%add3A_306, %dma_start3A_319] : memref<2560x128xi32, #tpu.memory_space<hbm>> -> memref<8x128xi32, #tpu.memory_space<hbm>>
          tpu.enqueue_dma source(%dma_start3A_320 : memref<8x128xi32, #tpu.memory_space<hbm>>) target(%arg7 : memref<8x128xi32, #tpu.memory_space<vmem>>) target_semaphore(%arg16 : memref<!tpu.dma_semaphore, #tpu.memory_space<semaphore_mem>>)
          %dma_start3A_321 = arith.constant 0 : i32
          %dma_start3A_322 = tpu.memref_slice %arg4[%add3A_306, %dma_start3A_321] : memref<2560x128xi32, #tpu.memory_space<hbm>> -> memref<8x128xi32, #tpu.memory_space<hbm>>
          %dma_start3A_323 = arith.constant 0 : i32
          %dma_start3A_324 = tpu.memref_slice %arg4[%add3A_306, %dma_start3A_323] : memref<2560x128xi32, #tpu.memory_space<hbm>> -> memref<8x128xi32, #tpu.memory_space<hbm>>
          tpu.enqueue_dma source(%dma_start3A_324 : memref<8x128xi32, #tpu.memory_space<hbm>>) target(%arg9 : memref<8x128xi32, #tpu.memory_space<vmem>>) target_semaphore(%arg16 : memref<!tpu.dma_semaphore, #tpu.memory_space<semaphore_mem>>)
        } else {
        }
        %eq3A_312 = arith.constant 1 : i32
        %eq3A_313 = arith.cmpi eq, %rem3A_82, %eq3A_312 : i32
        %convert_element_type3A_314 = arith.extui %eq3A_313 : i1 to i32
        %cond3A_315 = arith.constant 0 : i32
        %cond3A_316 = arith.cmpi ne, %convert_element_type3A_314, %cond3A_315 : i32
        scf.if %cond3A_316 {
          %dma_start3A_317 = arith.constant 0 : i32
          %dma_start3A_318 = tpu.memref_slice %arg3[%add3A_306, %dma_start3A_317] : memref<2560x128xi32, #tpu.memory_space<hbm>> -> memref<8x128xi32, #tpu.memory_space<hbm>>
          %dma_start3A_319 = arith.constant 0 : i32
          %dma_start3A_320 = tpu.memref_slice %arg3[%add3A_306, %dma_start3A_319] : memref<2560x128xi32, #tpu.memory_space<hbm>> -> memref<8x128xi32, #tpu.memory_space<hbm>>
          tpu.enqueue_dma source(%dma_start3A_320 : memref<8x128xi32, #tpu.memory_space<hbm>>) target(%arg8 : memref<8x128xi32, #tpu.memory_space<vmem>>) target_semaphore(%arg17 : memref<!tpu.dma_semaphore, #tpu.memory_space<semaphore_mem>>)
          %dma_start3A_321 = arith.constant 0 : i32
          %dma_start3A_322 = tpu.memref_slice %arg4[%add3A_306, %dma_start3A_321] : memref<2560x128xi32, #tpu.memory_space<hbm>> -> memref<8x128xi32, #tpu.memory_space<hbm>>
          %dma_start3A_323 = arith.constant 0 : i32
          %dma_start3A_324 = tpu.memref_slice %arg4[%add3A_306, %dma_start3A_323] : memref<2560x128xi32, #tpu.memory_space<hbm>> -> memref<8x128xi32, #tpu.memory_space<hbm>>
          tpu.enqueue_dma source(%dma_start3A_324 : memref<8x128xi32, #tpu.memory_space<hbm>>) target(%arg10 : memref<8x128xi32, #tpu.memory_space<vmem>>) target_semaphore(%arg17 : memref<!tpu.dma_semaphore, #tpu.memory_space<semaphore_mem>>)
        } else {
        }
      } else {
      }
    }
    %while3A_44 = arith.constant 1 : i32
    scf.for %while3A_81 = %while3A_42 to %while3A_38 step %while3A_44  : i32 {
      %rem3A = arith.constant 2 : i32
      %rem3A_82 = arith.remsi %while3A_81, %rem3A : i32
      %sub3A = arith.constant 1 : i32
      %sub3A_83 = arith.subi %sub3A, %rem3A_82 : i32
      %dma_wait3A = arith.constant 0 : i32
      %dma_wait3A_84 = arith.constant 0 : i32
      %dma_wait3A_85 = tpu.memref_slice %arg7[%dma_wait3A, %dma_wait3A_84] : memref<8x128xi32, #tpu.memory_space<vmem>> -> memref<1x128xi32, #tpu.memory_space<vmem>>
      %dma_wait3A_86 = tpu.memref_squeeze %dma_wait3A_85 : memref<1x128xi32, #tpu.memory_space<vmem>> -> memref<128xi32, #tpu.memory_space<vmem>>
      %dma_wait3A_87 = arith.constant 0 : i32
      %dma_wait3A_88 = arith.constant 0 : i32
      %dma_wait3A_89 = tpu.memref_slice %arg2[%dma_wait3A_87, %dma_wait3A_88] : memref<10000x128xf32, #tpu.memory_space<hbm>> -> memref<10000x128xf32, #tpu.memory_space<hbm>>
      tpu.wait_indirect_dma semaphore(%arg14 : memref<!tpu.dma_semaphore, #tpu.memory_space<semaphore_mem>>) src(%dma_wait3A_89 : memref<10000x128xf32, #tpu.memory_space<hbm>>) dst(%arg11 : memref<128x128xf32, #tpu.memory_space<vmem>>)
      %eq3A_90 = arith.constant 0 : i32
      %eq3A_91 = arith.cmpi eq, %rem3A_82, %eq3A_90 : i32
      %convert_element_type3A_92 = arith.extui %eq3A_91 : i1 to i32
      %cond3A_93 = arith.constant 0 : i32
      %cond3A_94 = arith.cmpi ne, %convert_element_type3A_92, %cond3A_93 : i32
      scf.if %cond3A_94 {
        %run_scoped3A = arith.constant 0 : i32
        "tpu.region"() ({
          %run_scoped3A_302 = tpu.sem_alloc : memref<!tpu.dma_semaphore, #tpu.memory_space<semaphore_mem>>
          %dma_start3A_303 = arith.constant 0 : i32
          %dma_start3A_304 = tpu.memref_slice %arg9[%run_scoped3A, %dma_start3A_303] : memref<8x128xi32, #tpu.memory_space<vmem>> -> memref<1x128xi32, #tpu.memory_space<vmem>>
          %dma_start3A_305 = tpu.memref_squeeze %dma_start3A_304 : memref<1x128xi32, #tpu.memory_space<vmem>> -> memref<128xi32, #tpu.memory_space<vmem>>
          %dma_start3A_306 = arith.constant 0 : i32
          %dma_start3A_307 = arith.constant 0 : i32
          %dma_start3A_308 = tpu.memref_slice %arg13[%dma_start3A_306, %dma_start3A_307] : memref<10240x128xf32, #tpu.memory_space<vmem_shared>> -> memref<10240x128xf32, #tpu.memory_space<vmem_shared>>
          tpu.enqueue_indirect_dma source(%arg11 : memref<128x128xf32, #tpu.memory_space<vmem>>) target(%dma_start3A_308 : memref<10240x128xf32, #tpu.memory_space<vmem_shared>>) offsets(%dma_start3A_305 : memref<128xi32, #tpu.memory_space<vmem>>) semaphore(%run_scoped3A_302 : memref<!tpu.dma_semaphore, #tpu.memory_space<semaphore_mem>>) {add = true}
          %dma_wait3A_309 = arith.constant 0 : i32
          %dma_wait3A_310 = tpu.memref_slice %arg9[%run_scoped3A, %dma_wait3A_309] : memref<8x128xi32, #tpu.memory_space<vmem>> -> memref<1x128xi32, #tpu.memory_space<vmem>>
          %dma_wait3A_311 = tpu.memref_squeeze %dma_wait3A_310 : memref<1x128xi32, #tpu.memory_space<vmem>> -> memref<128xi32, #tpu.memory_space<vmem>>
          %dma_wait3A_312 = arith.constant 0 : i32
          %dma_wait3A_313 = arith.constant 0 : i32
          %dma_wait3A_314 = tpu.memref_slice %arg13[%dma_wait3A_312, %dma_wait3A_313] : memref<10240x128xf32, #tpu.memory_space<vmem_shared>> -> memref<10240x128xf32, #tpu.memory_space<vmem_shared>>
          tpu.wait_indirect_dma semaphore(%run_scoped3A_302 : memref<!tpu.dma_semaphore, #tpu.memory_space<semaphore_mem>>) src(%arg11 : memref<128x128xf32, #tpu.memory_space<vmem>>) dst(%dma_wait3A_314 : memref<10240x128xf32, #tpu.memory_space<vmem_shared>>)
          tpu.yield
        }) : () -> ()
      } else {
      }
      %eq3A_95 = arith.constant 1 : i32
      %eq3A_96 = arith.cmpi eq, %rem3A_82, %eq3A_95 : i32
      %convert_element_type3A_97 = arith.extui %eq3A_96 : i1 to i32
      %cond3A_98 = arith.constant 0 : i32
      %cond3A_99 = arith.cmpi ne, %convert_element_type3A_97, %cond3A_98 : i32
      scf.if %cond3A_99 {
        %run_scoped3A = arith.constant 0 : i32
        "tpu.region"() ({
          %run_scoped3A_302 = tpu.sem_alloc : memref<!tpu.dma_semaphore, #tpu.memory_space<semaphore_mem>>
          %dma_start3A_303 = arith.constant 0 : i32
          %dma_start3A_304 = tpu.memref_slice %arg10[%run_scoped3A, %dma_start3A_303] : memref<8x128xi32, #tpu.memory_space<vmem>> -> memref<1x128xi32, #tpu.memory_space<vmem>>
          %dma_start3A_305 = tpu.memref_squeeze %dma_start3A_304 : memref<1x128xi32, #tpu.memory_space<vmem>> -> memref<128xi32, #tpu.memory_space<vmem>>
          %dma_start3A_306 = arith.constant 0 : i32
          %dma_start3A_307 = arith.constant 0 : i32
          %dma_start3A_308 = tpu.memref_slice %arg13[%dma_start3A_306, %dma_start3A_307] : memref<10240x128xf32, #tpu.memory_space<vmem_shared>> -> memref<10240x128xf32, #tpu.memory_space<vmem_shared>>
          tpu.enqueue_indirect_dma source(%arg11 : memref<128x128xf32, #tpu.memory_space<vmem>>) target(%dma_start3A_308 : memref<10240x128xf32, #tpu.memory_space<vmem_shared>>) offsets(%dma_start3A_305 : memref<128xi32, #tpu.memory_space<vmem>>) semaphore(%run_scoped3A_302 : memref<!tpu.dma_semaphore, #tpu.memory_space<semaphore_mem>>) {add = true}
          %dma_wait3A_309 = arith.constant 0 : i32
          %dma_wait3A_310 = tpu.memref_slice %arg10[%run_scoped3A, %dma_wait3A_309] : memref<8x128xi32, #tpu.memory_space<vmem>> -> memref<1x128xi32, #tpu.memory_space<vmem>>
          %dma_wait3A_311 = tpu.memref_squeeze %dma_wait3A_310 : memref<1x128xi32, #tpu.memory_space<vmem>> -> memref<128xi32, #tpu.memory_space<vmem>>
          %dma_wait3A_312 = arith.constant 0 : i32
          %dma_wait3A_313 = arith.constant 0 : i32
          %dma_wait3A_314 = tpu.memref_slice %arg13[%dma_wait3A_312, %dma_wait3A_313] : memref<10240x128xf32, #tpu.memory_space<vmem_shared>> -> memref<10240x128xf32, #tpu.memory_space<vmem_shared>>
          tpu.wait_indirect_dma semaphore(%run_scoped3A_302 : memref<!tpu.dma_semaphore, #tpu.memory_space<semaphore_mem>>) src(%arg11 : memref<128x128xf32, #tpu.memory_space<vmem>>) dst(%dma_wait3A_314 : memref<10240x128xf32, #tpu.memory_space<vmem_shared>>)
          tpu.yield
        }) : () -> ()
      } else {
      }
      %eq3A_100 = arith.constant 0 : i32
      %eq3A_101 = arith.cmpi eq, %rem3A_82, %eq3A_100 : i32
      %convert_element_type3A_102 = arith.extui %eq3A_101 : i1 to i32
      %cond3A_103 = arith.constant 0 : i32
      %cond3A_104 = arith.cmpi ne, %convert_element_type3A_102, %cond3A_103 : i32
      scf.if %cond3A_104 {
        %dma_start3A_302 = arith.constant 2 : i32
        %dma_start3A_303 = arith.constant 0 : i32
        %dma_start3A_304 = tpu.memref_slice %arg7[%dma_start3A_302, %dma_start3A_303] : memref<8x128xi32, #tpu.memory_space<vmem>> -> memref<1x128xi32, #tpu.memory_space<vmem>>
        %dma_start3A_305 = tpu.memref_squeeze %dma_start3A_304 : memref<1x128xi32, #tpu.memory_space<vmem>> -> memref<128xi32, #tpu.memory_space<vmem>>
        %dma_start3A_306 = arith.constant 0 : i32
        %dma_start3A_307 = arith.constant 0 : i32
        %dma_start3A_308 = tpu.memref_slice %arg2[%dma_start3A_306, %dma_start3A_307] : memref<10000x128xf32, #tpu.memory_space<hbm>> -> memref<10000x128xf32, #tpu.memory_space<hbm>>
        tpu.enqueue_indirect_dma source(%dma_start3A_308 : memref<10000x128xf32, #tpu.memory_space<hbm>>) target(%arg11 : memref<128x128xf32, #tpu.memory_space<vmem>>) offsets(%dma_start3A_305 : memref<128xi32, #tpu.memory_space<vmem>>) semaphore(%arg14 : memref<!tpu.dma_semaphore, #tpu.memory_space<semaphore_mem>>)
      } else {
      }
      %eq3A_105 = arith.constant 1 : i32
      %eq3A_106 = arith.cmpi eq, %rem3A_82, %eq3A_105 : i32
      %convert_element_type3A_107 = arith.extui %eq3A_106 : i1 to i32
      %cond3A_108 = arith.constant 0 : i32
      %cond3A_109 = arith.cmpi ne, %convert_element_type3A_107, %cond3A_108 : i32
      scf.if %cond3A_109 {
        %dma_start3A_302 = arith.constant 2 : i32
        %dma_start3A_303 = arith.constant 0 : i32
        %dma_start3A_304 = tpu.memref_slice %arg8[%dma_start3A_302, %dma_start3A_303] : memref<8x128xi32, #tpu.memory_space<vmem>> -> memref<1x128xi32, #tpu.memory_space<vmem>>
        %dma_start3A_305 = tpu.memref_squeeze %dma_start3A_304 : memref<1x128xi32, #tpu.memory_space<vmem>> -> memref<128xi32, #tpu.memory_space<vmem>>
        %dma_start3A_306 = arith.constant 0 : i32
        %dma_start3A_307 = arith.constant 0 : i32
        %dma_start3A_308 = tpu.memref_slice %arg2[%dma_start3A_306, %dma_start3A_307] : memref<10000x128xf32, #tpu.memory_space<hbm>> -> memref<10000x128xf32, #tpu.memory_space<hbm>>
        tpu.enqueue_indirect_dma source(%dma_start3A_308 : memref<10000x128xf32, #tpu.memory_space<hbm>>) target(%arg11 : memref<128x128xf32, #tpu.memory_space<vmem>>) offsets(%dma_start3A_305 : memref<128xi32, #tpu.memory_space<vmem>>) semaphore(%arg14 : memref<!tpu.dma_semaphore, #tpu.memory_space<semaphore_mem>>)
      } else {
      }
      %dma_wait3A_110 = arith.constant 0 : i32
      %dma_wait3A_111 = arith.constant 0 : i32
      %dma_wait3A_112 = tpu.memref_slice %arg7[%dma_wait3A_110, %dma_wait3A_111] : memref<8x128xi32, #tpu.memory_space<vmem>> -> memref<1x128xi32, #tpu.memory_space<vmem>>
      %dma_wait3A_113 = tpu.memref_squeeze %dma_wait3A_112 : memref<1x128xi32, #tpu.memory_space<vmem>> -> memref<128xi32, #tpu.memory_space<vmem>>
      %dma_wait3A_114 = arith.constant 0 : i32
      %dma_wait3A_115 = arith.constant 0 : i32
      %dma_wait3A_116 = tpu.memref_slice %arg2[%dma_wait3A_114, %dma_wait3A_115] : memref<10000x128xf32, #tpu.memory_space<hbm>> -> memref<10000x128xf32, #tpu.memory_space<hbm>>
      tpu.wait_indirect_dma semaphore(%arg15 : memref<!tpu.dma_semaphore, #tpu.memory_space<semaphore_mem>>) src(%dma_wait3A_116 : memref<10000x128xf32, #tpu.memory_space<hbm>>) dst(%arg12 : memref<128x128xf32, #tpu.memory_space<vmem>>)
      %eq3A_117 = arith.constant 0 : i32
      %eq3A_118 = arith.cmpi eq, %rem3A_82, %eq3A_117 : i32
      %convert_element_type3A_119 = arith.extui %eq3A_118 : i1 to i32
      %cond3A_120 = arith.constant 0 : i32
      %cond3A_121 = arith.cmpi ne, %convert_element_type3A_119, %cond3A_120 : i32
      scf.if %cond3A_121 {
        %run_scoped3A = arith.constant 1 : i32
        "tpu.region"() ({
          %run_scoped3A_302 = tpu.sem_alloc : memref<!tpu.dma_semaphore, #tpu.memory_space<semaphore_mem>>
          %dma_start3A_303 = arith.constant 0 : i32
          %dma_start3A_304 = tpu.memref_slice %arg9[%run_scoped3A, %dma_start3A_303] : memref<8x128xi32, #tpu.memory_space<vmem>> -> memref<1x128xi32, #tpu.memory_space<vmem>>
          %dma_start3A_305 = tpu.memref_squeeze %dma_start3A_304 : memref<1x128xi32, #tpu.memory_space<vmem>> -> memref<128xi32, #tpu.memory_space<vmem>>
          %dma_start3A_306 = arith.constant 0 : i32
          %dma_start3A_307 = arith.constant 0 : i32
          %dma_start3A_308 = tpu.memref_slice %arg13[%dma_start3A_306, %dma_start3A_307] : memref<10240x128xf32, #tpu.memory_space<vmem_shared>> -> memref<10240x128xf32, #tpu.memory_space<vmem_shared>>
          tpu.enqueue_indirect_dma source(%arg12 : memref<128x128xf32, #tpu.memory_space<vmem>>) target(%dma_start3A_308 : memref<10240x128xf32, #tpu.memory_space<vmem_shared>>) offsets(%dma_start3A_305 : memref<128xi32, #tpu.memory_space<vmem>>) semaphore(%run_scoped3A_302 : memref<!tpu.dma_semaphore, #tpu.memory_space<semaphore_mem>>) {add = true}
          %dma_wait3A_309 = arith.constant 0 : i32
          %dma_wait3A_310 = tpu.memref_slice %arg9[%run_scoped3A, %dma_wait3A_309] : memref<8x128xi32, #tpu.memory_space<vmem>> -> memref<1x128xi32, #tpu.memory_space<vmem>>
          %dma_wait3A_311 = tpu.memref_squeeze %dma_wait3A_310 : memref<1x128xi32, #tpu.memory_space<vmem>> -> memref<128xi32, #tpu.memory_space<vmem>>
          %dma_wait3A_312 = arith.constant 0 : i32
          %dma_wait3A_313 = arith.constant 0 : i32
          %dma_wait3A_314 = tpu.memref_slice %arg13[%dma_wait3A_312, %dma_wait3A_313] : memref<10240x128xf32, #tpu.memory_space<vmem_shared>> -> memref<10240x128xf32, #tpu.memory_space<vmem_shared>>
          tpu.wait_indirect_dma semaphore(%run_scoped3A_302 : memref<!tpu.dma_semaphore, #tpu.memory_space<semaphore_mem>>) src(%arg12 : memref<128x128xf32, #tpu.memory_space<vmem>>) dst(%dma_wait3A_314 : memref<10240x128xf32, #tpu.memory_space<vmem_shared>>)
          tpu.yield
        }) : () -> ()
      } else {
      }
      %eq3A_122 = arith.constant 1 : i32
      %eq3A_123 = arith.cmpi eq, %rem3A_82, %eq3A_122 : i32
      %convert_element_type3A_124 = arith.extui %eq3A_123 : i1 to i32
      %cond3A_125 = arith.constant 0 : i32
      %cond3A_126 = arith.cmpi ne, %convert_element_type3A_124, %cond3A_125 : i32
      scf.if %cond3A_126 {
        %run_scoped3A = arith.constant 1 : i32
        "tpu.region"() ({
          %run_scoped3A_302 = tpu.sem_alloc : memref<!tpu.dma_semaphore, #tpu.memory_space<semaphore_mem>>
          %dma_start3A_303 = arith.constant 0 : i32
          %dma_start3A_304 = tpu.memref_slice %arg10[%run_scoped3A, %dma_start3A_303] : memref<8x128xi32, #tpu.memory_space<vmem>> -> memref<1x128xi32, #tpu.memory_space<vmem>>
          %dma_start3A_305 = tpu.memref_squeeze %dma_start3A_304 : memref<1x128xi32, #tpu.memory_space<vmem>> -> memref<128xi32, #tpu.memory_space<vmem>>
          %dma_start3A_306 = arith.constant 0 : i32
          %dma_start3A_307 = arith.constant 0 : i32
          %dma_start3A_308 = tpu.memref_slice %arg13[%dma_start3A_306, %dma_start3A_307] : memref<10240x128xf32, #tpu.memory_space<vmem_shared>> -> memref<10240x128xf32, #tpu.memory_space<vmem_shared>>
          tpu.enqueue_indirect_dma source(%arg12 : memref<128x128xf32, #tpu.memory_space<vmem>>) target(%dma_start3A_308 : memref<10240x128xf32, #tpu.memory_space<vmem_shared>>) offsets(%dma_start3A_305 : memref<128xi32, #tpu.memory_space<vmem>>) semaphore(%run_scoped3A_302 : memref<!tpu.dma_semaphore, #tpu.memory_space<semaphore_mem>>) {add = true}
          %dma_wait3A_309 = arith.constant 0 : i32
          %dma_wait3A_310 = tpu.memref_slice %arg10[%run_scoped3A, %dma_wait3A_309] : memref<8x128xi32, #tpu.memory_space<vmem>> -> memref<1x128xi32, #tpu.memory_space<vmem>>
          %dma_wait3A_311 = tpu.memref_squeeze %dma_wait3A_310 : memref<1x128xi32, #tpu.memory_space<vmem>> -> memref<128xi32, #tpu.memory_space<vmem>>
          %dma_wait3A_312 = arith.constant 0 : i32
          %dma_wait3A_313 = arith.constant 0 : i32
          %dma_wait3A_314 = tpu.memref_slice %arg13[%dma_wait3A_312, %dma_wait3A_313] : memref<10240x128xf32, #tpu.memory_space<vmem_shared>> -> memref<10240x128xf32, #tpu.memory_space<vmem_shared>>
          tpu.wait_indirect_dma semaphore(%run_scoped3A_302 : memref<!tpu.dma_semaphore, #tpu.memory_space<semaphore_mem>>) src(%arg12 : memref<128x128xf32, #tpu.memory_space<vmem>>) dst(%dma_wait3A_314 : memref<10240x128xf32, #tpu.memory_space<vmem_shared>>)
          tpu.yield
        }) : () -> ()
      } else {
      }
      %eq3A_127 = arith.constant 0 : i32
      %eq3A_128 = arith.cmpi eq, %rem3A_82, %eq3A_127 : i32
      %convert_element_type3A_129 = arith.extui %eq3A_128 : i1 to i32
      %cond3A_130 = arith.constant 0 : i32
      %cond3A_131 = arith.cmpi ne, %convert_element_type3A_129, %cond3A_130 : i32
      scf.if %cond3A_131 {
        %dma_start3A_302 = arith.constant 3 : i32
        %dma_start3A_303 = arith.constant 0 : i32
        %dma_start3A_304 = tpu.memref_slice %arg7[%dma_start3A_302, %dma_start3A_303] : memref<8x128xi32, #tpu.memory_space<vmem>> -> memref<1x128xi32, #tpu.memory_space<vmem>>
        %dma_start3A_305 = tpu.memref_squeeze %dma_start3A_304 : memref<1x128xi32, #tpu.memory_space<vmem>> -> memref<128xi32, #tpu.memory_space<vmem>>
        %dma_start3A_306 = arith.constant 0 : i32
        %dma_start3A_307 = arith.constant 0 : i32
        %dma_start3A_308 = tpu.memref_slice %arg2[%dma_start3A_306, %dma_start3A_307] : memref<10000x128xf32, #tpu.memory_space<hbm>> -> memref<10000x128xf32, #tpu.memory_space<hbm>>
        tpu.enqueue_indirect_dma source(%dma_start3A_308 : memref<10000x128xf32, #tpu.memory_space<hbm>>) target(%arg12 : memref<128x128xf32, #tpu.memory_space<vmem>>) offsets(%dma_start3A_305 : memref<128xi32, #tpu.memory_space<vmem>>) semaphore(%arg15 : memref<!tpu.dma_semaphore, #tpu.memory_space<semaphore_mem>>)
      } else {
      }
      %eq3A_132 = arith.constant 1 : i32
      %eq3A_133 = arith.cmpi eq, %rem3A_82, %eq3A_132 : i32
      %convert_element_type3A_134 = arith.extui %eq3A_133 : i1 to i32
      %cond3A_135 = arith.constant 0 : i32
      %cond3A_136 = arith.cmpi ne, %convert_element_type3A_134, %cond3A_135 : i32
      scf.if %cond3A_136 {
        %dma_start3A_302 = arith.constant 3 : i32
        %dma_start3A_303 = arith.constant 0 : i32
        %dma_start3A_304 = tpu.memref_slice %arg8[%dma_start3A_302, %dma_start3A_303] : memref<8x128xi32, #tpu.memory_space<vmem>> -> memref<1x128xi32, #tpu.memory_space<vmem>>
        %dma_start3A_305 = tpu.memref_squeeze %dma_start3A_304 : memref<1x128xi32, #tpu.memory_space<vmem>> -> memref<128xi32, #tpu.memory_space<vmem>>
        %dma_start3A_306 = arith.constant 0 : i32
        %dma_start3A_307 = arith.constant 0 : i32
        %dma_start3A_308 = tpu.memref_slice %arg2[%dma_start3A_306, %dma_start3A_307] : memref<10000x128xf32, #tpu.memory_space<hbm>> -> memref<10000x128xf32, #tpu.memory_space<hbm>>
        tpu.enqueue_indirect_dma source(%dma_start3A_308 : memref<10000x128xf32, #tpu.memory_space<hbm>>) target(%arg12 : memref<128x128xf32, #tpu.memory_space<vmem>>) offsets(%dma_start3A_305 : memref<128xi32, #tpu.memory_space<vmem>>) semaphore(%arg15 : memref<!tpu.dma_semaphore, #tpu.memory_space<semaphore_mem>>)
      } else {
      }
      %dma_wait3A_137 = arith.constant 0 : i32
      %dma_wait3A_138 = arith.constant 0 : i32
      %dma_wait3A_139 = tpu.memref_slice %arg7[%dma_wait3A_137, %dma_wait3A_138] : memref<8x128xi32, #tpu.memory_space<vmem>> -> memref<1x128xi32, #tpu.memory_space<vmem>>
      %dma_wait3A_140 = tpu.memref_squeeze %dma_wait3A_139 : memref<1x128xi32, #tpu.memory_space<vmem>> -> memref<128xi32, #tpu.memory_space<vmem>>
      %dma_wait3A_141 = arith.constant 0 : i32
      %dma_wait3A_142 = arith.constant 0 : i32
      %dma_wait3A_143 = tpu.memref_slice %arg2[%dma_wait3A_141, %dma_wait3A_142] : memref<10000x128xf32, #tpu.memory_space<hbm>> -> memref<10000x128xf32, #tpu.memory_space<hbm>>
      tpu.wait_indirect_dma semaphore(%arg14 : memref<!tpu.dma_semaphore, #tpu.memory_space<semaphore_mem>>) src(%dma_wait3A_143 : memref<10000x128xf32, #tpu.memory_space<hbm>>) dst(%arg11 : memref<128x128xf32, #tpu.memory_space<vmem>>)
      %eq3A_144 = arith.constant 0 : i32
      %eq3A_145 = arith.cmpi eq, %rem3A_82, %eq3A_144 : i32
      %convert_element_type3A_146 = arith.extui %eq3A_145 : i1 to i32
      %cond3A_147 = arith.constant 0 : i32
      %cond3A_148 = arith.cmpi ne, %convert_element_type3A_146, %cond3A_147 : i32
      scf.if %cond3A_148 {
        %run_scoped3A = arith.constant 2 : i32
        "tpu.region"() ({
          %run_scoped3A_302 = tpu.sem_alloc : memref<!tpu.dma_semaphore, #tpu.memory_space<semaphore_mem>>
          %dma_start3A_303 = arith.constant 0 : i32
          %dma_start3A_304 = tpu.memref_slice %arg9[%run_scoped3A, %dma_start3A_303] : memref<8x128xi32, #tpu.memory_space<vmem>> -> memref<1x128xi32, #tpu.memory_space<vmem>>
          %dma_start3A_305 = tpu.memref_squeeze %dma_start3A_304 : memref<1x128xi32, #tpu.memory_space<vmem>> -> memref<128xi32, #tpu.memory_space<vmem>>
          %dma_start3A_306 = arith.constant 0 : i32
          %dma_start3A_307 = arith.constant 0 : i32
          %dma_start3A_308 = tpu.memref_slice %arg13[%dma_start3A_306, %dma_start3A_307] : memref<10240x128xf32, #tpu.memory_space<vmem_shared>> -> memref<10240x128xf32, #tpu.memory_space<vmem_shared>>
          tpu.enqueue_indirect_dma source(%arg11 : memref<128x128xf32, #tpu.memory_space<vmem>>) target(%dma_start3A_308 : memref<10240x128xf32, #tpu.memory_space<vmem_shared>>) offsets(%dma_start3A_305 : memref<128xi32, #tpu.memory_space<vmem>>) semaphore(%run_scoped3A_302 : memref<!tpu.dma_semaphore, #tpu.memory_space<semaphore_mem>>) {add = true}
          %dma_wait3A_309 = arith.constant 0 : i32
          %dma_wait3A_310 = tpu.memref_slice %arg9[%run_scoped3A, %dma_wait3A_309] : memref<8x128xi32, #tpu.memory_space<vmem>> -> memref<1x128xi32, #tpu.memory_space<vmem>>
          %dma_wait3A_311 = tpu.memref_squeeze %dma_wait3A_310 : memref<1x128xi32, #tpu.memory_space<vmem>> -> memref<128xi32, #tpu.memory_space<vmem>>
          %dma_wait3A_312 = arith.constant 0 : i32
          %dma_wait3A_313 = arith.constant 0 : i32
          %dma_wait3A_314 = tpu.memref_slice %arg13[%dma_wait3A_312, %dma_wait3A_313] : memref<10240x128xf32, #tpu.memory_space<vmem_shared>> -> memref<10240x128xf32, #tpu.memory_space<vmem_shared>>
          tpu.wait_indirect_dma semaphore(%run_scoped3A_302 : memref<!tpu.dma_semaphore, #tpu.memory_space<semaphore_mem>>) src(%arg11 : memref<128x128xf32, #tpu.memory_space<vmem>>) dst(%dma_wait3A_314 : memref<10240x128xf32, #tpu.memory_space<vmem_shared>>)
          tpu.yield
        }) : () -> ()
      } else {
      }
      %eq3A_149 = arith.constant 1 : i32
      %eq3A_150 = arith.cmpi eq, %rem3A_82, %eq3A_149 : i32
      %convert_element_type3A_151 = arith.extui %eq3A_150 : i1 to i32
      %cond3A_152 = arith.constant 0 : i32
      %cond3A_153 = arith.cmpi ne, %convert_element_type3A_151, %cond3A_152 : i32
      scf.if %cond3A_153 {
        %run_scoped3A = arith.constant 2 : i32
        "tpu.region"() ({
          %run_scoped3A_302 = tpu.sem_alloc : memref<!tpu.dma_semaphore, #tpu.memory_space<semaphore_mem>>
          %dma_start3A_303 = arith.constant 0 : i32
          %dma_start3A_304 = tpu.memref_slice %arg10[%run_scoped3A, %dma_start3A_303] : memref<8x128xi32, #tpu.memory_space<vmem>> -> memref<1x128xi32, #tpu.memory_space<vmem>>
          %dma_start3A_305 = tpu.memref_squeeze %dma_start3A_304 : memref<1x128xi32, #tpu.memory_space<vmem>> -> memref<128xi32, #tpu.memory_space<vmem>>
          %dma_start3A_306 = arith.constant 0 : i32
          %dma_start3A_307 = arith.constant 0 : i32
          %dma_start3A_308 = tpu.memref_slice %arg13[%dma_start3A_306, %dma_start3A_307] : memref<10240x128xf32, #tpu.memory_space<vmem_shared>> -> memref<10240x128xf32, #tpu.memory_space<vmem_shared>>
          tpu.enqueue_indirect_dma source(%arg11 : memref<128x128xf32, #tpu.memory_space<vmem>>) target(%dma_start3A_308 : memref<10240x128xf32, #tpu.memory_space<vmem_shared>>) offsets(%dma_start3A_305 : memref<128xi32, #tpu.memory_space<vmem>>) semaphore(%run_scoped3A_302 : memref<!tpu.dma_semaphore, #tpu.memory_space<semaphore_mem>>) {add = true}
          %dma_wait3A_309 = arith.constant 0 : i32
          %dma_wait3A_310 = tpu.memref_slice %arg10[%run_scoped3A, %dma_wait3A_309] : memref<8x128xi32, #tpu.memory_space<vmem>> -> memref<1x128xi32, #tpu.memory_space<vmem>>
          %dma_wait3A_311 = tpu.memref_squeeze %dma_wait3A_310 : memref<1x128xi32, #tpu.memory_space<vmem>> -> memref<128xi32, #tpu.memory_space<vmem>>
          %dma_wait3A_312 = arith.constant 0 : i32
          %dma_wait3A_313 = arith.constant 0 : i32
          %dma_wait3A_314 = tpu.memref_slice %arg13[%dma_wait3A_312, %dma_wait3A_313] : memref<10240x128xf32, #tpu.memory_space<vmem_shared>> -> memref<10240x128xf32, #tpu.memory_space<vmem_shared>>
          tpu.wait_indirect_dma semaphore(%run_scoped3A_302 : memref<!tpu.dma_semaphore, #tpu.memory_space<semaphore_mem>>) src(%arg11 : memref<128x128xf32, #tpu.memory_space<vmem>>) dst(%dma_wait3A_314 : memref<10240x128xf32, #tpu.memory_space<vmem_shared>>)
          tpu.yield
        }) : () -> ()
      } else {
      }
      %eq3A_154 = arith.constant 0 : i32
      %eq3A_155 = arith.cmpi eq, %rem3A_82, %eq3A_154 : i32
      %convert_element_type3A_156 = arith.extui %eq3A_155 : i1 to i32
      %cond3A_157 = arith.constant 0 : i32
      %cond3A_158 = arith.cmpi ne, %convert_element_type3A_156, %cond3A_157 : i32
      scf.if %cond3A_158 {
        %dma_start3A_302 = arith.constant 4 : i32
        %dma_start3A_303 = arith.constant 0 : i32
        %dma_start3A_304 = tpu.memref_slice %arg7[%dma_start3A_302, %dma_start3A_303] : memref<8x128xi32, #tpu.memory_space<vmem>> -> memref<1x128xi32, #tpu.memory_space<vmem>>
        %dma_start3A_305 = tpu.memref_squeeze %dma_start3A_304 : memref<1x128xi32, #tpu.memory_space<vmem>> -> memref<128xi32, #tpu.memory_space<vmem>>
        %dma_start3A_306 = arith.constant 0 : i32
        %dma_start3A_307 = arith.constant 0 : i32
        %dma_start3A_308 = tpu.memref_slice %arg2[%dma_start3A_306, %dma_start3A_307] : memref<10000x128xf32, #tpu.memory_space<hbm>> -> memref<10000x128xf32, #tpu.memory_space<hbm>>
        tpu.enqueue_indirect_dma source(%dma_start3A_308 : memref<10000x128xf32, #tpu.memory_space<hbm>>) target(%arg11 : memref<128x128xf32, #tpu.memory_space<vmem>>) offsets(%dma_start3A_305 : memref<128xi32, #tpu.memory_space<vmem>>) semaphore(%arg14 : memref<!tpu.dma_semaphore, #tpu.memory_space<semaphore_mem>>)
      } else {
      }
      %eq3A_159 = arith.constant 1 : i32
      %eq3A_160 = arith.cmpi eq, %rem3A_82, %eq3A_159 : i32
      %convert_element_type3A_161 = arith.extui %eq3A_160 : i1 to i32
      %cond3A_162 = arith.constant 0 : i32
      %cond3A_163 = arith.cmpi ne, %convert_element_type3A_161, %cond3A_162 : i32
      scf.if %cond3A_163 {
        %dma_start3A_302 = arith.constant 4 : i32
        %dma_start3A_303 = arith.constant 0 : i32
        %dma_start3A_304 = tpu.memref_slice %arg8[%dma_start3A_302, %dma_start3A_303] : memref<8x128xi32, #tpu.memory_space<vmem>> -> memref<1x128xi32, #tpu.memory_space<vmem>>
        %dma_start3A_305 = tpu.memref_squeeze %dma_start3A_304 : memref<1x128xi32, #tpu.memory_space<vmem>> -> memref<128xi32, #tpu.memory_space<vmem>>
        %dma_start3A_306 = arith.constant 0 : i32
        %dma_start3A_307 = arith.constant 0 : i32
        %dma_start3A_308 = tpu.memref_slice %arg2[%dma_start3A_306, %dma_start3A_307] : memref<10000x128xf32, #tpu.memory_space<hbm>> -> memref<10000x128xf32, #tpu.memory_space<hbm>>
        tpu.enqueue_indirect_dma source(%dma_start3A_308 : memref<10000x128xf32, #tpu.memory_space<hbm>>) target(%arg11 : memref<128x128xf32, #tpu.memory_space<vmem>>) offsets(%dma_start3A_305 : memref<128xi32, #tpu.memory_space<vmem>>) semaphore(%arg14 : memref<!tpu.dma_semaphore, #tpu.memory_space<semaphore_mem>>)
      } else {
      }
      %dma_wait3A_164 = arith.constant 0 : i32
      %dma_wait3A_165 = arith.constant 0 : i32
      %dma_wait3A_166 = tpu.memref_slice %arg7[%dma_wait3A_164, %dma_wait3A_165] : memref<8x128xi32, #tpu.memory_space<vmem>> -> memref<1x128xi32, #tpu.memory_space<vmem>>
      %dma_wait3A_167 = tpu.memref_squeeze %dma_wait3A_166 : memref<1x128xi32, #tpu.memory_space<vmem>> -> memref<128xi32, #tpu.memory_space<vmem>>
      %dma_wait3A_168 = arith.constant 0 : i32
      %dma_wait3A_169 = arith.constant 0 : i32
      %dma_wait3A_170 = tpu.memref_slice %arg2[%dma_wait3A_168, %dma_wait3A_169] : memref<10000x128xf32, #tpu.memory_space<hbm>> -> memref<10000x128xf32, #tpu.memory_space<hbm>>
      tpu.wait_indirect_dma semaphore(%arg15 : memref<!tpu.dma_semaphore, #tpu.memory_space<semaphore_mem>>) src(%dma_wait3A_170 : memref<10000x128xf32, #tpu.memory_space<hbm>>) dst(%arg12 : memref<128x128xf32, #tpu.memory_space<vmem>>)
      %eq3A_171 = arith.constant 0 : i32
      %eq3A_172 = arith.cmpi eq, %rem3A_82, %eq3A_171 : i32
      %convert_element_type3A_173 = arith.extui %eq3A_172 : i1 to i32
      %cond3A_174 = arith.constant 0 : i32
      %cond3A_175 = arith.cmpi ne, %convert_element_type3A_173, %cond3A_174 : i32
      scf.if %cond3A_175 {
        %run_scoped3A = arith.constant 3 : i32
        "tpu.region"() ({
          %run_scoped3A_302 = tpu.sem_alloc : memref<!tpu.dma_semaphore, #tpu.memory_space<semaphore_mem>>
          %dma_start3A_303 = arith.constant 0 : i32
          %dma_start3A_304 = tpu.memref_slice %arg9[%run_scoped3A, %dma_start3A_303] : memref<8x128xi32, #tpu.memory_space<vmem>> -> memref<1x128xi32, #tpu.memory_space<vmem>>
          %dma_start3A_305 = tpu.memref_squeeze %dma_start3A_304 : memref<1x128xi32, #tpu.memory_space<vmem>> -> memref<128xi32, #tpu.memory_space<vmem>>
          %dma_start3A_306 = arith.constant 0 : i32
          %dma_start3A_307 = arith.constant 0 : i32
          %dma_start3A_308 = tpu.memref_slice %arg13[%dma_start3A_306, %dma_start3A_307] : memref<10240x128xf32, #tpu.memory_space<vmem_shared>> -> memref<10240x128xf32, #tpu.memory_space<vmem_shared>>
          tpu.enqueue_indirect_dma source(%arg12 : memref<128x128xf32, #tpu.memory_space<vmem>>) target(%dma_start3A_308 : memref<10240x128xf32, #tpu.memory_space<vmem_shared>>) offsets(%dma_start3A_305 : memref<128xi32, #tpu.memory_space<vmem>>) semaphore(%run_scoped3A_302 : memref<!tpu.dma_semaphore, #tpu.memory_space<semaphore_mem>>) {add = true}
          %dma_wait3A_309 = arith.constant 0 : i32
          %dma_wait3A_310 = tpu.memref_slice %arg9[%run_scoped3A, %dma_wait3A_309] : memref<8x128xi32, #tpu.memory_space<vmem>> -> memref<1x128xi32, #tpu.memory_space<vmem>>
          %dma_wait3A_311 = tpu.memref_squeeze %dma_wait3A_310 : memref<1x128xi32, #tpu.memory_space<vmem>> -> memref<128xi32, #tpu.memory_space<vmem>>
          %dma_wait3A_312 = arith.constant 0 : i32
          %dma_wait3A_313 = arith.constant 0 : i32
          %dma_wait3A_314 = tpu.memref_slice %arg13[%dma_wait3A_312, %dma_wait3A_313] : memref<10240x128xf32, #tpu.memory_space<vmem_shared>> -> memref<10240x128xf32, #tpu.memory_space<vmem_shared>>
          tpu.wait_indirect_dma semaphore(%run_scoped3A_302 : memref<!tpu.dma_semaphore, #tpu.memory_space<semaphore_mem>>) src(%arg12 : memref<128x128xf32, #tpu.memory_space<vmem>>) dst(%dma_wait3A_314 : memref<10240x128xf32, #tpu.memory_space<vmem_shared>>)
          tpu.yield
        }) : () -> ()
      } else {
      }
      %eq3A_176 = arith.constant 1 : i32
      %eq3A_177 = arith.cmpi eq, %rem3A_82, %eq3A_176 : i32
      %convert_element_type3A_178 = arith.extui %eq3A_177 : i1 to i32
      %cond3A_179 = arith.constant 0 : i32
      %cond3A_180 = arith.cmpi ne, %convert_element_type3A_178, %cond3A_179 : i32
      scf.if %cond3A_180 {
        %run_scoped3A = arith.constant 3 : i32
        "tpu.region"() ({
          %run_scoped3A_302 = tpu.sem_alloc : memref<!tpu.dma_semaphore, #tpu.memory_space<semaphore_mem>>
          %dma_start3A_303 = arith.constant 0 : i32
          %dma_start3A_304 = tpu.memref_slice %arg10[%run_scoped3A, %dma_start3A_303] : memref<8x128xi32, #tpu.memory_space<vmem>> -> memref<1x128xi32, #tpu.memory_space<vmem>>
          %dma_start3A_305 = tpu.memref_squeeze %dma_start3A_304 : memref<1x128xi32, #tpu.memory_space<vmem>> -> memref<128xi32, #tpu.memory_space<vmem>>
          %dma_start3A_306 = arith.constant 0 : i32
          %dma_start3A_307 = arith.constant 0 : i32
          %dma_start3A_308 = tpu.memref_slice %arg13[%dma_start3A_306, %dma_start3A_307] : memref<10240x128xf32, #tpu.memory_space<vmem_shared>> -> memref<10240x128xf32, #tpu.memory_space<vmem_shared>>
          tpu.enqueue_indirect_dma source(%arg12 : memref<128x128xf32, #tpu.memory_space<vmem>>) target(%dma_start3A_308 : memref<10240x128xf32, #tpu.memory_space<vmem_shared>>) offsets(%dma_start3A_305 : memref<128xi32, #tpu.memory_space<vmem>>) semaphore(%run_scoped3A_302 : memref<!tpu.dma_semaphore, #tpu.memory_space<semaphore_mem>>) {add = true}
          %dma_wait3A_309 = arith.constant 0 : i32
          %dma_wait3A_310 = tpu.memref_slice %arg10[%run_scoped3A, %dma_wait3A_309] : memref<8x128xi32, #tpu.memory_space<vmem>> -> memref<1x128xi32, #tpu.memory_space<vmem>>
          %dma_wait3A_311 = tpu.memref_squeeze %dma_wait3A_310 : memref<1x128xi32, #tpu.memory_space<vmem>> -> memref<128xi32, #tpu.memory_space<vmem>>
          %dma_wait3A_312 = arith.constant 0 : i32
          %dma_wait3A_313 = arith.constant 0 : i32
          %dma_wait3A_314 = tpu.memref_slice %arg13[%dma_wait3A_312, %dma_wait3A_313] : memref<10240x128xf32, #tpu.memory_space<vmem_shared>> -> memref<10240x128xf32, #tpu.memory_space<vmem_shared>>
          tpu.wait_indirect_dma semaphore(%run_scoped3A_302 : memref<!tpu.dma_semaphore, #tpu.memory_space<semaphore_mem>>) src(%arg12 : memref<128x128xf32, #tpu.memory_space<vmem>>) dst(%dma_wait3A_314 : memref<10240x128xf32, #tpu.memory_space<vmem_shared>>)
          tpu.yield
        }) : () -> ()
      } else {
      }
      %eq3A_181 = arith.constant 0 : i32
      %eq3A_182 = arith.cmpi eq, %rem3A_82, %eq3A_181 : i32
      %convert_element_type3A_183 = arith.extui %eq3A_182 : i1 to i32
      %cond3A_184 = arith.constant 0 : i32
      %cond3A_185 = arith.cmpi ne, %convert_element_type3A_183, %cond3A_184 : i32
      scf.if %cond3A_185 {
        %dma_start3A_302 = arith.constant 5 : i32
        %dma_start3A_303 = arith.constant 0 : i32
        %dma_start3A_304 = tpu.memref_slice %arg7[%dma_start3A_302, %dma_start3A_303] : memref<8x128xi32, #tpu.memory_space<vmem>> -> memref<1x128xi32, #tpu.memory_space<vmem>>
        %dma_start3A_305 = tpu.memref_squeeze %dma_start3A_304 : memref<1x128xi32, #tpu.memory_space<vmem>> -> memref<128xi32, #tpu.memory_space<vmem>>
        %dma_start3A_306 = arith.constant 0 : i32
        %dma_start3A_307 = arith.constant 0 : i32
        %dma_start3A_308 = tpu.memref_slice %arg2[%dma_start3A_306, %dma_start3A_307] : memref<10000x128xf32, #tpu.memory_space<hbm>> -> memref<10000x128xf32, #tpu.memory_space<hbm>>
        tpu.enqueue_indirect_dma source(%dma_start3A_308 : memref<10000x128xf32, #tpu.memory_space<hbm>>) target(%arg12 : memref<128x128xf32, #tpu.memory_space<vmem>>) offsets(%dma_start3A_305 : memref<128xi32, #tpu.memory_space<vmem>>) semaphore(%arg15 : memref<!tpu.dma_semaphore, #tpu.memory_space<semaphore_mem>>)
      } else {
      }
      %eq3A_186 = arith.constant 1 : i32
      %eq3A_187 = arith.cmpi eq, %rem3A_82, %eq3A_186 : i32
      %convert_element_type3A_188 = arith.extui %eq3A_187 : i1 to i32
      %cond3A_189 = arith.constant 0 : i32
      %cond3A_190 = arith.cmpi ne, %convert_element_type3A_188, %cond3A_189 : i32
      scf.if %cond3A_190 {
        %dma_start3A_302 = arith.constant 5 : i32
        %dma_start3A_303 = arith.constant 0 : i32
        %dma_start3A_304 = tpu.memref_slice %arg8[%dma_start3A_302, %dma_start3A_303] : memref<8x128xi32, #tpu.memory_space<vmem>> -> memref<1x128xi32, #tpu.memory_space<vmem>>
        %dma_start3A_305 = tpu.memref_squeeze %dma_start3A_304 : memref<1x128xi32, #tpu.memory_space<vmem>> -> memref<128xi32, #tpu.memory_space<vmem>>
        %dma_start3A_306 = arith.constant 0 : i32
        %dma_start3A_307 = arith.constant 0 : i32
        %dma_start3A_308 = tpu.memref_slice %arg2[%dma_start3A_306, %dma_start3A_307] : memref<10000x128xf32, #tpu.memory_space<hbm>> -> memref<10000x128xf32, #tpu.memory_space<hbm>>
        tpu.enqueue_indirect_dma source(%dma_start3A_308 : memref<10000x128xf32, #tpu.memory_space<hbm>>) target(%arg12 : memref<128x128xf32, #tpu.memory_space<vmem>>) offsets(%dma_start3A_305 : memref<128xi32, #tpu.memory_space<vmem>>) semaphore(%arg15 : memref<!tpu.dma_semaphore, #tpu.memory_space<semaphore_mem>>)
      } else {
      }
      %dma_wait3A_191 = arith.constant 0 : i32
      %dma_wait3A_192 = arith.constant 0 : i32
      %dma_wait3A_193 = tpu.memref_slice %arg7[%dma_wait3A_191, %dma_wait3A_192] : memref<8x128xi32, #tpu.memory_space<vmem>> -> memref<1x128xi32, #tpu.memory_space<vmem>>
      %dma_wait3A_194 = tpu.memref_squeeze %dma_wait3A_193 : memref<1x128xi32, #tpu.memory_space<vmem>> -> memref<128xi32, #tpu.memory_space<vmem>>
      %dma_wait3A_195 = arith.constant 0 : i32
      %dma_wait3A_196 = arith.constant 0 : i32
      %dma_wait3A_197 = tpu.memref_slice %arg2[%dma_wait3A_195, %dma_wait3A_196] : memref<10000x128xf32, #tpu.memory_space<hbm>> -> memref<10000x128xf32, #tpu.memory_space<hbm>>
      tpu.wait_indirect_dma semaphore(%arg14 : memref<!tpu.dma_semaphore, #tpu.memory_space<semaphore_mem>>) src(%dma_wait3A_197 : memref<10000x128xf32, #tpu.memory_space<hbm>>) dst(%arg11 : memref<128x128xf32, #tpu.memory_space<vmem>>)
      %eq3A_198 = arith.constant 0 : i32
      %eq3A_199 = arith.cmpi eq, %rem3A_82, %eq3A_198 : i32
      %convert_element_type3A_200 = arith.extui %eq3A_199 : i1 to i32
      %cond3A_201 = arith.constant 0 : i32
      %cond3A_202 = arith.cmpi ne, %convert_element_type3A_200, %cond3A_201 : i32
      scf.if %cond3A_202 {
        %run_scoped3A = arith.constant 4 : i32
        "tpu.region"() ({
          %run_scoped3A_302 = tpu.sem_alloc : memref<!tpu.dma_semaphore, #tpu.memory_space<semaphore_mem>>
          %dma_start3A_303 = arith.constant 0 : i32
          %dma_start3A_304 = tpu.memref_slice %arg9[%run_scoped3A, %dma_start3A_303] : memref<8x128xi32, #tpu.memory_space<vmem>> -> memref<1x128xi32, #tpu.memory_space<vmem>>
          %dma_start3A_305 = tpu.memref_squeeze %dma_start3A_304 : memref<1x128xi32, #tpu.memory_space<vmem>> -> memref<128xi32, #tpu.memory_space<vmem>>
          %dma_start3A_306 = arith.constant 0 : i32
          %dma_start3A_307 = arith.constant 0 : i32
          %dma_start3A_308 = tpu.memref_slice %arg13[%dma_start3A_306, %dma_start3A_307] : memref<10240x128xf32, #tpu.memory_space<vmem_shared>> -> memref<10240x128xf32, #tpu.memory_space<vmem_shared>>
          tpu.enqueue_indirect_dma source(%arg11 : memref<128x128xf32, #tpu.memory_space<vmem>>) target(%dma_start3A_308 : memref<10240x128xf32, #tpu.memory_space<vmem_shared>>) offsets(%dma_start3A_305 : memref<128xi32, #tpu.memory_space<vmem>>) semaphore(%run_scoped3A_302 : memref<!tpu.dma_semaphore, #tpu.memory_space<semaphore_mem>>) {add = true}
          %dma_wait3A_309 = arith.constant 0 : i32
          %dma_wait3A_310 = tpu.memref_slice %arg9[%run_scoped3A, %dma_wait3A_309] : memref<8x128xi32, #tpu.memory_space<vmem>> -> memref<1x128xi32, #tpu.memory_space<vmem>>
          %dma_wait3A_311 = tpu.memref_squeeze %dma_wait3A_310 : memref<1x128xi32, #tpu.memory_space<vmem>> -> memref<128xi32, #tpu.memory_space<vmem>>
          %dma_wait3A_312 = arith.constant 0 : i32
          %dma_wait3A_313 = arith.constant 0 : i32
          %dma_wait3A_314 = tpu.memref_slice %arg13[%dma_wait3A_312, %dma_wait3A_313] : memref<10240x128xf32, #tpu.memory_space<vmem_shared>> -> memref<10240x128xf32, #tpu.memory_space<vmem_shared>>
          tpu.wait_indirect_dma semaphore(%run_scoped3A_302 : memref<!tpu.dma_semaphore, #tpu.memory_space<semaphore_mem>>) src(%arg11 : memref<128x128xf32, #tpu.memory_space<vmem>>) dst(%dma_wait3A_314 : memref<10240x128xf32, #tpu.memory_space<vmem_shared>>)
          tpu.yield
        }) : () -> ()
      } else {
      }
      %eq3A_203 = arith.constant 1 : i32
      %eq3A_204 = arith.cmpi eq, %rem3A_82, %eq3A_203 : i32
      %convert_element_type3A_205 = arith.extui %eq3A_204 : i1 to i32
      %cond3A_206 = arith.constant 0 : i32
      %cond3A_207 = arith.cmpi ne, %convert_element_type3A_205, %cond3A_206 : i32
      scf.if %cond3A_207 {
        %run_scoped3A = arith.constant 4 : i32
        "tpu.region"() ({
          %run_scoped3A_302 = tpu.sem_alloc : memref<!tpu.dma_semaphore, #tpu.memory_space<semaphore_mem>>
          %dma_start3A_303 = arith.constant 0 : i32
          %dma_start3A_304 = tpu.memref_slice %arg10[%run_scoped3A, %dma_start3A_303] : memref<8x128xi32, #tpu.memory_space<vmem>> -> memref<1x128xi32, #tpu.memory_space<vmem>>
          %dma_start3A_305 = tpu.memref_squeeze %dma_start3A_304 : memref<1x128xi32, #tpu.memory_space<vmem>> -> memref<128xi32, #tpu.memory_space<vmem>>
          %dma_start3A_306 = arith.constant 0 : i32
          %dma_start3A_307 = arith.constant 0 : i32
          %dma_start3A_308 = tpu.memref_slice %arg13[%dma_start3A_306, %dma_start3A_307] : memref<10240x128xf32, #tpu.memory_space<vmem_shared>> -> memref<10240x128xf32, #tpu.memory_space<vmem_shared>>
          tpu.enqueue_indirect_dma source(%arg11 : memref<128x128xf32, #tpu.memory_space<vmem>>) target(%dma_start3A_308 : memref<10240x128xf32, #tpu.memory_space<vmem_shared>>) offsets(%dma_start3A_305 : memref<128xi32, #tpu.memory_space<vmem>>) semaphore(%run_scoped3A_302 : memref<!tpu.dma_semaphore, #tpu.memory_space<semaphore_mem>>) {add = true}
          %dma_wait3A_309 = arith.constant 0 : i32
          %dma_wait3A_310 = tpu.memref_slice %arg10[%run_scoped3A, %dma_wait3A_309] : memref<8x128xi32, #tpu.memory_space<vmem>> -> memref<1x128xi32, #tpu.memory_space<vmem>>
          %dma_wait3A_311 = tpu.memref_squeeze %dma_wait3A_310 : memref<1x128xi32, #tpu.memory_space<vmem>> -> memref<128xi32, #tpu.memory_space<vmem>>
          %dma_wait3A_312 = arith.constant 0 : i32
          %dma_wait3A_313 = arith.constant 0 : i32
          %dma_wait3A_314 = tpu.memref_slice %arg13[%dma_wait3A_312, %dma_wait3A_313] : memref<10240x128xf32, #tpu.memory_space<vmem_shared>> -> memref<10240x128xf32, #tpu.memory_space<vmem_shared>>
          tpu.wait_indirect_dma semaphore(%run_scoped3A_302 : memref<!tpu.dma_semaphore, #tpu.memory_space<semaphore_mem>>) src(%arg11 : memref<128x128xf32, #tpu.memory_space<vmem>>) dst(%dma_wait3A_314 : memref<10240x128xf32, #tpu.memory_space<vmem_shared>>)
          tpu.yield
        }) : () -> ()
      } else {
      }
      %eq3A_208 = arith.constant 0 : i32
      %eq3A_209 = arith.cmpi eq, %rem3A_82, %eq3A_208 : i32
      %convert_element_type3A_210 = arith.extui %eq3A_209 : i1 to i32
      %cond3A_211 = arith.constant 0 : i32
      %cond3A_212 = arith.cmpi ne, %convert_element_type3A_210, %cond3A_211 : i32
      scf.if %cond3A_212 {
        %dma_start3A_302 = arith.constant 6 : i32
        %dma_start3A_303 = arith.constant 0 : i32
        %dma_start3A_304 = tpu.memref_slice %arg7[%dma_start3A_302, %dma_start3A_303] : memref<8x128xi32, #tpu.memory_space<vmem>> -> memref<1x128xi32, #tpu.memory_space<vmem>>
        %dma_start3A_305 = tpu.memref_squeeze %dma_start3A_304 : memref<1x128xi32, #tpu.memory_space<vmem>> -> memref<128xi32, #tpu.memory_space<vmem>>
        %dma_start3A_306 = arith.constant 0 : i32
        %dma_start3A_307 = arith.constant 0 : i32
        %dma_start3A_308 = tpu.memref_slice %arg2[%dma_start3A_306, %dma_start3A_307] : memref<10000x128xf32, #tpu.memory_space<hbm>> -> memref<10000x128xf32, #tpu.memory_space<hbm>>
        tpu.enqueue_indirect_dma source(%dma_start3A_308 : memref<10000x128xf32, #tpu.memory_space<hbm>>) target(%arg11 : memref<128x128xf32, #tpu.memory_space<vmem>>) offsets(%dma_start3A_305 : memref<128xi32, #tpu.memory_space<vmem>>) semaphore(%arg14 : memref<!tpu.dma_semaphore, #tpu.memory_space<semaphore_mem>>)
      } else {
      }
      %eq3A_213 = arith.constant 1 : i32
      %eq3A_214 = arith.cmpi eq, %rem3A_82, %eq3A_213 : i32
      %convert_element_type3A_215 = arith.extui %eq3A_214 : i1 to i32
      %cond3A_216 = arith.constant 0 : i32
      %cond3A_217 = arith.cmpi ne, %convert_element_type3A_215, %cond3A_216 : i32
      scf.if %cond3A_217 {
        %dma_start3A_302 = arith.constant 6 : i32
        %dma_start3A_303 = arith.constant 0 : i32
        %dma_start3A_304 = tpu.memref_slice %arg8[%dma_start3A_302, %dma_start3A_303] : memref<8x128xi32, #tpu.memory_space<vmem>> -> memref<1x128xi32, #tpu.memory_space<vmem>>
        %dma_start3A_305 = tpu.memref_squeeze %dma_start3A_304 : memref<1x128xi32, #tpu.memory_space<vmem>> -> memref<128xi32, #tpu.memory_space<vmem>>
        %dma_start3A_306 = arith.constant 0 : i32
        %dma_start3A_307 = arith.constant 0 : i32
        %dma_start3A_308 = tpu.memref_slice %arg2[%dma_start3A_306, %dma_start3A_307] : memref<10000x128xf32, #tpu.memory_space<hbm>> -> memref<10000x128xf32, #tpu.memory_space<hbm>>
        tpu.enqueue_indirect_dma source(%dma_start3A_308 : memref<10000x128xf32, #tpu.memory_space<hbm>>) target(%arg11 : memref<128x128xf32, #tpu.memory_space<vmem>>) offsets(%dma_start3A_305 : memref<128xi32, #tpu.memory_space<vmem>>) semaphore(%arg14 : memref<!tpu.dma_semaphore, #tpu.memory_space<semaphore_mem>>)
      } else {
      }
      %dma_wait3A_218 = arith.constant 0 : i32
      %dma_wait3A_219 = arith.constant 0 : i32
      %dma_wait3A_220 = tpu.memref_slice %arg7[%dma_wait3A_218, %dma_wait3A_219] : memref<8x128xi32, #tpu.memory_space<vmem>> -> memref<1x128xi32, #tpu.memory_space<vmem>>
      %dma_wait3A_221 = tpu.memref_squeeze %dma_wait3A_220 : memref<1x128xi32, #tpu.memory_space<vmem>> -> memref<128xi32, #tpu.memory_space<vmem>>
      %dma_wait3A_222 = arith.constant 0 : i32
      %dma_wait3A_223 = arith.constant 0 : i32
      %dma_wait3A_224 = tpu.memref_slice %arg2[%dma_wait3A_222, %dma_wait3A_223] : memref<10000x128xf32, #tpu.memory_space<hbm>> -> memref<10000x128xf32, #tpu.memory_space<hbm>>
      tpu.wait_indirect_dma semaphore(%arg15 : memref<!tpu.dma_semaphore, #tpu.memory_space<semaphore_mem>>) src(%dma_wait3A_224 : memref<10000x128xf32, #tpu.memory_space<hbm>>) dst(%arg12 : memref<128x128xf32, #tpu.memory_space<vmem>>)
      %eq3A_225 = arith.constant 0 : i32
      %eq3A_226 = arith.cmpi eq, %rem3A_82, %eq3A_225 : i32
      %convert_element_type3A_227 = arith.extui %eq3A_226 : i1 to i32
      %cond3A_228 = arith.constant 0 : i32
      %cond3A_229 = arith.cmpi ne, %convert_element_type3A_227, %cond3A_228 : i32
      scf.if %cond3A_229 {
        %run_scoped3A = arith.constant 5 : i32
        "tpu.region"() ({
          %run_scoped3A_302 = tpu.sem_alloc : memref<!tpu.dma_semaphore, #tpu.memory_space<semaphore_mem>>
          %dma_start3A_303 = arith.constant 0 : i32
          %dma_start3A_304 = tpu.memref_slice %arg9[%run_scoped3A, %dma_start3A_303] : memref<8x128xi32, #tpu.memory_space<vmem>> -> memref<1x128xi32, #tpu.memory_space<vmem>>
          %dma_start3A_305 = tpu.memref_squeeze %dma_start3A_304 : memref<1x128xi32, #tpu.memory_space<vmem>> -> memref<128xi32, #tpu.memory_space<vmem>>
          %dma_start3A_306 = arith.constant 0 : i32
          %dma_start3A_307 = arith.constant 0 : i32
          %dma_start3A_308 = tpu.memref_slice %arg13[%dma_start3A_306, %dma_start3A_307] : memref<10240x128xf32, #tpu.memory_space<vmem_shared>> -> memref<10240x128xf32, #tpu.memory_space<vmem_shared>>
          tpu.enqueue_indirect_dma source(%arg12 : memref<128x128xf32, #tpu.memory_space<vmem>>) target(%dma_start3A_308 : memref<10240x128xf32, #tpu.memory_space<vmem_shared>>) offsets(%dma_start3A_305 : memref<128xi32, #tpu.memory_space<vmem>>) semaphore(%run_scoped3A_302 : memref<!tpu.dma_semaphore, #tpu.memory_space<semaphore_mem>>) {add = true}
          %dma_wait3A_309 = arith.constant 0 : i32
          %dma_wait3A_310 = tpu.memref_slice %arg9[%run_scoped3A, %dma_wait3A_309] : memref<8x128xi32, #tpu.memory_space<vmem>> -> memref<1x128xi32, #tpu.memory_space<vmem>>
          %dma_wait3A_311 = tpu.memref_squeeze %dma_wait3A_310 : memref<1x128xi32, #tpu.memory_space<vmem>> -> memref<128xi32, #tpu.memory_space<vmem>>
          %dma_wait3A_312 = arith.constant 0 : i32
          %dma_wait3A_313 = arith.constant 0 : i32
          %dma_wait3A_314 = tpu.memref_slice %arg13[%dma_wait3A_312, %dma_wait3A_313] : memref<10240x128xf32, #tpu.memory_space<vmem_shared>> -> memref<10240x128xf32, #tpu.memory_space<vmem_shared>>
          tpu.wait_indirect_dma semaphore(%run_scoped3A_302 : memref<!tpu.dma_semaphore, #tpu.memory_space<semaphore_mem>>) src(%arg12 : memref<128x128xf32, #tpu.memory_space<vmem>>) dst(%dma_wait3A_314 : memref<10240x128xf32, #tpu.memory_space<vmem_shared>>)
          tpu.yield
        }) : () -> ()
      } else {
      }
      %eq3A_230 = arith.constant 1 : i32
      %eq3A_231 = arith.cmpi eq, %rem3A_82, %eq3A_230 : i32
      %convert_element_type3A_232 = arith.extui %eq3A_231 : i1 to i32
      %cond3A_233 = arith.constant 0 : i32
      %cond3A_234 = arith.cmpi ne, %convert_element_type3A_232, %cond3A_233 : i32
      scf.if %cond3A_234 {
        %run_scoped3A = arith.constant 5 : i32
        "tpu.region"() ({
          %run_scoped3A_302 = tpu.sem_alloc : memref<!tpu.dma_semaphore, #tpu.memory_space<semaphore_mem>>
          %dma_start3A_303 = arith.constant 0 : i32
          %dma_start3A_304 = tpu.memref_slice %arg10[%run_scoped3A, %dma_start3A_303] : memref<8x128xi32, #tpu.memory_space<vmem>> -> memref<1x128xi32, #tpu.memory_space<vmem>>
          %dma_start3A_305 = tpu.memref_squeeze %dma_start3A_304 : memref<1x128xi32, #tpu.memory_space<vmem>> -> memref<128xi32, #tpu.memory_space<vmem>>
          %dma_start3A_306 = arith.constant 0 : i32
          %dma_start3A_307 = arith.constant 0 : i32
          %dma_start3A_308 = tpu.memref_slice %arg13[%dma_start3A_306, %dma_start3A_307] : memref<10240x128xf32, #tpu.memory_space<vmem_shared>> -> memref<10240x128xf32, #tpu.memory_space<vmem_shared>>
          tpu.enqueue_indirect_dma source(%arg12 : memref<128x128xf32, #tpu.memory_space<vmem>>) target(%dma_start3A_308 : memref<10240x128xf32, #tpu.memory_space<vmem_shared>>) offsets(%dma_start3A_305 : memref<128xi32, #tpu.memory_space<vmem>>) semaphore(%run_scoped3A_302 : memref<!tpu.dma_semaphore, #tpu.memory_space<semaphore_mem>>) {add = true}
          %dma_wait3A_309 = arith.constant 0 : i32
          %dma_wait3A_310 = tpu.memref_slice %arg10[%run_scoped3A, %dma_wait3A_309] : memref<8x128xi32, #tpu.memory_space<vmem>> -> memref<1x128xi32, #tpu.memory_space<vmem>>
          %dma_wait3A_311 = tpu.memref_squeeze %dma_wait3A_310 : memref<1x128xi32, #tpu.memory_space<vmem>> -> memref<128xi32, #tpu.memory_space<vmem>>
          %dma_wait3A_312 = arith.constant 0 : i32
          %dma_wait3A_313 = arith.constant 0 : i32
          %dma_wait3A_314 = tpu.memref_slice %arg13[%dma_wait3A_312, %dma_wait3A_313] : memref<10240x128xf32, #tpu.memory_space<vmem_shared>> -> memref<10240x128xf32, #tpu.memory_space<vmem_shared>>
          tpu.wait_indirect_dma semaphore(%run_scoped3A_302 : memref<!tpu.dma_semaphore, #tpu.memory_space<semaphore_mem>>) src(%arg12 : memref<128x128xf32, #tpu.memory_space<vmem>>) dst(%dma_wait3A_314 : memref<10240x128xf32, #tpu.memory_space<vmem_shared>>)
          tpu.yield
        }) : () -> ()
      } else {
      }
      %sub3A_235 = arith.constant 1 : i32
      %sub3A_236 = arith.subi %select_n3A_8, %sub3A_235 : i32
      %lt3A = arith.cmpi slt, %while3A_81, %sub3A_236 : i32
      %convert_element_type3A_237 = arith.extui %lt3A : i1 to i32
      %cond3A_238 = arith.constant 0 : i32
      %cond3A_239 = arith.cmpi ne, %convert_element_type3A_237, %cond3A_238 : i32
      scf.if %cond3A_239 {
        %eq3A_302 = arith.constant 0 : i32
        %eq3A_303 = arith.cmpi eq, %sub3A_83, %eq3A_302 : i32
        %convert_element_type3A_304 = arith.extui %eq3A_303 : i1 to i32
        %cond3A_305 = arith.constant 0 : i32
        %cond3A_306 = arith.cmpi ne, %convert_element_type3A_304, %cond3A_305 : i32
        scf.if %cond3A_306 {
          %dma_wait3A_312 = arith.constant 0 : i32
          %dma_wait3A_313 = tpu.memref_slice %arg3[%select_n3A, %dma_wait3A_312] : memref<2560x128xi32, #tpu.memory_space<hbm>> -> memref<8x128xi32, #tpu.memory_space<hbm>>
          %dma_wait3A_314 = arith.constant 0 : i32
          %dma_wait3A_315 = tpu.memref_slice %arg3[%select_n3A, %dma_wait3A_314] : memref<2560x128xi32, #tpu.memory_space<hbm>> -> memref<8x128xi32, #tpu.memory_space<hbm>>
          tpu.wait_dma2 semaphore(%arg16 : memref<!tpu.dma_semaphore, #tpu.memory_space<semaphore_mem>>) src(%dma_wait3A_315 : memref<8x128xi32, #tpu.memory_space<hbm>>) dst(%arg7 : memref<8x128xi32, #tpu.memory_space<vmem>>)
          %dma_wait3A_316 = arith.constant 0 : i32
          %dma_wait3A_317 = tpu.memref_slice %arg4[%select_n3A, %dma_wait3A_316] : memref<2560x128xi32, #tpu.memory_space<hbm>> -> memref<8x128xi32, #tpu.memory_space<hbm>>
          %dma_wait3A_318 = arith.constant 0 : i32
          %dma_wait3A_319 = tpu.memref_slice %arg4[%select_n3A, %dma_wait3A_318] : memref<2560x128xi32, #tpu.memory_space<hbm>> -> memref<8x128xi32, #tpu.memory_space<hbm>>
          tpu.wait_dma2 semaphore(%arg16 : memref<!tpu.dma_semaphore, #tpu.memory_space<semaphore_mem>>) src(%dma_wait3A_319 : memref<8x128xi32, #tpu.memory_space<hbm>>) dst(%arg9 : memref<8x128xi32, #tpu.memory_space<vmem>>)
        } else {
        }
        %eq3A_307 = arith.constant 1 : i32
        %eq3A_308 = arith.cmpi eq, %sub3A_83, %eq3A_307 : i32
        %convert_element_type3A_309 = arith.extui %eq3A_308 : i1 to i32
        %cond3A_310 = arith.constant 0 : i32
        %cond3A_311 = arith.cmpi ne, %convert_element_type3A_309, %cond3A_310 : i32
        scf.if %cond3A_311 {
          %dma_wait3A_312 = arith.constant 0 : i32
          %dma_wait3A_313 = tpu.memref_slice %arg3[%select_n3A, %dma_wait3A_312] : memref<2560x128xi32, #tpu.memory_space<hbm>> -> memref<8x128xi32, #tpu.memory_space<hbm>>
          %dma_wait3A_314 = arith.constant 0 : i32
          %dma_wait3A_315 = tpu.memref_slice %arg3[%select_n3A, %dma_wait3A_314] : memref<2560x128xi32, #tpu.memory_space<hbm>> -> memref<8x128xi32, #tpu.memory_space<hbm>>
          tpu.wait_dma2 semaphore(%arg17 : memref<!tpu.dma_semaphore, #tpu.memory_space<semaphore_mem>>) src(%dma_wait3A_315 : memref<8x128xi32, #tpu.memory_space<hbm>>) dst(%arg8 : memref<8x128xi32, #tpu.memory_space<vmem>>)
          %dma_wait3A_316 = arith.constant 0 : i32
          %dma_wait3A_317 = tpu.memref_slice %arg4[%select_n3A, %dma_wait3A_316] : memref<2560x128xi32, #tpu.memory_space<hbm>> -> memref<8x128xi32, #tpu.memory_space<hbm>>
          %dma_wait3A_318 = arith.constant 0 : i32
          %dma_wait3A_319 = tpu.memref_slice %arg4[%select_n3A, %dma_wait3A_318] : memref<2560x128xi32, #tpu.memory_space<hbm>> -> memref<8x128xi32, #tpu.memory_space<hbm>>
          tpu.wait_dma2 semaphore(%arg17 : memref<!tpu.dma_semaphore, #tpu.memory_space<semaphore_mem>>) src(%dma_wait3A_319 : memref<8x128xi32, #tpu.memory_space<hbm>>) dst(%arg10 : memref<8x128xi32, #tpu.memory_space<vmem>>)
        } else {
        }
      } else {
      }
      %eq3A_240 = arith.constant 0 : i32
      %eq3A_241 = arith.cmpi eq, %rem3A_82, %eq3A_240 : i32
      %convert_element_type3A_242 = arith.extui %eq3A_241 : i1 to i32
      %cond3A_243 = arith.constant 0 : i32
      %cond3A_244 = arith.cmpi ne, %convert_element_type3A_242, %cond3A_243 : i32
      scf.if %cond3A_244 {
        %dma_start3A_302 = arith.constant 7 : i32
        %dma_start3A_303 = arith.constant 0 : i32
        %dma_start3A_304 = tpu.memref_slice %arg7[%dma_start3A_302, %dma_start3A_303] : memref<8x128xi32, #tpu.memory_space<vmem>> -> memref<1x128xi32, #tpu.memory_space<vmem>>
        %dma_start3A_305 = tpu.memref_squeeze %dma_start3A_304 : memref<1x128xi32, #tpu.memory_space<vmem>> -> memref<128xi32, #tpu.memory_space<vmem>>
        %dma_start3A_306 = arith.constant 0 : i32
        %dma_start3A_307 = arith.constant 0 : i32
        %dma_start3A_308 = tpu.memref_slice %arg2[%dma_start3A_306, %dma_start3A_307] : memref<10000x128xf32, #tpu.memory_space<hbm>> -> memref<10000x128xf32, #tpu.memory_space<hbm>>
        tpu.enqueue_indirect_dma source(%dma_start3A_308 : memref<10000x128xf32, #tpu.memory_space<hbm>>) target(%arg12 : memref<128x128xf32, #tpu.memory_space<vmem>>) offsets(%dma_start3A_305 : memref<128xi32, #tpu.memory_space<vmem>>) semaphore(%arg15 : memref<!tpu.dma_semaphore, #tpu.memory_space<semaphore_mem>>)
      } else {
      }
      %eq3A_245 = arith.constant 1 : i32
      %eq3A_246 = arith.cmpi eq, %rem3A_82, %eq3A_245 : i32
      %convert_element_type3A_247 = arith.extui %eq3A_246 : i1 to i32
      %cond3A_248 = arith.constant 0 : i32
      %cond3A_249 = arith.cmpi ne, %convert_element_type3A_247, %cond3A_248 : i32
      scf.if %cond3A_249 {
        %dma_start3A_302 = arith.constant 7 : i32
        %dma_start3A_303 = arith.constant 0 : i32
        %dma_start3A_304 = tpu.memref_slice %arg8[%dma_start3A_302, %dma_start3A_303] : memref<8x128xi32, #tpu.memory_space<vmem>> -> memref<1x128xi32, #tpu.memory_space<vmem>>
        %dma_start3A_305 = tpu.memref_squeeze %dma_start3A_304 : memref<1x128xi32, #tpu.memory_space<vmem>> -> memref<128xi32, #tpu.memory_space<vmem>>
        %dma_start3A_306 = arith.constant 0 : i32
        %dma_start3A_307 = arith.constant 0 : i32
        %dma_start3A_308 = tpu.memref_slice %arg2[%dma_start3A_306, %dma_start3A_307] : memref<10000x128xf32, #tpu.memory_space<hbm>> -> memref<10000x128xf32, #tpu.memory_space<hbm>>
        tpu.enqueue_indirect_dma source(%dma_start3A_308 : memref<10000x128xf32, #tpu.memory_space<hbm>>) target(%arg12 : memref<128x128xf32, #tpu.memory_space<vmem>>) offsets(%dma_start3A_305 : memref<128xi32, #tpu.memory_space<vmem>>) semaphore(%arg15 : memref<!tpu.dma_semaphore, #tpu.memory_space<semaphore_mem>>)
      } else {
      }
      %dma_wait3A_250 = arith.constant 0 : i32
      %dma_wait3A_251 = arith.constant 0 : i32
      %dma_wait3A_252 = tpu.memref_slice %arg7[%dma_wait3A_250, %dma_wait3A_251] : memref<8x128xi32, #tpu.memory_space<vmem>> -> memref<1x128xi32, #tpu.memory_space<vmem>>
      %dma_wait3A_253 = tpu.memref_squeeze %dma_wait3A_252 : memref<1x128xi32, #tpu.memory_space<vmem>> -> memref<128xi32, #tpu.memory_space<vmem>>
      %dma_wait3A_254 = arith.constant 0 : i32
      %dma_wait3A_255 = arith.constant 0 : i32
      %dma_wait3A_256 = tpu.memref_slice %arg2[%dma_wait3A_254, %dma_wait3A_255] : memref<10000x128xf32, #tpu.memory_space<hbm>> -> memref<10000x128xf32, #tpu.memory_space<hbm>>
      tpu.wait_indirect_dma semaphore(%arg14 : memref<!tpu.dma_semaphore, #tpu.memory_space<semaphore_mem>>) src(%dma_wait3A_256 : memref<10000x128xf32, #tpu.memory_space<hbm>>) dst(%arg11 : memref<128x128xf32, #tpu.memory_space<vmem>>)
      %eq3A_257 = arith.constant 0 : i32
      %eq3A_258 = arith.cmpi eq, %rem3A_82, %eq3A_257 : i32
      %convert_element_type3A_259 = arith.extui %eq3A_258 : i1 to i32
      %cond3A_260 = arith.constant 0 : i32
      %cond3A_261 = arith.cmpi ne, %convert_element_type3A_259, %cond3A_260 : i32
      scf.if %cond3A_261 {
        %run_scoped3A = arith.constant 6 : i32
        "tpu.region"() ({
          %run_scoped3A_302 = tpu.sem_alloc : memref<!tpu.dma_semaphore, #tpu.memory_space<semaphore_mem>>
          %dma_start3A_303 = arith.constant 0 : i32
          %dma_start3A_304 = tpu.memref_slice %arg9[%run_scoped3A, %dma_start3A_303] : memref<8x128xi32, #tpu.memory_space<vmem>> -> memref<1x128xi32, #tpu.memory_space<vmem>>
          %dma_start3A_305 = tpu.memref_squeeze %dma_start3A_304 : memref<1x128xi32, #tpu.memory_space<vmem>> -> memref<128xi32, #tpu.memory_space<vmem>>
          %dma_start3A_306 = arith.constant 0 : i32
          %dma_start3A_307 = arith.constant 0 : i32
          %dma_start3A_308 = tpu.memref_slice %arg13[%dma_start3A_306, %dma_start3A_307] : memref<10240x128xf32, #tpu.memory_space<vmem_shared>> -> memref<10240x128xf32, #tpu.memory_space<vmem_shared>>
          tpu.enqueue_indirect_dma source(%arg11 : memref<128x128xf32, #tpu.memory_space<vmem>>) target(%dma_start3A_308 : memref<10240x128xf32, #tpu.memory_space<vmem_shared>>) offsets(%dma_start3A_305 : memref<128xi32, #tpu.memory_space<vmem>>) semaphore(%run_scoped3A_302 : memref<!tpu.dma_semaphore, #tpu.memory_space<semaphore_mem>>) {add = true}
          %dma_wait3A_309 = arith.constant 0 : i32
          %dma_wait3A_310 = tpu.memref_slice %arg9[%run_scoped3A, %dma_wait3A_309] : memref<8x128xi32, #tpu.memory_space<vmem>> -> memref<1x128xi32, #tpu.memory_space<vmem>>
          %dma_wait3A_311 = tpu.memref_squeeze %dma_wait3A_310 : memref<1x128xi32, #tpu.memory_space<vmem>> -> memref<128xi32, #tpu.memory_space<vmem>>
          %dma_wait3A_312 = arith.constant 0 : i32
          %dma_wait3A_313 = arith.constant 0 : i32
          %dma_wait3A_314 = tpu.memref_slice %arg13[%dma_wait3A_312, %dma_wait3A_313] : memref<10240x128xf32, #tpu.memory_space<vmem_shared>> -> memref<10240x128xf32, #tpu.memory_space<vmem_shared>>
          tpu.wait_indirect_dma semaphore(%run_scoped3A_302 : memref<!tpu.dma_semaphore, #tpu.memory_space<semaphore_mem>>) src(%arg11 : memref<128x128xf32, #tpu.memory_space<vmem>>) dst(%dma_wait3A_314 : memref<10240x128xf32, #tpu.memory_space<vmem_shared>>)
          tpu.yield
        }) : () -> ()
      } else {
      }
      %eq3A_262 = arith.constant 1 : i32
      %eq3A_263 = arith.cmpi eq, %rem3A_82, %eq3A_262 : i32
      %convert_element_type3A_264 = arith.extui %eq3A_263 : i1 to i32
      %cond3A_265 = arith.constant 0 : i32
      %cond3A_266 = arith.cmpi ne, %convert_element_type3A_264, %cond3A_265 : i32
      scf.if %cond3A_266 {
        %run_scoped3A = arith.constant 6 : i32
        "tpu.region"() ({
          %run_scoped3A_302 = tpu.sem_alloc : memref<!tpu.dma_semaphore, #tpu.memory_space<semaphore_mem>>
          %dma_start3A_303 = arith.constant 0 : i32
          %dma_start3A_304 = tpu.memref_slice %arg10[%run_scoped3A, %dma_start3A_303] : memref<8x128xi32, #tpu.memory_space<vmem>> -> memref<1x128xi32, #tpu.memory_space<vmem>>
          %dma_start3A_305 = tpu.memref_squeeze %dma_start3A_304 : memref<1x128xi32, #tpu.memory_space<vmem>> -> memref<128xi32, #tpu.memory_space<vmem>>
          %dma_start3A_306 = arith.constant 0 : i32
          %dma_start3A_307 = arith.constant 0 : i32
          %dma_start3A_308 = tpu.memref_slice %arg13[%dma_start3A_306, %dma_start3A_307] : memref<10240x128xf32, #tpu.memory_space<vmem_shared>> -> memref<10240x128xf32, #tpu.memory_space<vmem_shared>>
          tpu.enqueue_indirect_dma source(%arg11 : memref<128x128xf32, #tpu.memory_space<vmem>>) target(%dma_start3A_308 : memref<10240x128xf32, #tpu.memory_space<vmem_shared>>) offsets(%dma_start3A_305 : memref<128xi32, #tpu.memory_space<vmem>>) semaphore(%run_scoped3A_302 : memref<!tpu.dma_semaphore, #tpu.memory_space<semaphore_mem>>) {add = true}
          %dma_wait3A_309 = arith.constant 0 : i32
          %dma_wait3A_310 = tpu.memref_slice %arg10[%run_scoped3A, %dma_wait3A_309] : memref<8x128xi32, #tpu.memory_space<vmem>> -> memref<1x128xi32, #tpu.memory_space<vmem>>
          %dma_wait3A_311 = tpu.memref_squeeze %dma_wait3A_310 : memref<1x128xi32, #tpu.memory_space<vmem>> -> memref<128xi32, #tpu.memory_space<vmem>>
          %dma_wait3A_312 = arith.constant 0 : i32
          %dma_wait3A_313 = arith.constant 0 : i32
          %dma_wait3A_314 = tpu.memref_slice %arg13[%dma_wait3A_312, %dma_wait3A_313] : memref<10240x128xf32, #tpu.memory_space<vmem_shared>> -> memref<10240x128xf32, #tpu.memory_space<vmem_shared>>
          tpu.wait_indirect_dma semaphore(%run_scoped3A_302 : memref<!tpu.dma_semaphore, #tpu.memory_space<semaphore_mem>>) src(%arg11 : memref<128x128xf32, #tpu.memory_space<vmem>>) dst(%dma_wait3A_314 : memref<10240x128xf32, #tpu.memory_space<vmem_shared>>)
          tpu.yield
        }) : () -> ()
      } else {
      }
      %sub3A_267 = arith.constant 1 : i32
      %sub3A_268 = arith.subi %select_n3A_8, %sub3A_267 : i32
      %lt3A_269 = arith.cmpi slt, %while3A_81, %sub3A_268 : i32
      %convert_element_type3A_270 = arith.extui %lt3A_269 : i1 to i32
      %cond3A_271 = arith.constant 0 : i32
      %cond3A_272 = arith.cmpi ne, %convert_element_type3A_270, %cond3A_271 : i32
      scf.if %cond3A_272 {
        %eq3A_302 = arith.constant 0 : i32
        %eq3A_303 = arith.cmpi eq, %sub3A_83, %eq3A_302 : i32
        %convert_element_type3A_304 = arith.extui %eq3A_303 : i1 to i32
        %cond3A_305 = arith.constant 0 : i32
        %cond3A_306 = arith.cmpi ne, %convert_element_type3A_304, %cond3A_305 : i32
        scf.if %cond3A_306 {
          %dma_start3A_312 = arith.constant 0 : i32
          %dma_start3A_313 = arith.constant 0 : i32
          %dma_start3A_314 = tpu.memref_slice %arg7[%dma_start3A_312, %dma_start3A_313] : memref<8x128xi32, #tpu.memory_space<vmem>> -> memref<1x128xi32, #tpu.memory_space<vmem>>
          %dma_start3A_315 = tpu.memref_squeeze %dma_start3A_314 : memref<1x128xi32, #tpu.memory_space<vmem>> -> memref<128xi32, #tpu.memory_space<vmem>>
          %dma_start3A_316 = arith.constant 0 : i32
          %dma_start3A_317 = arith.constant 0 : i32
          %dma_start3A_318 = tpu.memref_slice %arg2[%dma_start3A_316, %dma_start3A_317] : memref<10000x128xf32, #tpu.memory_space<hbm>> -> memref<10000x128xf32, #tpu.memory_space<hbm>>
          tpu.enqueue_indirect_dma source(%dma_start3A_318 : memref<10000x128xf32, #tpu.memory_space<hbm>>) target(%arg11 : memref<128x128xf32, #tpu.memory_space<vmem>>) offsets(%dma_start3A_315 : memref<128xi32, #tpu.memory_space<vmem>>) semaphore(%arg14 : memref<!tpu.dma_semaphore, #tpu.memory_space<semaphore_mem>>)
        } else {
        }
        %eq3A_307 = arith.constant 1 : i32
        %eq3A_308 = arith.cmpi eq, %sub3A_83, %eq3A_307 : i32
        %convert_element_type3A_309 = arith.extui %eq3A_308 : i1 to i32
        %cond3A_310 = arith.constant 0 : i32
        %cond3A_311 = arith.cmpi ne, %convert_element_type3A_309, %cond3A_310 : i32
        scf.if %cond3A_311 {
          %dma_start3A_312 = arith.constant 0 : i32
          %dma_start3A_313 = arith.constant 0 : i32
          %dma_start3A_314 = tpu.memref_slice %arg8[%dma_start3A_312, %dma_start3A_313] : memref<8x128xi32, #tpu.memory_space<vmem>> -> memref<1x128xi32, #tpu.memory_space<vmem>>
          %dma_start3A_315 = tpu.memref_squeeze %dma_start3A_314 : memref<1x128xi32, #tpu.memory_space<vmem>> -> memref<128xi32, #tpu.memory_space<vmem>>
          %dma_start3A_316 = arith.constant 0 : i32
          %dma_start3A_317 = arith.constant 0 : i32
          %dma_start3A_318 = tpu.memref_slice %arg2[%dma_start3A_316, %dma_start3A_317] : memref<10000x128xf32, #tpu.memory_space<hbm>> -> memref<10000x128xf32, #tpu.memory_space<hbm>>
          tpu.enqueue_indirect_dma source(%dma_start3A_318 : memref<10000x128xf32, #tpu.memory_space<hbm>>) target(%arg11 : memref<128x128xf32, #tpu.memory_space<vmem>>) offsets(%dma_start3A_315 : memref<128xi32, #tpu.memory_space<vmem>>) semaphore(%arg14 : memref<!tpu.dma_semaphore, #tpu.memory_space<semaphore_mem>>)
        } else {
        }
      } else {
      }
      %dma_wait3A_273 = arith.constant 0 : i32
      %dma_wait3A_274 = arith.constant 0 : i32
      %dma_wait3A_275 = tpu.memref_slice %arg7[%dma_wait3A_273, %dma_wait3A_274] : memref<8x128xi32, #tpu.memory_space<vmem>> -> memref<1x128xi32, #tpu.memory_space<vmem>>
      %dma_wait3A_276 = tpu.memref_squeeze %dma_wait3A_275 : memref<1x128xi32, #tpu.memory_space<vmem>> -> memref<128xi32, #tpu.memory_space<vmem>>
      %dma_wait3A_277 = arith.constant 0 : i32
      %dma_wait3A_278 = arith.constant 0 : i32
      %dma_wait3A_279 = tpu.memref_slice %arg2[%dma_wait3A_277, %dma_wait3A_278] : memref<10000x128xf32, #tpu.memory_space<hbm>> -> memref<10000x128xf32, #tpu.memory_space<hbm>>
      tpu.wait_indirect_dma semaphore(%arg15 : memref<!tpu.dma_semaphore, #tpu.memory_space<semaphore_mem>>) src(%dma_wait3A_279 : memref<10000x128xf32, #tpu.memory_space<hbm>>) dst(%arg12 : memref<128x128xf32, #tpu.memory_space<vmem>>)
      %eq3A_280 = arith.constant 0 : i32
      %eq3A_281 = arith.cmpi eq, %rem3A_82, %eq3A_280 : i32
      %convert_element_type3A_282 = arith.extui %eq3A_281 : i1 to i32
      %cond3A_283 = arith.constant 0 : i32
      %cond3A_284 = arith.cmpi ne, %convert_element_type3A_282, %cond3A_283 : i32
      scf.if %cond3A_284 {
        %run_scoped3A = arith.constant 7 : i32
        "tpu.region"() ({
          %run_scoped3A_302 = tpu.sem_alloc : memref<!tpu.dma_semaphore, #tpu.memory_space<semaphore_mem>>
          %dma_start3A_303 = arith.constant 0 : i32
          %dma_start3A_304 = tpu.memref_slice %arg9[%run_scoped3A, %dma_start3A_303] : memref<8x128xi32, #tpu.memory_space<vmem>> -> memref<1x128xi32, #tpu.memory_space<vmem>>
          %dma_start3A_305 = tpu.memref_squeeze %dma_start3A_304 : memref<1x128xi32, #tpu.memory_space<vmem>> -> memref<128xi32, #tpu.memory_space<vmem>>
          %dma_start3A_306 = arith.constant 0 : i32
          %dma_start3A_307 = arith.constant 0 : i32
          %dma_start3A_308 = tpu.memref_slice %arg13[%dma_start3A_306, %dma_start3A_307] : memref<10240x128xf32, #tpu.memory_space<vmem_shared>> -> memref<10240x128xf32, #tpu.memory_space<vmem_shared>>
          tpu.enqueue_indirect_dma source(%arg12 : memref<128x128xf32, #tpu.memory_space<vmem>>) target(%dma_start3A_308 : memref<10240x128xf32, #tpu.memory_space<vmem_shared>>) offsets(%dma_start3A_305 : memref<128xi32, #tpu.memory_space<vmem>>) semaphore(%run_scoped3A_302 : memref<!tpu.dma_semaphore, #tpu.memory_space<semaphore_mem>>) {add = true}
          %dma_wait3A_309 = arith.constant 0 : i32
          %dma_wait3A_310 = tpu.memref_slice %arg9[%run_scoped3A, %dma_wait3A_309] : memref<8x128xi32, #tpu.memory_space<vmem>> -> memref<1x128xi32, #tpu.memory_space<vmem>>
          %dma_wait3A_311 = tpu.memref_squeeze %dma_wait3A_310 : memref<1x128xi32, #tpu.memory_space<vmem>> -> memref<128xi32, #tpu.memory_space<vmem>>
          %dma_wait3A_312 = arith.constant 0 : i32
          %dma_wait3A_313 = arith.constant 0 : i32
          %dma_wait3A_314 = tpu.memref_slice %arg13[%dma_wait3A_312, %dma_wait3A_313] : memref<10240x128xf32, #tpu.memory_space<vmem_shared>> -> memref<10240x128xf32, #tpu.memory_space<vmem_shared>>
          tpu.wait_indirect_dma semaphore(%run_scoped3A_302 : memref<!tpu.dma_semaphore, #tpu.memory_space<semaphore_mem>>) src(%arg12 : memref<128x128xf32, #tpu.memory_space<vmem>>) dst(%dma_wait3A_314 : memref<10240x128xf32, #tpu.memory_space<vmem_shared>>)
          tpu.yield
        }) : () -> ()
      } else {
      }
      %eq3A_285 = arith.constant 1 : i32
      %eq3A_286 = arith.cmpi eq, %rem3A_82, %eq3A_285 : i32
      %convert_element_type3A_287 = arith.extui %eq3A_286 : i1 to i32
      %cond3A_288 = arith.constant 0 : i32
      %cond3A_289 = arith.cmpi ne, %convert_element_type3A_287, %cond3A_288 : i32
      scf.if %cond3A_289 {
        %run_scoped3A = arith.constant 7 : i32
        "tpu.region"() ({
          %run_scoped3A_302 = tpu.sem_alloc : memref<!tpu.dma_semaphore, #tpu.memory_space<semaphore_mem>>
          %dma_start3A_303 = arith.constant 0 : i32
          %dma_start3A_304 = tpu.memref_slice %arg10[%run_scoped3A, %dma_start3A_303] : memref<8x128xi32, #tpu.memory_space<vmem>> -> memref<1x128xi32, #tpu.memory_space<vmem>>
          %dma_start3A_305 = tpu.memref_squeeze %dma_start3A_304 : memref<1x128xi32, #tpu.memory_space<vmem>> -> memref<128xi32, #tpu.memory_space<vmem>>
          %dma_start3A_306 = arith.constant 0 : i32
          %dma_start3A_307 = arith.constant 0 : i32
          %dma_start3A_308 = tpu.memref_slice %arg13[%dma_start3A_306, %dma_start3A_307] : memref<10240x128xf32, #tpu.memory_space<vmem_shared>> -> memref<10240x128xf32, #tpu.memory_space<vmem_shared>>
          tpu.enqueue_indirect_dma source(%arg12 : memref<128x128xf32, #tpu.memory_space<vmem>>) target(%dma_start3A_308 : memref<10240x128xf32, #tpu.memory_space<vmem_shared>>) offsets(%dma_start3A_305 : memref<128xi32, #tpu.memory_space<vmem>>) semaphore(%run_scoped3A_302 : memref<!tpu.dma_semaphore, #tpu.memory_space<semaphore_mem>>) {add = true}
          %dma_wait3A_309 = arith.constant 0 : i32
          %dma_wait3A_310 = tpu.memref_slice %arg10[%run_scoped3A, %dma_wait3A_309] : memref<8x128xi32, #tpu.memory_space<vmem>> -> memref<1x128xi32, #tpu.memory_space<vmem>>
          %dma_wait3A_311 = tpu.memref_squeeze %dma_wait3A_310 : memref<1x128xi32, #tpu.memory_space<vmem>> -> memref<128xi32, #tpu.memory_space<vmem>>
          %dma_wait3A_312 = arith.constant 0 : i32
          %dma_wait3A_313 = arith.constant 0 : i32
          %dma_wait3A_314 = tpu.memref_slice %arg13[%dma_wait3A_312, %dma_wait3A_313] : memref<10240x128xf32, #tpu.memory_space<vmem_shared>> -> memref<10240x128xf32, #tpu.memory_space<vmem_shared>>
          tpu.wait_indirect_dma semaphore(%run_scoped3A_302 : memref<!tpu.dma_semaphore, #tpu.memory_space<semaphore_mem>>) src(%arg12 : memref<128x128xf32, #tpu.memory_space<vmem>>) dst(%dma_wait3A_314 : memref<10240x128xf32, #tpu.memory_space<vmem_shared>>)
          tpu.yield
        }) : () -> ()
      } else {
      }
      %sub3A_290 = arith.constant 1 : i32
      %sub3A_291 = arith.subi %select_n3A_8, %sub3A_290 : i32
      %lt3A_292 = arith.cmpi slt, %while3A_81, %sub3A_291 : i32
      %convert_element_type3A_293 = arith.extui %lt3A_292 : i1 to i32
      %cond3A_294 = arith.constant 0 : i32
      %cond3A_295 = arith.cmpi ne, %convert_element_type3A_293, %cond3A_294 : i32
      scf.if %cond3A_295 {
        %eq3A_302 = arith.constant 0 : i32
        %eq3A_303 = arith.cmpi eq, %sub3A_83, %eq3A_302 : i32
        %convert_element_type3A_304 = arith.extui %eq3A_303 : i1 to i32
        %cond3A_305 = arith.constant 0 : i32
        %cond3A_306 = arith.cmpi ne, %convert_element_type3A_304, %cond3A_305 : i32
        scf.if %cond3A_306 {
          %dma_start3A_312 = arith.constant 1 : i32
          %dma_start3A_313 = arith.constant 0 : i32
          %dma_start3A_314 = tpu.memref_slice %arg7[%dma_start3A_312, %dma_start3A_313] : memref<8x128xi32, #tpu.memory_space<vmem>> -> memref<1x128xi32, #tpu.memory_space<vmem>>
          %dma_start3A_315 = tpu.memref_squeeze %dma_start3A_314 : memref<1x128xi32, #tpu.memory_space<vmem>> -> memref<128xi32, #tpu.memory_space<vmem>>
          %dma_start3A_316 = arith.constant 0 : i32
          %dma_start3A_317 = arith.constant 0 : i32
          %dma_start3A_318 = tpu.memref_slice %arg2[%dma_start3A_316, %dma_start3A_317] : memref<10000x128xf32, #tpu.memory_space<hbm>> -> memref<10000x128xf32, #tpu.memory_space<hbm>>
          tpu.enqueue_indirect_dma source(%dma_start3A_318 : memref<10000x128xf32, #tpu.memory_space<hbm>>) target(%arg12 : memref<128x128xf32, #tpu.memory_space<vmem>>) offsets(%dma_start3A_315 : memref<128xi32, #tpu.memory_space<vmem>>) semaphore(%arg15 : memref<!tpu.dma_semaphore, #tpu.memory_space<semaphore_mem>>)
        } else {
        }
        %eq3A_307 = arith.constant 1 : i32
        %eq3A_308 = arith.cmpi eq, %sub3A_83, %eq3A_307 : i32
        %convert_element_type3A_309 = arith.extui %eq3A_308 : i1 to i32
        %cond3A_310 = arith.constant 0 : i32
        %cond3A_311 = arith.cmpi ne, %convert_element_type3A_309, %cond3A_310 : i32
        scf.if %cond3A_311 {
          %dma_start3A_312 = arith.constant 1 : i32
          %dma_start3A_313 = arith.constant 0 : i32
          %dma_start3A_314 = tpu.memref_slice %arg8[%dma_start3A_312, %dma_start3A_313] : memref<8x128xi32, #tpu.memory_space<vmem>> -> memref<1x128xi32, #tpu.memory_space<vmem>>
          %dma_start3A_315 = tpu.memref_squeeze %dma_start3A_314 : memref<1x128xi32, #tpu.memory_space<vmem>> -> memref<128xi32, #tpu.memory_space<vmem>>
          %dma_start3A_316 = arith.constant 0 : i32
          %dma_start3A_317 = arith.constant 0 : i32
          %dma_start3A_318 = tpu.memref_slice %arg2[%dma_start3A_316, %dma_start3A_317] : memref<10000x128xf32, #tpu.memory_space<hbm>> -> memref<10000x128xf32, #tpu.memory_space<hbm>>
          tpu.enqueue_indirect_dma source(%dma_start3A_318 : memref<10000x128xf32, #tpu.memory_space<hbm>>) target(%arg12 : memref<128x128xf32, #tpu.memory_space<vmem>>) offsets(%dma_start3A_315 : memref<128xi32, #tpu.memory_space<vmem>>) semaphore(%arg15 : memref<!tpu.dma_semaphore, #tpu.memory_space<semaphore_mem>>)
        } else {
        }
      } else {
      }
      %sub3A_296 = arith.constant 2 : i32
      %sub3A_297 = arith.subi %select_n3A_8, %sub3A_296 : i32
      %lt3A_298 = arith.cmpi slt, %while3A_81, %sub3A_297 : i32
      %convert_element_type3A_299 = arith.extui %lt3A_298 : i1 to i32
      %cond3A_300 = arith.constant 0 : i32
      %cond3A_301 = arith.cmpi ne, %convert_element_type3A_299, %cond3A_300 : i32
      scf.if %cond3A_301 {
        %add3A_302 = arith.constant 2 : i32
        %add3A_303 = arith.addi %while3A_81, %add3A_302 : i32
        %mul3A_304 = arith.constant 8 : i32
        %mul3A_305 = arith.muli %add3A_303, %mul3A_304 : i32
        %add3A_306 = arith.addi %select_n3A, %mul3A_305 : i32
        %eq3A_307 = arith.constant 0 : i32
        %eq3A_308 = arith.cmpi eq, %rem3A_82, %eq3A_307 : i32
        %convert_element_type3A_309 = arith.extui %eq3A_308 : i1 to i32
        %cond3A_310 = arith.constant 0 : i32
        %cond3A_311 = arith.cmpi ne, %convert_element_type3A_309, %cond3A_310 : i32
        scf.if %cond3A_311 {
          %dma_start3A_317 = arith.constant 0 : i32
          %dma_start3A_318 = tpu.memref_slice %arg3[%add3A_306, %dma_start3A_317] : memref<2560x128xi32, #tpu.memory_space<hbm>> -> memref<8x128xi32, #tpu.memory_space<hbm>>
          %dma_start3A_319 = arith.constant 0 : i32
          %dma_start3A_320 = tpu.memref_slice %arg3[%add3A_306, %dma_start3A_319] : memref<2560x128xi32, #tpu.memory_space<hbm>> -> memref<8x128xi32, #tpu.memory_space<hbm>>
          tpu.enqueue_dma source(%dma_start3A_320 : memref<8x128xi32, #tpu.memory_space<hbm>>) target(%arg7 : memref<8x128xi32, #tpu.memory_space<vmem>>) target_semaphore(%arg16 : memref<!tpu.dma_semaphore, #tpu.memory_space<semaphore_mem>>)
          %dma_start3A_321 = arith.constant 0 : i32
          %dma_start3A_322 = tpu.memref_slice %arg4[%add3A_306, %dma_start3A_321] : memref<2560x128xi32, #tpu.memory_space<hbm>> -> memref<8x128xi32, #tpu.memory_space<hbm>>
          %dma_start3A_323 = arith.constant 0 : i32
          %dma_start3A_324 = tpu.memref_slice %arg4[%add3A_306, %dma_start3A_323] : memref<2560x128xi32, #tpu.memory_space<hbm>> -> memref<8x128xi32, #tpu.memory_space<hbm>>
          tpu.enqueue_dma source(%dma_start3A_324 : memref<8x128xi32, #tpu.memory_space<hbm>>) target(%arg9 : memref<8x128xi32, #tpu.memory_space<vmem>>) target_semaphore(%arg16 : memref<!tpu.dma_semaphore, #tpu.memory_space<semaphore_mem>>)
        } else {
        }
        %eq3A_312 = arith.constant 1 : i32
        %eq3A_313 = arith.cmpi eq, %rem3A_82, %eq3A_312 : i32
        %convert_element_type3A_314 = arith.extui %eq3A_313 : i1 to i32
        %cond3A_315 = arith.constant 0 : i32
        %cond3A_316 = arith.cmpi ne, %convert_element_type3A_314, %cond3A_315 : i32
        scf.if %cond3A_316 {
          %dma_start3A_317 = arith.constant 0 : i32
          %dma_start3A_318 = tpu.memref_slice %arg3[%add3A_306, %dma_start3A_317] : memref<2560x128xi32, #tpu.memory_space<hbm>> -> memref<8x128xi32, #tpu.memory_space<hbm>>
          %dma_start3A_319 = arith.constant 0 : i32
          %dma_start3A_320 = tpu.memref_slice %arg3[%add3A_306, %dma_start3A_319] : memref<2560x128xi32, #tpu.memory_space<hbm>> -> memref<8x128xi32, #tpu.memory_space<hbm>>
          tpu.enqueue_dma source(%dma_start3A_320 : memref<8x128xi32, #tpu.memory_space<hbm>>) target(%arg8 : memref<8x128xi32, #tpu.memory_space<vmem>>) target_semaphore(%arg17 : memref<!tpu.dma_semaphore, #tpu.memory_space<semaphore_mem>>)
          %dma_start3A_321 = arith.constant 0 : i32
          %dma_start3A_322 = tpu.memref_slice %arg4[%add3A_306, %dma_start3A_321] : memref<2560x128xi32, #tpu.memory_space<hbm>> -> memref<8x128xi32, #tpu.memory_space<hbm>>
          %dma_start3A_323 = arith.constant 0 : i32
          %dma_start3A_324 = tpu.memref_slice %arg4[%add3A_306, %dma_start3A_323] : memref<2560x128xi32, #tpu.memory_space<hbm>> -> memref<8x128xi32, #tpu.memory_space<hbm>>
          tpu.enqueue_dma source(%dma_start3A_324 : memref<8x128xi32, #tpu.memory_space<hbm>>) target(%arg10 : memref<8x128xi32, #tpu.memory_space<vmem>>) target_semaphore(%arg17 : memref<!tpu.dma_semaphore, #tpu.memory_space<semaphore_mem>>)
        } else {
        }
      } else {
      }
    }
    %barrier3A_45 = arith.constant 0 : index
    tpu.barrier barrier_id(%barrier3A_45)
    %add3A_46 = arith.constant 0 : i32
    %add3A_47 = arith.addi %mul3A_10, %add3A_46 : i32
    "tpu.region"() ({
      %run_scoped3A = tpu.sem_alloc : memref<!tpu.dma_semaphore, #tpu.memory_space<semaphore_mem>>
      %dma_start3A_81 = arith.constant 0 : i32
      %dma_start3A_82 = tpu.memref_slice %arg13[%add3A_47, %dma_start3A_81] : memref<10240x128xf32, #tpu.memory_space<vmem_shared>> -> memref<128x128xf32, #tpu.memory_space<vmem_shared>>
      %dma_start3A_83 = arith.constant 0 : i32
      %dma_start3A_84 = tpu.memref_slice %arg13[%add3A_47, %dma_start3A_83] : memref<10240x128xf32, #tpu.memory_space<vmem_shared>> -> memref<128x128xf32, #tpu.memory_space<vmem_shared>>
      tpu.enqueue_dma source(%dma_start3A_84 : memref<128x128xf32, #tpu.memory_space<vmem_shared>>) target(%arg11 : memref<128x128xf32, #tpu.memory_space<vmem>>) target_semaphore(%run_scoped3A : memref<!tpu.dma_semaphore, #tpu.memory_space<semaphore_mem>>)
      %dma_wait3A = arith.constant 0 : i32
      %dma_wait3A_85 = tpu.memref_slice %arg13[%add3A_47, %dma_wait3A] : memref<10240x128xf32, #tpu.memory_space<vmem_shared>> -> memref<128x128xf32, #tpu.memory_space<vmem_shared>>
      %dma_wait3A_86 = arith.constant 0 : i32
      %dma_wait3A_87 = tpu.memref_slice %arg13[%add3A_47, %dma_wait3A_86] : memref<10240x128xf32, #tpu.memory_space<vmem_shared>> -> memref<128x128xf32, #tpu.memory_space<vmem_shared>>
      tpu.wait_dma2 semaphore(%run_scoped3A : memref<!tpu.dma_semaphore, #tpu.memory_space<semaphore_mem>>) src(%dma_wait3A_87 : memref<128x128xf32, #tpu.memory_space<vmem_shared>>) dst(%arg11 : memref<128x128xf32, #tpu.memory_space<vmem>>)
      tpu.yield
    }) : () -> ()
    %mul3A_48 = arith.constant 10240 : i32
    %mul3A_49 = arith.muli %arg0, %mul3A_48 : i32
    %add3A_50 = arith.addi %mul3A_49, %mul3A_10 : i32
    %add3A_51 = arith.constant 0 : i32
    %add3A_52 = arith.addi %add3A_50, %add3A_51 : i32
    "tpu.region"() ({
      %run_scoped3A = tpu.sem_alloc : memref<!tpu.dma_semaphore, #tpu.memory_space<semaphore_mem>>
      %dma_start3A_81 = arith.constant 0 : i32
      %dma_start3A_82 = tpu.memref_slice %arg6[%add3A_52, %dma_start3A_81] : memref<20480x128xf32, #tpu.memory_space<hbm>> -> memref<128x128xf32, #tpu.memory_space<hbm>>
      %dma_start3A_83 = arith.constant 0 : i32
      %dma_start3A_84 = tpu.memref_slice %arg6[%add3A_52, %dma_start3A_83] : memref<20480x128xf32, #tpu.memory_space<hbm>> -> memref<128x128xf32, #tpu.memory_space<hbm>>
      tpu.enqueue_dma source(%arg11 : memref<128x128xf32, #tpu.memory_space<vmem>>) target(%dma_start3A_84 : memref<128x128xf32, #tpu.memory_space<hbm>>) target_semaphore(%run_scoped3A : memref<!tpu.dma_semaphore, #tpu.memory_space<semaphore_mem>>)
      %dma_wait3A = arith.constant 0 : i32
      %dma_wait3A_85 = tpu.memref_slice %arg6[%add3A_52, %dma_wait3A] : memref<20480x128xf32, #tpu.memory_space<hbm>> -> memref<128x128xf32, #tpu.memory_space<hbm>>
      %dma_wait3A_86 = arith.constant 0 : i32
      %dma_wait3A_87 = tpu.memref_slice %arg6[%add3A_52, %dma_wait3A_86] : memref<20480x128xf32, #tpu.memory_space<hbm>> -> memref<128x128xf32, #tpu.memory_space<hbm>>
      tpu.wait_dma2 semaphore(%run_scoped3A : memref<!tpu.dma_semaphore, #tpu.memory_space<semaphore_mem>>) src(%arg11 : memref<128x128xf32, #tpu.memory_space<vmem>>) dst(%dma_wait3A_87 : memref<128x128xf32, #tpu.memory_space<hbm>>)
      tpu.yield
    }) : () -> ()
    %add3A_53 = arith.constant 128 : i32
    %add3A_54 = arith.addi %mul3A_10, %add3A_53 : i32
    "tpu.region"() ({
      %run_scoped3A = tpu.sem_alloc : memref<!tpu.dma_semaphore, #tpu.memory_space<semaphore_mem>>
      %dma_start3A_81 = arith.constant 0 : i32
      %dma_start3A_82 = tpu.memref_slice %arg13[%add3A_54, %dma_start3A_81] : memref<10240x128xf32, #tpu.memory_space<vmem_shared>> -> memref<128x128xf32, #tpu.memory_space<vmem_shared>>
      %dma_start3A_83 = arith.constant 0 : i32
      %dma_start3A_84 = tpu.memref_slice %arg13[%add3A_54, %dma_start3A_83] : memref<10240x128xf32, #tpu.memory_space<vmem_shared>> -> memref<128x128xf32, #tpu.memory_space<vmem_shared>>
      tpu.enqueue_dma source(%dma_start3A_84 : memref<128x128xf32, #tpu.memory_space<vmem_shared>>) target(%arg11 : memref<128x128xf32, #tpu.memory_space<vmem>>) target_semaphore(%run_scoped3A : memref<!tpu.dma_semaphore, #tpu.memory_space<semaphore_mem>>)
      %dma_wait3A = arith.constant 0 : i32
      %dma_wait3A_85 = tpu.memref_slice %arg13[%add3A_54, %dma_wait3A] : memref<10240x128xf32, #tpu.memory_space<vmem_shared>> -> memref<128x128xf32, #tpu.memory_space<vmem_shared>>
      %dma_wait3A_86 = arith.constant 0 : i32
      %dma_wait3A_87 = tpu.memref_slice %arg13[%add3A_54, %dma_wait3A_86] : memref<10240x128xf32, #tpu.memory_space<vmem_shared>> -> memref<128x128xf32, #tpu.memory_space<vmem_shared>>
      tpu.wait_dma2 semaphore(%run_scoped3A : memref<!tpu.dma_semaphore, #tpu.memory_space<semaphore_mem>>) src(%dma_wait3A_87 : memref<128x128xf32, #tpu.memory_space<vmem_shared>>) dst(%arg11 : memref<128x128xf32, #tpu.memory_space<vmem>>)
      tpu.yield
    }) : () -> ()
    %mul3A_55 = arith.constant 10240 : i32
    %mul3A_56 = arith.muli %arg0, %mul3A_55 : i32
    %add3A_57 = arith.addi %mul3A_56, %mul3A_10 : i32
    %add3A_58 = arith.constant 128 : i32
    %add3A_59 = arith.addi %add3A_57, %add3A_58 : i32
    "tpu.region"() ({
      %run_scoped3A = tpu.sem_alloc : memref<!tpu.dma_semaphore, #tpu.memory_space<semaphore_mem>>
      %dma_start3A_81 = arith.constant 0 : i32
      %dma_start3A_82 = tpu.memref_slice %arg6[%add3A_59, %dma_start3A_81] : memref<20480x128xf32, #tpu.memory_space<hbm>> -> memref<128x128xf32, #tpu.memory_space<hbm>>
      %dma_start3A_83 = arith.constant 0 : i32
      %dma_start3A_84 = tpu.memref_slice %arg6[%add3A_59, %dma_start3A_83] : memref<20480x128xf32, #tpu.memory_space<hbm>> -> memref<128x128xf32, #tpu.memory_space<hbm>>
      tpu.enqueue_dma source(%arg11 : memref<128x128xf32, #tpu.memory_space<vmem>>) target(%dma_start3A_84 : memref<128x128xf32, #tpu.memory_space<hbm>>) target_semaphore(%run_scoped3A : memref<!tpu.dma_semaphore, #tpu.memory_space<semaphore_mem>>)
      %dma_wait3A = arith.constant 0 : i32
      %dma_wait3A_85 = tpu.memref_slice %arg6[%add3A_59, %dma_wait3A] : memref<20480x128xf32, #tpu.memory_space<hbm>> -> memref<128x128xf32, #tpu.memory_space<hbm>>
      %dma_wait3A_86 = arith.constant 0 : i32
      %dma_wait3A_87 = tpu.memref_slice %arg6[%add3A_59, %dma_wait3A_86] : memref<20480x128xf32, #tpu.memory_space<hbm>> -> memref<128x128xf32, #tpu.memory_space<hbm>>
      tpu.wait_dma2 semaphore(%run_scoped3A : memref<!tpu.dma_semaphore, #tpu.memory_space<semaphore_mem>>) src(%arg11 : memref<128x128xf32, #tpu.memory_space<vmem>>) dst(%dma_wait3A_87 : memref<128x128xf32, #tpu.memory_space<hbm>>)
      tpu.yield
    }) : () -> ()
    %add3A_60 = arith.constant 256 : i32
    %add3A_61 = arith.addi %mul3A_10, %add3A_60 : i32
    "tpu.region"() ({
      %run_scoped3A = tpu.sem_alloc : memref<!tpu.dma_semaphore, #tpu.memory_space<semaphore_mem>>
      %dma_start3A_81 = arith.constant 0 : i32
      %dma_start3A_82 = tpu.memref_slice %arg13[%add3A_61, %dma_start3A_81] : memref<10240x128xf32, #tpu.memory_space<vmem_shared>> -> memref<128x128xf32, #tpu.memory_space<vmem_shared>>
      %dma_start3A_83 = arith.constant 0 : i32
      %dma_start3A_84 = tpu.memref_slice %arg13[%add3A_61, %dma_start3A_83] : memref<10240x128xf32, #tpu.memory_space<vmem_shared>> -> memref<128x128xf32, #tpu.memory_space<vmem_shared>>
      tpu.enqueue_dma source(%dma_start3A_84 : memref<128x128xf32, #tpu.memory_space<vmem_shared>>) target(%arg11 : memref<128x128xf32, #tpu.memory_space<vmem>>) target_semaphore(%run_scoped3A : memref<!tpu.dma_semaphore, #tpu.memory_space<semaphore_mem>>)
      %dma_wait3A = arith.constant 0 : i32
      %dma_wait3A_85 = tpu.memref_slice %arg13[%add3A_61, %dma_wait3A] : memref<10240x128xf32, #tpu.memory_space<vmem_shared>> -> memref<128x128xf32, #tpu.memory_space<vmem_shared>>
      %dma_wait3A_86 = arith.constant 0 : i32
      %dma_wait3A_87 = tpu.memref_slice %arg13[%add3A_61, %dma_wait3A_86] : memref<10240x128xf32, #tpu.memory_space<vmem_shared>> -> memref<128x128xf32, #tpu.memory_space<vmem_shared>>
      tpu.wait_dma2 semaphore(%run_scoped3A : memref<!tpu.dma_semaphore, #tpu.memory_space<semaphore_mem>>) src(%dma_wait3A_87 : memref<128x128xf32, #tpu.memory_space<vmem_shared>>) dst(%arg11 : memref<128x128xf32, #tpu.memory_space<vmem>>)
      tpu.yield
    }) : () -> ()
    %mul3A_62 = arith.constant 10240 : i32
    %mul3A_63 = arith.muli %arg0, %mul3A_62 : i32
    %add3A_64 = arith.addi %mul3A_63, %mul3A_10 : i32
    %add3A_65 = arith.constant 256 : i32
    %add3A_66 = arith.addi %add3A_64, %add3A_65 : i32
    "tpu.region"() ({
      %run_scoped3A = tpu.sem_alloc : memref<!tpu.dma_semaphore, #tpu.memory_space<semaphore_mem>>
      %dma_start3A_81 = arith.constant 0 : i32
      %dma_start3A_82 = tpu.memref_slice %arg6[%add3A_66, %dma_start3A_81] : memref<20480x128xf32, #tpu.memory_space<hbm>> -> memref<128x128xf32, #tpu.memory_space<hbm>>
      %dma_start3A_83 = arith.constant 0 : i32
      %dma_start3A_84 = tpu.memref_slice %arg6[%add3A_66, %dma_start3A_83] : memref<20480x128xf32, #tpu.memory_space<hbm>> -> memref<128x128xf32, #tpu.memory_space<hbm>>
      tpu.enqueue_dma source(%arg11 : memref<128x128xf32, #tpu.memory_space<vmem>>) target(%dma_start3A_84 : memref<128x128xf32, #tpu.memory_space<hbm>>) target_semaphore(%run_scoped3A : memref<!tpu.dma_semaphore, #tpu.memory_space<semaphore_mem>>)
      %dma_wait3A = arith.constant 0 : i32
      %dma_wait3A_85 = tpu.memref_slice %arg6[%add3A_66, %dma_wait3A] : memref<20480x128xf32, #tpu.memory_space<hbm>> -> memref<128x128xf32, #tpu.memory_space<hbm>>
      %dma_wait3A_86 = arith.constant 0 : i32
      %dma_wait3A_87 = tpu.memref_slice %arg6[%add3A_66, %dma_wait3A_86] : memref<20480x128xf32, #tpu.memory_space<hbm>> -> memref<128x128xf32, #tpu.memory_space<hbm>>
      tpu.wait_dma2 semaphore(%run_scoped3A : memref<!tpu.dma_semaphore, #tpu.memory_space<semaphore_mem>>) src(%arg11 : memref<128x128xf32, #tpu.memory_space<vmem>>) dst(%dma_wait3A_87 : memref<128x128xf32, #tpu.memory_space<hbm>>)
      tpu.yield
    }) : () -> ()
    %add3A_67 = arith.constant 384 : i32
    %add3A_68 = arith.addi %mul3A_10, %add3A_67 : i32
    "tpu.region"() ({
      %run_scoped3A = tpu.sem_alloc : memref<!tpu.dma_semaphore, #tpu.memory_space<semaphore_mem>>
      %dma_start3A_81 = arith.constant 0 : i32
      %dma_start3A_82 = tpu.memref_slice %arg13[%add3A_68, %dma_start3A_81] : memref<10240x128xf32, #tpu.memory_space<vmem_shared>> -> memref<128x128xf32, #tpu.memory_space<vmem_shared>>
      %dma_start3A_83 = arith.constant 0 : i32
      %dma_start3A_84 = tpu.memref_slice %arg13[%add3A_68, %dma_start3A_83] : memref<10240x128xf32, #tpu.memory_space<vmem_shared>> -> memref<128x128xf32, #tpu.memory_space<vmem_shared>>
      tpu.enqueue_dma source(%dma_start3A_84 : memref<128x128xf32, #tpu.memory_space<vmem_shared>>) target(%arg11 : memref<128x128xf32, #tpu.memory_space<vmem>>) target_semaphore(%run_scoped3A : memref<!tpu.dma_semaphore, #tpu.memory_space<semaphore_mem>>)
      %dma_wait3A = arith.constant 0 : i32
      %dma_wait3A_85 = tpu.memref_slice %arg13[%add3A_68, %dma_wait3A] : memref<10240x128xf32, #tpu.memory_space<vmem_shared>> -> memref<128x128xf32, #tpu.memory_space<vmem_shared>>
      %dma_wait3A_86 = arith.constant 0 : i32
      %dma_wait3A_87 = tpu.memref_slice %arg13[%add3A_68, %dma_wait3A_86] : memref<10240x128xf32, #tpu.memory_space<vmem_shared>> -> memref<128x128xf32, #tpu.memory_space<vmem_shared>>
      tpu.wait_dma2 semaphore(%run_scoped3A : memref<!tpu.dma_semaphore, #tpu.memory_space<semaphore_mem>>) src(%dma_wait3A_87 : memref<128x128xf32, #tpu.memory_space<vmem_shared>>) dst(%arg11 : memref<128x128xf32, #tpu.memory_space<vmem>>)
      tpu.yield
    }) : () -> ()
    %mul3A_69 = arith.constant 10240 : i32
    %mul3A_70 = arith.muli %arg0, %mul3A_69 : i32
    %add3A_71 = arith.addi %mul3A_70, %mul3A_10 : i32
    %add3A_72 = arith.constant 384 : i32
    %add3A_73 = arith.addi %add3A_71, %add3A_72 : i32
    "tpu.region"() ({
      %run_scoped3A = tpu.sem_alloc : memref<!tpu.dma_semaphore, #tpu.memory_space<semaphore_mem>>
      %dma_start3A_81 = arith.constant 0 : i32
      %dma_start3A_82 = tpu.memref_slice %arg6[%add3A_73, %dma_start3A_81] : memref<20480x128xf32, #tpu.memory_space<hbm>> -> memref<128x128xf32, #tpu.memory_space<hbm>>
      %dma_start3A_83 = arith.constant 0 : i32
      %dma_start3A_84 = tpu.memref_slice %arg6[%add3A_73, %dma_start3A_83] : memref<20480x128xf32, #tpu.memory_space<hbm>> -> memref<128x128xf32, #tpu.memory_space<hbm>>
      tpu.enqueue_dma source(%arg11 : memref<128x128xf32, #tpu.memory_space<vmem>>) target(%dma_start3A_84 : memref<128x128xf32, #tpu.memory_space<hbm>>) target_semaphore(%run_scoped3A : memref<!tpu.dma_semaphore, #tpu.memory_space<semaphore_mem>>)
      %dma_wait3A = arith.constant 0 : i32
      %dma_wait3A_85 = tpu.memref_slice %arg6[%add3A_73, %dma_wait3A] : memref<20480x128xf32, #tpu.memory_space<hbm>> -> memref<128x128xf32, #tpu.memory_space<hbm>>
      %dma_wait3A_86 = arith.constant 0 : i32
      %dma_wait3A_87 = tpu.memref_slice %arg6[%add3A_73, %dma_wait3A_86] : memref<20480x128xf32, #tpu.memory_space<hbm>> -> memref<128x128xf32, #tpu.memory_space<hbm>>
      tpu.wait_dma2 semaphore(%run_scoped3A : memref<!tpu.dma_semaphore, #tpu.memory_space<semaphore_mem>>) src(%arg11 : memref<128x128xf32, #tpu.memory_space<vmem>>) dst(%dma_wait3A_87 : memref<128x128xf32, #tpu.memory_space<hbm>>)
      tpu.yield
    }) : () -> ()
    %add3A_74 = arith.constant 512 : i32
    %add3A_75 = arith.addi %mul3A_10, %add3A_74 : i32
    "tpu.region"() ({
      %run_scoped3A = tpu.sem_alloc : memref<!tpu.dma_semaphore, #tpu.memory_space<semaphore_mem>>
      %dma_start3A_81 = arith.constant 0 : i32
      %dma_start3A_82 = tpu.memref_slice %arg13[%add3A_75, %dma_start3A_81] : memref<10240x128xf32, #tpu.memory_space<vmem_shared>> -> memref<128x128xf32, #tpu.memory_space<vmem_shared>>
      %dma_start3A_83 = arith.constant 0 : i32
      %dma_start3A_84 = tpu.memref_slice %arg13[%add3A_75, %dma_start3A_83] : memref<10240x128xf32, #tpu.memory_space<vmem_shared>> -> memref<128x128xf32, #tpu.memory_space<vmem_shared>>
      tpu.enqueue_dma source(%dma_start3A_84 : memref<128x128xf32, #tpu.memory_space<vmem_shared>>) target(%arg11 : memref<128x128xf32, #tpu.memory_space<vmem>>) target_semaphore(%run_scoped3A : memref<!tpu.dma_semaphore, #tpu.memory_space<semaphore_mem>>)
      %dma_wait3A = arith.constant 0 : i32
      %dma_wait3A_85 = tpu.memref_slice %arg13[%add3A_75, %dma_wait3A] : memref<10240x128xf32, #tpu.memory_space<vmem_shared>> -> memref<128x128xf32, #tpu.memory_space<vmem_shared>>
      %dma_wait3A_86 = arith.constant 0 : i32
      %dma_wait3A_87 = tpu.memref_slice %arg13[%add3A_75, %dma_wait3A_86] : memref<10240x128xf32, #tpu.memory_space<vmem_shared>> -> memref<128x128xf32, #tpu.memory_space<vmem_shared>>
      tpu.wait_dma2 semaphore(%run_scoped3A : memref<!tpu.dma_semaphore, #tpu.memory_space<semaphore_mem>>) src(%dma_wait3A_87 : memref<128x128xf32, #tpu.memory_space<vmem_shared>>) dst(%arg11 : memref<128x128xf32, #tpu.memory_space<vmem>>)
      tpu.yield
    }) : () -> ()
    %mul3A_76 = arith.constant 10240 : i32
    %mul3A_77 = arith.muli %arg0, %mul3A_76 : i32
    %add3A_78 = arith.addi %mul3A_77, %mul3A_10 : i32
    %add3A_79 = arith.constant 512 : i32
    %add3A_80 = arith.addi %add3A_78, %add3A_79 : i32
    "tpu.region"() ({
      %run_scoped3A = tpu.sem_alloc : memref<!tpu.dma_semaphore, #tpu.memory_space<semaphore_mem>>
      %dma_start3A_81 = arith.constant 0 : i32
      %dma_start3A_82 = tpu.memref_slice %arg6[%add3A_80, %dma_start3A_81] : memref<20480x128xf32, #tpu.memory_space<hbm>> -> memref<128x128xf32, #tpu.memory_space<hbm>>
      %dma_start3A_83 = arith.constant 0 : i32
      %dma_start3A_84 = tpu.memref_slice %arg6[%add3A_80, %dma_start3A_83] : memref<20480x128xf32, #tpu.memory_space<hbm>> -> memref<128x128xf32, #tpu.memory_space<hbm>>
      tpu.enqueue_dma source(%arg11 : memref<128x128xf32, #tpu.memory_space<vmem>>) target(%dma_start3A_84 : memref<128x128xf32, #tpu.memory_space<hbm>>) target_semaphore(%run_scoped3A : memref<!tpu.dma_semaphore, #tpu.memory_space<semaphore_mem>>)
      %dma_wait3A = arith.constant 0 : i32
      %dma_wait3A_85 = tpu.memref_slice %arg6[%add3A_80, %dma_wait3A] : memref<20480x128xf32, #tpu.memory_space<hbm>> -> memref<128x128xf32, #tpu.memory_space<hbm>>
      %dma_wait3A_86 = arith.constant 0 : i32
      %dma_wait3A_87 = tpu.memref_slice %arg6[%add3A_80, %dma_wait3A_86] : memref<20480x128xf32, #tpu.memory_space<hbm>> -> memref<128x128xf32, #tpu.memory_space<hbm>>
      tpu.wait_dma2 semaphore(%run_scoped3A : memref<!tpu.dma_semaphore, #tpu.memory_space<semaphore_mem>>) src(%arg11 : memref<128x128xf32, #tpu.memory_space<vmem>>) dst(%dma_wait3A_87 : memref<128x128xf32, #tpu.memory_space<hbm>>)
      tpu.yield
    }) : () -> ()
    return
  }
}

#map = affine_map<(d0, d1) -> (0, 0)>
module attributes {stable_mosaic.version = 14 : i64} {
  func.func @_deg_body(%arg0: i32, %arg1: i32, %arg2: memref<2560x128xi32, #tpu.memory_space<hbm>>, %arg3: memref<160x128xf32, #tpu.memory_space<hbm>>, %arg4: memref<80x128xi32, #tpu.memory_space<vmem>>, %arg5: memref<80x128xf32, #tpu.memory_space<vmem>>, %arg6: memref<80xi32, #tpu.memory_space<vmem>>, %arg7: memref<80x128xf32, #tpu.memory_space<vmem_shared>>, %arg8: memref<!tpu.dma_semaphore, #tpu.memory_space<semaphore_mem>>) attributes {dimension_semantics = [#tpu.dimension_semantics<core_parallel>, #tpu.dimension_semantics<subcore_parallel>], iteration_bounds = array<i64: 2, 16>, scalar_prefetch = 0 : i64, scratch_operands = 5 : i64, tpu.core_type = #tpu.core_type<sc_vector_subcore>, window_params = [{transform_indices = #map}, {transform_indices = #map}]} {
    %mul3A = arith.constant 16 : i32
    %mul3A_0 = arith.muli %arg0, %mul3A : i32
    %add3A = arith.addi %mul3A_0, %arg1 : i32
    %mul3A_1 = arith.constant 80 : i32
    %mul3A_2 = arith.muli %add3A, %mul3A_1 : i32
    "tpu.region"() ({
      %run_scoped3A = tpu.sem_alloc : memref<!tpu.dma_semaphore, #tpu.memory_space<semaphore_mem>>
      %dma_start3A = arith.constant 0 : i32
      %dma_start3A_49 = tpu.memref_slice %arg2[%mul3A_2, %dma_start3A] : memref<2560x128xi32, #tpu.memory_space<hbm>> -> memref<80x128xi32, #tpu.memory_space<hbm>>
      %dma_start3A_50 = arith.constant 0 : i32
      %dma_start3A_51 = tpu.memref_slice %arg2[%mul3A_2, %dma_start3A_50] : memref<2560x128xi32, #tpu.memory_space<hbm>> -> memref<80x128xi32, #tpu.memory_space<hbm>>
      tpu.enqueue_dma source(%dma_start3A_51 : memref<80x128xi32, #tpu.memory_space<hbm>>) target(%arg4 : memref<80x128xi32, #tpu.memory_space<vmem>>) target_semaphore(%run_scoped3A : memref<!tpu.dma_semaphore, #tpu.memory_space<semaphore_mem>>)
      %dma_wait3A = arith.constant 0 : i32
      %dma_wait3A_52 = tpu.memref_slice %arg2[%mul3A_2, %dma_wait3A] : memref<2560x128xi32, #tpu.memory_space<hbm>> -> memref<80x128xi32, #tpu.memory_space<hbm>>
      %dma_wait3A_53 = arith.constant 0 : i32
      %dma_wait3A_54 = tpu.memref_slice %arg2[%mul3A_2, %dma_wait3A_53] : memref<2560x128xi32, #tpu.memory_space<hbm>> -> memref<80x128xi32, #tpu.memory_space<hbm>>
      tpu.wait_dma2 semaphore(%run_scoped3A : memref<!tpu.dma_semaphore, #tpu.memory_space<semaphore_mem>>) src(%dma_wait3A_54 : memref<80x128xi32, #tpu.memory_space<hbm>>) dst(%arg4 : memref<80x128xi32, #tpu.memory_space<vmem>>)
      tpu.yield
    }) : () -> ()
    %broadcast_in_dim3A = arith.constant 1.000000e+00 : f32
    %broadcast_in_dim3A_3 = vector.broadcast %broadcast_in_dim3A : f32 to vector<16xf32>
    %broadcast_in_dim3A_4 = arith.constant 0.000000e+00 : f32
    %broadcast_in_dim3A_5 = vector.broadcast %broadcast_in_dim3A_4 : f32 to vector<16xf32>
    %iota3A = tpu.iota {dimensions = array<i32: 0>} : vector<16xi32>
    %add3A_6 = arith.constant 0 : i32
    %add3A_7 = vector.broadcast %add3A_6 : i32 to vector<16xi32>
    %add3A_8 = arith.addi %iota3A, %add3A_7 : vector<16xi32>
    %swap3A = arith.constant 0 : index
    %swap3A_9 = tpu.vector_load %arg6[%swap3A] {strides = array<i32>} : memref<80xi32, #tpu.memory_space<vmem>>, vector<16xi32>,
    tpu.vector_store %arg6[%swap3A], %add3A_8 {strides = array<i32>} : memref<80xi32, #tpu.memory_space<vmem>>, vector<16xi32>,
    %add3A_10 = arith.constant 16 : i32
    %add3A_11 = vector.broadcast %add3A_10 : i32 to vector<16xi32>
    %add3A_12 = arith.addi %iota3A, %add3A_11 : vector<16xi32>
    %swap3A_13 = arith.constant 16 : index
    %swap3A_14 = tpu.vector_load %arg6[%swap3A_13] {strides = array<i32>} : memref<80xi32, #tpu.memory_space<vmem>>, vector<16xi32>,
    tpu.vector_store %arg6[%swap3A_13], %add3A_12 {strides = array<i32>} : memref<80xi32, #tpu.memory_space<vmem>>, vector<16xi32>,
    %add3A_15 = arith.constant 32 : i32
    %add3A_16 = vector.broadcast %add3A_15 : i32 to vector<16xi32>
    %add3A_17 = arith.addi %iota3A, %add3A_16 : vector<16xi32>
    %swap3A_18 = arith.constant 32 : index
    %swap3A_19 = tpu.vector_load %arg6[%swap3A_18] {strides = array<i32>} : memref<80xi32, #tpu.memory_space<vmem>>, vector<16xi32>,
    tpu.vector_store %arg6[%swap3A_18], %add3A_17 {strides = array<i32>} : memref<80xi32, #tpu.memory_space<vmem>>, vector<16xi32>,
    %add3A_20 = arith.constant 48 : i32
    %add3A_21 = vector.broadcast %add3A_20 : i32 to vector<16xi32>
    %add3A_22 = arith.addi %iota3A, %add3A_21 : vector<16xi32>
    %swap3A_23 = arith.constant 48 : index
    %swap3A_24 = tpu.vector_load %arg6[%swap3A_23] {strides = array<i32>} : memref<80xi32, #tpu.memory_space<vmem>>, vector<16xi32>,
    tpu.vector_store %arg6[%swap3A_23], %add3A_22 {strides = array<i32>} : memref<80xi32, #tpu.memory_space<vmem>>, vector<16xi32>,
    %add3A_25 = arith.constant 64 : i32
    %add3A_26 = vector.broadcast %add3A_25 : i32 to vector<16xi32>
    %add3A_27 = arith.addi %iota3A, %add3A_26 : vector<16xi32>
    %swap3A_28 = arith.constant 64 : index
    %swap3A_29 = tpu.vector_load %arg6[%swap3A_28] {strides = array<i32>} : memref<80xi32, #tpu.memory_space<vmem>>, vector<16xi32>,
    tpu.vector_store %arg6[%swap3A_28], %add3A_27 {strides = array<i32>} : memref<80xi32, #tpu.memory_space<vmem>>, vector<16xi32>,
    %scan3A = arith.constant 0 : i32
    %scan3A_30 = arith.constant 0 : i32
    %scan3A_31 = arith.constant 80 : i32
    %scan3A_32 = arith.addi %scan3A_30, %scan3A_31 : i32
    %scan3A_33 = arith.constant 1 : i32
    scf.for %scan3A_49 = %scan3A_30 to %scan3A_32 step %scan3A_33  : i32 {
      %swap3A_50 = arith.index_cast %scan3A_49 : i32 to index
      %swap3A_51 = arith.constant 0 : index
      %swap3A_52 = tpu.vector_load %arg5[%swap3A_50, %swap3A_51] {strides = array<i32>} : memref<80x128xf32, #tpu.memory_space<vmem>>, vector<16xf32>,
      tpu.vector_store %arg5[%swap3A_50, %swap3A_51], %broadcast_in_dim3A_5 {strides = array<i32>} : memref<80x128xf32, #tpu.memory_space<vmem>>, vector<16xf32>,
      %swap3A_53 = arith.index_cast %scan3A_49 : i32 to index
      %swap3A_54 = arith.constant 16 : index
      %swap3A_55 = tpu.vector_load %arg5[%swap3A_53, %swap3A_54] {strides = array<i32>} : memref<80x128xf32, #tpu.memory_space<vmem>>, vector<16xf32>,
      tpu.vector_store %arg5[%swap3A_53, %swap3A_54], %broadcast_in_dim3A_5 {strides = array<i32>} : memref<80x128xf32, #tpu.memory_space<vmem>>, vector<16xf32>,
      %swap3A_56 = arith.index_cast %scan3A_49 : i32 to index
      %swap3A_57 = arith.constant 32 : index
      %swap3A_58 = tpu.vector_load %arg5[%swap3A_56, %swap3A_57] {strides = array<i32>} : memref<80x128xf32, #tpu.memory_space<vmem>>, vector<16xf32>,
      tpu.vector_store %arg5[%swap3A_56, %swap3A_57], %broadcast_in_dim3A_5 {strides = array<i32>} : memref<80x128xf32, #tpu.memory_space<vmem>>, vector<16xf32>,
      %swap3A_59 = arith.index_cast %scan3A_49 : i32 to index
      %swap3A_60 = arith.constant 48 : index
      %swap3A_61 = tpu.vector_load %arg5[%swap3A_59, %swap3A_60] {strides = array<i32>} : memref<80x128xf32, #tpu.memory_space<vmem>>, vector<16xf32>,
      tpu.vector_store %arg5[%swap3A_59, %swap3A_60], %broadcast_in_dim3A_5 {strides = array<i32>} : memref<80x128xf32, #tpu.memory_space<vmem>>, vector<16xf32>,
      %swap3A_62 = arith.index_cast %scan3A_49 : i32 to index
      %swap3A_63 = arith.constant 64 : index
      %swap3A_64 = tpu.vector_load %arg5[%swap3A_62, %swap3A_63] {strides = array<i32>} : memref<80x128xf32, #tpu.memory_space<vmem>>, vector<16xf32>,
      tpu.vector_store %arg5[%swap3A_62, %swap3A_63], %broadcast_in_dim3A_5 {strides = array<i32>} : memref<80x128xf32, #tpu.memory_space<vmem>>, vector<16xf32>,
      %swap3A_65 = arith.index_cast %scan3A_49 : i32 to index
      %swap3A_66 = arith.constant 80 : index
      %swap3A_67 = tpu.vector_load %arg5[%swap3A_65, %swap3A_66] {strides = array<i32>} : memref<80x128xf32, #tpu.memory_space<vmem>>, vector<16xf32>,
      tpu.vector_store %arg5[%swap3A_65, %swap3A_66], %broadcast_in_dim3A_5 {strides = array<i32>} : memref<80x128xf32, #tpu.memory_space<vmem>>, vector<16xf32>,
      %swap3A_68 = arith.index_cast %scan3A_49 : i32 to index
      %swap3A_69 = arith.constant 96 : index
      %swap3A_70 = tpu.vector_load %arg5[%swap3A_68, %swap3A_69] {strides = array<i32>} : memref<80x128xf32, #tpu.memory_space<vmem>>, vector<16xf32>,
      tpu.vector_store %arg5[%swap3A_68, %swap3A_69], %broadcast_in_dim3A_5 {strides = array<i32>} : memref<80x128xf32, #tpu.memory_space<vmem>>, vector<16xf32>,
      %swap3A_71 = arith.index_cast %scan3A_49 : i32 to index
      %swap3A_72 = arith.constant 112 : index
      %swap3A_73 = tpu.vector_load %arg5[%swap3A_71, %swap3A_72] {strides = array<i32>} : memref<80x128xf32, #tpu.memory_space<vmem>>, vector<16xf32>,
      tpu.vector_store %arg5[%swap3A_71, %swap3A_72], %broadcast_in_dim3A_5 {strides = array<i32>} : memref<80x128xf32, #tpu.memory_space<vmem>>, vector<16xf32>,
    }
    %scan3A_34 = arith.constant 80 : i32
    %eq3A = arith.constant 0 : i32
    %eq3A_35 = arith.cmpi eq, %arg1, %eq3A : i32
    %convert_element_type3A = arith.extui %eq3A_35 : i1 to i32
    %cond3A = arith.constant 0 : i32
    %cond3A_36 = arith.cmpi ne, %convert_element_type3A, %cond3A : i32
    scf.if %cond3A_36 {
      "tpu.region"() ({
        %run_scoped3A = tpu.sem_alloc : memref<!tpu.dma_semaphore, #tpu.memory_space<semaphore_mem>>
        tpu.enqueue_dma source(%arg5 : memref<80x128xf32, #tpu.memory_space<vmem>>) target(%arg7 : memref<80x128xf32, #tpu.memory_space<vmem_shared>>) target_semaphore(%run_scoped3A : memref<!tpu.dma_semaphore, #tpu.memory_space<semaphore_mem>>)
        tpu.wait_dma2 semaphore(%run_scoped3A : memref<!tpu.dma_semaphore, #tpu.memory_space<semaphore_mem>>) src(%arg5 : memref<80x128xf32, #tpu.memory_space<vmem>>) dst(%arg7 : memref<80x128xf32, #tpu.memory_space<vmem_shared>>)
        tpu.yield
      }) : () -> ()
    } else {
    }
    %barrier3A = arith.constant 0 : index
    tpu.barrier barrier_id(%barrier3A)
    %scan3A_37 = arith.constant 0 : i32
    %scan3A_38 = arith.constant 0 : i32
    %scan3A_39 = arith.constant 80 : i32
    %scan3A_40 = arith.addi %scan3A_38, %scan3A_39 : i32
    %scan3A_41 = arith.constant 1 : i32
    scf.for %scan3A_49 = %scan3A_38 to %scan3A_40 step %scan3A_41  : i32 {
      %get3A = arith.index_cast %scan3A_49 : i32 to index
      %get3A_50 = arith.constant 0 : index
      %get3A_51 = tpu.vector_load %arg4[%get3A, %get3A_50] {strides = array<i32>} : memref<80x128xi32, #tpu.memory_space<vmem>>, vector<16xi32>,
      %shift_right_logical3A = arith.constant 7 : i32
      %shift_right_logical3A_52 = vector.broadcast %shift_right_logical3A : i32 to vector<16xi32>
      %shift_right_logical3A_53 = arith.shrui %get3A_51, %shift_right_logical3A_52 : vector<16xi32>
      %and3A = arith.constant 127 : i32
      %and3A_54 = vector.broadcast %and3A : i32 to vector<16xi32>
      %and3A_55 = arith.andi %get3A_51, %and3A_54 : vector<16xi32>
      tpu.vector_store_idx %arg5[%shift_right_logical3A_53, %and3A_55], %broadcast_in_dim3A_3 {add = true} : memref<80x128xf32, #tpu.memory_space<vmem>>[vector<16xi32>, vector<16xi32>], vector<16xf32>,
      %get3A_56 = arith.index_cast %scan3A_49 : i32 to index
      %get3A_57 = arith.constant 16 : index
      %get3A_58 = tpu.vector_load %arg4[%get3A_56, %get3A_57] {strides = array<i32>} : memref<80x128xi32, #tpu.memory_space<vmem>>, vector<16xi32>,
      %shift_right_logical3A_59 = arith.constant 7 : i32
      %shift_right_logical3A_60 = vector.broadcast %shift_right_logical3A_59 : i32 to vector<16xi32>
      %shift_right_logical3A_61 = arith.shrui %get3A_58, %shift_right_logical3A_60 : vector<16xi32>
      %and3A_62 = arith.constant 127 : i32
      %and3A_63 = vector.broadcast %and3A_62 : i32 to vector<16xi32>
      %and3A_64 = arith.andi %get3A_58, %and3A_63 : vector<16xi32>
      tpu.vector_store_idx %arg5[%shift_right_logical3A_61, %and3A_64], %broadcast_in_dim3A_3 {add = true} : memref<80x128xf32, #tpu.memory_space<vmem>>[vector<16xi32>, vector<16xi32>], vector<16xf32>,
      %get3A_65 = arith.index_cast %scan3A_49 : i32 to index
      %get3A_66 = arith.constant 32 : index
      %get3A_67 = tpu.vector_load %arg4[%get3A_65, %get3A_66] {strides = array<i32>} : memref<80x128xi32, #tpu.memory_space<vmem>>, vector<16xi32>,
      %shift_right_logical3A_68 = arith.constant 7 : i32
      %shift_right_logical3A_69 = vector.broadcast %shift_right_logical3A_68 : i32 to vector<16xi32>
      %shift_right_logical3A_70 = arith.shrui %get3A_67, %shift_right_logical3A_69 : vector<16xi32>
      %and3A_71 = arith.constant 127 : i32
      %and3A_72 = vector.broadcast %and3A_71 : i32 to vector<16xi32>
      %and3A_73 = arith.andi %get3A_67, %and3A_72 : vector<16xi32>
      tpu.vector_store_idx %arg5[%shift_right_logical3A_70, %and3A_73], %broadcast_in_dim3A_3 {add = true} : memref<80x128xf32, #tpu.memory_space<vmem>>[vector<16xi32>, vector<16xi32>], vector<16xf32>,
      %get3A_74 = arith.index_cast %scan3A_49 : i32 to index
      %get3A_75 = arith.constant 48 : index
      %get3A_76 = tpu.vector_load %arg4[%get3A_74, %get3A_75] {strides = array<i32>} : memref<80x128xi32, #tpu.memory_space<vmem>>, vector<16xi32>,
      %shift_right_logical3A_77 = arith.constant 7 : i32
      %shift_right_logical3A_78 = vector.broadcast %shift_right_logical3A_77 : i32 to vector<16xi32>
      %shift_right_logical3A_79 = arith.shrui %get3A_76, %shift_right_logical3A_78 : vector<16xi32>
      %and3A_80 = arith.constant 127 : i32
      %and3A_81 = vector.broadcast %and3A_80 : i32 to vector<16xi32>
      %and3A_82 = arith.andi %get3A_76, %and3A_81 : vector<16xi32>
      tpu.vector_store_idx %arg5[%shift_right_logical3A_79, %and3A_82], %broadcast_in_dim3A_3 {add = true} : memref<80x128xf32, #tpu.memory_space<vmem>>[vector<16xi32>, vector<16xi32>], vector<16xf32>,
      %get3A_83 = arith.index_cast %scan3A_49 : i32 to index
      %get3A_84 = arith.constant 64 : index
      %get3A_85 = tpu.vector_load %arg4[%get3A_83, %get3A_84] {strides = array<i32>} : memref<80x128xi32, #tpu.memory_space<vmem>>, vector<16xi32>,
      %shift_right_logical3A_86 = arith.constant 7 : i32
      %shift_right_logical3A_87 = vector.broadcast %shift_right_logical3A_86 : i32 to vector<16xi32>
      %shift_right_logical3A_88 = arith.shrui %get3A_85, %shift_right_logical3A_87 : vector<16xi32>
      %and3A_89 = arith.constant 127 : i32
      %and3A_90 = vector.broadcast %and3A_89 : i32 to vector<16xi32>
      %and3A_91 = arith.andi %get3A_85, %and3A_90 : vector<16xi32>
      tpu.vector_store_idx %arg5[%shift_right_logical3A_88, %and3A_91], %broadcast_in_dim3A_3 {add = true} : memref<80x128xf32, #tpu.memory_space<vmem>>[vector<16xi32>, vector<16xi32>], vector<16xf32>,
      %get3A_92 = arith.index_cast %scan3A_49 : i32 to index
      %get3A_93 = arith.constant 80 : index
      %get3A_94 = tpu.vector_load %arg4[%get3A_92, %get3A_93] {strides = array<i32>} : memref<80x128xi32, #tpu.memory_space<vmem>>, vector<16xi32>,
      %shift_right_logical3A_95 = arith.constant 7 : i32
      %shift_right_logical3A_96 = vector.broadcast %shift_right_logical3A_95 : i32 to vector<16xi32>
      %shift_right_logical3A_97 = arith.shrui %get3A_94, %shift_right_logical3A_96 : vector<16xi32>
      %and3A_98 = arith.constant 127 : i32
      %and3A_99 = vector.broadcast %and3A_98 : i32 to vector<16xi32>
      %and3A_100 = arith.andi %get3A_94, %and3A_99 : vector<16xi32>
      tpu.vector_store_idx %arg5[%shift_right_logical3A_97, %and3A_100], %broadcast_in_dim3A_3 {add = true} : memref<80x128xf32, #tpu.memory_space<vmem>>[vector<16xi32>, vector<16xi32>], vector<16xf32>,
      %get3A_101 = arith.index_cast %scan3A_49 : i32 to index
      %get3A_102 = arith.constant 96 : index
      %get3A_103 = tpu.vector_load %arg4[%get3A_101, %get3A_102] {strides = array<i32>} : memref<80x128xi32, #tpu.memory_space<vmem>>, vector<16xi32>,
      %shift_right_logical3A_104 = arith.constant 7 : i32
      %shift_right_logical3A_105 = vector.broadcast %shift_right_logical3A_104 : i32 to vector<16xi32>
      %shift_right_logical3A_106 = arith.shrui %get3A_103, %shift_right_logical3A_105 : vector<16xi32>
      %and3A_107 = arith.constant 127 : i32
      %and3A_108 = vector.broadcast %and3A_107 : i32 to vector<16xi32>
      %and3A_109 = arith.andi %get3A_103, %and3A_108 : vector<16xi32>
      tpu.vector_store_idx %arg5[%shift_right_logical3A_106, %and3A_109], %broadcast_in_dim3A_3 {add = true} : memref<80x128xf32, #tpu.memory_space<vmem>>[vector<16xi32>, vector<16xi32>], vector<16xf32>,
      %get3A_110 = arith.index_cast %scan3A_49 : i32 to index
      %get3A_111 = arith.constant 112 : index
      %get3A_112 = tpu.vector_load %arg4[%get3A_110, %get3A_111] {strides = array<i32>} : memref<80x128xi32, #tpu.memory_space<vmem>>, vector<16xi32>,
      %shift_right_logical3A_113 = arith.constant 7 : i32
      %shift_right_logical3A_114 = vector.broadcast %shift_right_logical3A_113 : i32 to vector<16xi32>
      %shift_right_logical3A_115 = arith.shrui %get3A_112, %shift_right_logical3A_114 : vector<16xi32>
      %and3A_116 = arith.constant 127 : i32
      %and3A_117 = vector.broadcast %and3A_116 : i32 to vector<16xi32>
      %and3A_118 = arith.andi %get3A_112, %and3A_117 : vector<16xi32>
      tpu.vector_store_idx %arg5[%shift_right_logical3A_115, %and3A_118], %broadcast_in_dim3A_3 {add = true} : memref<80x128xf32, #tpu.memory_space<vmem>>[vector<16xi32>, vector<16xi32>], vector<16xf32>,
    }
    %scan3A_42 = arith.constant 80 : i32
    "tpu.region"() ({
      %run_scoped3A = tpu.sem_alloc : memref<!tpu.dma_semaphore, #tpu.memory_space<semaphore_mem>>
      %dma_start3A = arith.constant 0 : i32
      %dma_start3A_49 = arith.constant 0 : i32
      %dma_start3A_50 = tpu.memref_slice %arg7[%dma_start3A, %dma_start3A_49] : memref<80x128xf32, #tpu.memory_space<vmem_shared>> -> memref<80x128xf32, #tpu.memory_space<vmem_shared>>
      tpu.enqueue_indirect_dma source(%arg5 : memref<80x128xf32, #tpu.memory_space<vmem>>) target(%dma_start3A_50 : memref<80x128xf32, #tpu.memory_space<vmem_shared>>) offsets(%arg6 : memref<80xi32, #tpu.memory_space<vmem>>) semaphore(%run_scoped3A : memref<!tpu.dma_semaphore, #tpu.memory_space<semaphore_mem>>) {add = true}
      %dma_wait3A = arith.constant 0 : i32
      %dma_wait3A_51 = arith.constant 0 : i32
      %dma_wait3A_52 = tpu.memref_slice %arg7[%dma_wait3A, %dma_wait3A_51] : memref<80x128xf32, #tpu.memory_space<vmem_shared>> -> memref<80x128xf32, #tpu.memory_space<vmem_shared>>
      tpu.wait_indirect_dma semaphore(%run_scoped3A : memref<!tpu.dma_semaphore, #tpu.memory_space<semaphore_mem>>) src(%arg5 : memref<80x128xf32, #tpu.memory_space<vmem>>) dst(%dma_wait3A_52 : memref<80x128xf32, #tpu.memory_space<vmem_shared>>)
      tpu.yield
    }) : () -> ()
    %barrier3A_43 = arith.constant 0 : index
    tpu.barrier barrier_id(%barrier3A_43)
    %eq3A_44 = arith.constant 0 : i32
    %eq3A_45 = arith.cmpi eq, %arg1, %eq3A_44 : i32
    %convert_element_type3A_46 = arith.extui %eq3A_45 : i1 to i32
    %cond3A_47 = arith.constant 0 : i32
    %cond3A_48 = arith.cmpi ne, %convert_element_type3A_46, %cond3A_47 : i32
    scf.if %cond3A_48 {
      "tpu.region"() ({
        %run_scoped3A = tpu.sem_alloc : memref<!tpu.dma_semaphore, #tpu.memory_space<semaphore_mem>>
        tpu.enqueue_dma source(%arg7 : memref<80x128xf32, #tpu.memory_space<vmem_shared>>) target(%arg5 : memref<80x128xf32, #tpu.memory_space<vmem>>) target_semaphore(%run_scoped3A : memref<!tpu.dma_semaphore, #tpu.memory_space<semaphore_mem>>)
        tpu.wait_dma2 semaphore(%run_scoped3A : memref<!tpu.dma_semaphore, #tpu.memory_space<semaphore_mem>>) src(%arg7 : memref<80x128xf32, #tpu.memory_space<vmem_shared>>) dst(%arg5 : memref<80x128xf32, #tpu.memory_space<vmem>>)
        tpu.yield
      }) : () -> ()
      %mul3A_49 = arith.constant 80 : i32
      %mul3A_50 = arith.muli %arg0, %mul3A_49 : i32
      "tpu.region"() ({
        %run_scoped3A = tpu.sem_alloc : memref<!tpu.dma_semaphore, #tpu.memory_space<semaphore_mem>>
        %dma_start3A = arith.constant 0 : i32
        %dma_start3A_51 = tpu.memref_slice %arg3[%mul3A_50, %dma_start3A] : memref<160x128xf32, #tpu.memory_space<hbm>> -> memref<80x128xf32, #tpu.memory_space<hbm>>
        %dma_start3A_52 = arith.constant 0 : i32
        %dma_start3A_53 = tpu.memref_slice %arg3[%mul3A_50, %dma_start3A_52] : memref<160x128xf32, #tpu.memory_space<hbm>> -> memref<80x128xf32, #tpu.memory_space<hbm>>
        tpu.enqueue_dma source(%arg5 : memref<80x128xf32, #tpu.memory_space<vmem>>) target(%dma_start3A_53 : memref<80x128xf32, #tpu.memory_space<hbm>>) target_semaphore(%run_scoped3A : memref<!tpu.dma_semaphore, #tpu.memory_space<semaphore_mem>>)
        %dma_wait3A = arith.constant 0 : i32
        %dma_wait3A_54 = tpu.memref_slice %arg3[%mul3A_50, %dma_wait3A] : memref<160x128xf32, #tpu.memory_space<hbm>> -> memref<80x128xf32, #tpu.memory_space<hbm>>
        %dma_wait3A_55 = arith.constant 0 : i32
        %dma_wait3A_56 = tpu.memref_slice %arg3[%mul3A_50, %dma_wait3A_55] : memref<160x128xf32, #tpu.memory_space<hbm>> -> memref<80x128xf32, #tpu.memory_space<hbm>>
        tpu.wait_dma2 semaphore(%run_scoped3A : memref<!tpu.dma_semaphore, #tpu.memory_space<semaphore_mem>>) src(%arg5 : memref<80x128xf32, #tpu.memory_space<vmem>>) dst(%dma_wait3A_56 : memref<80x128xf32, #tpu.memory_space<hbm>>)
        tpu.yield
      }) : () -> ()
    } else {
    }
    return
  }
}

#map = affine_map<(d0, d1) -> (0, 0)>
module attributes {stable_mosaic.version = 14 : i64} {
  func.func @_scat_body(%arg0: i32, %arg1: i32, %arg2: memref<10000x128xf32, #tpu.memory_space<hbm>>, %arg3: memref<2560x128xi32, #tpu.memory_space<hbm>>, %arg4: memref<2560x128xi32, #tpu.memory_space<hbm>>, %arg5: memref<128x128xf32, #tpu.memory_space<hbm>>, %arg6: memref<20480x128xf32, #tpu.memory_space<hbm>>, %arg7: memref<8x128xi32, #tpu.memory_space<vmem>>, %arg8: memref<8x128xi32, #tpu.memory_space<vmem>>, %arg9: memref<8x128xi32, #tpu.memory_space<vmem>>, %arg10: memref<8x128xi32, #tpu.memory_space<vmem>>, %arg11: memref<128x128xf32, #tpu.memory_space<vmem>>, %arg12: memref<128x128xf32, #tpu.memory_space<vmem>>, %arg13: memref<10240x128xf32, #tpu.memory_space<vmem_shared>>, %arg14: memref<!tpu.dma_semaphore, #tpu.memory_space<semaphore_mem>>, %arg15: memref<!tpu.dma_semaphore, #tpu.memory_space<semaphore_mem>>, %arg16: memref<!tpu.dma_semaphore, #tpu.memory_space<semaphore_mem>>, %arg17: memref<!tpu.dma_semaphore, #tpu.memory_space<semaphore_mem>>) attributes {dimension_semantics = [#tpu.dimension_semantics<core_parallel>, #tpu.dimension_semantics<subcore_parallel>], iteration_bounds = array<i64: 2, 16>, scalar_prefetch = 0 : i64, scratch_operands = 11 : i64, tpu.core_type = #tpu.core_type<sc_vector_subcore>, window_params = [{transform_indices = #map}, {transform_indices = #map}, {transform_indices = #map}, {transform_indices = #map}, {transform_indices = #map}]} {
    %eq3A = arith.constant 0 : i32
    %eq3A_0 = arith.cmpi eq, %arg0, %eq3A : i32
    %mul3A = arith.constant 152 : i32
    %mul3A_1 = arith.muli %arg1, %mul3A : i32
    %mul3A_2 = arith.constant 8 : i32
    %mul3A_3 = arith.muli %arg1, %mul3A_2 : i32
    %add3A = arith.constant 2432 : i32
    %add3A_4 = arith.addi %add3A, %mul3A_3 : i32
    %select_n3A = arith.select %eq3A_0, %mul3A_1, %add3A_4 : i32
    %eq3A_5 = arith.constant 0 : i32
    %eq3A_6 = arith.cmpi eq, %arg0, %eq3A_5 : i32
    %jit3A = arith.constant 19 : i32
    %jit3A_7 = arith.constant 1 : i32
    %select_n3A_8 = arith.select %eq3A_6, %jit3A, %jit3A_7 : i32
    "tpu.region"() ({
      %run_scoped3A = tpu.sem_alloc : memref<!tpu.dma_semaphore, #tpu.memory_space<semaphore_mem>>
      tpu.enqueue_dma source(%arg5 : memref<128x128xf32, #tpu.memory_space<hbm>>) target(%arg11 : memref<128x128xf32, #tpu.memory_space<vmem>>) target_semaphore(%run_scoped3A : memref<!tpu.dma_semaphore, #tpu.memory_space<semaphore_mem>>)
      tpu.wait_dma2 semaphore(%run_scoped3A : memref<!tpu.dma_semaphore, #tpu.memory_space<semaphore_mem>>) src(%arg5 : memref<128x128xf32, #tpu.memory_space<hbm>>) dst(%arg11 : memref<128x128xf32, #tpu.memory_space<vmem>>)
      tpu.yield
    }) : () -> ()
    %mul3A_9 = arith.constant 640 : i32
    %mul3A_10 = arith.muli %arg1, %mul3A_9 : i32
    %add3A_11 = arith.constant 0 : i32
    %add3A_12 = arith.addi %mul3A_10, %add3A_11 : i32
    "tpu.region"() ({
      %run_scoped3A = tpu.sem_alloc : memref<!tpu.dma_semaphore, #tpu.memory_space<semaphore_mem>>
      %dma_start3A_81 = arith.constant 0 : i32
      %dma_start3A_82 = tpu.memref_slice %arg13[%add3A_12, %dma_start3A_81] : memref<10240x128xf32, #tpu.memory_space<vmem_shared>> -> memref<128x128xf32, #tpu.memory_space<vmem_shared>>
      %dma_start3A_83 = arith.constant 0 : i32
      %dma_start3A_84 = tpu.memref_slice %arg13[%add3A_12, %dma_start3A_83] : memref<10240x128xf32, #tpu.memory_space<vmem_shared>> -> memref<128x128xf32, #tpu.memory_space<vmem_shared>>
      tpu.enqueue_dma source(%arg11 : memref<128x128xf32, #tpu.memory_space<vmem>>) target(%dma_start3A_84 : memref<128x128xf32, #tpu.memory_space<vmem_shared>>) target_semaphore(%run_scoped3A : memref<!tpu.dma_semaphore, #tpu.memory_space<semaphore_mem>>)
      %dma_wait3A = arith.constant 0 : i32
      %dma_wait3A_85 = tpu.memref_slice %arg13[%add3A_12, %dma_wait3A] : memref<10240x128xf32, #tpu.memory_space<vmem_shared>> -> memref<128x128xf32, #tpu.memory_space<vmem_shared>>
      %dma_wait3A_86 = arith.constant 0 : i32
      %dma_wait3A_87 = tpu.memref_slice %arg13[%add3A_12, %dma_wait3A_86] : memref<10240x128xf32, #tpu.memory_space<vmem_shared>> -> memref<128x128xf32, #tpu.memory_space<vmem_shared>>
      tpu.wait_dma2 semaphore(%run_scoped3A : memref<!tpu.dma_semaphore, #tpu.memory_space<semaphore_mem>>) src(%arg11 : memref<128x128xf32, #tpu.memory_space<vmem>>) dst(%dma_wait3A_87 : memref<128x128xf32, #tpu.memory_space<vmem_shared>>)
      tpu.yield
    }) : () -> ()
    %add3A_13 = arith.constant 128 : i32
    %add3A_14 = arith.addi %mul3A_10, %add3A_13 : i32
    "tpu.region"() ({
      %run_scoped3A = tpu.sem_alloc : memref<!tpu.dma_semaphore, #tpu.memory_space<semaphore_mem>>
      %dma_start3A_81 = arith.constant 0 : i32
      %dma_start3A_82 = tpu.memref_slice %arg13[%add3A_14, %dma_start3A_81] : memref<10240x128xf32, #tpu.memory_space<vmem_shared>> -> memref<128x128xf32, #tpu.memory_space<vmem_shared>>
      %dma_start3A_83 = arith.constant 0 : i32
      %dma_start3A_84 = tpu.memref_slice %arg13[%add3A_14, %dma_start3A_83] : memref<10240x128xf32, #tpu.memory_space<vmem_shared>> -> memref<128x128xf32, #tpu.memory_space<vmem_shared>>
      tpu.enqueue_dma source(%arg11 : memref<128x128xf32, #tpu.memory_space<vmem>>) target(%dma_start3A_84 : memref<128x128xf32, #tpu.memory_space<vmem_shared>>) target_semaphore(%run_scoped3A : memref<!tpu.dma_semaphore, #tpu.memory_space<semaphore_mem>>)
      %dma_wait3A = arith.constant 0 : i32
      %dma_wait3A_85 = tpu.memref_slice %arg13[%add3A_14, %dma_wait3A] : memref<10240x128xf32, #tpu.memory_space<vmem_shared>> -> memref<128x128xf32, #tpu.memory_space<vmem_shared>>
      %dma_wait3A_86 = arith.constant 0 : i32
      %dma_wait3A_87 = tpu.memref_slice %arg13[%add3A_14, %dma_wait3A_86] : memref<10240x128xf32, #tpu.memory_space<vmem_shared>> -> memref<128x128xf32, #tpu.memory_space<vmem_shared>>
      tpu.wait_dma2 semaphore(%run_scoped3A : memref<!tpu.dma_semaphore, #tpu.memory_space<semaphore_mem>>) src(%arg11 : memref<128x128xf32, #tpu.memory_space<vmem>>) dst(%dma_wait3A_87 : memref<128x128xf32, #tpu.memory_space<vmem_shared>>)
      tpu.yield
    }) : () -> ()
    %add3A_15 = arith.constant 256 : i32
    %add3A_16 = arith.addi %mul3A_10, %add3A_15 : i32
    "tpu.region"() ({
      %run_scoped3A = tpu.sem_alloc : memref<!tpu.dma_semaphore, #tpu.memory_space<semaphore_mem>>
      %dma_start3A_81 = arith.constant 0 : i32
      %dma_start3A_82 = tpu.memref_slice %arg13[%add3A_16, %dma_start3A_81] : memref<10240x128xf32, #tpu.memory_space<vmem_shared>> -> memref<128x128xf32, #tpu.memory_space<vmem_shared>>
      %dma_start3A_83 = arith.constant 0 : i32
      %dma_start3A_84 = tpu.memref_slice %arg13[%add3A_16, %dma_start3A_83] : memref<10240x128xf32, #tpu.memory_space<vmem_shared>> -> memref<128x128xf32, #tpu.memory_space<vmem_shared>>
      tpu.enqueue_dma source(%arg11 : memref<128x128xf32, #tpu.memory_space<vmem>>) target(%dma_start3A_84 : memref<128x128xf32, #tpu.memory_space<vmem_shared>>) target_semaphore(%run_scoped3A : memref<!tpu.dma_semaphore, #tpu.memory_space<semaphore_mem>>)
      %dma_wait3A = arith.constant 0 : i32
      %dma_wait3A_85 = tpu.memref_slice %arg13[%add3A_16, %dma_wait3A] : memref<10240x128xf32, #tpu.memory_space<vmem_shared>> -> memref<128x128xf32, #tpu.memory_space<vmem_shared>>
      %dma_wait3A_86 = arith.constant 0 : i32
      %dma_wait3A_87 = tpu.memref_slice %arg13[%add3A_16, %dma_wait3A_86] : memref<10240x128xf32, #tpu.memory_space<vmem_shared>> -> memref<128x128xf32, #tpu.memory_space<vmem_shared>>
      tpu.wait_dma2 semaphore(%run_scoped3A : memref<!tpu.dma_semaphore, #tpu.memory_space<semaphore_mem>>) src(%arg11 : memref<128x128xf32, #tpu.memory_space<vmem>>) dst(%dma_wait3A_87 : memref<128x128xf32, #tpu.memory_space<vmem_shared>>)
      tpu.yield
    }) : () -> ()
    %add3A_17 = arith.constant 384 : i32
    %add3A_18 = arith.addi %mul3A_10, %add3A_17 : i32
    "tpu.region"() ({
      %run_scoped3A = tpu.sem_alloc : memref<!tpu.dma_semaphore, #tpu.memory_space<semaphore_mem>>
      %dma_start3A_81 = arith.constant 0 : i32
      %dma_start3A_82 = tpu.memref_slice %arg13[%add3A_18, %dma_start3A_81] : memref<10240x128xf32, #tpu.memory_space<vmem_shared>> -> memref<128x128xf32, #tpu.memory_space<vmem_shared>>
      %dma_start3A_83 = arith.constant 0 : i32
      %dma_start3A_84 = tpu.memref_slice %arg13[%add3A_18, %dma_start3A_83] : memref<10240x128xf32, #tpu.memory_space<vmem_shared>> -> memref<128x128xf32, #tpu.memory_space<vmem_shared>>
      tpu.enqueue_dma source(%arg11 : memref<128x128xf32, #tpu.memory_space<vmem>>) target(%dma_start3A_84 : memref<128x128xf32, #tpu.memory_space<vmem_shared>>) target_semaphore(%run_scoped3A : memref<!tpu.dma_semaphore, #tpu.memory_space<semaphore_mem>>)
      %dma_wait3A = arith.constant 0 : i32
      %dma_wait3A_85 = tpu.memref_slice %arg13[%add3A_18, %dma_wait3A] : memref<10240x128xf32, #tpu.memory_space<vmem_shared>> -> memref<128x128xf32, #tpu.memory_space<vmem_shared>>
      %dma_wait3A_86 = arith.constant 0 : i32
      %dma_wait3A_87 = tpu.memref_slice %arg13[%add3A_18, %dma_wait3A_86] : memref<10240x128xf32, #tpu.memory_space<vmem_shared>> -> memref<128x128xf32, #tpu.memory_space<vmem_shared>>
      tpu.wait_dma2 semaphore(%run_scoped3A : memref<!tpu.dma_semaphore, #tpu.memory_space<semaphore_mem>>) src(%arg11 : memref<128x128xf32, #tpu.memory_space<vmem>>) dst(%dma_wait3A_87 : memref<128x128xf32, #tpu.memory_space<vmem_shared>>)
      tpu.yield
    }) : () -> ()
    %add3A_19 = arith.constant 512 : i32
    %add3A_20 = arith.addi %mul3A_10, %add3A_19 : i32
    "tpu.region"() ({
      %run_scoped3A = tpu.sem_alloc : memref<!tpu.dma_semaphore, #tpu.memory_space<semaphore_mem>>
      %dma_start3A_81 = arith.constant 0 : i32
      %dma_start3A_82 = tpu.memref_slice %arg13[%add3A_20, %dma_start3A_81] : memref<10240x128xf32, #tpu.memory_space<vmem_shared>> -> memref<128x128xf32, #tpu.memory_space<vmem_shared>>
      %dma_start3A_83 = arith.constant 0 : i32
      %dma_start3A_84 = tpu.memref_slice %arg13[%add3A_20, %dma_start3A_83] : memref<10240x128xf32, #tpu.memory_space<vmem_shared>> -> memref<128x128xf32, #tpu.memory_space<vmem_shared>>
      tpu.enqueue_dma source(%arg11 : memref<128x128xf32, #tpu.memory_space<vmem>>) target(%dma_start3A_84 : memref<128x128xf32, #tpu.memory_space<vmem_shared>>) target_semaphore(%run_scoped3A : memref<!tpu.dma_semaphore, #tpu.memory_space<semaphore_mem>>)
      %dma_wait3A = arith.constant 0 : i32
      %dma_wait3A_85 = tpu.memref_slice %arg13[%add3A_20, %dma_wait3A] : memref<10240x128xf32, #tpu.memory_space<vmem_shared>> -> memref<128x128xf32, #tpu.memory_space<vmem_shared>>
      %dma_wait3A_86 = arith.constant 0 : i32
      %dma_wait3A_87 = tpu.memref_slice %arg13[%add3A_20, %dma_wait3A_86] : memref<10240x128xf32, #tpu.memory_space<vmem_shared>> -> memref<128x128xf32, #tpu.memory_space<vmem_shared>>
      tpu.wait_dma2 semaphore(%run_scoped3A : memref<!tpu.dma_semaphore, #tpu.memory_space<semaphore_mem>>) src(%arg11 : memref<128x128xf32, #tpu.memory_space<vmem>>) dst(%dma_wait3A_87 : memref<128x128xf32, #tpu.memory_space<vmem_shared>>)
      tpu.yield
    }) : () -> ()
    %barrier3A = arith.constant 0 : index
    tpu.barrier barrier_id(%barrier3A)
    "tpu.region"() ({
      %run_scoped3A = tpu.sem_alloc : memref<!tpu.dma_semaphore, #tpu.memory_space<semaphore_mem>>
      %dma_start3A_81 = arith.constant 0 : i32
      %dma_start3A_82 = tpu.memref_slice %arg3[%select_n3A, %dma_start3A_81] : memref<2560x128xi32, #tpu.memory_space<hbm>> -> memref<8x128xi32, #tpu.memory_space<hbm>>
      %dma_start3A_83 = arith.constant 0 : i32
      %dma_start3A_84 = tpu.memref_slice %arg3[%select_n3A, %dma_start3A_83] : memref<2560x128xi32, #tpu.memory_space<hbm>> -> memref<8x128xi32, #tpu.memory_space<hbm>>
      tpu.enqueue_dma source(%dma_start3A_84 : memref<8x128xi32, #tpu.memory_space<hbm>>) target(%arg7 : memref<8x128xi32, #tpu.memory_space<vmem>>) target_semaphore(%run_scoped3A : memref<!tpu.dma_semaphore, #tpu.memory_space<semaphore_mem>>)
      %dma_wait3A = arith.constant 0 : i32
      %dma_wait3A_85 = tpu.memref_slice %arg3[%select_n3A, %dma_wait3A] : memref<2560x128xi32, #tpu.memory_space<hbm>> -> memref<8x128xi32, #tpu.memory_space<hbm>>
      %dma_wait3A_86 = arith.constant 0 : i32
      %dma_wait3A_87 = tpu.memref_slice %arg3[%select_n3A, %dma_wait3A_86] : memref<2560x128xi32, #tpu.memory_space<hbm>> -> memref<8x128xi32, #tpu.memory_space<hbm>>
      tpu.wait_dma2 semaphore(%run_scoped3A : memref<!tpu.dma_semaphore, #tpu.memory_space<semaphore_mem>>) src(%dma_wait3A_87 : memref<8x128xi32, #tpu.memory_space<hbm>>) dst(%arg7 : memref<8x128xi32, #tpu.memory_space<vmem>>)
      tpu.yield
    }) : () -> ()
    "tpu.region"() ({
      %run_scoped3A = tpu.sem_alloc : memref<!tpu.dma_semaphore, #tpu.memory_space<semaphore_mem>>
      %dma_start3A_81 = arith.constant 0 : i32
      %dma_start3A_82 = tpu.memref_slice %arg4[%select_n3A, %dma_start3A_81] : memref<2560x128xi32, #tpu.memory_space<hbm>> -> memref<8x128xi32, #tpu.memory_space<hbm>>
      %dma_start3A_83 = arith.constant 0 : i32
      %dma_start3A_84 = tpu.memref_slice %arg4[%select_n3A, %dma_start3A_83] : memref<2560x128xi32, #tpu.memory_space<hbm>> -> memref<8x128xi32, #tpu.memory_space<hbm>>
      tpu.enqueue_dma source(%dma_start3A_84 : memref<8x128xi32, #tpu.memory_space<hbm>>) target(%arg9 : memref<8x128xi32, #tpu.memory_space<vmem>>) target_semaphore(%run_scoped3A : memref<!tpu.dma_semaphore, #tpu.memory_space<semaphore_mem>>)
      %dma_wait3A = arith.constant 0 : i32
      %dma_wait3A_85 = tpu.memref_slice %arg4[%select_n3A, %dma_wait3A] : memref<2560x128xi32, #tpu.memory_space<hbm>> -> memref<8x128xi32, #tpu.memory_space<hbm>>
      %dma_wait3A_86 = arith.constant 0 : i32
      %dma_wait3A_87 = tpu.memref_slice %arg4[%select_n3A, %dma_wait3A_86] : memref<2560x128xi32, #tpu.memory_space<hbm>> -> memref<8x128xi32, #tpu.memory_space<hbm>>
      tpu.wait_dma2 semaphore(%run_scoped3A : memref<!tpu.dma_semaphore, #tpu.memory_space<semaphore_mem>>) src(%dma_wait3A_87 : memref<8x128xi32, #tpu.memory_space<hbm>>) dst(%arg9 : memref<8x128xi32, #tpu.memory_space<vmem>>)
      tpu.yield
    }) : () -> ()
    %dma_start3A = arith.constant 0 : i32
    %dma_start3A_21 = arith.constant 0 : i32
    %dma_start3A_22 = tpu.memref_slice %arg7[%dma_start3A, %dma_start3A_21] : memref<8x128xi32, #tpu.memory_space<vmem>> -> memref<1x128xi32, #tpu.memory_space<vmem>>
    %dma_start3A_23 = tpu.memref_squeeze %dma_start3A_22 : memref<1x128xi32, #tpu.memory_space<vmem>> -> memref<128xi32, #tpu.memory_space<vmem>>
    %dma_start3A_24 = arith.constant 0 : i32
    %dma_start3A_25 = arith.constant 0 : i32
    %dma_start3A_26 = tpu.memref_slice %arg2[%dma_start3A_24, %dma_start3A_25] : memref<10000x128xf32, #tpu.memory_space<hbm>> -> memref<10000x128xf32, #tpu.memory_space<hbm>>
    tpu.enqueue_indirect_dma source(%dma_start3A_26 : memref<10000x128xf32, #tpu.memory_space<hbm>>) target(%arg11 : memref<128x128xf32, #tpu.memory_space<vmem>>) offsets(%dma_start3A_23 : memref<128xi32, #tpu.memory_space<vmem>>) semaphore(%arg14 : memref<!tpu.dma_semaphore, #tpu.memory_space<semaphore_mem>>)
    %dma_start3A_27 = arith.constant 1 : i32
    %dma_start3A_28 = arith.constant 0 : i32
    %dma_start3A_29 = tpu.memref_slice %arg7[%dma_start3A_27, %dma_start3A_28] : memref<8x128xi32, #tpu.memory_space<vmem>> -> memref<1x128xi32, #tpu.memory_space<vmem>>
    %dma_start3A_30 = tpu.memref_squeeze %dma_start3A_29 : memref<1x128xi32, #tpu.memory_space<vmem>> -> memref<128xi32, #tpu.memory_space<vmem>>
    %dma_start3A_31 = arith.constant 0 : i32
    %dma_start3A_32 = arith.constant 0 : i32
    %dma_start3A_33 = tpu.memref_slice %arg2[%dma_start3A_31, %dma_start3A_32] : memref<10000x128xf32, #tpu.memory_space<hbm>> -> memref<10000x128xf32, #tpu.memory_space<hbm>>
    tpu.enqueue_indirect_dma source(%dma_start3A_33 : memref<10000x128xf32, #tpu.memory_space<hbm>>) target(%arg12 : memref<128x128xf32, #tpu.memory_space<vmem>>) offsets(%dma_start3A_30 : memref<128xi32, #tpu.memory_space<vmem>>) semaphore(%arg15 : memref<!tpu.dma_semaphore, #tpu.memory_space<semaphore_mem>>)
    %gt3A = arith.constant 1 : i32
    %gt3A_34 = arith.cmpi sgt, %select_n3A_8, %gt3A : i32
    %convert_element_type3A = arith.extui %gt3A_34 : i1 to i32
    %cond3A = arith.constant 0 : i32
    %cond3A_35 = arith.cmpi ne, %convert_element_type3A, %cond3A : i32
    scf.if %cond3A_35 {
      %add3A_81 = arith.constant 8 : i32
      %add3A_82 = arith.addi %select_n3A, %add3A_81 : i32
      %dma_start3A_83 = arith.constant 0 : i32
      %dma_start3A_84 = tpu.memref_slice %arg3[%add3A_82, %dma_start3A_83] : memref<2560x128xi32, #tpu.memory_space<hbm>> -> memref<8x128xi32, #tpu.memory_space<hbm>>
      %dma_start3A_85 = arith.constant 0 : i32
      %dma_start3A_86 = tpu.memref_slice %arg3[%add3A_82, %dma_start3A_85] : memref<2560x128xi32, #tpu.memory_space<hbm>> -> memref<8x128xi32, #tpu.memory_space<hbm>>
      tpu.enqueue_dma source(%dma_start3A_86 : memref<8x128xi32, #tpu.memory_space<hbm>>) target(%arg8 : memref<8x128xi32, #tpu.memory_space<vmem>>) target_semaphore(%arg17 : memref<!tpu.dma_semaphore, #tpu.memory_space<semaphore_mem>>)
      %add3A_87 = arith.constant 8 : i32
      %add3A_88 = arith.addi %select_n3A, %add3A_87 : i32
      %dma_start3A_89 = arith.constant 0 : i32
      %dma_start3A_90 = tpu.memref_slice %arg4[%add3A_88, %dma_start3A_89] : memref<2560x128xi32, #tpu.memory_space<hbm>> -> memref<8x128xi32, #tpu.memory_space<hbm>>
      %dma_start3A_91 = arith.constant 0 : i32
      %dma_start3A_92 = tpu.memref_slice %arg4[%add3A_88, %dma_start3A_91] : memref<2560x128xi32, #tpu.memory_space<hbm>> -> memref<8x128xi32, #tpu.memory_space<hbm>>
      tpu.enqueue_dma source(%dma_start3A_92 : memref<8x128xi32, #tpu.memory_space<hbm>>) target(%arg10 : memref<8x128xi32, #tpu.memory_space<vmem>>) target_semaphore(%arg17 : memref<!tpu.dma_semaphore, #tpu.memory_space<semaphore_mem>>)
    } else {
    }
    %while3A = arith.constant 0 : i32
    %while3A_36 = arith.constant 0 : i32
    %while3A_37 = arith.subi %select_n3A_8, %while3A_36 : i32
    %while3A_38 = arith.addi %while3A_36, %while3A_37 : i32
    %while3A_39 = arith.constant 1 : i32
    %while3A_40 = arith.divsi %while3A_37, %while3A_39 : i32
    %while3A_41 = arith.muli %while3A_40, %while3A_39 : i32
    %while3A_42 = arith.addi %while3A_36, %while3A_41 : i32
    %while3A_43 = arith.constant 1 : i32
    scf.for %while3A_81 = %while3A_36 to %while3A_42 step %while3A_43  : i32 {
      %rem3A = arith.constant 2 : i32
      %rem3A_82 = arith.remsi %while3A_81, %rem3A : i32
      %sub3A = arith.constant 1 : i32
      %sub3A_83 = arith.subi %sub3A, %rem3A_82 : i32
      %dma_wait3A = arith.constant 0 : i32
      %dma_wait3A_84 = arith.constant 0 : i32
      %dma_wait3A_85 = tpu.memref_slice %arg7[%dma_wait3A, %dma_wait3A_84] : memref<8x128xi32, #tpu.memory_space<vmem>> -> memref<1x128xi32, #tpu.memory_space<vmem>>
      %dma_wait3A_86 = tpu.memref_squeeze %dma_wait3A_85 : memref<1x128xi32, #tpu.memory_space<vmem>> -> memref<128xi32, #tpu.memory_space<vmem>>
      %dma_wait3A_87 = arith.constant 0 : i32
      %dma_wait3A_88 = arith.constant 0 : i32
      %dma_wait3A_89 = tpu.memref_slice %arg2[%dma_wait3A_87, %dma_wait3A_88] : memref<10000x128xf32, #tpu.memory_space<hbm>> -> memref<10000x128xf32, #tpu.memory_space<hbm>>
      tpu.wait_indirect_dma semaphore(%arg14 : memref<!tpu.dma_semaphore, #tpu.memory_space<semaphore_mem>>) src(%dma_wait3A_89 : memref<10000x128xf32, #tpu.memory_space<hbm>>) dst(%arg11 : memref<128x128xf32, #tpu.memory_space<vmem>>)
      %eq3A_90 = arith.constant 0 : i32
      %eq3A_91 = arith.cmpi eq, %rem3A_82, %eq3A_90 : i32
      %convert_element_type3A_92 = arith.extui %eq3A_91 : i1 to i32
      %cond3A_93 = arith.constant 0 : i32
      %cond3A_94 = arith.cmpi ne, %convert_element_type3A_92, %cond3A_93 : i32
      scf.if %cond3A_94 {
        %run_scoped3A = arith.constant 0 : i32
        "tpu.region"() ({
          %run_scoped3A_302 = tpu.sem_alloc : memref<!tpu.dma_semaphore, #tpu.memory_space<semaphore_mem>>
          %dma_start3A_303 = arith.constant 0 : i32
          %dma_start3A_304 = tpu.memref_slice %arg9[%run_scoped3A, %dma_start3A_303] : memref<8x128xi32, #tpu.memory_space<vmem>> -> memref<1x128xi32, #tpu.memory_space<vmem>>
          %dma_start3A_305 = tpu.memref_squeeze %dma_start3A_304 : memref<1x128xi32, #tpu.memory_space<vmem>> -> memref<128xi32, #tpu.memory_space<vmem>>
          %dma_start3A_306 = arith.constant 0 : i32
          %dma_start3A_307 = arith.constant 0 : i32
          %dma_start3A_308 = tpu.memref_slice %arg13[%dma_start3A_306, %dma_start3A_307] : memref<10240x128xf32, #tpu.memory_space<vmem_shared>> -> memref<10240x128xf32, #tpu.memory_space<vmem_shared>>
          tpu.enqueue_indirect_dma source(%arg11 : memref<128x128xf32, #tpu.memory_space<vmem>>) target(%dma_start3A_308 : memref<10240x128xf32, #tpu.memory_space<vmem_shared>>) offsets(%dma_start3A_305 : memref<128xi32, #tpu.memory_space<vmem>>) semaphore(%run_scoped3A_302 : memref<!tpu.dma_semaphore, #tpu.memory_space<semaphore_mem>>) {add = true}
          %dma_wait3A_309 = arith.constant 0 : i32
          %dma_wait3A_310 = tpu.memref_slice %arg9[%run_scoped3A, %dma_wait3A_309] : memref<8x128xi32, #tpu.memory_space<vmem>> -> memref<1x128xi32, #tpu.memory_space<vmem>>
          %dma_wait3A_311 = tpu.memref_squeeze %dma_wait3A_310 : memref<1x128xi32, #tpu.memory_space<vmem>> -> memref<128xi32, #tpu.memory_space<vmem>>
          %dma_wait3A_312 = arith.constant 0 : i32
          %dma_wait3A_313 = arith.constant 0 : i32
          %dma_wait3A_314 = tpu.memref_slice %arg13[%dma_wait3A_312, %dma_wait3A_313] : memref<10240x128xf32, #tpu.memory_space<vmem_shared>> -> memref<10240x128xf32, #tpu.memory_space<vmem_shared>>
          tpu.wait_indirect_dma semaphore(%run_scoped3A_302 : memref<!tpu.dma_semaphore, #tpu.memory_space<semaphore_mem>>) src(%arg11 : memref<128x128xf32, #tpu.memory_space<vmem>>) dst(%dma_wait3A_314 : memref<10240x128xf32, #tpu.memory_space<vmem_shared>>)
          tpu.yield
        }) : () -> ()
      } else {
      }
      %eq3A_95 = arith.constant 1 : i32
      %eq3A_96 = arith.cmpi eq, %rem3A_82, %eq3A_95 : i32
      %convert_element_type3A_97 = arith.extui %eq3A_96 : i1 to i32
      %cond3A_98 = arith.constant 0 : i32
      %cond3A_99 = arith.cmpi ne, %convert_element_type3A_97, %cond3A_98 : i32
      scf.if %cond3A_99 {
        %run_scoped3A = arith.constant 0 : i32
        "tpu.region"() ({
          %run_scoped3A_302 = tpu.sem_alloc : memref<!tpu.dma_semaphore, #tpu.memory_space<semaphore_mem>>
          %dma_start3A_303 = arith.constant 0 : i32
          %dma_start3A_304 = tpu.memref_slice %arg10[%run_scoped3A, %dma_start3A_303] : memref<8x128xi32, #tpu.memory_space<vmem>> -> memref<1x128xi32, #tpu.memory_space<vmem>>
          %dma_start3A_305 = tpu.memref_squeeze %dma_start3A_304 : memref<1x128xi32, #tpu.memory_space<vmem>> -> memref<128xi32, #tpu.memory_space<vmem>>
          %dma_start3A_306 = arith.constant 0 : i32
          %dma_start3A_307 = arith.constant 0 : i32
          %dma_start3A_308 = tpu.memref_slice %arg13[%dma_start3A_306, %dma_start3A_307] : memref<10240x128xf32, #tpu.memory_space<vmem_shared>> -> memref<10240x128xf32, #tpu.memory_space<vmem_shared>>
          tpu.enqueue_indirect_dma source(%arg11 : memref<128x128xf32, #tpu.memory_space<vmem>>) target(%dma_start3A_308 : memref<10240x128xf32, #tpu.memory_space<vmem_shared>>) offsets(%dma_start3A_305 : memref<128xi32, #tpu.memory_space<vmem>>) semaphore(%run_scoped3A_302 : memref<!tpu.dma_semaphore, #tpu.memory_space<semaphore_mem>>) {add = true}
          %dma_wait3A_309 = arith.constant 0 : i32
          %dma_wait3A_310 = tpu.memref_slice %arg10[%run_scoped3A, %dma_wait3A_309] : memref<8x128xi32, #tpu.memory_space<vmem>> -> memref<1x128xi32, #tpu.memory_space<vmem>>
          %dma_wait3A_311 = tpu.memref_squeeze %dma_wait3A_310 : memref<1x128xi32, #tpu.memory_space<vmem>> -> memref<128xi32, #tpu.memory_space<vmem>>
          %dma_wait3A_312 = arith.constant 0 : i32
          %dma_wait3A_313 = arith.constant 0 : i32
          %dma_wait3A_314 = tpu.memref_slice %arg13[%dma_wait3A_312, %dma_wait3A_313] : memref<10240x128xf32, #tpu.memory_space<vmem_shared>> -> memref<10240x128xf32, #tpu.memory_space<vmem_shared>>
          tpu.wait_indirect_dma semaphore(%run_scoped3A_302 : memref<!tpu.dma_semaphore, #tpu.memory_space<semaphore_mem>>) src(%arg11 : memref<128x128xf32, #tpu.memory_space<vmem>>) dst(%dma_wait3A_314 : memref<10240x128xf32, #tpu.memory_space<vmem_shared>>)
          tpu.yield
        }) : () -> ()
      } else {
      }
      %eq3A_100 = arith.constant 0 : i32
      %eq3A_101 = arith.cmpi eq, %rem3A_82, %eq3A_100 : i32
      %convert_element_type3A_102 = arith.extui %eq3A_101 : i1 to i32
      %cond3A_103 = arith.constant 0 : i32
      %cond3A_104 = arith.cmpi ne, %convert_element_type3A_102, %cond3A_103 : i32
      scf.if %cond3A_104 {
        %dma_start3A_302 = arith.constant 2 : i32
        %dma_start3A_303 = arith.constant 0 : i32
        %dma_start3A_304 = tpu.memref_slice %arg7[%dma_start3A_302, %dma_start3A_303] : memref<8x128xi32, #tpu.memory_space<vmem>> -> memref<1x128xi32, #tpu.memory_space<vmem>>
        %dma_start3A_305 = tpu.memref_squeeze %dma_start3A_304 : memref<1x128xi32, #tpu.memory_space<vmem>> -> memref<128xi32, #tpu.memory_space<vmem>>
        %dma_start3A_306 = arith.constant 0 : i32
        %dma_start3A_307 = arith.constant 0 : i32
        %dma_start3A_308 = tpu.memref_slice %arg2[%dma_start3A_306, %dma_start3A_307] : memref<10000x128xf32, #tpu.memory_space<hbm>> -> memref<10000x128xf32, #tpu.memory_space<hbm>>
        tpu.enqueue_indirect_dma source(%dma_start3A_308 : memref<10000x128xf32, #tpu.memory_space<hbm>>) target(%arg11 : memref<128x128xf32, #tpu.memory_space<vmem>>) offsets(%dma_start3A_305 : memref<128xi32, #tpu.memory_space<vmem>>) semaphore(%arg14 : memref<!tpu.dma_semaphore, #tpu.memory_space<semaphore_mem>>)
      } else {
      }
      %eq3A_105 = arith.constant 1 : i32
      %eq3A_106 = arith.cmpi eq, %rem3A_82, %eq3A_105 : i32
      %convert_element_type3A_107 = arith.extui %eq3A_106 : i1 to i32
      %cond3A_108 = arith.constant 0 : i32
      %cond3A_109 = arith.cmpi ne, %convert_element_type3A_107, %cond3A_108 : i32
      scf.if %cond3A_109 {
        %dma_start3A_302 = arith.constant 2 : i32
        %dma_start3A_303 = arith.constant 0 : i32
        %dma_start3A_304 = tpu.memref_slice %arg8[%dma_start3A_302, %dma_start3A_303] : memref<8x128xi32, #tpu.memory_space<vmem>> -> memref<1x128xi32, #tpu.memory_space<vmem>>
        %dma_start3A_305 = tpu.memref_squeeze %dma_start3A_304 : memref<1x128xi32, #tpu.memory_space<vmem>> -> memref<128xi32, #tpu.memory_space<vmem>>
        %dma_start3A_306 = arith.constant 0 : i32
        %dma_start3A_307 = arith.constant 0 : i32
        %dma_start3A_308 = tpu.memref_slice %arg2[%dma_start3A_306, %dma_start3A_307] : memref<10000x128xf32, #tpu.memory_space<hbm>> -> memref<10000x128xf32, #tpu.memory_space<hbm>>
        tpu.enqueue_indirect_dma source(%dma_start3A_308 : memref<10000x128xf32, #tpu.memory_space<hbm>>) target(%arg11 : memref<128x128xf32, #tpu.memory_space<vmem>>) offsets(%dma_start3A_305 : memref<128xi32, #tpu.memory_space<vmem>>) semaphore(%arg14 : memref<!tpu.dma_semaphore, #tpu.memory_space<semaphore_mem>>)
      } else {
      }
      %dma_wait3A_110 = arith.constant 0 : i32
      %dma_wait3A_111 = arith.constant 0 : i32
      %dma_wait3A_112 = tpu.memref_slice %arg7[%dma_wait3A_110, %dma_wait3A_111] : memref<8x128xi32, #tpu.memory_space<vmem>> -> memref<1x128xi32, #tpu.memory_space<vmem>>
      %dma_wait3A_113 = tpu.memref_squeeze %dma_wait3A_112 : memref<1x128xi32, #tpu.memory_space<vmem>> -> memref<128xi32, #tpu.memory_space<vmem>>
      %dma_wait3A_114 = arith.constant 0 : i32
      %dma_wait3A_115 = arith.constant 0 : i32
      %dma_wait3A_116 = tpu.memref_slice %arg2[%dma_wait3A_114, %dma_wait3A_115] : memref<10000x128xf32, #tpu.memory_space<hbm>> -> memref<10000x128xf32, #tpu.memory_space<hbm>>
      tpu.wait_indirect_dma semaphore(%arg15 : memref<!tpu.dma_semaphore, #tpu.memory_space<semaphore_mem>>) src(%dma_wait3A_116 : memref<10000x128xf32, #tpu.memory_space<hbm>>) dst(%arg12 : memref<128x128xf32, #tpu.memory_space<vmem>>)
      %eq3A_117 = arith.constant 0 : i32
      %eq3A_118 = arith.cmpi eq, %rem3A_82, %eq3A_117 : i32
      %convert_element_type3A_119 = arith.extui %eq3A_118 : i1 to i32
      %cond3A_120 = arith.constant 0 : i32
      %cond3A_121 = arith.cmpi ne, %convert_element_type3A_119, %cond3A_120 : i32
      scf.if %cond3A_121 {
        %run_scoped3A = arith.constant 1 : i32
        "tpu.region"() ({
          %run_scoped3A_302 = tpu.sem_alloc : memref<!tpu.dma_semaphore, #tpu.memory_space<semaphore_mem>>
          %dma_start3A_303 = arith.constant 0 : i32
          %dma_start3A_304 = tpu.memref_slice %arg9[%run_scoped3A, %dma_start3A_303] : memref<8x128xi32, #tpu.memory_space<vmem>> -> memref<1x128xi32, #tpu.memory_space<vmem>>
          %dma_start3A_305 = tpu.memref_squeeze %dma_start3A_304 : memref<1x128xi32, #tpu.memory_space<vmem>> -> memref<128xi32, #tpu.memory_space<vmem>>
          %dma_start3A_306 = arith.constant 0 : i32
          %dma_start3A_307 = arith.constant 0 : i32
          %dma_start3A_308 = tpu.memref_slice %arg13[%dma_start3A_306, %dma_start3A_307] : memref<10240x128xf32, #tpu.memory_space<vmem_shared>> -> memref<10240x128xf32, #tpu.memory_space<vmem_shared>>
          tpu.enqueue_indirect_dma source(%arg12 : memref<128x128xf32, #tpu.memory_space<vmem>>) target(%dma_start3A_308 : memref<10240x128xf32, #tpu.memory_space<vmem_shared>>) offsets(%dma_start3A_305 : memref<128xi32, #tpu.memory_space<vmem>>) semaphore(%run_scoped3A_302 : memref<!tpu.dma_semaphore, #tpu.memory_space<semaphore_mem>>) {add = true}
          %dma_wait3A_309 = arith.constant 0 : i32
          %dma_wait3A_310 = tpu.memref_slice %arg9[%run_scoped3A, %dma_wait3A_309] : memref<8x128xi32, #tpu.memory_space<vmem>> -> memref<1x128xi32, #tpu.memory_space<vmem>>
          %dma_wait3A_311 = tpu.memref_squeeze %dma_wait3A_310 : memref<1x128xi32, #tpu.memory_space<vmem>> -> memref<128xi32, #tpu.memory_space<vmem>>
          %dma_wait3A_312 = arith.constant 0 : i32
          %dma_wait3A_313 = arith.constant 0 : i32
          %dma_wait3A_314 = tpu.memref_slice %arg13[%dma_wait3A_312, %dma_wait3A_313] : memref<10240x128xf32, #tpu.memory_space<vmem_shared>> -> memref<10240x128xf32, #tpu.memory_space<vmem_shared>>
          tpu.wait_indirect_dma semaphore(%run_scoped3A_302 : memref<!tpu.dma_semaphore, #tpu.memory_space<semaphore_mem>>) src(%arg12 : memref<128x128xf32, #tpu.memory_space<vmem>>) dst(%dma_wait3A_314 : memref<10240x128xf32, #tpu.memory_space<vmem_shared>>)
          tpu.yield
        }) : () -> ()
      } else {
      }
      %eq3A_122 = arith.constant 1 : i32
      %eq3A_123 = arith.cmpi eq, %rem3A_82, %eq3A_122 : i32
      %convert_element_type3A_124 = arith.extui %eq3A_123 : i1 to i32
      %cond3A_125 = arith.constant 0 : i32
      %cond3A_126 = arith.cmpi ne, %convert_element_type3A_124, %cond3A_125 : i32
      scf.if %cond3A_126 {
        %run_scoped3A = arith.constant 1 : i32
        "tpu.region"() ({
          %run_scoped3A_302 = tpu.sem_alloc : memref<!tpu.dma_semaphore, #tpu.memory_space<semaphore_mem>>
          %dma_start3A_303 = arith.constant 0 : i32
          %dma_start3A_304 = tpu.memref_slice %arg10[%run_scoped3A, %dma_start3A_303] : memref<8x128xi32, #tpu.memory_space<vmem>> -> memref<1x128xi32, #tpu.memory_space<vmem>>
          %dma_start3A_305 = tpu.memref_squeeze %dma_start3A_304 : memref<1x128xi32, #tpu.memory_space<vmem>> -> memref<128xi32, #tpu.memory_space<vmem>>
          %dma_start3A_306 = arith.constant 0 : i32
          %dma_start3A_307 = arith.constant 0 : i32
          %dma_start3A_308 = tpu.memref_slice %arg13[%dma_start3A_306, %dma_start3A_307] : memref<10240x128xf32, #tpu.memory_space<vmem_shared>> -> memref<10240x128xf32, #tpu.memory_space<vmem_shared>>
          tpu.enqueue_indirect_dma source(%arg12 : memref<128x128xf32, #tpu.memory_space<vmem>>) target(%dma_start3A_308 : memref<10240x128xf32, #tpu.memory_space<vmem_shared>>) offsets(%dma_start3A_305 : memref<128xi32, #tpu.memory_space<vmem>>) semaphore(%run_scoped3A_302 : memref<!tpu.dma_semaphore, #tpu.memory_space<semaphore_mem>>) {add = true}
          %dma_wait3A_309 = arith.constant 0 : i32
          %dma_wait3A_310 = tpu.memref_slice %arg10[%run_scoped3A, %dma_wait3A_309] : memref<8x128xi32, #tpu.memory_space<vmem>> -> memref<1x128xi32, #tpu.memory_space<vmem>>
          %dma_wait3A_311 = tpu.memref_squeeze %dma_wait3A_310 : memref<1x128xi32, #tpu.memory_space<vmem>> -> memref<128xi32, #tpu.memory_space<vmem>>
          %dma_wait3A_312 = arith.constant 0 : i32
          %dma_wait3A_313 = arith.constant 0 : i32
          %dma_wait3A_314 = tpu.memref_slice %arg13[%dma_wait3A_312, %dma_wait3A_313] : memref<10240x128xf32, #tpu.memory_space<vmem_shared>> -> memref<10240x128xf32, #tpu.memory_space<vmem_shared>>
          tpu.wait_indirect_dma semaphore(%run_scoped3A_302 : memref<!tpu.dma_semaphore, #tpu.memory_space<semaphore_mem>>) src(%arg12 : memref<128x128xf32, #tpu.memory_space<vmem>>) dst(%dma_wait3A_314 : memref<10240x128xf32, #tpu.memory_space<vmem_shared>>)
          tpu.yield
        }) : () -> ()
      } else {
      }
      %eq3A_127 = arith.constant 0 : i32
      %eq3A_128 = arith.cmpi eq, %rem3A_82, %eq3A_127 : i32
      %convert_element_type3A_129 = arith.extui %eq3A_128 : i1 to i32
      %cond3A_130 = arith.constant 0 : i32
      %cond3A_131 = arith.cmpi ne, %convert_element_type3A_129, %cond3A_130 : i32
      scf.if %cond3A_131 {
        %dma_start3A_302 = arith.constant 3 : i32
        %dma_start3A_303 = arith.constant 0 : i32
        %dma_start3A_304 = tpu.memref_slice %arg7[%dma_start3A_302, %dma_start3A_303] : memref<8x128xi32, #tpu.memory_space<vmem>> -> memref<1x128xi32, #tpu.memory_space<vmem>>
        %dma_start3A_305 = tpu.memref_squeeze %dma_start3A_304 : memref<1x128xi32, #tpu.memory_space<vmem>> -> memref<128xi32, #tpu.memory_space<vmem>>
        %dma_start3A_306 = arith.constant 0 : i32
        %dma_start3A_307 = arith.constant 0 : i32
        %dma_start3A_308 = tpu.memref_slice %arg2[%dma_start3A_306, %dma_start3A_307] : memref<10000x128xf32, #tpu.memory_space<hbm>> -> memref<10000x128xf32, #tpu.memory_space<hbm>>
        tpu.enqueue_indirect_dma source(%dma_start3A_308 : memref<10000x128xf32, #tpu.memory_space<hbm>>) target(%arg12 : memref<128x128xf32, #tpu.memory_space<vmem>>) offsets(%dma_start3A_305 : memref<128xi32, #tpu.memory_space<vmem>>) semaphore(%arg15 : memref<!tpu.dma_semaphore, #tpu.memory_space<semaphore_mem>>)
      } else {
      }
      %eq3A_132 = arith.constant 1 : i32
      %eq3A_133 = arith.cmpi eq, %rem3A_82, %eq3A_132 : i32
      %convert_element_type3A_134 = arith.extui %eq3A_133 : i1 to i32
      %cond3A_135 = arith.constant 0 : i32
      %cond3A_136 = arith.cmpi ne, %convert_element_type3A_134, %cond3A_135 : i32
      scf.if %cond3A_136 {
        %dma_start3A_302 = arith.constant 3 : i32
        %dma_start3A_303 = arith.constant 0 : i32
        %dma_start3A_304 = tpu.memref_slice %arg8[%dma_start3A_302, %dma_start3A_303] : memref<8x128xi32, #tpu.memory_space<vmem>> -> memref<1x128xi32, #tpu.memory_space<vmem>>
        %dma_start3A_305 = tpu.memref_squeeze %dma_start3A_304 : memref<1x128xi32, #tpu.memory_space<vmem>> -> memref<128xi32, #tpu.memory_space<vmem>>
        %dma_start3A_306 = arith.constant 0 : i32
        %dma_start3A_307 = arith.constant 0 : i32
        %dma_start3A_308 = tpu.memref_slice %arg2[%dma_start3A_306, %dma_start3A_307] : memref<10000x128xf32, #tpu.memory_space<hbm>> -> memref<10000x128xf32, #tpu.memory_space<hbm>>
        tpu.enqueue_indirect_dma source(%dma_start3A_308 : memref<10000x128xf32, #tpu.memory_space<hbm>>) target(%arg12 : memref<128x128xf32, #tpu.memory_space<vmem>>) offsets(%dma_start3A_305 : memref<128xi32, #tpu.memory_space<vmem>>) semaphore(%arg15 : memref<!tpu.dma_semaphore, #tpu.memory_space<semaphore_mem>>)
      } else {
      }
      %dma_wait3A_137 = arith.constant 0 : i32
      %dma_wait3A_138 = arith.constant 0 : i32
      %dma_wait3A_139 = tpu.memref_slice %arg7[%dma_wait3A_137, %dma_wait3A_138] : memref<8x128xi32, #tpu.memory_space<vmem>> -> memref<1x128xi32, #tpu.memory_space<vmem>>
      %dma_wait3A_140 = tpu.memref_squeeze %dma_wait3A_139 : memref<1x128xi32, #tpu.memory_space<vmem>> -> memref<128xi32, #tpu.memory_space<vmem>>
      %dma_wait3A_141 = arith.constant 0 : i32
      %dma_wait3A_142 = arith.constant 0 : i32
      %dma_wait3A_143 = tpu.memref_slice %arg2[%dma_wait3A_141, %dma_wait3A_142] : memref<10000x128xf32, #tpu.memory_space<hbm>> -> memref<10000x128xf32, #tpu.memory_space<hbm>>
      tpu.wait_indirect_dma semaphore(%arg14 : memref<!tpu.dma_semaphore, #tpu.memory_space<semaphore_mem>>) src(%dma_wait3A_143 : memref<10000x128xf32, #tpu.memory_space<hbm>>) dst(%arg11 : memref<128x128xf32, #tpu.memory_space<vmem>>)
      %eq3A_144 = arith.constant 0 : i32
      %eq3A_145 = arith.cmpi eq, %rem3A_82, %eq3A_144 : i32
      %convert_element_type3A_146 = arith.extui %eq3A_145 : i1 to i32
      %cond3A_147 = arith.constant 0 : i32
      %cond3A_148 = arith.cmpi ne, %convert_element_type3A_146, %cond3A_147 : i32
      scf.if %cond3A_148 {
        %run_scoped3A = arith.constant 2 : i32
        "tpu.region"() ({
          %run_scoped3A_302 = tpu.sem_alloc : memref<!tpu.dma_semaphore, #tpu.memory_space<semaphore_mem>>
          %dma_start3A_303 = arith.constant 0 : i32
          %dma_start3A_304 = tpu.memref_slice %arg9[%run_scoped3A, %dma_start3A_303] : memref<8x128xi32, #tpu.memory_space<vmem>> -> memref<1x128xi32, #tpu.memory_space<vmem>>
          %dma_start3A_305 = tpu.memref_squeeze %dma_start3A_304 : memref<1x128xi32, #tpu.memory_space<vmem>> -> memref<128xi32, #tpu.memory_space<vmem>>
          %dma_start3A_306 = arith.constant 0 : i32
          %dma_start3A_307 = arith.constant 0 : i32
          %dma_start3A_308 = tpu.memref_slice %arg13[%dma_start3A_306, %dma_start3A_307] : memref<10240x128xf32, #tpu.memory_space<vmem_shared>> -> memref<10240x128xf32, #tpu.memory_space<vmem_shared>>
          tpu.enqueue_indirect_dma source(%arg11 : memref<128x128xf32, #tpu.memory_space<vmem>>) target(%dma_start3A_308 : memref<10240x128xf32, #tpu.memory_space<vmem_shared>>) offsets(%dma_start3A_305 : memref<128xi32, #tpu.memory_space<vmem>>) semaphore(%run_scoped3A_302 : memref<!tpu.dma_semaphore, #tpu.memory_space<semaphore_mem>>) {add = true}
          %dma_wait3A_309 = arith.constant 0 : i32
          %dma_wait3A_310 = tpu.memref_slice %arg9[%run_scoped3A, %dma_wait3A_309] : memref<8x128xi32, #tpu.memory_space<vmem>> -> memref<1x128xi32, #tpu.memory_space<vmem>>
          %dma_wait3A_311 = tpu.memref_squeeze %dma_wait3A_310 : memref<1x128xi32, #tpu.memory_space<vmem>> -> memref<128xi32, #tpu.memory_space<vmem>>
          %dma_wait3A_312 = arith.constant 0 : i32
          %dma_wait3A_313 = arith.constant 0 : i32
          %dma_wait3A_314 = tpu.memref_slice %arg13[%dma_wait3A_312, %dma_wait3A_313] : memref<10240x128xf32, #tpu.memory_space<vmem_shared>> -> memref<10240x128xf32, #tpu.memory_space<vmem_shared>>
          tpu.wait_indirect_dma semaphore(%run_scoped3A_302 : memref<!tpu.dma_semaphore, #tpu.memory_space<semaphore_mem>>) src(%arg11 : memref<128x128xf32, #tpu.memory_space<vmem>>) dst(%dma_wait3A_314 : memref<10240x128xf32, #tpu.memory_space<vmem_shared>>)
          tpu.yield
        }) : () -> ()
      } else {
      }
      %eq3A_149 = arith.constant 1 : i32
      %eq3A_150 = arith.cmpi eq, %rem3A_82, %eq3A_149 : i32
      %convert_element_type3A_151 = arith.extui %eq3A_150 : i1 to i32
      %cond3A_152 = arith.constant 0 : i32
      %cond3A_153 = arith.cmpi ne, %convert_element_type3A_151, %cond3A_152 : i32
      scf.if %cond3A_153 {
        %run_scoped3A = arith.constant 2 : i32
        "tpu.region"() ({
          %run_scoped3A_302 = tpu.sem_alloc : memref<!tpu.dma_semaphore, #tpu.memory_space<semaphore_mem>>
          %dma_start3A_303 = arith.constant 0 : i32
          %dma_start3A_304 = tpu.memref_slice %arg10[%run_scoped3A, %dma_start3A_303] : memref<8x128xi32, #tpu.memory_space<vmem>> -> memref<1x128xi32, #tpu.memory_space<vmem>>
          %dma_start3A_305 = tpu.memref_squeeze %dma_start3A_304 : memref<1x128xi32, #tpu.memory_space<vmem>> -> memref<128xi32, #tpu.memory_space<vmem>>
          %dma_start3A_306 = arith.constant 0 : i32
          %dma_start3A_307 = arith.constant 0 : i32
          %dma_start3A_308 = tpu.memref_slice %arg13[%dma_start3A_306, %dma_start3A_307] : memref<10240x128xf32, #tpu.memory_space<vmem_shared>> -> memref<10240x128xf32, #tpu.memory_space<vmem_shared>>
          tpu.enqueue_indirect_dma source(%arg11 : memref<128x128xf32, #tpu.memory_space<vmem>>) target(%dma_start3A_308 : memref<10240x128xf32, #tpu.memory_space<vmem_shared>>) offsets(%dma_start3A_305 : memref<128xi32, #tpu.memory_space<vmem>>) semaphore(%run_scoped3A_302 : memref<!tpu.dma_semaphore, #tpu.memory_space<semaphore_mem>>) {add = true}
          %dma_wait3A_309 = arith.constant 0 : i32
          %dma_wait3A_310 = tpu.memref_slice %arg10[%run_scoped3A, %dma_wait3A_309] : memref<8x128xi32, #tpu.memory_space<vmem>> -> memref<1x128xi32, #tpu.memory_space<vmem>>
          %dma_wait3A_311 = tpu.memref_squeeze %dma_wait3A_310 : memref<1x128xi32, #tpu.memory_space<vmem>> -> memref<128xi32, #tpu.memory_space<vmem>>
          %dma_wait3A_312 = arith.constant 0 : i32
          %dma_wait3A_313 = arith.constant 0 : i32
          %dma_wait3A_314 = tpu.memref_slice %arg13[%dma_wait3A_312, %dma_wait3A_313] : memref<10240x128xf32, #tpu.memory_space<vmem_shared>> -> memref<10240x128xf32, #tpu.memory_space<vmem_shared>>
          tpu.wait_indirect_dma semaphore(%run_scoped3A_302 : memref<!tpu.dma_semaphore, #tpu.memory_space<semaphore_mem>>) src(%arg11 : memref<128x128xf32, #tpu.memory_space<vmem>>) dst(%dma_wait3A_314 : memref<10240x128xf32, #tpu.memory_space<vmem_shared>>)
          tpu.yield
        }) : () -> ()
      } else {
      }
      %eq3A_154 = arith.constant 0 : i32
      %eq3A_155 = arith.cmpi eq, %rem3A_82, %eq3A_154 : i32
      %convert_element_type3A_156 = arith.extui %eq3A_155 : i1 to i32
      %cond3A_157 = arith.constant 0 : i32
      %cond3A_158 = arith.cmpi ne, %convert_element_type3A_156, %cond3A_157 : i32
      scf.if %cond3A_158 {
        %dma_start3A_302 = arith.constant 4 : i32
        %dma_start3A_303 = arith.constant 0 : i32
        %dma_start3A_304 = tpu.memref_slice %arg7[%dma_start3A_302, %dma_start3A_303] : memref<8x128xi32, #tpu.memory_space<vmem>> -> memref<1x128xi32, #tpu.memory_space<vmem>>
        %dma_start3A_305 = tpu.memref_squeeze %dma_start3A_304 : memref<1x128xi32, #tpu.memory_space<vmem>> -> memref<128xi32, #tpu.memory_space<vmem>>
        %dma_start3A_306 = arith.constant 0 : i32
        %dma_start3A_307 = arith.constant 0 : i32
        %dma_start3A_308 = tpu.memref_slice %arg2[%dma_start3A_306, %dma_start3A_307] : memref<10000x128xf32, #tpu.memory_space<hbm>> -> memref<10000x128xf32, #tpu.memory_space<hbm>>
        tpu.enqueue_indirect_dma source(%dma_start3A_308 : memref<10000x128xf32, #tpu.memory_space<hbm>>) target(%arg11 : memref<128x128xf32, #tpu.memory_space<vmem>>) offsets(%dma_start3A_305 : memref<128xi32, #tpu.memory_space<vmem>>) semaphore(%arg14 : memref<!tpu.dma_semaphore, #tpu.memory_space<semaphore_mem>>)
      } else {
      }
      %eq3A_159 = arith.constant 1 : i32
      %eq3A_160 = arith.cmpi eq, %rem3A_82, %eq3A_159 : i32
      %convert_element_type3A_161 = arith.extui %eq3A_160 : i1 to i32
      %cond3A_162 = arith.constant 0 : i32
      %cond3A_163 = arith.cmpi ne, %convert_element_type3A_161, %cond3A_162 : i32
      scf.if %cond3A_163 {
        %dma_start3A_302 = arith.constant 4 : i32
        %dma_start3A_303 = arith.constant 0 : i32
        %dma_start3A_304 = tpu.memref_slice %arg8[%dma_start3A_302, %dma_start3A_303] : memref<8x128xi32, #tpu.memory_space<vmem>> -> memref<1x128xi32, #tpu.memory_space<vmem>>
        %dma_start3A_305 = tpu.memref_squeeze %dma_start3A_304 : memref<1x128xi32, #tpu.memory_space<vmem>> -> memref<128xi32, #tpu.memory_space<vmem>>
        %dma_start3A_306 = arith.constant 0 : i32
        %dma_start3A_307 = arith.constant 0 : i32
        %dma_start3A_308 = tpu.memref_slice %arg2[%dma_start3A_306, %dma_start3A_307] : memref<10000x128xf32, #tpu.memory_space<hbm>> -> memref<10000x128xf32, #tpu.memory_space<hbm>>
        tpu.enqueue_indirect_dma source(%dma_start3A_308 : memref<10000x128xf32, #tpu.memory_space<hbm>>) target(%arg11 : memref<128x128xf32, #tpu.memory_space<vmem>>) offsets(%dma_start3A_305 : memref<128xi32, #tpu.memory_space<vmem>>) semaphore(%arg14 : memref<!tpu.dma_semaphore, #tpu.memory_space<semaphore_mem>>)
      } else {
      }
      %dma_wait3A_164 = arith.constant 0 : i32
      %dma_wait3A_165 = arith.constant 0 : i32
      %dma_wait3A_166 = tpu.memref_slice %arg7[%dma_wait3A_164, %dma_wait3A_165] : memref<8x128xi32, #tpu.memory_space<vmem>> -> memref<1x128xi32, #tpu.memory_space<vmem>>
      %dma_wait3A_167 = tpu.memref_squeeze %dma_wait3A_166 : memref<1x128xi32, #tpu.memory_space<vmem>> -> memref<128xi32, #tpu.memory_space<vmem>>
      %dma_wait3A_168 = arith.constant 0 : i32
      %dma_wait3A_169 = arith.constant 0 : i32
      %dma_wait3A_170 = tpu.memref_slice %arg2[%dma_wait3A_168, %dma_wait3A_169] : memref<10000x128xf32, #tpu.memory_space<hbm>> -> memref<10000x128xf32, #tpu.memory_space<hbm>>
      tpu.wait_indirect_dma semaphore(%arg15 : memref<!tpu.dma_semaphore, #tpu.memory_space<semaphore_mem>>) src(%dma_wait3A_170 : memref<10000x128xf32, #tpu.memory_space<hbm>>) dst(%arg12 : memref<128x128xf32, #tpu.memory_space<vmem>>)
      %eq3A_171 = arith.constant 0 : i32
      %eq3A_172 = arith.cmpi eq, %rem3A_82, %eq3A_171 : i32
      %convert_element_type3A_173 = arith.extui %eq3A_172 : i1 to i32
      %cond3A_174 = arith.constant 0 : i32
      %cond3A_175 = arith.cmpi ne, %convert_element_type3A_173, %cond3A_174 : i32
      scf.if %cond3A_175 {
        %run_scoped3A = arith.constant 3 : i32
        "tpu.region"() ({
          %run_scoped3A_302 = tpu.sem_alloc : memref<!tpu.dma_semaphore, #tpu.memory_space<semaphore_mem>>
          %dma_start3A_303 = arith.constant 0 : i32
          %dma_start3A_304 = tpu.memref_slice %arg9[%run_scoped3A, %dma_start3A_303] : memref<8x128xi32, #tpu.memory_space<vmem>> -> memref<1x128xi32, #tpu.memory_space<vmem>>
          %dma_start3A_305 = tpu.memref_squeeze %dma_start3A_304 : memref<1x128xi32, #tpu.memory_space<vmem>> -> memref<128xi32, #tpu.memory_space<vmem>>
          %dma_start3A_306 = arith.constant 0 : i32
          %dma_start3A_307 = arith.constant 0 : i32
          %dma_start3A_308 = tpu.memref_slice %arg13[%dma_start3A_306, %dma_start3A_307] : memref<10240x128xf32, #tpu.memory_space<vmem_shared>> -> memref<10240x128xf32, #tpu.memory_space<vmem_shared>>
          tpu.enqueue_indirect_dma source(%arg12 : memref<128x128xf32, #tpu.memory_space<vmem>>) target(%dma_start3A_308 : memref<10240x128xf32, #tpu.memory_space<vmem_shared>>) offsets(%dma_start3A_305 : memref<128xi32, #tpu.memory_space<vmem>>) semaphore(%run_scoped3A_302 : memref<!tpu.dma_semaphore, #tpu.memory_space<semaphore_mem>>) {add = true}
          %dma_wait3A_309 = arith.constant 0 : i32
          %dma_wait3A_310 = tpu.memref_slice %arg9[%run_scoped3A, %dma_wait3A_309] : memref<8x128xi32, #tpu.memory_space<vmem>> -> memref<1x128xi32, #tpu.memory_space<vmem>>
          %dma_wait3A_311 = tpu.memref_squeeze %dma_wait3A_310 : memref<1x128xi32, #tpu.memory_space<vmem>> -> memref<128xi32, #tpu.memory_space<vmem>>
          %dma_wait3A_312 = arith.constant 0 : i32
          %dma_wait3A_313 = arith.constant 0 : i32
          %dma_wait3A_314 = tpu.memref_slice %arg13[%dma_wait3A_312, %dma_wait3A_313] : memref<10240x128xf32, #tpu.memory_space<vmem_shared>> -> memref<10240x128xf32, #tpu.memory_space<vmem_shared>>
          tpu.wait_indirect_dma semaphore(%run_scoped3A_302 : memref<!tpu.dma_semaphore, #tpu.memory_space<semaphore_mem>>) src(%arg12 : memref<128x128xf32, #tpu.memory_space<vmem>>) dst(%dma_wait3A_314 : memref<10240x128xf32, #tpu.memory_space<vmem_shared>>)
          tpu.yield
        }) : () -> ()
      } else {
      }
      %eq3A_176 = arith.constant 1 : i32
      %eq3A_177 = arith.cmpi eq, %rem3A_82, %eq3A_176 : i32
      %convert_element_type3A_178 = arith.extui %eq3A_177 : i1 to i32
      %cond3A_179 = arith.constant 0 : i32
      %cond3A_180 = arith.cmpi ne, %convert_element_type3A_178, %cond3A_179 : i32
      scf.if %cond3A_180 {
        %run_scoped3A = arith.constant 3 : i32
        "tpu.region"() ({
          %run_scoped3A_302 = tpu.sem_alloc : memref<!tpu.dma_semaphore, #tpu.memory_space<semaphore_mem>>
          %dma_start3A_303 = arith.constant 0 : i32
          %dma_start3A_304 = tpu.memref_slice %arg10[%run_scoped3A, %dma_start3A_303] : memref<8x128xi32, #tpu.memory_space<vmem>> -> memref<1x128xi32, #tpu.memory_space<vmem>>
          %dma_start3A_305 = tpu.memref_squeeze %dma_start3A_304 : memref<1x128xi32, #tpu.memory_space<vmem>> -> memref<128xi32, #tpu.memory_space<vmem>>
          %dma_start3A_306 = arith.constant 0 : i32
          %dma_start3A_307 = arith.constant 0 : i32
          %dma_start3A_308 = tpu.memref_slice %arg13[%dma_start3A_306, %dma_start3A_307] : memref<10240x128xf32, #tpu.memory_space<vmem_shared>> -> memref<10240x128xf32, #tpu.memory_space<vmem_shared>>
          tpu.enqueue_indirect_dma source(%arg12 : memref<128x128xf32, #tpu.memory_space<vmem>>) target(%dma_start3A_308 : memref<10240x128xf32, #tpu.memory_space<vmem_shared>>) offsets(%dma_start3A_305 : memref<128xi32, #tpu.memory_space<vmem>>) semaphore(%run_scoped3A_302 : memref<!tpu.dma_semaphore, #tpu.memory_space<semaphore_mem>>) {add = true}
          %dma_wait3A_309 = arith.constant 0 : i32
          %dma_wait3A_310 = tpu.memref_slice %arg10[%run_scoped3A, %dma_wait3A_309] : memref<8x128xi32, #tpu.memory_space<vmem>> -> memref<1x128xi32, #tpu.memory_space<vmem>>
          %dma_wait3A_311 = tpu.memref_squeeze %dma_wait3A_310 : memref<1x128xi32, #tpu.memory_space<vmem>> -> memref<128xi32, #tpu.memory_space<vmem>>
          %dma_wait3A_312 = arith.constant 0 : i32
          %dma_wait3A_313 = arith.constant 0 : i32
          %dma_wait3A_314 = tpu.memref_slice %arg13[%dma_wait3A_312, %dma_wait3A_313] : memref<10240x128xf32, #tpu.memory_space<vmem_shared>> -> memref<10240x128xf32, #tpu.memory_space<vmem_shared>>
          tpu.wait_indirect_dma semaphore(%run_scoped3A_302 : memref<!tpu.dma_semaphore, #tpu.memory_space<semaphore_mem>>) src(%arg12 : memref<128x128xf32, #tpu.memory_space<vmem>>) dst(%dma_wait3A_314 : memref<10240x128xf32, #tpu.memory_space<vmem_shared>>)
          tpu.yield
        }) : () -> ()
      } else {
      }
      %eq3A_181 = arith.constant 0 : i32
      %eq3A_182 = arith.cmpi eq, %rem3A_82, %eq3A_181 : i32
      %convert_element_type3A_183 = arith.extui %eq3A_182 : i1 to i32
      %cond3A_184 = arith.constant 0 : i32
      %cond3A_185 = arith.cmpi ne, %convert_element_type3A_183, %cond3A_184 : i32
      scf.if %cond3A_185 {
        %dma_start3A_302 = arith.constant 5 : i32
        %dma_start3A_303 = arith.constant 0 : i32
        %dma_start3A_304 = tpu.memref_slice %arg7[%dma_start3A_302, %dma_start3A_303] : memref<8x128xi32, #tpu.memory_space<vmem>> -> memref<1x128xi32, #tpu.memory_space<vmem>>
        %dma_start3A_305 = tpu.memref_squeeze %dma_start3A_304 : memref<1x128xi32, #tpu.memory_space<vmem>> -> memref<128xi32, #tpu.memory_space<vmem>>
        %dma_start3A_306 = arith.constant 0 : i32
        %dma_start3A_307 = arith.constant 0 : i32
        %dma_start3A_308 = tpu.memref_slice %arg2[%dma_start3A_306, %dma_start3A_307] : memref<10000x128xf32, #tpu.memory_space<hbm>> -> memref<10000x128xf32, #tpu.memory_space<hbm>>
        tpu.enqueue_indirect_dma source(%dma_start3A_308 : memref<10000x128xf32, #tpu.memory_space<hbm>>) target(%arg12 : memref<128x128xf32, #tpu.memory_space<vmem>>) offsets(%dma_start3A_305 : memref<128xi32, #tpu.memory_space<vmem>>) semaphore(%arg15 : memref<!tpu.dma_semaphore, #tpu.memory_space<semaphore_mem>>)
      } else {
      }
      %eq3A_186 = arith.constant 1 : i32
      %eq3A_187 = arith.cmpi eq, %rem3A_82, %eq3A_186 : i32
      %convert_element_type3A_188 = arith.extui %eq3A_187 : i1 to i32
      %cond3A_189 = arith.constant 0 : i32
      %cond3A_190 = arith.cmpi ne, %convert_element_type3A_188, %cond3A_189 : i32
      scf.if %cond3A_190 {
        %dma_start3A_302 = arith.constant 5 : i32
        %dma_start3A_303 = arith.constant 0 : i32
        %dma_start3A_304 = tpu.memref_slice %arg8[%dma_start3A_302, %dma_start3A_303] : memref<8x128xi32, #tpu.memory_space<vmem>> -> memref<1x128xi32, #tpu.memory_space<vmem>>
        %dma_start3A_305 = tpu.memref_squeeze %dma_start3A_304 : memref<1x128xi32, #tpu.memory_space<vmem>> -> memref<128xi32, #tpu.memory_space<vmem>>
        %dma_start3A_306 = arith.constant 0 : i32
        %dma_start3A_307 = arith.constant 0 : i32
        %dma_start3A_308 = tpu.memref_slice %arg2[%dma_start3A_306, %dma_start3A_307] : memref<10000x128xf32, #tpu.memory_space<hbm>> -> memref<10000x128xf32, #tpu.memory_space<hbm>>
        tpu.enqueue_indirect_dma source(%dma_start3A_308 : memref<10000x128xf32, #tpu.memory_space<hbm>>) target(%arg12 : memref<128x128xf32, #tpu.memory_space<vmem>>) offsets(%dma_start3A_305 : memref<128xi32, #tpu.memory_space<vmem>>) semaphore(%arg15 : memref<!tpu.dma_semaphore, #tpu.memory_space<semaphore_mem>>)
      } else {
      }
      %dma_wait3A_191 = arith.constant 0 : i32
      %dma_wait3A_192 = arith.constant 0 : i32
      %dma_wait3A_193 = tpu.memref_slice %arg7[%dma_wait3A_191, %dma_wait3A_192] : memref<8x128xi32, #tpu.memory_space<vmem>> -> memref<1x128xi32, #tpu.memory_space<vmem>>
      %dma_wait3A_194 = tpu.memref_squeeze %dma_wait3A_193 : memref<1x128xi32, #tpu.memory_space<vmem>> -> memref<128xi32, #tpu.memory_space<vmem>>
      %dma_wait3A_195 = arith.constant 0 : i32
      %dma_wait3A_196 = arith.constant 0 : i32
      %dma_wait3A_197 = tpu.memref_slice %arg2[%dma_wait3A_195, %dma_wait3A_196] : memref<10000x128xf32, #tpu.memory_space<hbm>> -> memref<10000x128xf32, #tpu.memory_space<hbm>>
      tpu.wait_indirect_dma semaphore(%arg14 : memref<!tpu.dma_semaphore, #tpu.memory_space<semaphore_mem>>) src(%dma_wait3A_197 : memref<10000x128xf32, #tpu.memory_space<hbm>>) dst(%arg11 : memref<128x128xf32, #tpu.memory_space<vmem>>)
      %eq3A_198 = arith.constant 0 : i32
      %eq3A_199 = arith.cmpi eq, %rem3A_82, %eq3A_198 : i32
      %convert_element_type3A_200 = arith.extui %eq3A_199 : i1 to i32
      %cond3A_201 = arith.constant 0 : i32
      %cond3A_202 = arith.cmpi ne, %convert_element_type3A_200, %cond3A_201 : i32
      scf.if %cond3A_202 {
        %run_scoped3A = arith.constant 4 : i32
        "tpu.region"() ({
          %run_scoped3A_302 = tpu.sem_alloc : memref<!tpu.dma_semaphore, #tpu.memory_space<semaphore_mem>>
          %dma_start3A_303 = arith.constant 0 : i32
          %dma_start3A_304 = tpu.memref_slice %arg9[%run_scoped3A, %dma_start3A_303] : memref<8x128xi32, #tpu.memory_space<vmem>> -> memref<1x128xi32, #tpu.memory_space<vmem>>
          %dma_start3A_305 = tpu.memref_squeeze %dma_start3A_304 : memref<1x128xi32, #tpu.memory_space<vmem>> -> memref<128xi32, #tpu.memory_space<vmem>>
          %dma_start3A_306 = arith.constant 0 : i32
          %dma_start3A_307 = arith.constant 0 : i32
          %dma_start3A_308 = tpu.memref_slice %arg13[%dma_start3A_306, %dma_start3A_307] : memref<10240x128xf32, #tpu.memory_space<vmem_shared>> -> memref<10240x128xf32, #tpu.memory_space<vmem_shared>>
          tpu.enqueue_indirect_dma source(%arg11 : memref<128x128xf32, #tpu.memory_space<vmem>>) target(%dma_start3A_308 : memref<10240x128xf32, #tpu.memory_space<vmem_shared>>) offsets(%dma_start3A_305 : memref<128xi32, #tpu.memory_space<vmem>>) semaphore(%run_scoped3A_302 : memref<!tpu.dma_semaphore, #tpu.memory_space<semaphore_mem>>) {add = true}
          %dma_wait3A_309 = arith.constant 0 : i32
          %dma_wait3A_310 = tpu.memref_slice %arg9[%run_scoped3A, %dma_wait3A_309] : memref<8x128xi32, #tpu.memory_space<vmem>> -> memref<1x128xi32, #tpu.memory_space<vmem>>
          %dma_wait3A_311 = tpu.memref_squeeze %dma_wait3A_310 : memref<1x128xi32, #tpu.memory_space<vmem>> -> memref<128xi32, #tpu.memory_space<vmem>>
          %dma_wait3A_312 = arith.constant 0 : i32
          %dma_wait3A_313 = arith.constant 0 : i32
          %dma_wait3A_314 = tpu.memref_slice %arg13[%dma_wait3A_312, %dma_wait3A_313] : memref<10240x128xf32, #tpu.memory_space<vmem_shared>> -> memref<10240x128xf32, #tpu.memory_space<vmem_shared>>
          tpu.wait_indirect_dma semaphore(%run_scoped3A_302 : memref<!tpu.dma_semaphore, #tpu.memory_space<semaphore_mem>>) src(%arg11 : memref<128x128xf32, #tpu.memory_space<vmem>>) dst(%dma_wait3A_314 : memref<10240x128xf32, #tpu.memory_space<vmem_shared>>)
          tpu.yield
        }) : () -> ()
      } else {
      }
      %eq3A_203 = arith.constant 1 : i32
      %eq3A_204 = arith.cmpi eq, %rem3A_82, %eq3A_203 : i32
      %convert_element_type3A_205 = arith.extui %eq3A_204 : i1 to i32
      %cond3A_206 = arith.constant 0 : i32
      %cond3A_207 = arith.cmpi ne, %convert_element_type3A_205, %cond3A_206 : i32
      scf.if %cond3A_207 {
        %run_scoped3A = arith.constant 4 : i32
        "tpu.region"() ({
          %run_scoped3A_302 = tpu.sem_alloc : memref<!tpu.dma_semaphore, #tpu.memory_space<semaphore_mem>>
          %dma_start3A_303 = arith.constant 0 : i32
          %dma_start3A_304 = tpu.memref_slice %arg10[%run_scoped3A, %dma_start3A_303] : memref<8x128xi32, #tpu.memory_space<vmem>> -> memref<1x128xi32, #tpu.memory_space<vmem>>
          %dma_start3A_305 = tpu.memref_squeeze %dma_start3A_304 : memref<1x128xi32, #tpu.memory_space<vmem>> -> memref<128xi32, #tpu.memory_space<vmem>>
          %dma_start3A_306 = arith.constant 0 : i32
          %dma_start3A_307 = arith.constant 0 : i32
          %dma_start3A_308 = tpu.memref_slice %arg13[%dma_start3A_306, %dma_start3A_307] : memref<10240x128xf32, #tpu.memory_space<vmem_shared>> -> memref<10240x128xf32, #tpu.memory_space<vmem_shared>>
          tpu.enqueue_indirect_dma source(%arg11 : memref<128x128xf32, #tpu.memory_space<vmem>>) target(%dma_start3A_308 : memref<10240x128xf32, #tpu.memory_space<vmem_shared>>) offsets(%dma_start3A_305 : memref<128xi32, #tpu.memory_space<vmem>>) semaphore(%run_scoped3A_302 : memref<!tpu.dma_semaphore, #tpu.memory_space<semaphore_mem>>) {add = true}
          %dma_wait3A_309 = arith.constant 0 : i32
          %dma_wait3A_310 = tpu.memref_slice %arg10[%run_scoped3A, %dma_wait3A_309] : memref<8x128xi32, #tpu.memory_space<vmem>> -> memref<1x128xi32, #tpu.memory_space<vmem>>
          %dma_wait3A_311 = tpu.memref_squeeze %dma_wait3A_310 : memref<1x128xi32, #tpu.memory_space<vmem>> -> memref<128xi32, #tpu.memory_space<vmem>>
          %dma_wait3A_312 = arith.constant 0 : i32
          %dma_wait3A_313 = arith.constant 0 : i32
          %dma_wait3A_314 = tpu.memref_slice %arg13[%dma_wait3A_312, %dma_wait3A_313] : memref<10240x128xf32, #tpu.memory_space<vmem_shared>> -> memref<10240x128xf32, #tpu.memory_space<vmem_shared>>
          tpu.wait_indirect_dma semaphore(%run_scoped3A_302 : memref<!tpu.dma_semaphore, #tpu.memory_space<semaphore_mem>>) src(%arg11 : memref<128x128xf32, #tpu.memory_space<vmem>>) dst(%dma_wait3A_314 : memref<10240x128xf32, #tpu.memory_space<vmem_shared>>)
          tpu.yield
        }) : () -> ()
      } else {
      }
      %eq3A_208 = arith.constant 0 : i32
      %eq3A_209 = arith.cmpi eq, %rem3A_82, %eq3A_208 : i32
      %convert_element_type3A_210 = arith.extui %eq3A_209 : i1 to i32
      %cond3A_211 = arith.constant 0 : i32
      %cond3A_212 = arith.cmpi ne, %convert_element_type3A_210, %cond3A_211 : i32
      scf.if %cond3A_212 {
        %dma_start3A_302 = arith.constant 6 : i32
        %dma_start3A_303 = arith.constant 0 : i32
        %dma_start3A_304 = tpu.memref_slice %arg7[%dma_start3A_302, %dma_start3A_303] : memref<8x128xi32, #tpu.memory_space<vmem>> -> memref<1x128xi32, #tpu.memory_space<vmem>>
        %dma_start3A_305 = tpu.memref_squeeze %dma_start3A_304 : memref<1x128xi32, #tpu.memory_space<vmem>> -> memref<128xi32, #tpu.memory_space<vmem>>
        %dma_start3A_306 = arith.constant 0 : i32
        %dma_start3A_307 = arith.constant 0 : i32
        %dma_start3A_308 = tpu.memref_slice %arg2[%dma_start3A_306, %dma_start3A_307] : memref<10000x128xf32, #tpu.memory_space<hbm>> -> memref<10000x128xf32, #tpu.memory_space<hbm>>
        tpu.enqueue_indirect_dma source(%dma_start3A_308 : memref<10000x128xf32, #tpu.memory_space<hbm>>) target(%arg11 : memref<128x128xf32, #tpu.memory_space<vmem>>) offsets(%dma_start3A_305 : memref<128xi32, #tpu.memory_space<vmem>>) semaphore(%arg14 : memref<!tpu.dma_semaphore, #tpu.memory_space<semaphore_mem>>)
      } else {
      }
      %eq3A_213 = arith.constant 1 : i32
      %eq3A_214 = arith.cmpi eq, %rem3A_82, %eq3A_213 : i32
      %convert_element_type3A_215 = arith.extui %eq3A_214 : i1 to i32
      %cond3A_216 = arith.constant 0 : i32
      %cond3A_217 = arith.cmpi ne, %convert_element_type3A_215, %cond3A_216 : i32
      scf.if %cond3A_217 {
        %dma_start3A_302 = arith.constant 6 : i32
        %dma_start3A_303 = arith.constant 0 : i32
        %dma_start3A_304 = tpu.memref_slice %arg8[%dma_start3A_302, %dma_start3A_303] : memref<8x128xi32, #tpu.memory_space<vmem>> -> memref<1x128xi32, #tpu.memory_space<vmem>>
        %dma_start3A_305 = tpu.memref_squeeze %dma_start3A_304 : memref<1x128xi32, #tpu.memory_space<vmem>> -> memref<128xi32, #tpu.memory_space<vmem>>
        %dma_start3A_306 = arith.constant 0 : i32
        %dma_start3A_307 = arith.constant 0 : i32
        %dma_start3A_308 = tpu.memref_slice %arg2[%dma_start3A_306, %dma_start3A_307] : memref<10000x128xf32, #tpu.memory_space<hbm>> -> memref<10000x128xf32, #tpu.memory_space<hbm>>
        tpu.enqueue_indirect_dma source(%dma_start3A_308 : memref<10000x128xf32, #tpu.memory_space<hbm>>) target(%arg11 : memref<128x128xf32, #tpu.memory_space<vmem>>) offsets(%dma_start3A_305 : memref<128xi32, #tpu.memory_space<vmem>>) semaphore(%arg14 : memref<!tpu.dma_semaphore, #tpu.memory_space<semaphore_mem>>)
      } else {
      }
      %dma_wait3A_218 = arith.constant 0 : i32
      %dma_wait3A_219 = arith.constant 0 : i32
      %dma_wait3A_220 = tpu.memref_slice %arg7[%dma_wait3A_218, %dma_wait3A_219] : memref<8x128xi32, #tpu.memory_space<vmem>> -> memref<1x128xi32, #tpu.memory_space<vmem>>
      %dma_wait3A_221 = tpu.memref_squeeze %dma_wait3A_220 : memref<1x128xi32, #tpu.memory_space<vmem>> -> memref<128xi32, #tpu.memory_space<vmem>>
      %dma_wait3A_222 = arith.constant 0 : i32
      %dma_wait3A_223 = arith.constant 0 : i32
      %dma_wait3A_224 = tpu.memref_slice %arg2[%dma_wait3A_222, %dma_wait3A_223] : memref<10000x128xf32, #tpu.memory_space<hbm>> -> memref<10000x128xf32, #tpu.memory_space<hbm>>
      tpu.wait_indirect_dma semaphore(%arg15 : memref<!tpu.dma_semaphore, #tpu.memory_space<semaphore_mem>>) src(%dma_wait3A_224 : memref<10000x128xf32, #tpu.memory_space<hbm>>) dst(%arg12 : memref<128x128xf32, #tpu.memory_space<vmem>>)
      %eq3A_225 = arith.constant 0 : i32
      %eq3A_226 = arith.cmpi eq, %rem3A_82, %eq3A_225 : i32
      %convert_element_type3A_227 = arith.extui %eq3A_226 : i1 to i32
      %cond3A_228 = arith.constant 0 : i32
      %cond3A_229 = arith.cmpi ne, %convert_element_type3A_227, %cond3A_228 : i32
      scf.if %cond3A_229 {
        %run_scoped3A = arith.constant 5 : i32
        "tpu.region"() ({
          %run_scoped3A_302 = tpu.sem_alloc : memref<!tpu.dma_semaphore, #tpu.memory_space<semaphore_mem>>
          %dma_start3A_303 = arith.constant 0 : i32
          %dma_start3A_304 = tpu.memref_slice %arg9[%run_scoped3A, %dma_start3A_303] : memref<8x128xi32, #tpu.memory_space<vmem>> -> memref<1x128xi32, #tpu.memory_space<vmem>>
          %dma_start3A_305 = tpu.memref_squeeze %dma_start3A_304 : memref<1x128xi32, #tpu.memory_space<vmem>> -> memref<128xi32, #tpu.memory_space<vmem>>
          %dma_start3A_306 = arith.constant 0 : i32
          %dma_start3A_307 = arith.constant 0 : i32
          %dma_start3A_308 = tpu.memref_slice %arg13[%dma_start3A_306, %dma_start3A_307] : memref<10240x128xf32, #tpu.memory_space<vmem_shared>> -> memref<10240x128xf32, #tpu.memory_space<vmem_shared>>
          tpu.enqueue_indirect_dma source(%arg12 : memref<128x128xf32, #tpu.memory_space<vmem>>) target(%dma_start3A_308 : memref<10240x128xf32, #tpu.memory_space<vmem_shared>>) offsets(%dma_start3A_305 : memref<128xi32, #tpu.memory_space<vmem>>) semaphore(%run_scoped3A_302 : memref<!tpu.dma_semaphore, #tpu.memory_space<semaphore_mem>>) {add = true}
          %dma_wait3A_309 = arith.constant 0 : i32
          %dma_wait3A_310 = tpu.memref_slice %arg9[%run_scoped3A, %dma_wait3A_309] : memref<8x128xi32, #tpu.memory_space<vmem>> -> memref<1x128xi32, #tpu.memory_space<vmem>>
          %dma_wait3A_311 = tpu.memref_squeeze %dma_wait3A_310 : memref<1x128xi32, #tpu.memory_space<vmem>> -> memref<128xi32, #tpu.memory_space<vmem>>
          %dma_wait3A_312 = arith.constant 0 : i32
          %dma_wait3A_313 = arith.constant 0 : i32
          %dma_wait3A_314 = tpu.memref_slice %arg13[%dma_wait3A_312, %dma_wait3A_313] : memref<10240x128xf32, #tpu.memory_space<vmem_shared>> -> memref<10240x128xf32, #tpu.memory_space<vmem_shared>>
          tpu.wait_indirect_dma semaphore(%run_scoped3A_302 : memref<!tpu.dma_semaphore, #tpu.memory_space<semaphore_mem>>) src(%arg12 : memref<128x128xf32, #tpu.memory_space<vmem>>) dst(%dma_wait3A_314 : memref<10240x128xf32, #tpu.memory_space<vmem_shared>>)
          tpu.yield
        }) : () -> ()
      } else {
      }
      %eq3A_230 = arith.constant 1 : i32
      %eq3A_231 = arith.cmpi eq, %rem3A_82, %eq3A_230 : i32
      %convert_element_type3A_232 = arith.extui %eq3A_231 : i1 to i32
      %cond3A_233 = arith.constant 0 : i32
      %cond3A_234 = arith.cmpi ne, %convert_element_type3A_232, %cond3A_233 : i32
      scf.if %cond3A_234 {
        %run_scoped3A = arith.constant 5 : i32
        "tpu.region"() ({
          %run_scoped3A_302 = tpu.sem_alloc : memref<!tpu.dma_semaphore, #tpu.memory_space<semaphore_mem>>
          %dma_start3A_303 = arith.constant 0 : i32
          %dma_start3A_304 = tpu.memref_slice %arg10[%run_scoped3A, %dma_start3A_303] : memref<8x128xi32, #tpu.memory_space<vmem>> -> memref<1x128xi32, #tpu.memory_space<vmem>>
          %dma_start3A_305 = tpu.memref_squeeze %dma_start3A_304 : memref<1x128xi32, #tpu.memory_space<vmem>> -> memref<128xi32, #tpu.memory_space<vmem>>
          %dma_start3A_306 = arith.constant 0 : i32
          %dma_start3A_307 = arith.constant 0 : i32
          %dma_start3A_308 = tpu.memref_slice %arg13[%dma_start3A_306, %dma_start3A_307] : memref<10240x128xf32, #tpu.memory_space<vmem_shared>> -> memref<10240x128xf32, #tpu.memory_space<vmem_shared>>
          tpu.enqueue_indirect_dma source(%arg12 : memref<128x128xf32, #tpu.memory_space<vmem>>) target(%dma_start3A_308 : memref<10240x128xf32, #tpu.memory_space<vmem_shared>>) offsets(%dma_start3A_305 : memref<128xi32, #tpu.memory_space<vmem>>) semaphore(%run_scoped3A_302 : memref<!tpu.dma_semaphore, #tpu.memory_space<semaphore_mem>>) {add = true}
          %dma_wait3A_309 = arith.constant 0 : i32
          %dma_wait3A_310 = tpu.memref_slice %arg10[%run_scoped3A, %dma_wait3A_309] : memref<8x128xi32, #tpu.memory_space<vmem>> -> memref<1x128xi32, #tpu.memory_space<vmem>>
          %dma_wait3A_311 = tpu.memref_squeeze %dma_wait3A_310 : memref<1x128xi32, #tpu.memory_space<vmem>> -> memref<128xi32, #tpu.memory_space<vmem>>
          %dma_wait3A_312 = arith.constant 0 : i32
          %dma_wait3A_313 = arith.constant 0 : i32
          %dma_wait3A_314 = tpu.memref_slice %arg13[%dma_wait3A_312, %dma_wait3A_313] : memref<10240x128xf32, #tpu.memory_space<vmem_shared>> -> memref<10240x128xf32, #tpu.memory_space<vmem_shared>>
          tpu.wait_indirect_dma semaphore(%run_scoped3A_302 : memref<!tpu.dma_semaphore, #tpu.memory_space<semaphore_mem>>) src(%arg12 : memref<128x128xf32, #tpu.memory_space<vmem>>) dst(%dma_wait3A_314 : memref<10240x128xf32, #tpu.memory_space<vmem_shared>>)
          tpu.yield
        }) : () -> ()
      } else {
      }
      %sub3A_235 = arith.constant 1 : i32
      %sub3A_236 = arith.subi %select_n3A_8, %sub3A_235 : i32
      %lt3A = arith.cmpi slt, %while3A_81, %sub3A_236 : i32
      %convert_element_type3A_237 = arith.extui %lt3A : i1 to i32
      %cond3A_238 = arith.constant 0 : i32
      %cond3A_239 = arith.cmpi ne, %convert_element_type3A_237, %cond3A_238 : i32
      scf.if %cond3A_239 {
        %eq3A_302 = arith.constant 0 : i32
        %eq3A_303 = arith.cmpi eq, %sub3A_83, %eq3A_302 : i32
        %convert_element_type3A_304 = arith.extui %eq3A_303 : i1 to i32
        %cond3A_305 = arith.constant 0 : i32
        %cond3A_306 = arith.cmpi ne, %convert_element_type3A_304, %cond3A_305 : i32
        scf.if %cond3A_306 {
          %dma_wait3A_312 = arith.constant 0 : i32
          %dma_wait3A_313 = tpu.memref_slice %arg3[%select_n3A, %dma_wait3A_312] : memref<2560x128xi32, #tpu.memory_space<hbm>> -> memref<8x128xi32, #tpu.memory_space<hbm>>
          %dma_wait3A_314 = arith.constant 0 : i32
          %dma_wait3A_315 = tpu.memref_slice %arg3[%select_n3A, %dma_wait3A_314] : memref<2560x128xi32, #tpu.memory_space<hbm>> -> memref<8x128xi32, #tpu.memory_space<hbm>>
          tpu.wait_dma2 semaphore(%arg16 : memref<!tpu.dma_semaphore, #tpu.memory_space<semaphore_mem>>) src(%dma_wait3A_315 : memref<8x128xi32, #tpu.memory_space<hbm>>) dst(%arg7 : memref<8x128xi32, #tpu.memory_space<vmem>>)
          %dma_wait3A_316 = arith.constant 0 : i32
          %dma_wait3A_317 = tpu.memref_slice %arg4[%select_n3A, %dma_wait3A_316] : memref<2560x128xi32, #tpu.memory_space<hbm>> -> memref<8x128xi32, #tpu.memory_space<hbm>>
          %dma_wait3A_318 = arith.constant 0 : i32
          %dma_wait3A_319 = tpu.memref_slice %arg4[%select_n3A, %dma_wait3A_318] : memref<2560x128xi32, #tpu.memory_space<hbm>> -> memref<8x128xi32, #tpu.memory_space<hbm>>
          tpu.wait_dma2 semaphore(%arg16 : memref<!tpu.dma_semaphore, #tpu.memory_space<semaphore_mem>>) src(%dma_wait3A_319 : memref<8x128xi32, #tpu.memory_space<hbm>>) dst(%arg9 : memref<8x128xi32, #tpu.memory_space<vmem>>)
        } else {
        }
        %eq3A_307 = arith.constant 1 : i32
        %eq3A_308 = arith.cmpi eq, %sub3A_83, %eq3A_307 : i32
        %convert_element_type3A_309 = arith.extui %eq3A_308 : i1 to i32
        %cond3A_310 = arith.constant 0 : i32
        %cond3A_311 = arith.cmpi ne, %convert_element_type3A_309, %cond3A_310 : i32
        scf.if %cond3A_311 {
          %dma_wait3A_312 = arith.constant 0 : i32
          %dma_wait3A_313 = tpu.memref_slice %arg3[%select_n3A, %dma_wait3A_312] : memref<2560x128xi32, #tpu.memory_space<hbm>> -> memref<8x128xi32, #tpu.memory_space<hbm>>
          %dma_wait3A_314 = arith.constant 0 : i32
          %dma_wait3A_315 = tpu.memref_slice %arg3[%select_n3A, %dma_wait3A_314] : memref<2560x128xi32, #tpu.memory_space<hbm>> -> memref<8x128xi32, #tpu.memory_space<hbm>>
          tpu.wait_dma2 semaphore(%arg17 : memref<!tpu.dma_semaphore, #tpu.memory_space<semaphore_mem>>) src(%dma_wait3A_315 : memref<8x128xi32, #tpu.memory_space<hbm>>) dst(%arg8 : memref<8x128xi32, #tpu.memory_space<vmem>>)
          %dma_wait3A_316 = arith.constant 0 : i32
          %dma_wait3A_317 = tpu.memref_slice %arg4[%select_n3A, %dma_wait3A_316] : memref<2560x128xi32, #tpu.memory_space<hbm>> -> memref<8x128xi32, #tpu.memory_space<hbm>>
          %dma_wait3A_318 = arith.constant 0 : i32
          %dma_wait3A_319 = tpu.memref_slice %arg4[%select_n3A, %dma_wait3A_318] : memref<2560x128xi32, #tpu.memory_space<hbm>> -> memref<8x128xi32, #tpu.memory_space<hbm>>
          tpu.wait_dma2 semaphore(%arg17 : memref<!tpu.dma_semaphore, #tpu.memory_space<semaphore_mem>>) src(%dma_wait3A_319 : memref<8x128xi32, #tpu.memory_space<hbm>>) dst(%arg10 : memref<8x128xi32, #tpu.memory_space<vmem>>)
        } else {
        }
      } else {
      }
      %eq3A_240 = arith.constant 0 : i32
      %eq3A_241 = arith.cmpi eq, %rem3A_82, %eq3A_240 : i32
      %convert_element_type3A_242 = arith.extui %eq3A_241 : i1 to i32
      %cond3A_243 = arith.constant 0 : i32
      %cond3A_244 = arith.cmpi ne, %convert_element_type3A_242, %cond3A_243 : i32
      scf.if %cond3A_244 {
        %dma_start3A_302 = arith.constant 7 : i32
        %dma_start3A_303 = arith.constant 0 : i32
        %dma_start3A_304 = tpu.memref_slice %arg7[%dma_start3A_302, %dma_start3A_303] : memref<8x128xi32, #tpu.memory_space<vmem>> -> memref<1x128xi32, #tpu.memory_space<vmem>>
        %dma_start3A_305 = tpu.memref_squeeze %dma_start3A_304 : memref<1x128xi32, #tpu.memory_space<vmem>> -> memref<128xi32, #tpu.memory_space<vmem>>
        %dma_start3A_306 = arith.constant 0 : i32
        %dma_start3A_307 = arith.constant 0 : i32
        %dma_start3A_308 = tpu.memref_slice %arg2[%dma_start3A_306, %dma_start3A_307] : memref<10000x128xf32, #tpu.memory_space<hbm>> -> memref<10000x128xf32, #tpu.memory_space<hbm>>
        tpu.enqueue_indirect_dma source(%dma_start3A_308 : memref<10000x128xf32, #tpu.memory_space<hbm>>) target(%arg12 : memref<128x128xf32, #tpu.memory_space<vmem>>) offsets(%dma_start3A_305 : memref<128xi32, #tpu.memory_space<vmem>>) semaphore(%arg15 : memref<!tpu.dma_semaphore, #tpu.memory_space<semaphore_mem>>)
      } else {
      }
      %eq3A_245 = arith.constant 1 : i32
      %eq3A_246 = arith.cmpi eq, %rem3A_82, %eq3A_245 : i32
      %convert_element_type3A_247 = arith.extui %eq3A_246 : i1 to i32
      %cond3A_248 = arith.constant 0 : i32
      %cond3A_249 = arith.cmpi ne, %convert_element_type3A_247, %cond3A_248 : i32
      scf.if %cond3A_249 {
        %dma_start3A_302 = arith.constant 7 : i32
        %dma_start3A_303 = arith.constant 0 : i32
        %dma_start3A_304 = tpu.memref_slice %arg8[%dma_start3A_302, %dma_start3A_303] : memref<8x128xi32, #tpu.memory_space<vmem>> -> memref<1x128xi32, #tpu.memory_space<vmem>>
        %dma_start3A_305 = tpu.memref_squeeze %dma_start3A_304 : memref<1x128xi32, #tpu.memory_space<vmem>> -> memref<128xi32, #tpu.memory_space<vmem>>
        %dma_start3A_306 = arith.constant 0 : i32
        %dma_start3A_307 = arith.constant 0 : i32
        %dma_start3A_308 = tpu.memref_slice %arg2[%dma_start3A_306, %dma_start3A_307] : memref<10000x128xf32, #tpu.memory_space<hbm>> -> memref<10000x128xf32, #tpu.memory_space<hbm>>
        tpu.enqueue_indirect_dma source(%dma_start3A_308 : memref<10000x128xf32, #tpu.memory_space<hbm>>) target(%arg12 : memref<128x128xf32, #tpu.memory_space<vmem>>) offsets(%dma_start3A_305 : memref<128xi32, #tpu.memory_space<vmem>>) semaphore(%arg15 : memref<!tpu.dma_semaphore, #tpu.memory_space<semaphore_mem>>)
      } else {
      }
      %dma_wait3A_250 = arith.constant 0 : i32
      %dma_wait3A_251 = arith.constant 0 : i32
      %dma_wait3A_252 = tpu.memref_slice %arg7[%dma_wait3A_250, %dma_wait3A_251] : memref<8x128xi32, #tpu.memory_space<vmem>> -> memref<1x128xi32, #tpu.memory_space<vmem>>
      %dma_wait3A_253 = tpu.memref_squeeze %dma_wait3A_252 : memref<1x128xi32, #tpu.memory_space<vmem>> -> memref<128xi32, #tpu.memory_space<vmem>>
      %dma_wait3A_254 = arith.constant 0 : i32
      %dma_wait3A_255 = arith.constant 0 : i32
      %dma_wait3A_256 = tpu.memref_slice %arg2[%dma_wait3A_254, %dma_wait3A_255] : memref<10000x128xf32, #tpu.memory_space<hbm>> -> memref<10000x128xf32, #tpu.memory_space<hbm>>
      tpu.wait_indirect_dma semaphore(%arg14 : memref<!tpu.dma_semaphore, #tpu.memory_space<semaphore_mem>>) src(%dma_wait3A_256 : memref<10000x128xf32, #tpu.memory_space<hbm>>) dst(%arg11 : memref<128x128xf32, #tpu.memory_space<vmem>>)
      %eq3A_257 = arith.constant 0 : i32
      %eq3A_258 = arith.cmpi eq, %rem3A_82, %eq3A_257 : i32
      %convert_element_type3A_259 = arith.extui %eq3A_258 : i1 to i32
      %cond3A_260 = arith.constant 0 : i32
      %cond3A_261 = arith.cmpi ne, %convert_element_type3A_259, %cond3A_260 : i32
      scf.if %cond3A_261 {
        %run_scoped3A = arith.constant 6 : i32
        "tpu.region"() ({
          %run_scoped3A_302 = tpu.sem_alloc : memref<!tpu.dma_semaphore, #tpu.memory_space<semaphore_mem>>
          %dma_start3A_303 = arith.constant 0 : i32
          %dma_start3A_304 = tpu.memref_slice %arg9[%run_scoped3A, %dma_start3A_303] : memref<8x128xi32, #tpu.memory_space<vmem>> -> memref<1x128xi32, #tpu.memory_space<vmem>>
          %dma_start3A_305 = tpu.memref_squeeze %dma_start3A_304 : memref<1x128xi32, #tpu.memory_space<vmem>> -> memref<128xi32, #tpu.memory_space<vmem>>
          %dma_start3A_306 = arith.constant 0 : i32
          %dma_start3A_307 = arith.constant 0 : i32
          %dma_start3A_308 = tpu.memref_slice %arg13[%dma_start3A_306, %dma_start3A_307] : memref<10240x128xf32, #tpu.memory_space<vmem_shared>> -> memref<10240x128xf32, #tpu.memory_space<vmem_shared>>
          tpu.enqueue_indirect_dma source(%arg11 : memref<128x128xf32, #tpu.memory_space<vmem>>) target(%dma_start3A_308 : memref<10240x128xf32, #tpu.memory_space<vmem_shared>>) offsets(%dma_start3A_305 : memref<128xi32, #tpu.memory_space<vmem>>) semaphore(%run_scoped3A_302 : memref<!tpu.dma_semaphore, #tpu.memory_space<semaphore_mem>>) {add = true}
          %dma_wait3A_309 = arith.constant 0 : i32
          %dma_wait3A_310 = tpu.memref_slice %arg9[%run_scoped3A, %dma_wait3A_309] : memref<8x128xi32, #tpu.memory_space<vmem>> -> memref<1x128xi32, #tpu.memory_space<vmem>>
          %dma_wait3A_311 = tpu.memref_squeeze %dma_wait3A_310 : memref<1x128xi32, #tpu.memory_space<vmem>> -> memref<128xi32, #tpu.memory_space<vmem>>
          %dma_wait3A_312 = arith.constant 0 : i32
          %dma_wait3A_313 = arith.constant 0 : i32
          %dma_wait3A_314 = tpu.memref_slice %arg13[%dma_wait3A_312, %dma_wait3A_313] : memref<10240x128xf32, #tpu.memory_space<vmem_shared>> -> memref<10240x128xf32, #tpu.memory_space<vmem_shared>>
          tpu.wait_indirect_dma semaphore(%run_scoped3A_302 : memref<!tpu.dma_semaphore, #tpu.memory_space<semaphore_mem>>) src(%arg11 : memref<128x128xf32, #tpu.memory_space<vmem>>) dst(%dma_wait3A_314 : memref<10240x128xf32, #tpu.memory_space<vmem_shared>>)
          tpu.yield
        }) : () -> ()
      } else {
      }
      %eq3A_262 = arith.constant 1 : i32
      %eq3A_263 = arith.cmpi eq, %rem3A_82, %eq3A_262 : i32
      %convert_element_type3A_264 = arith.extui %eq3A_263 : i1 to i32
      %cond3A_265 = arith.constant 0 : i32
      %cond3A_266 = arith.cmpi ne, %convert_element_type3A_264, %cond3A_265 : i32
      scf.if %cond3A_266 {
        %run_scoped3A = arith.constant 6 : i32
        "tpu.region"() ({
          %run_scoped3A_302 = tpu.sem_alloc : memref<!tpu.dma_semaphore, #tpu.memory_space<semaphore_mem>>
          %dma_start3A_303 = arith.constant 0 : i32
          %dma_start3A_304 = tpu.memref_slice %arg10[%run_scoped3A, %dma_start3A_303] : memref<8x128xi32, #tpu.memory_space<vmem>> -> memref<1x128xi32, #tpu.memory_space<vmem>>
          %dma_start3A_305 = tpu.memref_squeeze %dma_start3A_304 : memref<1x128xi32, #tpu.memory_space<vmem>> -> memref<128xi32, #tpu.memory_space<vmem>>
          %dma_start3A_306 = arith.constant 0 : i32
          %dma_start3A_307 = arith.constant 0 : i32
          %dma_start3A_308 = tpu.memref_slice %arg13[%dma_start3A_306, %dma_start3A_307] : memref<10240x128xf32, #tpu.memory_space<vmem_shared>> -> memref<10240x128xf32, #tpu.memory_space<vmem_shared>>
          tpu.enqueue_indirect_dma source(%arg11 : memref<128x128xf32, #tpu.memory_space<vmem>>) target(%dma_start3A_308 : memref<10240x128xf32, #tpu.memory_space<vmem_shared>>) offsets(%dma_start3A_305 : memref<128xi32, #tpu.memory_space<vmem>>) semaphore(%run_scoped3A_302 : memref<!tpu.dma_semaphore, #tpu.memory_space<semaphore_mem>>) {add = true}
          %dma_wait3A_309 = arith.constant 0 : i32
          %dma_wait3A_310 = tpu.memref_slice %arg10[%run_scoped3A, %dma_wait3A_309] : memref<8x128xi32, #tpu.memory_space<vmem>> -> memref<1x128xi32, #tpu.memory_space<vmem>>
          %dma_wait3A_311 = tpu.memref_squeeze %dma_wait3A_310 : memref<1x128xi32, #tpu.memory_space<vmem>> -> memref<128xi32, #tpu.memory_space<vmem>>
          %dma_wait3A_312 = arith.constant 0 : i32
          %dma_wait3A_313 = arith.constant 0 : i32
          %dma_wait3A_314 = tpu.memref_slice %arg13[%dma_wait3A_312, %dma_wait3A_313] : memref<10240x128xf32, #tpu.memory_space<vmem_shared>> -> memref<10240x128xf32, #tpu.memory_space<vmem_shared>>
          tpu.wait_indirect_dma semaphore(%run_scoped3A_302 : memref<!tpu.dma_semaphore, #tpu.memory_space<semaphore_mem>>) src(%arg11 : memref<128x128xf32, #tpu.memory_space<vmem>>) dst(%dma_wait3A_314 : memref<10240x128xf32, #tpu.memory_space<vmem_shared>>)
          tpu.yield
        }) : () -> ()
      } else {
      }
      %sub3A_267 = arith.constant 1 : i32
      %sub3A_268 = arith.subi %select_n3A_8, %sub3A_267 : i32
      %lt3A_269 = arith.cmpi slt, %while3A_81, %sub3A_268 : i32
      %convert_element_type3A_270 = arith.extui %lt3A_269 : i1 to i32
      %cond3A_271 = arith.constant 0 : i32
      %cond3A_272 = arith.cmpi ne, %convert_element_type3A_270, %cond3A_271 : i32
      scf.if %cond3A_272 {
        %eq3A_302 = arith.constant 0 : i32
        %eq3A_303 = arith.cmpi eq, %sub3A_83, %eq3A_302 : i32
        %convert_element_type3A_304 = arith.extui %eq3A_303 : i1 to i32
        %cond3A_305 = arith.constant 0 : i32
        %cond3A_306 = arith.cmpi ne, %convert_element_type3A_304, %cond3A_305 : i32
        scf.if %cond3A_306 {
          %dma_start3A_312 = arith.constant 0 : i32
          %dma_start3A_313 = arith.constant 0 : i32
          %dma_start3A_314 = tpu.memref_slice %arg7[%dma_start3A_312, %dma_start3A_313] : memref<8x128xi32, #tpu.memory_space<vmem>> -> memref<1x128xi32, #tpu.memory_space<vmem>>
          %dma_start3A_315 = tpu.memref_squeeze %dma_start3A_314 : memref<1x128xi32, #tpu.memory_space<vmem>> -> memref<128xi32, #tpu.memory_space<vmem>>
          %dma_start3A_316 = arith.constant 0 : i32
          %dma_start3A_317 = arith.constant 0 : i32
          %dma_start3A_318 = tpu.memref_slice %arg2[%dma_start3A_316, %dma_start3A_317] : memref<10000x128xf32, #tpu.memory_space<hbm>> -> memref<10000x128xf32, #tpu.memory_space<hbm>>
          tpu.enqueue_indirect_dma source(%dma_start3A_318 : memref<10000x128xf32, #tpu.memory_space<hbm>>) target(%arg11 : memref<128x128xf32, #tpu.memory_space<vmem>>) offsets(%dma_start3A_315 : memref<128xi32, #tpu.memory_space<vmem>>) semaphore(%arg14 : memref<!tpu.dma_semaphore, #tpu.memory_space<semaphore_mem>>)
        } else {
        }
        %eq3A_307 = arith.constant 1 : i32
        %eq3A_308 = arith.cmpi eq, %sub3A_83, %eq3A_307 : i32
        %convert_element_type3A_309 = arith.extui %eq3A_308 : i1 to i32
        %cond3A_310 = arith.constant 0 : i32
        %cond3A_311 = arith.cmpi ne, %convert_element_type3A_309, %cond3A_310 : i32
        scf.if %cond3A_311 {
          %dma_start3A_312 = arith.constant 0 : i32
          %dma_start3A_313 = arith.constant 0 : i32
          %dma_start3A_314 = tpu.memref_slice %arg8[%dma_start3A_312, %dma_start3A_313] : memref<8x128xi32, #tpu.memory_space<vmem>> -> memref<1x128xi32, #tpu.memory_space<vmem>>
          %dma_start3A_315 = tpu.memref_squeeze %dma_start3A_314 : memref<1x128xi32, #tpu.memory_space<vmem>> -> memref<128xi32, #tpu.memory_space<vmem>>
          %dma_start3A_316 = arith.constant 0 : i32
          %dma_start3A_317 = arith.constant 0 : i32
          %dma_start3A_318 = tpu.memref_slice %arg2[%dma_start3A_316, %dma_start3A_317] : memref<10000x128xf32, #tpu.memory_space<hbm>> -> memref<10000x128xf32, #tpu.memory_space<hbm>>
          tpu.enqueue_indirect_dma source(%dma_start3A_318 : memref<10000x128xf32, #tpu.memory_space<hbm>>) target(%arg11 : memref<128x128xf32, #tpu.memory_space<vmem>>) offsets(%dma_start3A_315 : memref<128xi32, #tpu.memory_space<vmem>>) semaphore(%arg14 : memref<!tpu.dma_semaphore, #tpu.memory_space<semaphore_mem>>)
        } else {
        }
      } else {
      }
      %dma_wait3A_273 = arith.constant 0 : i32
      %dma_wait3A_274 = arith.constant 0 : i32
      %dma_wait3A_275 = tpu.memref_slice %arg7[%dma_wait3A_273, %dma_wait3A_274] : memref<8x128xi32, #tpu.memory_space<vmem>> -> memref<1x128xi32, #tpu.memory_space<vmem>>
      %dma_wait3A_276 = tpu.memref_squeeze %dma_wait3A_275 : memref<1x128xi32, #tpu.memory_space<vmem>> -> memref<128xi32, #tpu.memory_space<vmem>>
      %dma_wait3A_277 = arith.constant 0 : i32
      %dma_wait3A_278 = arith.constant 0 : i32
      %dma_wait3A_279 = tpu.memref_slice %arg2[%dma_wait3A_277, %dma_wait3A_278] : memref<10000x128xf32, #tpu.memory_space<hbm>> -> memref<10000x128xf32, #tpu.memory_space<hbm>>
      tpu.wait_indirect_dma semaphore(%arg15 : memref<!tpu.dma_semaphore, #tpu.memory_space<semaphore_mem>>) src(%dma_wait3A_279 : memref<10000x128xf32, #tpu.memory_space<hbm>>) dst(%arg12 : memref<128x128xf32, #tpu.memory_space<vmem>>)
      %eq3A_280 = arith.constant 0 : i32
      %eq3A_281 = arith.cmpi eq, %rem3A_82, %eq3A_280 : i32
      %convert_element_type3A_282 = arith.extui %eq3A_281 : i1 to i32
      %cond3A_283 = arith.constant 0 : i32
      %cond3A_284 = arith.cmpi ne, %convert_element_type3A_282, %cond3A_283 : i32
      scf.if %cond3A_284 {
        %run_scoped3A = arith.constant 7 : i32
        "tpu.region"() ({
          %run_scoped3A_302 = tpu.sem_alloc : memref<!tpu.dma_semaphore, #tpu.memory_space<semaphore_mem>>
          %dma_start3A_303 = arith.constant 0 : i32
          %dma_start3A_304 = tpu.memref_slice %arg9[%run_scoped3A, %dma_start3A_303] : memref<8x128xi32, #tpu.memory_space<vmem>> -> memref<1x128xi32, #tpu.memory_space<vmem>>
          %dma_start3A_305 = tpu.memref_squeeze %dma_start3A_304 : memref<1x128xi32, #tpu.memory_space<vmem>> -> memref<128xi32, #tpu.memory_space<vmem>>
          %dma_start3A_306 = arith.constant 0 : i32
          %dma_start3A_307 = arith.constant 0 : i32
          %dma_start3A_308 = tpu.memref_slice %arg13[%dma_start3A_306, %dma_start3A_307] : memref<10240x128xf32, #tpu.memory_space<vmem_shared>> -> memref<10240x128xf32, #tpu.memory_space<vmem_shared>>
          tpu.enqueue_indirect_dma source(%arg12 : memref<128x128xf32, #tpu.memory_space<vmem>>) target(%dma_start3A_308 : memref<10240x128xf32, #tpu.memory_space<vmem_shared>>) offsets(%dma_start3A_305 : memref<128xi32, #tpu.memory_space<vmem>>) semaphore(%run_scoped3A_302 : memref<!tpu.dma_semaphore, #tpu.memory_space<semaphore_mem>>) {add = true}
          %dma_wait3A_309 = arith.constant 0 : i32
          %dma_wait3A_310 = tpu.memref_slice %arg9[%run_scoped3A, %dma_wait3A_309] : memref<8x128xi32, #tpu.memory_space<vmem>> -> memref<1x128xi32, #tpu.memory_space<vmem>>
          %dma_wait3A_311 = tpu.memref_squeeze %dma_wait3A_310 : memref<1x128xi32, #tpu.memory_space<vmem>> -> memref<128xi32, #tpu.memory_space<vmem>>
          %dma_wait3A_312 = arith.constant 0 : i32
          %dma_wait3A_313 = arith.constant 0 : i32
          %dma_wait3A_314 = tpu.memref_slice %arg13[%dma_wait3A_312, %dma_wait3A_313] : memref<10240x128xf32, #tpu.memory_space<vmem_shared>> -> memref<10240x128xf32, #tpu.memory_space<vmem_shared>>
          tpu.wait_indirect_dma semaphore(%run_scoped3A_302 : memref<!tpu.dma_semaphore, #tpu.memory_space<semaphore_mem>>) src(%arg12 : memref<128x128xf32, #tpu.memory_space<vmem>>) dst(%dma_wait3A_314 : memref<10240x128xf32, #tpu.memory_space<vmem_shared>>)
          tpu.yield
        }) : () -> ()
      } else {
      }
      %eq3A_285 = arith.constant 1 : i32
      %eq3A_286 = arith.cmpi eq, %rem3A_82, %eq3A_285 : i32
      %convert_element_type3A_287 = arith.extui %eq3A_286 : i1 to i32
      %cond3A_288 = arith.constant 0 : i32
      %cond3A_289 = arith.cmpi ne, %convert_element_type3A_287, %cond3A_288 : i32
      scf.if %cond3A_289 {
        %run_scoped3A = arith.constant 7 : i32
        "tpu.region"() ({
          %run_scoped3A_302 = tpu.sem_alloc : memref<!tpu.dma_semaphore, #tpu.memory_space<semaphore_mem>>
          %dma_start3A_303 = arith.constant 0 : i32
          %dma_start3A_304 = tpu.memref_slice %arg10[%run_scoped3A, %dma_start3A_303] : memref<8x128xi32, #tpu.memory_space<vmem>> -> memref<1x128xi32, #tpu.memory_space<vmem>>
          %dma_start3A_305 = tpu.memref_squeeze %dma_start3A_304 : memref<1x128xi32, #tpu.memory_space<vmem>> -> memref<128xi32, #tpu.memory_space<vmem>>
          %dma_start3A_306 = arith.constant 0 : i32
          %dma_start3A_307 = arith.constant 0 : i32
          %dma_start3A_308 = tpu.memref_slice %arg13[%dma_start3A_306, %dma_start3A_307] : memref<10240x128xf32, #tpu.memory_space<vmem_shared>> -> memref<10240x128xf32, #tpu.memory_space<vmem_shared>>
          tpu.enqueue_indirect_dma source(%arg12 : memref<128x128xf32, #tpu.memory_space<vmem>>) target(%dma_start3A_308 : memref<10240x128xf32, #tpu.memory_space<vmem_shared>>) offsets(%dma_start3A_305 : memref<128xi32, #tpu.memory_space<vmem>>) semaphore(%run_scoped3A_302 : memref<!tpu.dma_semaphore, #tpu.memory_space<semaphore_mem>>) {add = true}
          %dma_wait3A_309 = arith.constant 0 : i32
          %dma_wait3A_310 = tpu.memref_slice %arg10[%run_scoped3A, %dma_wait3A_309] : memref<8x128xi32, #tpu.memory_space<vmem>> -> memref<1x128xi32, #tpu.memory_space<vmem>>
          %dma_wait3A_311 = tpu.memref_squeeze %dma_wait3A_310 : memref<1x128xi32, #tpu.memory_space<vmem>> -> memref<128xi32, #tpu.memory_space<vmem>>
          %dma_wait3A_312 = arith.constant 0 : i32
          %dma_wait3A_313 = arith.constant 0 : i32
          %dma_wait3A_314 = tpu.memref_slice %arg13[%dma_wait3A_312, %dma_wait3A_313] : memref<10240x128xf32, #tpu.memory_space<vmem_shared>> -> memref<10240x128xf32, #tpu.memory_space<vmem_shared>>
          tpu.wait_indirect_dma semaphore(%run_scoped3A_302 : memref<!tpu.dma_semaphore, #tpu.memory_space<semaphore_mem>>) src(%arg12 : memref<128x128xf32, #tpu.memory_space<vmem>>) dst(%dma_wait3A_314 : memref<10240x128xf32, #tpu.memory_space<vmem_shared>>)
          tpu.yield
        }) : () -> ()
      } else {
      }
      %sub3A_290 = arith.constant 1 : i32
      %sub3A_291 = arith.subi %select_n3A_8, %sub3A_290 : i32
      %lt3A_292 = arith.cmpi slt, %while3A_81, %sub3A_291 : i32
      %convert_element_type3A_293 = arith.extui %lt3A_292 : i1 to i32
      %cond3A_294 = arith.constant 0 : i32
      %cond3A_295 = arith.cmpi ne, %convert_element_type3A_293, %cond3A_294 : i32
      scf.if %cond3A_295 {
        %eq3A_302 = arith.constant 0 : i32
        %eq3A_303 = arith.cmpi eq, %sub3A_83, %eq3A_302 : i32
        %convert_element_type3A_304 = arith.extui %eq3A_303 : i1 to i32
        %cond3A_305 = arith.constant 0 : i32
        %cond3A_306 = arith.cmpi ne, %convert_element_type3A_304, %cond3A_305 : i32
        scf.if %cond3A_306 {
          %dma_start3A_312 = arith.constant 1 : i32
          %dma_start3A_313 = arith.constant 0 : i32
          %dma_start3A_314 = tpu.memref_slice %arg7[%dma_start3A_312, %dma_start3A_313] : memref<8x128xi32, #tpu.memory_space<vmem>> -> memref<1x128xi32, #tpu.memory_space<vmem>>
          %dma_start3A_315 = tpu.memref_squeeze %dma_start3A_314 : memref<1x128xi32, #tpu.memory_space<vmem>> -> memref<128xi32, #tpu.memory_space<vmem>>
          %dma_start3A_316 = arith.constant 0 : i32
          %dma_start3A_317 = arith.constant 0 : i32
          %dma_start3A_318 = tpu.memref_slice %arg2[%dma_start3A_316, %dma_start3A_317] : memref<10000x128xf32, #tpu.memory_space<hbm>> -> memref<10000x128xf32, #tpu.memory_space<hbm>>
          tpu.enqueue_indirect_dma source(%dma_start3A_318 : memref<10000x128xf32, #tpu.memory_space<hbm>>) target(%arg12 : memref<128x128xf32, #tpu.memory_space<vmem>>) offsets(%dma_start3A_315 : memref<128xi32, #tpu.memory_space<vmem>>) semaphore(%arg15 : memref<!tpu.dma_semaphore, #tpu.memory_space<semaphore_mem>>)
        } else {
        }
        %eq3A_307 = arith.constant 1 : i32
        %eq3A_308 = arith.cmpi eq, %sub3A_83, %eq3A_307 : i32
        %convert_element_type3A_309 = arith.extui %eq3A_308 : i1 to i32
        %cond3A_310 = arith.constant 0 : i32
        %cond3A_311 = arith.cmpi ne, %convert_element_type3A_309, %cond3A_310 : i32
        scf.if %cond3A_311 {
          %dma_start3A_312 = arith.constant 1 : i32
          %dma_start3A_313 = arith.constant 0 : i32
          %dma_start3A_314 = tpu.memref_slice %arg8[%dma_start3A_312, %dma_start3A_313] : memref<8x128xi32, #tpu.memory_space<vmem>> -> memref<1x128xi32, #tpu.memory_space<vmem>>
          %dma_start3A_315 = tpu.memref_squeeze %dma_start3A_314 : memref<1x128xi32, #tpu.memory_space<vmem>> -> memref<128xi32, #tpu.memory_space<vmem>>
          %dma_start3A_316 = arith.constant 0 : i32
          %dma_start3A_317 = arith.constant 0 : i32
          %dma_start3A_318 = tpu.memref_slice %arg2[%dma_start3A_316, %dma_start3A_317] : memref<10000x128xf32, #tpu.memory_space<hbm>> -> memref<10000x128xf32, #tpu.memory_space<hbm>>
          tpu.enqueue_indirect_dma source(%dma_start3A_318 : memref<10000x128xf32, #tpu.memory_space<hbm>>) target(%arg12 : memref<128x128xf32, #tpu.memory_space<vmem>>) offsets(%dma_start3A_315 : memref<128xi32, #tpu.memory_space<vmem>>) semaphore(%arg15 : memref<!tpu.dma_semaphore, #tpu.memory_space<semaphore_mem>>)
        } else {
        }
      } else {
      }
      %sub3A_296 = arith.constant 2 : i32
      %sub3A_297 = arith.subi %select_n3A_8, %sub3A_296 : i32
      %lt3A_298 = arith.cmpi slt, %while3A_81, %sub3A_297 : i32
      %convert_element_type3A_299 = arith.extui %lt3A_298 : i1 to i32
      %cond3A_300 = arith.constant 0 : i32
      %cond3A_301 = arith.cmpi ne, %convert_element_type3A_299, %cond3A_300 : i32
      scf.if %cond3A_301 {
        %add3A_302 = arith.constant 2 : i32
        %add3A_303 = arith.addi %while3A_81, %add3A_302 : i32
        %mul3A_304 = arith.constant 8 : i32
        %mul3A_305 = arith.muli %add3A_303, %mul3A_304 : i32
        %add3A_306 = arith.addi %select_n3A, %mul3A_305 : i32
        %eq3A_307 = arith.constant 0 : i32
        %eq3A_308 = arith.cmpi eq, %rem3A_82, %eq3A_307 : i32
        %convert_element_type3A_309 = arith.extui %eq3A_308 : i1 to i32
        %cond3A_310 = arith.constant 0 : i32
        %cond3A_311 = arith.cmpi ne, %convert_element_type3A_309, %cond3A_310 : i32
        scf.if %cond3A_311 {
          %dma_start3A_317 = arith.constant 0 : i32
          %dma_start3A_318 = tpu.memref_slice %arg3[%add3A_306, %dma_start3A_317] : memref<2560x128xi32, #tpu.memory_space<hbm>> -> memref<8x128xi32, #tpu.memory_space<hbm>>
          %dma_start3A_319 = arith.constant 0 : i32
          %dma_start3A_320 = tpu.memref_slice %arg3[%add3A_306, %dma_start3A_319] : memref<2560x128xi32, #tpu.memory_space<hbm>> -> memref<8x128xi32, #tpu.memory_space<hbm>>
          tpu.enqueue_dma source(%dma_start3A_320 : memref<8x128xi32, #tpu.memory_space<hbm>>) target(%arg7 : memref<8x128xi32, #tpu.memory_space<vmem>>) target_semaphore(%arg16 : memref<!tpu.dma_semaphore, #tpu.memory_space<semaphore_mem>>)
          %dma_start3A_321 = arith.constant 0 : i32
          %dma_start3A_322 = tpu.memref_slice %arg4[%add3A_306, %dma_start3A_321] : memref<2560x128xi32, #tpu.memory_space<hbm>> -> memref<8x128xi32, #tpu.memory_space<hbm>>
          %dma_start3A_323 = arith.constant 0 : i32
          %dma_start3A_324 = tpu.memref_slice %arg4[%add3A_306, %dma_start3A_323] : memref<2560x128xi32, #tpu.memory_space<hbm>> -> memref<8x128xi32, #tpu.memory_space<hbm>>
          tpu.enqueue_dma source(%dma_start3A_324 : memref<8x128xi32, #tpu.memory_space<hbm>>) target(%arg9 : memref<8x128xi32, #tpu.memory_space<vmem>>) target_semaphore(%arg16 : memref<!tpu.dma_semaphore, #tpu.memory_space<semaphore_mem>>)
        } else {
        }
        %eq3A_312 = arith.constant 1 : i32
        %eq3A_313 = arith.cmpi eq, %rem3A_82, %eq3A_312 : i32
        %convert_element_type3A_314 = arith.extui %eq3A_313 : i1 to i32
        %cond3A_315 = arith.constant 0 : i32
        %cond3A_316 = arith.cmpi ne, %convert_element_type3A_314, %cond3A_315 : i32
        scf.if %cond3A_316 {
          %dma_start3A_317 = arith.constant 0 : i32
          %dma_start3A_318 = tpu.memref_slice %arg3[%add3A_306, %dma_start3A_317] : memref<2560x128xi32, #tpu.memory_space<hbm>> -> memref<8x128xi32, #tpu.memory_space<hbm>>
          %dma_start3A_319 = arith.constant 0 : i32
          %dma_start3A_320 = tpu.memref_slice %arg3[%add3A_306, %dma_start3A_319] : memref<2560x128xi32, #tpu.memory_space<hbm>> -> memref<8x128xi32, #tpu.memory_space<hbm>>
          tpu.enqueue_dma source(%dma_start3A_320 : memref<8x128xi32, #tpu.memory_space<hbm>>) target(%arg8 : memref<8x128xi32, #tpu.memory_space<vmem>>) target_semaphore(%arg17 : memref<!tpu.dma_semaphore, #tpu.memory_space<semaphore_mem>>)
          %dma_start3A_321 = arith.constant 0 : i32
          %dma_start3A_322 = tpu.memref_slice %arg4[%add3A_306, %dma_start3A_321] : memref<2560x128xi32, #tpu.memory_space<hbm>> -> memref<8x128xi32, #tpu.memory_space<hbm>>
          %dma_start3A_323 = arith.constant 0 : i32
          %dma_start3A_324 = tpu.memref_slice %arg4[%add3A_306, %dma_start3A_323] : memref<2560x128xi32, #tpu.memory_space<hbm>> -> memref<8x128xi32, #tpu.memory_space<hbm>>
          tpu.enqueue_dma source(%dma_start3A_324 : memref<8x128xi32, #tpu.memory_space<hbm>>) target(%arg10 : memref<8x128xi32, #tpu.memory_space<vmem>>) target_semaphore(%arg17 : memref<!tpu.dma_semaphore, #tpu.memory_space<semaphore_mem>>)
        } else {
        }
      } else {
      }
    }
    %while3A_44 = arith.constant 1 : i32
    scf.for %while3A_81 = %while3A_42 to %while3A_38 step %while3A_44  : i32 {
      %rem3A = arith.constant 2 : i32
      %rem3A_82 = arith.remsi %while3A_81, %rem3A : i32
      %sub3A = arith.constant 1 : i32
      %sub3A_83 = arith.subi %sub3A, %rem3A_82 : i32
      %dma_wait3A = arith.constant 0 : i32
      %dma_wait3A_84 = arith.constant 0 : i32
      %dma_wait3A_85 = tpu.memref_slice %arg7[%dma_wait3A, %dma_wait3A_84] : memref<8x128xi32, #tpu.memory_space<vmem>> -> memref<1x128xi32, #tpu.memory_space<vmem>>
      %dma_wait3A_86 = tpu.memref_squeeze %dma_wait3A_85 : memref<1x128xi32, #tpu.memory_space<vmem>> -> memref<128xi32, #tpu.memory_space<vmem>>
      %dma_wait3A_87 = arith.constant 0 : i32
      %dma_wait3A_88 = arith.constant 0 : i32
      %dma_wait3A_89 = tpu.memref_slice %arg2[%dma_wait3A_87, %dma_wait3A_88] : memref<10000x128xf32, #tpu.memory_space<hbm>> -> memref<10000x128xf32, #tpu.memory_space<hbm>>
      tpu.wait_indirect_dma semaphore(%arg14 : memref<!tpu.dma_semaphore, #tpu.memory_space<semaphore_mem>>) src(%dma_wait3A_89 : memref<10000x128xf32, #tpu.memory_space<hbm>>) dst(%arg11 : memref<128x128xf32, #tpu.memory_space<vmem>>)
      %eq3A_90 = arith.constant 0 : i32
      %eq3A_91 = arith.cmpi eq, %rem3A_82, %eq3A_90 : i32
      %convert_element_type3A_92 = arith.extui %eq3A_91 : i1 to i32
      %cond3A_93 = arith.constant 0 : i32
      %cond3A_94 = arith.cmpi ne, %convert_element_type3A_92, %cond3A_93 : i32
      scf.if %cond3A_94 {
        %run_scoped3A = arith.constant 0 : i32
        "tpu.region"() ({
          %run_scoped3A_302 = tpu.sem_alloc : memref<!tpu.dma_semaphore, #tpu.memory_space<semaphore_mem>>
          %dma_start3A_303 = arith.constant 0 : i32
          %dma_start3A_304 = tpu.memref_slice %arg9[%run_scoped3A, %dma_start3A_303] : memref<8x128xi32, #tpu.memory_space<vmem>> -> memref<1x128xi32, #tpu.memory_space<vmem>>
          %dma_start3A_305 = tpu.memref_squeeze %dma_start3A_304 : memref<1x128xi32, #tpu.memory_space<vmem>> -> memref<128xi32, #tpu.memory_space<vmem>>
          %dma_start3A_306 = arith.constant 0 : i32
          %dma_start3A_307 = arith.constant 0 : i32
          %dma_start3A_308 = tpu.memref_slice %arg13[%dma_start3A_306, %dma_start3A_307] : memref<10240x128xf32, #tpu.memory_space<vmem_shared>> -> memref<10240x128xf32, #tpu.memory_space<vmem_shared>>
          tpu.enqueue_indirect_dma source(%arg11 : memref<128x128xf32, #tpu.memory_space<vmem>>) target(%dma_start3A_308 : memref<10240x128xf32, #tpu.memory_space<vmem_shared>>) offsets(%dma_start3A_305 : memref<128xi32, #tpu.memory_space<vmem>>) semaphore(%run_scoped3A_302 : memref<!tpu.dma_semaphore, #tpu.memory_space<semaphore_mem>>) {add = true}
          %dma_wait3A_309 = arith.constant 0 : i32
          %dma_wait3A_310 = tpu.memref_slice %arg9[%run_scoped3A, %dma_wait3A_309] : memref<8x128xi32, #tpu.memory_space<vmem>> -> memref<1x128xi32, #tpu.memory_space<vmem>>
          %dma_wait3A_311 = tpu.memref_squeeze %dma_wait3A_310 : memref<1x128xi32, #tpu.memory_space<vmem>> -> memref<128xi32, #tpu.memory_space<vmem>>
          %dma_wait3A_312 = arith.constant 0 : i32
          %dma_wait3A_313 = arith.constant 0 : i32
          %dma_wait3A_314 = tpu.memref_slice %arg13[%dma_wait3A_312, %dma_wait3A_313] : memref<10240x128xf32, #tpu.memory_space<vmem_shared>> -> memref<10240x128xf32, #tpu.memory_space<vmem_shared>>
          tpu.wait_indirect_dma semaphore(%run_scoped3A_302 : memref<!tpu.dma_semaphore, #tpu.memory_space<semaphore_mem>>) src(%arg11 : memref<128x128xf32, #tpu.memory_space<vmem>>) dst(%dma_wait3A_314 : memref<10240x128xf32, #tpu.memory_space<vmem_shared>>)
          tpu.yield
        }) : () -> ()
      } else {
      }
      %eq3A_95 = arith.constant 1 : i32
      %eq3A_96 = arith.cmpi eq, %rem3A_82, %eq3A_95 : i32
      %convert_element_type3A_97 = arith.extui %eq3A_96 : i1 to i32
      %cond3A_98 = arith.constant 0 : i32
      %cond3A_99 = arith.cmpi ne, %convert_element_type3A_97, %cond3A_98 : i32
      scf.if %cond3A_99 {
        %run_scoped3A = arith.constant 0 : i32
        "tpu.region"() ({
          %run_scoped3A_302 = tpu.sem_alloc : memref<!tpu.dma_semaphore, #tpu.memory_space<semaphore_mem>>
          %dma_start3A_303 = arith.constant 0 : i32
          %dma_start3A_304 = tpu.memref_slice %arg10[%run_scoped3A, %dma_start3A_303] : memref<8x128xi32, #tpu.memory_space<vmem>> -> memref<1x128xi32, #tpu.memory_space<vmem>>
          %dma_start3A_305 = tpu.memref_squeeze %dma_start3A_304 : memref<1x128xi32, #tpu.memory_space<vmem>> -> memref<128xi32, #tpu.memory_space<vmem>>
          %dma_start3A_306 = arith.constant 0 : i32
          %dma_start3A_307 = arith.constant 0 : i32
          %dma_start3A_308 = tpu.memref_slice %arg13[%dma_start3A_306, %dma_start3A_307] : memref<10240x128xf32, #tpu.memory_space<vmem_shared>> -> memref<10240x128xf32, #tpu.memory_space<vmem_shared>>
          tpu.enqueue_indirect_dma source(%arg11 : memref<128x128xf32, #tpu.memory_space<vmem>>) target(%dma_start3A_308 : memref<10240x128xf32, #tpu.memory_space<vmem_shared>>) offsets(%dma_start3A_305 : memref<128xi32, #tpu.memory_space<vmem>>) semaphore(%run_scoped3A_302 : memref<!tpu.dma_semaphore, #tpu.memory_space<semaphore_mem>>) {add = true}
          %dma_wait3A_309 = arith.constant 0 : i32
          %dma_wait3A_310 = tpu.memref_slice %arg10[%run_scoped3A, %dma_wait3A_309] : memref<8x128xi32, #tpu.memory_space<vmem>> -> memref<1x128xi32, #tpu.memory_space<vmem>>
          %dma_wait3A_311 = tpu.memref_squeeze %dma_wait3A_310 : memref<1x128xi32, #tpu.memory_space<vmem>> -> memref<128xi32, #tpu.memory_space<vmem>>
          %dma_wait3A_312 = arith.constant 0 : i32
          %dma_wait3A_313 = arith.constant 0 : i32
          %dma_wait3A_314 = tpu.memref_slice %arg13[%dma_wait3A_312, %dma_wait3A_313] : memref<10240x128xf32, #tpu.memory_space<vmem_shared>> -> memref<10240x128xf32, #tpu.memory_space<vmem_shared>>
          tpu.wait_indirect_dma semaphore(%run_scoped3A_302 : memref<!tpu.dma_semaphore, #tpu.memory_space<semaphore_mem>>) src(%arg11 : memref<128x128xf32, #tpu.memory_space<vmem>>) dst(%dma_wait3A_314 : memref<10240x128xf32, #tpu.memory_space<vmem_shared>>)
          tpu.yield
        }) : () -> ()
      } else {
      }
      %eq3A_100 = arith.constant 0 : i32
      %eq3A_101 = arith.cmpi eq, %rem3A_82, %eq3A_100 : i32
      %convert_element_type3A_102 = arith.extui %eq3A_101 : i1 to i32
      %cond3A_103 = arith.constant 0 : i32
      %cond3A_104 = arith.cmpi ne, %convert_element_type3A_102, %cond3A_103 : i32
      scf.if %cond3A_104 {
        %dma_start3A_302 = arith.constant 2 : i32
        %dma_start3A_303 = arith.constant 0 : i32
        %dma_start3A_304 = tpu.memref_slice %arg7[%dma_start3A_302, %dma_start3A_303] : memref<8x128xi32, #tpu.memory_space<vmem>> -> memref<1x128xi32, #tpu.memory_space<vmem>>
        %dma_start3A_305 = tpu.memref_squeeze %dma_start3A_304 : memref<1x128xi32, #tpu.memory_space<vmem>> -> memref<128xi32, #tpu.memory_space<vmem>>
        %dma_start3A_306 = arith.constant 0 : i32
        %dma_start3A_307 = arith.constant 0 : i32
        %dma_start3A_308 = tpu.memref_slice %arg2[%dma_start3A_306, %dma_start3A_307] : memref<10000x128xf32, #tpu.memory_space<hbm>> -> memref<10000x128xf32, #tpu.memory_space<hbm>>
        tpu.enqueue_indirect_dma source(%dma_start3A_308 : memref<10000x128xf32, #tpu.memory_space<hbm>>) target(%arg11 : memref<128x128xf32, #tpu.memory_space<vmem>>) offsets(%dma_start3A_305 : memref<128xi32, #tpu.memory_space<vmem>>) semaphore(%arg14 : memref<!tpu.dma_semaphore, #tpu.memory_space<semaphore_mem>>)
      } else {
      }
      %eq3A_105 = arith.constant 1 : i32
      %eq3A_106 = arith.cmpi eq, %rem3A_82, %eq3A_105 : i32
      %convert_element_type3A_107 = arith.extui %eq3A_106 : i1 to i32
      %cond3A_108 = arith.constant 0 : i32
      %cond3A_109 = arith.cmpi ne, %convert_element_type3A_107, %cond3A_108 : i32
      scf.if %cond3A_109 {
        %dma_start3A_302 = arith.constant 2 : i32
        %dma_start3A_303 = arith.constant 0 : i32
        %dma_start3A_304 = tpu.memref_slice %arg8[%dma_start3A_302, %dma_start3A_303] : memref<8x128xi32, #tpu.memory_space<vmem>> -> memref<1x128xi32, #tpu.memory_space<vmem>>
        %dma_start3A_305 = tpu.memref_squeeze %dma_start3A_304 : memref<1x128xi32, #tpu.memory_space<vmem>> -> memref<128xi32, #tpu.memory_space<vmem>>
        %dma_start3A_306 = arith.constant 0 : i32
        %dma_start3A_307 = arith.constant 0 : i32
        %dma_start3A_308 = tpu.memref_slice %arg2[%dma_start3A_306, %dma_start3A_307] : memref<10000x128xf32, #tpu.memory_space<hbm>> -> memref<10000x128xf32, #tpu.memory_space<hbm>>
        tpu.enqueue_indirect_dma source(%dma_start3A_308 : memref<10000x128xf32, #tpu.memory_space<hbm>>) target(%arg11 : memref<128x128xf32, #tpu.memory_space<vmem>>) offsets(%dma_start3A_305 : memref<128xi32, #tpu.memory_space<vmem>>) semaphore(%arg14 : memref<!tpu.dma_semaphore, #tpu.memory_space<semaphore_mem>>)
      } else {
      }
      %dma_wait3A_110 = arith.constant 0 : i32
      %dma_wait3A_111 = arith.constant 0 : i32
      %dma_wait3A_112 = tpu.memref_slice %arg7[%dma_wait3A_110, %dma_wait3A_111] : memref<8x128xi32, #tpu.memory_space<vmem>> -> memref<1x128xi32, #tpu.memory_space<vmem>>
      %dma_wait3A_113 = tpu.memref_squeeze %dma_wait3A_112 : memref<1x128xi32, #tpu.memory_space<vmem>> -> memref<128xi32, #tpu.memory_space<vmem>>
      %dma_wait3A_114 = arith.constant 0 : i32
      %dma_wait3A_115 = arith.constant 0 : i32
      %dma_wait3A_116 = tpu.memref_slice %arg2[%dma_wait3A_114, %dma_wait3A_115] : memref<10000x128xf32, #tpu.memory_space<hbm>> -> memref<10000x128xf32, #tpu.memory_space<hbm>>
      tpu.wait_indirect_dma semaphore(%arg15 : memref<!tpu.dma_semaphore, #tpu.memory_space<semaphore_mem>>) src(%dma_wait3A_116 : memref<10000x128xf32, #tpu.memory_space<hbm>>) dst(%arg12 : memref<128x128xf32, #tpu.memory_space<vmem>>)
      %eq3A_117 = arith.constant 0 : i32
      %eq3A_118 = arith.cmpi eq, %rem3A_82, %eq3A_117 : i32
      %convert_element_type3A_119 = arith.extui %eq3A_118 : i1 to i32
      %cond3A_120 = arith.constant 0 : i32
      %cond3A_121 = arith.cmpi ne, %convert_element_type3A_119, %cond3A_120 : i32
      scf.if %cond3A_121 {
        %run_scoped3A = arith.constant 1 : i32
        "tpu.region"() ({
          %run_scoped3A_302 = tpu.sem_alloc : memref<!tpu.dma_semaphore, #tpu.memory_space<semaphore_mem>>
          %dma_start3A_303 = arith.constant 0 : i32
          %dma_start3A_304 = tpu.memref_slice %arg9[%run_scoped3A, %dma_start3A_303] : memref<8x128xi32, #tpu.memory_space<vmem>> -> memref<1x128xi32, #tpu.memory_space<vmem>>
          %dma_start3A_305 = tpu.memref_squeeze %dma_start3A_304 : memref<1x128xi32, #tpu.memory_space<vmem>> -> memref<128xi32, #tpu.memory_space<vmem>>
          %dma_start3A_306 = arith.constant 0 : i32
          %dma_start3A_307 = arith.constant 0 : i32
          %dma_start3A_308 = tpu.memref_slice %arg13[%dma_start3A_306, %dma_start3A_307] : memref<10240x128xf32, #tpu.memory_space<vmem_shared>> -> memref<10240x128xf32, #tpu.memory_space<vmem_shared>>
          tpu.enqueue_indirect_dma source(%arg12 : memref<128x128xf32, #tpu.memory_space<vmem>>) target(%dma_start3A_308 : memref<10240x128xf32, #tpu.memory_space<vmem_shared>>) offsets(%dma_start3A_305 : memref<128xi32, #tpu.memory_space<vmem>>) semaphore(%run_scoped3A_302 : memref<!tpu.dma_semaphore, #tpu.memory_space<semaphore_mem>>) {add = true}
          %dma_wait3A_309 = arith.constant 0 : i32
          %dma_wait3A_310 = tpu.memref_slice %arg9[%run_scoped3A, %dma_wait3A_309] : memref<8x128xi32, #tpu.memory_space<vmem>> -> memref<1x128xi32, #tpu.memory_space<vmem>>
          %dma_wait3A_311 = tpu.memref_squeeze %dma_wait3A_310 : memref<1x128xi32, #tpu.memory_space<vmem>> -> memref<128xi32, #tpu.memory_space<vmem>>
          %dma_wait3A_312 = arith.constant 0 : i32
          %dma_wait3A_313 = arith.constant 0 : i32
          %dma_wait3A_314 = tpu.memref_slice %arg13[%dma_wait3A_312, %dma_wait3A_313] : memref<10240x128xf32, #tpu.memory_space<vmem_shared>> -> memref<10240x128xf32, #tpu.memory_space<vmem_shared>>
          tpu.wait_indirect_dma semaphore(%run_scoped3A_302 : memref<!tpu.dma_semaphore, #tpu.memory_space<semaphore_mem>>) src(%arg12 : memref<128x128xf32, #tpu.memory_space<vmem>>) dst(%dma_wait3A_314 : memref<10240x128xf32, #tpu.memory_space<vmem_shared>>)
          tpu.yield
        }) : () -> ()
      } else {
      }
      %eq3A_122 = arith.constant 1 : i32
      %eq3A_123 = arith.cmpi eq, %rem3A_82, %eq3A_122 : i32
      %convert_element_type3A_124 = arith.extui %eq3A_123 : i1 to i32
      %cond3A_125 = arith.constant 0 : i32
      %cond3A_126 = arith.cmpi ne, %convert_element_type3A_124, %cond3A_125 : i32
      scf.if %cond3A_126 {
        %run_scoped3A = arith.constant 1 : i32
        "tpu.region"() ({
          %run_scoped3A_302 = tpu.sem_alloc : memref<!tpu.dma_semaphore, #tpu.memory_space<semaphore_mem>>
          %dma_start3A_303 = arith.constant 0 : i32
          %dma_start3A_304 = tpu.memref_slice %arg10[%run_scoped3A, %dma_start3A_303] : memref<8x128xi32, #tpu.memory_space<vmem>> -> memref<1x128xi32, #tpu.memory_space<vmem>>
          %dma_start3A_305 = tpu.memref_squeeze %dma_start3A_304 : memref<1x128xi32, #tpu.memory_space<vmem>> -> memref<128xi32, #tpu.memory_space<vmem>>
          %dma_start3A_306 = arith.constant 0 : i32
          %dma_start3A_307 = arith.constant 0 : i32
          %dma_start3A_308 = tpu.memref_slice %arg13[%dma_start3A_306, %dma_start3A_307] : memref<10240x128xf32, #tpu.memory_space<vmem_shared>> -> memref<10240x128xf32, #tpu.memory_space<vmem_shared>>
          tpu.enqueue_indirect_dma source(%arg12 : memref<128x128xf32, #tpu.memory_space<vmem>>) target(%dma_start3A_308 : memref<10240x128xf32, #tpu.memory_space<vmem_shared>>) offsets(%dma_start3A_305 : memref<128xi32, #tpu.memory_space<vmem>>) semaphore(%run_scoped3A_302 : memref<!tpu.dma_semaphore, #tpu.memory_space<semaphore_mem>>) {add = true}
          %dma_wait3A_309 = arith.constant 0 : i32
          %dma_wait3A_310 = tpu.memref_slice %arg10[%run_scoped3A, %dma_wait3A_309] : memref<8x128xi32, #tpu.memory_space<vmem>> -> memref<1x128xi32, #tpu.memory_space<vmem>>
          %dma_wait3A_311 = tpu.memref_squeeze %dma_wait3A_310 : memref<1x128xi32, #tpu.memory_space<vmem>> -> memref<128xi32, #tpu.memory_space<vmem>>
          %dma_wait3A_312 = arith.constant 0 : i32
          %dma_wait3A_313 = arith.constant 0 : i32
          %dma_wait3A_314 = tpu.memref_slice %arg13[%dma_wait3A_312, %dma_wait3A_313] : memref<10240x128xf32, #tpu.memory_space<vmem_shared>> -> memref<10240x128xf32, #tpu.memory_space<vmem_shared>>
          tpu.wait_indirect_dma semaphore(%run_scoped3A_302 : memref<!tpu.dma_semaphore, #tpu.memory_space<semaphore_mem>>) src(%arg12 : memref<128x128xf32, #tpu.memory_space<vmem>>) dst(%dma_wait3A_314 : memref<10240x128xf32, #tpu.memory_space<vmem_shared>>)
          tpu.yield
        }) : () -> ()
      } else {
      }
      %eq3A_127 = arith.constant 0 : i32
      %eq3A_128 = arith.cmpi eq, %rem3A_82, %eq3A_127 : i32
      %convert_element_type3A_129 = arith.extui %eq3A_128 : i1 to i32
      %cond3A_130 = arith.constant 0 : i32
      %cond3A_131 = arith.cmpi ne, %convert_element_type3A_129, %cond3A_130 : i32
      scf.if %cond3A_131 {
        %dma_start3A_302 = arith.constant 3 : i32
        %dma_start3A_303 = arith.constant 0 : i32
        %dma_start3A_304 = tpu.memref_slice %arg7[%dma_start3A_302, %dma_start3A_303] : memref<8x128xi32, #tpu.memory_space<vmem>> -> memref<1x128xi32, #tpu.memory_space<vmem>>
        %dma_start3A_305 = tpu.memref_squeeze %dma_start3A_304 : memref<1x128xi32, #tpu.memory_space<vmem>> -> memref<128xi32, #tpu.memory_space<vmem>>
        %dma_start3A_306 = arith.constant 0 : i32
        %dma_start3A_307 = arith.constant 0 : i32
        %dma_start3A_308 = tpu.memref_slice %arg2[%dma_start3A_306, %dma_start3A_307] : memref<10000x128xf32, #tpu.memory_space<hbm>> -> memref<10000x128xf32, #tpu.memory_space<hbm>>
        tpu.enqueue_indirect_dma source(%dma_start3A_308 : memref<10000x128xf32, #tpu.memory_space<hbm>>) target(%arg12 : memref<128x128xf32, #tpu.memory_space<vmem>>) offsets(%dma_start3A_305 : memref<128xi32, #tpu.memory_space<vmem>>) semaphore(%arg15 : memref<!tpu.dma_semaphore, #tpu.memory_space<semaphore_mem>>)
      } else {
      }
      %eq3A_132 = arith.constant 1 : i32
      %eq3A_133 = arith.cmpi eq, %rem3A_82, %eq3A_132 : i32
      %convert_element_type3A_134 = arith.extui %eq3A_133 : i1 to i32
      %cond3A_135 = arith.constant 0 : i32
      %cond3A_136 = arith.cmpi ne, %convert_element_type3A_134, %cond3A_135 : i32
      scf.if %cond3A_136 {
        %dma_start3A_302 = arith.constant 3 : i32
        %dma_start3A_303 = arith.constant 0 : i32
        %dma_start3A_304 = tpu.memref_slice %arg8[%dma_start3A_302, %dma_start3A_303] : memref<8x128xi32, #tpu.memory_space<vmem>> -> memref<1x128xi32, #tpu.memory_space<vmem>>
        %dma_start3A_305 = tpu.memref_squeeze %dma_start3A_304 : memref<1x128xi32, #tpu.memory_space<vmem>> -> memref<128xi32, #tpu.memory_space<vmem>>
        %dma_start3A_306 = arith.constant 0 : i32
        %dma_start3A_307 = arith.constant 0 : i32
        %dma_start3A_308 = tpu.memref_slice %arg2[%dma_start3A_306, %dma_start3A_307] : memref<10000x128xf32, #tpu.memory_space<hbm>> -> memref<10000x128xf32, #tpu.memory_space<hbm>>
        tpu.enqueue_indirect_dma source(%dma_start3A_308 : memref<10000x128xf32, #tpu.memory_space<hbm>>) target(%arg12 : memref<128x128xf32, #tpu.memory_space<vmem>>) offsets(%dma_start3A_305 : memref<128xi32, #tpu.memory_space<vmem>>) semaphore(%arg15 : memref<!tpu.dma_semaphore, #tpu.memory_space<semaphore_mem>>)
      } else {
      }
      %dma_wait3A_137 = arith.constant 0 : i32
      %dma_wait3A_138 = arith.constant 0 : i32
      %dma_wait3A_139 = tpu.memref_slice %arg7[%dma_wait3A_137, %dma_wait3A_138] : memref<8x128xi32, #tpu.memory_space<vmem>> -> memref<1x128xi32, #tpu.memory_space<vmem>>
      %dma_wait3A_140 = tpu.memref_squeeze %dma_wait3A_139 : memref<1x128xi32, #tpu.memory_space<vmem>> -> memref<128xi32, #tpu.memory_space<vmem>>
      %dma_wait3A_141 = arith.constant 0 : i32
      %dma_wait3A_142 = arith.constant 0 : i32
      %dma_wait3A_143 = tpu.memref_slice %arg2[%dma_wait3A_141, %dma_wait3A_142] : memref<10000x128xf32, #tpu.memory_space<hbm>> -> memref<10000x128xf32, #tpu.memory_space<hbm>>
      tpu.wait_indirect_dma semaphore(%arg14 : memref<!tpu.dma_semaphore, #tpu.memory_space<semaphore_mem>>) src(%dma_wait3A_143 : memref<10000x128xf32, #tpu.memory_space<hbm>>) dst(%arg11 : memref<128x128xf32, #tpu.memory_space<vmem>>)
      %eq3A_144 = arith.constant 0 : i32
      %eq3A_145 = arith.cmpi eq, %rem3A_82, %eq3A_144 : i32
      %convert_element_type3A_146 = arith.extui %eq3A_145 : i1 to i32
      %cond3A_147 = arith.constant 0 : i32
      %cond3A_148 = arith.cmpi ne, %convert_element_type3A_146, %cond3A_147 : i32
      scf.if %cond3A_148 {
        %run_scoped3A = arith.constant 2 : i32
        "tpu.region"() ({
          %run_scoped3A_302 = tpu.sem_alloc : memref<!tpu.dma_semaphore, #tpu.memory_space<semaphore_mem>>
          %dma_start3A_303 = arith.constant 0 : i32
          %dma_start3A_304 = tpu.memref_slice %arg9[%run_scoped3A, %dma_start3A_303] : memref<8x128xi32, #tpu.memory_space<vmem>> -> memref<1x128xi32, #tpu.memory_space<vmem>>
          %dma_start3A_305 = tpu.memref_squeeze %dma_start3A_304 : memref<1x128xi32, #tpu.memory_space<vmem>> -> memref<128xi32, #tpu.memory_space<vmem>>
          %dma_start3A_306 = arith.constant 0 : i32
          %dma_start3A_307 = arith.constant 0 : i32
          %dma_start3A_308 = tpu.memref_slice %arg13[%dma_start3A_306, %dma_start3A_307] : memref<10240x128xf32, #tpu.memory_space<vmem_shared>> -> memref<10240x128xf32, #tpu.memory_space<vmem_shared>>
          tpu.enqueue_indirect_dma source(%arg11 : memref<128x128xf32, #tpu.memory_space<vmem>>) target(%dma_start3A_308 : memref<10240x128xf32, #tpu.memory_space<vmem_shared>>) offsets(%dma_start3A_305 : memref<128xi32, #tpu.memory_space<vmem>>) semaphore(%run_scoped3A_302 : memref<!tpu.dma_semaphore, #tpu.memory_space<semaphore_mem>>) {add = true}
          %dma_wait3A_309 = arith.constant 0 : i32
          %dma_wait3A_310 = tpu.memref_slice %arg9[%run_scoped3A, %dma_wait3A_309] : memref<8x128xi32, #tpu.memory_space<vmem>> -> memref<1x128xi32, #tpu.memory_space<vmem>>
          %dma_wait3A_311 = tpu.memref_squeeze %dma_wait3A_310 : memref<1x128xi32, #tpu.memory_space<vmem>> -> memref<128xi32, #tpu.memory_space<vmem>>
          %dma_wait3A_312 = arith.constant 0 : i32
          %dma_wait3A_313 = arith.constant 0 : i32
          %dma_wait3A_314 = tpu.memref_slice %arg13[%dma_wait3A_312, %dma_wait3A_313] : memref<10240x128xf32, #tpu.memory_space<vmem_shared>> -> memref<10240x128xf32, #tpu.memory_space<vmem_shared>>
          tpu.wait_indirect_dma semaphore(%run_scoped3A_302 : memref<!tpu.dma_semaphore, #tpu.memory_space<semaphore_mem>>) src(%arg11 : memref<128x128xf32, #tpu.memory_space<vmem>>) dst(%dma_wait3A_314 : memref<10240x128xf32, #tpu.memory_space<vmem_shared>>)
          tpu.yield
        }) : () -> ()
      } else {
      }
      %eq3A_149 = arith.constant 1 : i32
      %eq3A_150 = arith.cmpi eq, %rem3A_82, %eq3A_149 : i32
      %convert_element_type3A_151 = arith.extui %eq3A_150 : i1 to i32
      %cond3A_152 = arith.constant 0 : i32
      %cond3A_153 = arith.cmpi ne, %convert_element_type3A_151, %cond3A_152 : i32
      scf.if %cond3A_153 {
        %run_scoped3A = arith.constant 2 : i32
        "tpu.region"() ({
          %run_scoped3A_302 = tpu.sem_alloc : memref<!tpu.dma_semaphore, #tpu.memory_space<semaphore_mem>>
          %dma_start3A_303 = arith.constant 0 : i32
          %dma_start3A_304 = tpu.memref_slice %arg10[%run_scoped3A, %dma_start3A_303] : memref<8x128xi32, #tpu.memory_space<vmem>> -> memref<1x128xi32, #tpu.memory_space<vmem>>
          %dma_start3A_305 = tpu.memref_squeeze %dma_start3A_304 : memref<1x128xi32, #tpu.memory_space<vmem>> -> memref<128xi32, #tpu.memory_space<vmem>>
          %dma_start3A_306 = arith.constant 0 : i32
          %dma_start3A_307 = arith.constant 0 : i32
          %dma_start3A_308 = tpu.memref_slice %arg13[%dma_start3A_306, %dma_start3A_307] : memref<10240x128xf32, #tpu.memory_space<vmem_shared>> -> memref<10240x128xf32, #tpu.memory_space<vmem_shared>>
          tpu.enqueue_indirect_dma source(%arg11 : memref<128x128xf32, #tpu.memory_space<vmem>>) target(%dma_start3A_308 : memref<10240x128xf32, #tpu.memory_space<vmem_shared>>) offsets(%dma_start3A_305 : memref<128xi32, #tpu.memory_space<vmem>>) semaphore(%run_scoped3A_302 : memref<!tpu.dma_semaphore, #tpu.memory_space<semaphore_mem>>) {add = true}
          %dma_wait3A_309 = arith.constant 0 : i32
          %dma_wait3A_310 = tpu.memref_slice %arg10[%run_scoped3A, %dma_wait3A_309] : memref<8x128xi32, #tpu.memory_space<vmem>> -> memref<1x128xi32, #tpu.memory_space<vmem>>
          %dma_wait3A_311 = tpu.memref_squeeze %dma_wait3A_310 : memref<1x128xi32, #tpu.memory_space<vmem>> -> memref<128xi32, #tpu.memory_space<vmem>>
          %dma_wait3A_312 = arith.constant 0 : i32
          %dma_wait3A_313 = arith.constant 0 : i32
          %dma_wait3A_314 = tpu.memref_slice %arg13[%dma_wait3A_312, %dma_wait3A_313] : memref<10240x128xf32, #tpu.memory_space<vmem_shared>> -> memref<10240x128xf32, #tpu.memory_space<vmem_shared>>
          tpu.wait_indirect_dma semaphore(%run_scoped3A_302 : memref<!tpu.dma_semaphore, #tpu.memory_space<semaphore_mem>>) src(%arg11 : memref<128x128xf32, #tpu.memory_space<vmem>>) dst(%dma_wait3A_314 : memref<10240x128xf32, #tpu.memory_space<vmem_shared>>)
          tpu.yield
        }) : () -> ()
      } else {
      }
      %eq3A_154 = arith.constant 0 : i32
      %eq3A_155 = arith.cmpi eq, %rem3A_82, %eq3A_154 : i32
      %convert_element_type3A_156 = arith.extui %eq3A_155 : i1 to i32
      %cond3A_157 = arith.constant 0 : i32
      %cond3A_158 = arith.cmpi ne, %convert_element_type3A_156, %cond3A_157 : i32
      scf.if %cond3A_158 {
        %dma_start3A_302 = arith.constant 4 : i32
        %dma_start3A_303 = arith.constant 0 : i32
        %dma_start3A_304 = tpu.memref_slice %arg7[%dma_start3A_302, %dma_start3A_303] : memref<8x128xi32, #tpu.memory_space<vmem>> -> memref<1x128xi32, #tpu.memory_space<vmem>>
        %dma_start3A_305 = tpu.memref_squeeze %dma_start3A_304 : memref<1x128xi32, #tpu.memory_space<vmem>> -> memref<128xi32, #tpu.memory_space<vmem>>
        %dma_start3A_306 = arith.constant 0 : i32
        %dma_start3A_307 = arith.constant 0 : i32
        %dma_start3A_308 = tpu.memref_slice %arg2[%dma_start3A_306, %dma_start3A_307] : memref<10000x128xf32, #tpu.memory_space<hbm>> -> memref<10000x128xf32, #tpu.memory_space<hbm>>
        tpu.enqueue_indirect_dma source(%dma_start3A_308 : memref<10000x128xf32, #tpu.memory_space<hbm>>) target(%arg11 : memref<128x128xf32, #tpu.memory_space<vmem>>) offsets(%dma_start3A_305 : memref<128xi32, #tpu.memory_space<vmem>>) semaphore(%arg14 : memref<!tpu.dma_semaphore, #tpu.memory_space<semaphore_mem>>)
      } else {
      }
      %eq3A_159 = arith.constant 1 : i32
      %eq3A_160 = arith.cmpi eq, %rem3A_82, %eq3A_159 : i32
      %convert_element_type3A_161 = arith.extui %eq3A_160 : i1 to i32
      %cond3A_162 = arith.constant 0 : i32
      %cond3A_163 = arith.cmpi ne, %convert_element_type3A_161, %cond3A_162 : i32
      scf.if %cond3A_163 {
        %dma_start3A_302 = arith.constant 4 : i32
        %dma_start3A_303 = arith.constant 0 : i32
        %dma_start3A_304 = tpu.memref_slice %arg8[%dma_start3A_302, %dma_start3A_303] : memref<8x128xi32, #tpu.memory_space<vmem>> -> memref<1x128xi32, #tpu.memory_space<vmem>>
        %dma_start3A_305 = tpu.memref_squeeze %dma_start3A_304 : memref<1x128xi32, #tpu.memory_space<vmem>> -> memref<128xi32, #tpu.memory_space<vmem>>
        %dma_start3A_306 = arith.constant 0 : i32
        %dma_start3A_307 = arith.constant 0 : i32
        %dma_start3A_308 = tpu.memref_slice %arg2[%dma_start3A_306, %dma_start3A_307] : memref<10000x128xf32, #tpu.memory_space<hbm>> -> memref<10000x128xf32, #tpu.memory_space<hbm>>
        tpu.enqueue_indirect_dma source(%dma_start3A_308 : memref<10000x128xf32, #tpu.memory_space<hbm>>) target(%arg11 : memref<128x128xf32, #tpu.memory_space<vmem>>) offsets(%dma_start3A_305 : memref<128xi32, #tpu.memory_space<vmem>>) semaphore(%arg14 : memref<!tpu.dma_semaphore, #tpu.memory_space<semaphore_mem>>)
      } else {
      }
      %dma_wait3A_164 = arith.constant 0 : i32
      %dma_wait3A_165 = arith.constant 0 : i32
      %dma_wait3A_166 = tpu.memref_slice %arg7[%dma_wait3A_164, %dma_wait3A_165] : memref<8x128xi32, #tpu.memory_space<vmem>> -> memref<1x128xi32, #tpu.memory_space<vmem>>
      %dma_wait3A_167 = tpu.memref_squeeze %dma_wait3A_166 : memref<1x128xi32, #tpu.memory_space<vmem>> -> memref<128xi32, #tpu.memory_space<vmem>>
      %dma_wait3A_168 = arith.constant 0 : i32
      %dma_wait3A_169 = arith.constant 0 : i32
      %dma_wait3A_170 = tpu.memref_slice %arg2[%dma_wait3A_168, %dma_wait3A_169] : memref<10000x128xf32, #tpu.memory_space<hbm>> -> memref<10000x128xf32, #tpu.memory_space<hbm>>
      tpu.wait_indirect_dma semaphore(%arg15 : memref<!tpu.dma_semaphore, #tpu.memory_space<semaphore_mem>>) src(%dma_wait3A_170 : memref<10000x128xf32, #tpu.memory_space<hbm>>) dst(%arg12 : memref<128x128xf32, #tpu.memory_space<vmem>>)
      %eq3A_171 = arith.constant 0 : i32
      %eq3A_172 = arith.cmpi eq, %rem3A_82, %eq3A_171 : i32
      %convert_element_type3A_173 = arith.extui %eq3A_172 : i1 to i32
      %cond3A_174 = arith.constant 0 : i32
      %cond3A_175 = arith.cmpi ne, %convert_element_type3A_173, %cond3A_174 : i32
      scf.if %cond3A_175 {
        %run_scoped3A = arith.constant 3 : i32
        "tpu.region"() ({
          %run_scoped3A_302 = tpu.sem_alloc : memref<!tpu.dma_semaphore, #tpu.memory_space<semaphore_mem>>
          %dma_start3A_303 = arith.constant 0 : i32
          %dma_start3A_304 = tpu.memref_slice %arg9[%run_scoped3A, %dma_start3A_303] : memref<8x128xi32, #tpu.memory_space<vmem>> -> memref<1x128xi32, #tpu.memory_space<vmem>>
          %dma_start3A_305 = tpu.memref_squeeze %dma_start3A_304 : memref<1x128xi32, #tpu.memory_space<vmem>> -> memref<128xi32, #tpu.memory_space<vmem>>
          %dma_start3A_306 = arith.constant 0 : i32
          %dma_start3A_307 = arith.constant 0 : i32
          %dma_start3A_308 = tpu.memref_slice %arg13[%dma_start3A_306, %dma_start3A_307] : memref<10240x128xf32, #tpu.memory_space<vmem_shared>> -> memref<10240x128xf32, #tpu.memory_space<vmem_shared>>
          tpu.enqueue_indirect_dma source(%arg12 : memref<128x128xf32, #tpu.memory_space<vmem>>) target(%dma_start3A_308 : memref<10240x128xf32, #tpu.memory_space<vmem_shared>>) offsets(%dma_start3A_305 : memref<128xi32, #tpu.memory_space<vmem>>) semaphore(%run_scoped3A_302 : memref<!tpu.dma_semaphore, #tpu.memory_space<semaphore_mem>>) {add = true}
          %dma_wait3A_309 = arith.constant 0 : i32
          %dma_wait3A_310 = tpu.memref_slice %arg9[%run_scoped3A, %dma_wait3A_309] : memref<8x128xi32, #tpu.memory_space<vmem>> -> memref<1x128xi32, #tpu.memory_space<vmem>>
          %dma_wait3A_311 = tpu.memref_squeeze %dma_wait3A_310 : memref<1x128xi32, #tpu.memory_space<vmem>> -> memref<128xi32, #tpu.memory_space<vmem>>
          %dma_wait3A_312 = arith.constant 0 : i32
          %dma_wait3A_313 = arith.constant 0 : i32
          %dma_wait3A_314 = tpu.memref_slice %arg13[%dma_wait3A_312, %dma_wait3A_313] : memref<10240x128xf32, #tpu.memory_space<vmem_shared>> -> memref<10240x128xf32, #tpu.memory_space<vmem_shared>>
          tpu.wait_indirect_dma semaphore(%run_scoped3A_302 : memref<!tpu.dma_semaphore, #tpu.memory_space<semaphore_mem>>) src(%arg12 : memref<128x128xf32, #tpu.memory_space<vmem>>) dst(%dma_wait3A_314 : memref<10240x128xf32, #tpu.memory_space<vmem_shared>>)
          tpu.yield
        }) : () -> ()
      } else {
      }
      %eq3A_176 = arith.constant 1 : i32
      %eq3A_177 = arith.cmpi eq, %rem3A_82, %eq3A_176 : i32
      %convert_element_type3A_178 = arith.extui %eq3A_177 : i1 to i32
      %cond3A_179 = arith.constant 0 : i32
      %cond3A_180 = arith.cmpi ne, %convert_element_type3A_178, %cond3A_179 : i32
      scf.if %cond3A_180 {
        %run_scoped3A = arith.constant 3 : i32
        "tpu.region"() ({
          %run_scoped3A_302 = tpu.sem_alloc : memref<!tpu.dma_semaphore, #tpu.memory_space<semaphore_mem>>
          %dma_start3A_303 = arith.constant 0 : i32
          %dma_start3A_304 = tpu.memref_slice %arg10[%run_scoped3A, %dma_start3A_303] : memref<8x128xi32, #tpu.memory_space<vmem>> -> memref<1x128xi32, #tpu.memory_space<vmem>>
          %dma_start3A_305 = tpu.memref_squeeze %dma_start3A_304 : memref<1x128xi32, #tpu.memory_space<vmem>> -> memref<128xi32, #tpu.memory_space<vmem>>
          %dma_start3A_306 = arith.constant 0 : i32
          %dma_start3A_307 = arith.constant 0 : i32
          %dma_start3A_308 = tpu.memref_slice %arg13[%dma_start3A_306, %dma_start3A_307] : memref<10240x128xf32, #tpu.memory_space<vmem_shared>> -> memref<10240x128xf32, #tpu.memory_space<vmem_shared>>
          tpu.enqueue_indirect_dma source(%arg12 : memref<128x128xf32, #tpu.memory_space<vmem>>) target(%dma_start3A_308 : memref<10240x128xf32, #tpu.memory_space<vmem_shared>>) offsets(%dma_start3A_305 : memref<128xi32, #tpu.memory_space<vmem>>) semaphore(%run_scoped3A_302 : memref<!tpu.dma_semaphore, #tpu.memory_space<semaphore_mem>>) {add = true}
          %dma_wait3A_309 = arith.constant 0 : i32
          %dma_wait3A_310 = tpu.memref_slice %arg10[%run_scoped3A, %dma_wait3A_309] : memref<8x128xi32, #tpu.memory_space<vmem>> -> memref<1x128xi32, #tpu.memory_space<vmem>>
          %dma_wait3A_311 = tpu.memref_squeeze %dma_wait3A_310 : memref<1x128xi32, #tpu.memory_space<vmem>> -> memref<128xi32, #tpu.memory_space<vmem>>
          %dma_wait3A_312 = arith.constant 0 : i32
          %dma_wait3A_313 = arith.constant 0 : i32
          %dma_wait3A_314 = tpu.memref_slice %arg13[%dma_wait3A_312, %dma_wait3A_313] : memref<10240x128xf32, #tpu.memory_space<vmem_shared>> -> memref<10240x128xf32, #tpu.memory_space<vmem_shared>>
          tpu.wait_indirect_dma semaphore(%run_scoped3A_302 : memref<!tpu.dma_semaphore, #tpu.memory_space<semaphore_mem>>) src(%arg12 : memref<128x128xf32, #tpu.memory_space<vmem>>) dst(%dma_wait3A_314 : memref<10240x128xf32, #tpu.memory_space<vmem_shared>>)
          tpu.yield
        }) : () -> ()
      } else {
      }
      %eq3A_181 = arith.constant 0 : i32
      %eq3A_182 = arith.cmpi eq, %rem3A_82, %eq3A_181 : i32
      %convert_element_type3A_183 = arith.extui %eq3A_182 : i1 to i32
      %cond3A_184 = arith.constant 0 : i32
      %cond3A_185 = arith.cmpi ne, %convert_element_type3A_183, %cond3A_184 : i32
      scf.if %cond3A_185 {
        %dma_start3A_302 = arith.constant 5 : i32
        %dma_start3A_303 = arith.constant 0 : i32
        %dma_start3A_304 = tpu.memref_slice %arg7[%dma_start3A_302, %dma_start3A_303] : memref<8x128xi32, #tpu.memory_space<vmem>> -> memref<1x128xi32, #tpu.memory_space<vmem>>
        %dma_start3A_305 = tpu.memref_squeeze %dma_start3A_304 : memref<1x128xi32, #tpu.memory_space<vmem>> -> memref<128xi32, #tpu.memory_space<vmem>>
        %dma_start3A_306 = arith.constant 0 : i32
        %dma_start3A_307 = arith.constant 0 : i32
        %dma_start3A_308 = tpu.memref_slice %arg2[%dma_start3A_306, %dma_start3A_307] : memref<10000x128xf32, #tpu.memory_space<hbm>> -> memref<10000x128xf32, #tpu.memory_space<hbm>>
        tpu.enqueue_indirect_dma source(%dma_start3A_308 : memref<10000x128xf32, #tpu.memory_space<hbm>>) target(%arg12 : memref<128x128xf32, #tpu.memory_space<vmem>>) offsets(%dma_start3A_305 : memref<128xi32, #tpu.memory_space<vmem>>) semaphore(%arg15 : memref<!tpu.dma_semaphore, #tpu.memory_space<semaphore_mem>>)
      } else {
      }
      %eq3A_186 = arith.constant 1 : i32
      %eq3A_187 = arith.cmpi eq, %rem3A_82, %eq3A_186 : i32
      %convert_element_type3A_188 = arith.extui %eq3A_187 : i1 to i32
      %cond3A_189 = arith.constant 0 : i32
      %cond3A_190 = arith.cmpi ne, %convert_element_type3A_188, %cond3A_189 : i32
      scf.if %cond3A_190 {
        %dma_start3A_302 = arith.constant 5 : i32
        %dma_start3A_303 = arith.constant 0 : i32
        %dma_start3A_304 = tpu.memref_slice %arg8[%dma_start3A_302, %dma_start3A_303] : memref<8x128xi32, #tpu.memory_space<vmem>> -> memref<1x128xi32, #tpu.memory_space<vmem>>
        %dma_start3A_305 = tpu.memref_squeeze %dma_start3A_304 : memref<1x128xi32, #tpu.memory_space<vmem>> -> memref<128xi32, #tpu.memory_space<vmem>>
        %dma_start3A_306 = arith.constant 0 : i32
        %dma_start3A_307 = arith.constant 0 : i32
        %dma_start3A_308 = tpu.memref_slice %arg2[%dma_start3A_306, %dma_start3A_307] : memref<10000x128xf32, #tpu.memory_space<hbm>> -> memref<10000x128xf32, #tpu.memory_space<hbm>>
        tpu.enqueue_indirect_dma source(%dma_start3A_308 : memref<10000x128xf32, #tpu.memory_space<hbm>>) target(%arg12 : memref<128x128xf32, #tpu.memory_space<vmem>>) offsets(%dma_start3A_305 : memref<128xi32, #tpu.memory_space<vmem>>) semaphore(%arg15 : memref<!tpu.dma_semaphore, #tpu.memory_space<semaphore_mem>>)
      } else {
      }
      %dma_wait3A_191 = arith.constant 0 : i32
      %dma_wait3A_192 = arith.constant 0 : i32
      %dma_wait3A_193 = tpu.memref_slice %arg7[%dma_wait3A_191, %dma_wait3A_192] : memref<8x128xi32, #tpu.memory_space<vmem>> -> memref<1x128xi32, #tpu.memory_space<vmem>>
      %dma_wait3A_194 = tpu.memref_squeeze %dma_wait3A_193 : memref<1x128xi32, #tpu.memory_space<vmem>> -> memref<128xi32, #tpu.memory_space<vmem>>
      %dma_wait3A_195 = arith.constant 0 : i32
      %dma_wait3A_196 = arith.constant 0 : i32
      %dma_wait3A_197 = tpu.memref_slice %arg2[%dma_wait3A_195, %dma_wait3A_196] : memref<10000x128xf32, #tpu.memory_space<hbm>> -> memref<10000x128xf32, #tpu.memory_space<hbm>>
      tpu.wait_indirect_dma semaphore(%arg14 : memref<!tpu.dma_semaphore, #tpu.memory_space<semaphore_mem>>) src(%dma_wait3A_197 : memref<10000x128xf32, #tpu.memory_space<hbm>>) dst(%arg11 : memref<128x128xf32, #tpu.memory_space<vmem>>)
      %eq3A_198 = arith.constant 0 : i32
      %eq3A_199 = arith.cmpi eq, %rem3A_82, %eq3A_198 : i32
      %convert_element_type3A_200 = arith.extui %eq3A_199 : i1 to i32
      %cond3A_201 = arith.constant 0 : i32
      %cond3A_202 = arith.cmpi ne, %convert_element_type3A_200, %cond3A_201 : i32
      scf.if %cond3A_202 {
        %run_scoped3A = arith.constant 4 : i32
        "tpu.region"() ({
          %run_scoped3A_302 = tpu.sem_alloc : memref<!tpu.dma_semaphore, #tpu.memory_space<semaphore_mem>>
          %dma_start3A_303 = arith.constant 0 : i32
          %dma_start3A_304 = tpu.memref_slice %arg9[%run_scoped3A, %dma_start3A_303] : memref<8x128xi32, #tpu.memory_space<vmem>> -> memref<1x128xi32, #tpu.memory_space<vmem>>
          %dma_start3A_305 = tpu.memref_squeeze %dma_start3A_304 : memref<1x128xi32, #tpu.memory_space<vmem>> -> memref<128xi32, #tpu.memory_space<vmem>>
          %dma_start3A_306 = arith.constant 0 : i32
          %dma_start3A_307 = arith.constant 0 : i32
          %dma_start3A_308 = tpu.memref_slice %arg13[%dma_start3A_306, %dma_start3A_307] : memref<10240x128xf32, #tpu.memory_space<vmem_shared>> -> memref<10240x128xf32, #tpu.memory_space<vmem_shared>>
          tpu.enqueue_indirect_dma source(%arg11 : memref<128x128xf32, #tpu.memory_space<vmem>>) target(%dma_start3A_308 : memref<10240x128xf32, #tpu.memory_space<vmem_shared>>) offsets(%dma_start3A_305 : memref<128xi32, #tpu.memory_space<vmem>>) semaphore(%run_scoped3A_302 : memref<!tpu.dma_semaphore, #tpu.memory_space<semaphore_mem>>) {add = true}
          %dma_wait3A_309 = arith.constant 0 : i32
          %dma_wait3A_310 = tpu.memref_slice %arg9[%run_scoped3A, %dma_wait3A_309] : memref<8x128xi32, #tpu.memory_space<vmem>> -> memref<1x128xi32, #tpu.memory_space<vmem>>
          %dma_wait3A_311 = tpu.memref_squeeze %dma_wait3A_310 : memref<1x128xi32, #tpu.memory_space<vmem>> -> memref<128xi32, #tpu.memory_space<vmem>>
          %dma_wait3A_312 = arith.constant 0 : i32
          %dma_wait3A_313 = arith.constant 0 : i32
          %dma_wait3A_314 = tpu.memref_slice %arg13[%dma_wait3A_312, %dma_wait3A_313] : memref<10240x128xf32, #tpu.memory_space<vmem_shared>> -> memref<10240x128xf32, #tpu.memory_space<vmem_shared>>
          tpu.wait_indirect_dma semaphore(%run_scoped3A_302 : memref<!tpu.dma_semaphore, #tpu.memory_space<semaphore_mem>>) src(%arg11 : memref<128x128xf32, #tpu.memory_space<vmem>>) dst(%dma_wait3A_314 : memref<10240x128xf32, #tpu.memory_space<vmem_shared>>)
          tpu.yield
        }) : () -> ()
      } else {
      }
      %eq3A_203 = arith.constant 1 : i32
      %eq3A_204 = arith.cmpi eq, %rem3A_82, %eq3A_203 : i32
      %convert_element_type3A_205 = arith.extui %eq3A_204 : i1 to i32
      %cond3A_206 = arith.constant 0 : i32
      %cond3A_207 = arith.cmpi ne, %convert_element_type3A_205, %cond3A_206 : i32
      scf.if %cond3A_207 {
        %run_scoped3A = arith.constant 4 : i32
        "tpu.region"() ({
          %run_scoped3A_302 = tpu.sem_alloc : memref<!tpu.dma_semaphore, #tpu.memory_space<semaphore_mem>>
          %dma_start3A_303 = arith.constant 0 : i32
          %dma_start3A_304 = tpu.memref_slice %arg10[%run_scoped3A, %dma_start3A_303] : memref<8x128xi32, #tpu.memory_space<vmem>> -> memref<1x128xi32, #tpu.memory_space<vmem>>
          %dma_start3A_305 = tpu.memref_squeeze %dma_start3A_304 : memref<1x128xi32, #tpu.memory_space<vmem>> -> memref<128xi32, #tpu.memory_space<vmem>>
          %dma_start3A_306 = arith.constant 0 : i32
          %dma_start3A_307 = arith.constant 0 : i32
          %dma_start3A_308 = tpu.memref_slice %arg13[%dma_start3A_306, %dma_start3A_307] : memref<10240x128xf32, #tpu.memory_space<vmem_shared>> -> memref<10240x128xf32, #tpu.memory_space<vmem_shared>>
          tpu.enqueue_indirect_dma source(%arg11 : memref<128x128xf32, #tpu.memory_space<vmem>>) target(%dma_start3A_308 : memref<10240x128xf32, #tpu.memory_space<vmem_shared>>) offsets(%dma_start3A_305 : memref<128xi32, #tpu.memory_space<vmem>>) semaphore(%run_scoped3A_302 : memref<!tpu.dma_semaphore, #tpu.memory_space<semaphore_mem>>) {add = true}
          %dma_wait3A_309 = arith.constant 0 : i32
          %dma_wait3A_310 = tpu.memref_slice %arg10[%run_scoped3A, %dma_wait3A_309] : memref<8x128xi32, #tpu.memory_space<vmem>> -> memref<1x128xi32, #tpu.memory_space<vmem>>
          %dma_wait3A_311 = tpu.memref_squeeze %dma_wait3A_310 : memref<1x128xi32, #tpu.memory_space<vmem>> -> memref<128xi32, #tpu.memory_space<vmem>>
          %dma_wait3A_312 = arith.constant 0 : i32
          %dma_wait3A_313 = arith.constant 0 : i32
          %dma_wait3A_314 = tpu.memref_slice %arg13[%dma_wait3A_312, %dma_wait3A_313] : memref<10240x128xf32, #tpu.memory_space<vmem_shared>> -> memref<10240x128xf32, #tpu.memory_space<vmem_shared>>
          tpu.wait_indirect_dma semaphore(%run_scoped3A_302 : memref<!tpu.dma_semaphore, #tpu.memory_space<semaphore_mem>>) src(%arg11 : memref<128x128xf32, #tpu.memory_space<vmem>>) dst(%dma_wait3A_314 : memref<10240x128xf32, #tpu.memory_space<vmem_shared>>)
          tpu.yield
        }) : () -> ()
      } else {
      }
      %eq3A_208 = arith.constant 0 : i32
      %eq3A_209 = arith.cmpi eq, %rem3A_82, %eq3A_208 : i32
      %convert_element_type3A_210 = arith.extui %eq3A_209 : i1 to i32
      %cond3A_211 = arith.constant 0 : i32
      %cond3A_212 = arith.cmpi ne, %convert_element_type3A_210, %cond3A_211 : i32
      scf.if %cond3A_212 {
        %dma_start3A_302 = arith.constant 6 : i32
        %dma_start3A_303 = arith.constant 0 : i32
        %dma_start3A_304 = tpu.memref_slice %arg7[%dma_start3A_302, %dma_start3A_303] : memref<8x128xi32, #tpu.memory_space<vmem>> -> memref<1x128xi32, #tpu.memory_space<vmem>>
        %dma_start3A_305 = tpu.memref_squeeze %dma_start3A_304 : memref<1x128xi32, #tpu.memory_space<vmem>> -> memref<128xi32, #tpu.memory_space<vmem>>
        %dma_start3A_306 = arith.constant 0 : i32
        %dma_start3A_307 = arith.constant 0 : i32
        %dma_start3A_308 = tpu.memref_slice %arg2[%dma_start3A_306, %dma_start3A_307] : memref<10000x128xf32, #tpu.memory_space<hbm>> -> memref<10000x128xf32, #tpu.memory_space<hbm>>
        tpu.enqueue_indirect_dma source(%dma_start3A_308 : memref<10000x128xf32, #tpu.memory_space<hbm>>) target(%arg11 : memref<128x128xf32, #tpu.memory_space<vmem>>) offsets(%dma_start3A_305 : memref<128xi32, #tpu.memory_space<vmem>>) semaphore(%arg14 : memref<!tpu.dma_semaphore, #tpu.memory_space<semaphore_mem>>)
      } else {
      }
      %eq3A_213 = arith.constant 1 : i32
      %eq3A_214 = arith.cmpi eq, %rem3A_82, %eq3A_213 : i32
      %convert_element_type3A_215 = arith.extui %eq3A_214 : i1 to i32
      %cond3A_216 = arith.constant 0 : i32
      %cond3A_217 = arith.cmpi ne, %convert_element_type3A_215, %cond3A_216 : i32
      scf.if %cond3A_217 {
        %dma_start3A_302 = arith.constant 6 : i32
        %dma_start3A_303 = arith.constant 0 : i32
        %dma_start3A_304 = tpu.memref_slice %arg8[%dma_start3A_302, %dma_start3A_303] : memref<8x128xi32, #tpu.memory_space<vmem>> -> memref<1x128xi32, #tpu.memory_space<vmem>>
        %dma_start3A_305 = tpu.memref_squeeze %dma_start3A_304 : memref<1x128xi32, #tpu.memory_space<vmem>> -> memref<128xi32, #tpu.memory_space<vmem>>
        %dma_start3A_306 = arith.constant 0 : i32
        %dma_start3A_307 = arith.constant 0 : i32
        %dma_start3A_308 = tpu.memref_slice %arg2[%dma_start3A_306, %dma_start3A_307] : memref<10000x128xf32, #tpu.memory_space<hbm>> -> memref<10000x128xf32, #tpu.memory_space<hbm>>
        tpu.enqueue_indirect_dma source(%dma_start3A_308 : memref<10000x128xf32, #tpu.memory_space<hbm>>) target(%arg11 : memref<128x128xf32, #tpu.memory_space<vmem>>) offsets(%dma_start3A_305 : memref<128xi32, #tpu.memory_space<vmem>>) semaphore(%arg14 : memref<!tpu.dma_semaphore, #tpu.memory_space<semaphore_mem>>)
      } else {
      }
      %dma_wait3A_218 = arith.constant 0 : i32
      %dma_wait3A_219 = arith.constant 0 : i32
      %dma_wait3A_220 = tpu.memref_slice %arg7[%dma_wait3A_218, %dma_wait3A_219] : memref<8x128xi32, #tpu.memory_space<vmem>> -> memref<1x128xi32, #tpu.memory_space<vmem>>
      %dma_wait3A_221 = tpu.memref_squeeze %dma_wait3A_220 : memref<1x128xi32, #tpu.memory_space<vmem>> -> memref<128xi32, #tpu.memory_space<vmem>>
      %dma_wait3A_222 = arith.constant 0 : i32
      %dma_wait3A_223 = arith.constant 0 : i32
      %dma_wait3A_224 = tpu.memref_slice %arg2[%dma_wait3A_222, %dma_wait3A_223] : memref<10000x128xf32, #tpu.memory_space<hbm>> -> memref<10000x128xf32, #tpu.memory_space<hbm>>
      tpu.wait_indirect_dma semaphore(%arg15 : memref<!tpu.dma_semaphore, #tpu.memory_space<semaphore_mem>>) src(%dma_wait3A_224 : memref<10000x128xf32, #tpu.memory_space<hbm>>) dst(%arg12 : memref<128x128xf32, #tpu.memory_space<vmem>>)
      %eq3A_225 = arith.constant 0 : i32
      %eq3A_226 = arith.cmpi eq, %rem3A_82, %eq3A_225 : i32
      %convert_element_type3A_227 = arith.extui %eq3A_226 : i1 to i32
      %cond3A_228 = arith.constant 0 : i32
      %cond3A_229 = arith.cmpi ne, %convert_element_type3A_227, %cond3A_228 : i32
      scf.if %cond3A_229 {
        %run_scoped3A = arith.constant 5 : i32
        "tpu.region"() ({
          %run_scoped3A_302 = tpu.sem_alloc : memref<!tpu.dma_semaphore, #tpu.memory_space<semaphore_mem>>
          %dma_start3A_303 = arith.constant 0 : i32
          %dma_start3A_304 = tpu.memref_slice %arg9[%run_scoped3A, %dma_start3A_303] : memref<8x128xi32, #tpu.memory_space<vmem>> -> memref<1x128xi32, #tpu.memory_space<vmem>>
          %dma_start3A_305 = tpu.memref_squeeze %dma_start3A_304 : memref<1x128xi32, #tpu.memory_space<vmem>> -> memref<128xi32, #tpu.memory_space<vmem>>
          %dma_start3A_306 = arith.constant 0 : i32
          %dma_start3A_307 = arith.constant 0 : i32
          %dma_start3A_308 = tpu.memref_slice %arg13[%dma_start3A_306, %dma_start3A_307] : memref<10240x128xf32, #tpu.memory_space<vmem_shared>> -> memref<10240x128xf32, #tpu.memory_space<vmem_shared>>
          tpu.enqueue_indirect_dma source(%arg12 : memref<128x128xf32, #tpu.memory_space<vmem>>) target(%dma_start3A_308 : memref<10240x128xf32, #tpu.memory_space<vmem_shared>>) offsets(%dma_start3A_305 : memref<128xi32, #tpu.memory_space<vmem>>) semaphore(%run_scoped3A_302 : memref<!tpu.dma_semaphore, #tpu.memory_space<semaphore_mem>>) {add = true}
          %dma_wait3A_309 = arith.constant 0 : i32
          %dma_wait3A_310 = tpu.memref_slice %arg9[%run_scoped3A, %dma_wait3A_309] : memref<8x128xi32, #tpu.memory_space<vmem>> -> memref<1x128xi32, #tpu.memory_space<vmem>>
          %dma_wait3A_311 = tpu.memref_squeeze %dma_wait3A_310 : memref<1x128xi32, #tpu.memory_space<vmem>> -> memref<128xi32, #tpu.memory_space<vmem>>
          %dma_wait3A_312 = arith.constant 0 : i32
          %dma_wait3A_313 = arith.constant 0 : i32
          %dma_wait3A_314 = tpu.memref_slice %arg13[%dma_wait3A_312, %dma_wait3A_313] : memref<10240x128xf32, #tpu.memory_space<vmem_shared>> -> memref<10240x128xf32, #tpu.memory_space<vmem_shared>>
          tpu.wait_indirect_dma semaphore(%run_scoped3A_302 : memref<!tpu.dma_semaphore, #tpu.memory_space<semaphore_mem>>) src(%arg12 : memref<128x128xf32, #tpu.memory_space<vmem>>) dst(%dma_wait3A_314 : memref<10240x128xf32, #tpu.memory_space<vmem_shared>>)
          tpu.yield
        }) : () -> ()
      } else {
      }
      %eq3A_230 = arith.constant 1 : i32
      %eq3A_231 = arith.cmpi eq, %rem3A_82, %eq3A_230 : i32
      %convert_element_type3A_232 = arith.extui %eq3A_231 : i1 to i32
      %cond3A_233 = arith.constant 0 : i32
      %cond3A_234 = arith.cmpi ne, %convert_element_type3A_232, %cond3A_233 : i32
      scf.if %cond3A_234 {
        %run_scoped3A = arith.constant 5 : i32
        "tpu.region"() ({
          %run_scoped3A_302 = tpu.sem_alloc : memref<!tpu.dma_semaphore, #tpu.memory_space<semaphore_mem>>
          %dma_start3A_303 = arith.constant 0 : i32
          %dma_start3A_304 = tpu.memref_slice %arg10[%run_scoped3A, %dma_start3A_303] : memref<8x128xi32, #tpu.memory_space<vmem>> -> memref<1x128xi32, #tpu.memory_space<vmem>>
          %dma_start3A_305 = tpu.memref_squeeze %dma_start3A_304 : memref<1x128xi32, #tpu.memory_space<vmem>> -> memref<128xi32, #tpu.memory_space<vmem>>
          %dma_start3A_306 = arith.constant 0 : i32
          %dma_start3A_307 = arith.constant 0 : i32
          %dma_start3A_308 = tpu.memref_slice %arg13[%dma_start3A_306, %dma_start3A_307] : memref<10240x128xf32, #tpu.memory_space<vmem_shared>> -> memref<10240x128xf32, #tpu.memory_space<vmem_shared>>
          tpu.enqueue_indirect_dma source(%arg12 : memref<128x128xf32, #tpu.memory_space<vmem>>) target(%dma_start3A_308 : memref<10240x128xf32, #tpu.memory_space<vmem_shared>>) offsets(%dma_start3A_305 : memref<128xi32, #tpu.memory_space<vmem>>) semaphore(%run_scoped3A_302 : memref<!tpu.dma_semaphore, #tpu.memory_space<semaphore_mem>>) {add = true}
          %dma_wait3A_309 = arith.constant 0 : i32
          %dma_wait3A_310 = tpu.memref_slice %arg10[%run_scoped3A, %dma_wait3A_309] : memref<8x128xi32, #tpu.memory_space<vmem>> -> memref<1x128xi32, #tpu.memory_space<vmem>>
          %dma_wait3A_311 = tpu.memref_squeeze %dma_wait3A_310 : memref<1x128xi32, #tpu.memory_space<vmem>> -> memref<128xi32, #tpu.memory_space<vmem>>
          %dma_wait3A_312 = arith.constant 0 : i32
          %dma_wait3A_313 = arith.constant 0 : i32
          %dma_wait3A_314 = tpu.memref_slice %arg13[%dma_wait3A_312, %dma_wait3A_313] : memref<10240x128xf32, #tpu.memory_space<vmem_shared>> -> memref<10240x128xf32, #tpu.memory_space<vmem_shared>>
          tpu.wait_indirect_dma semaphore(%run_scoped3A_302 : memref<!tpu.dma_semaphore, #tpu.memory_space<semaphore_mem>>) src(%arg12 : memref<128x128xf32, #tpu.memory_space<vmem>>) dst(%dma_wait3A_314 : memref<10240x128xf32, #tpu.memory_space<vmem_shared>>)
          tpu.yield
        }) : () -> ()
      } else {
      }
      %sub3A_235 = arith.constant 1 : i32
      %sub3A_236 = arith.subi %select_n3A_8, %sub3A_235 : i32
      %lt3A = arith.cmpi slt, %while3A_81, %sub3A_236 : i32
      %convert_element_type3A_237 = arith.extui %lt3A : i1 to i32
      %cond3A_238 = arith.constant 0 : i32
      %cond3A_239 = arith.cmpi ne, %convert_element_type3A_237, %cond3A_238 : i32
      scf.if %cond3A_239 {
        %eq3A_302 = arith.constant 0 : i32
        %eq3A_303 = arith.cmpi eq, %sub3A_83, %eq3A_302 : i32
        %convert_element_type3A_304 = arith.extui %eq3A_303 : i1 to i32
        %cond3A_305 = arith.constant 0 : i32
        %cond3A_306 = arith.cmpi ne, %convert_element_type3A_304, %cond3A_305 : i32
        scf.if %cond3A_306 {
          %dma_wait3A_312 = arith.constant 0 : i32
          %dma_wait3A_313 = tpu.memref_slice %arg3[%select_n3A, %dma_wait3A_312] : memref<2560x128xi32, #tpu.memory_space<hbm>> -> memref<8x128xi32, #tpu.memory_space<hbm>>
          %dma_wait3A_314 = arith.constant 0 : i32
          %dma_wait3A_315 = tpu.memref_slice %arg3[%select_n3A, %dma_wait3A_314] : memref<2560x128xi32, #tpu.memory_space<hbm>> -> memref<8x128xi32, #tpu.memory_space<hbm>>
          tpu.wait_dma2 semaphore(%arg16 : memref<!tpu.dma_semaphore, #tpu.memory_space<semaphore_mem>>) src(%dma_wait3A_315 : memref<8x128xi32, #tpu.memory_space<hbm>>) dst(%arg7 : memref<8x128xi32, #tpu.memory_space<vmem>>)
          %dma_wait3A_316 = arith.constant 0 : i32
          %dma_wait3A_317 = tpu.memref_slice %arg4[%select_n3A, %dma_wait3A_316] : memref<2560x128xi32, #tpu.memory_space<hbm>> -> memref<8x128xi32, #tpu.memory_space<hbm>>
          %dma_wait3A_318 = arith.constant 0 : i32
          %dma_wait3A_319 = tpu.memref_slice %arg4[%select_n3A, %dma_wait3A_318] : memref<2560x128xi32, #tpu.memory_space<hbm>> -> memref<8x128xi32, #tpu.memory_space<hbm>>
          tpu.wait_dma2 semaphore(%arg16 : memref<!tpu.dma_semaphore, #tpu.memory_space<semaphore_mem>>) src(%dma_wait3A_319 : memref<8x128xi32, #tpu.memory_space<hbm>>) dst(%arg9 : memref<8x128xi32, #tpu.memory_space<vmem>>)
        } else {
        }
        %eq3A_307 = arith.constant 1 : i32
        %eq3A_308 = arith.cmpi eq, %sub3A_83, %eq3A_307 : i32
        %convert_element_type3A_309 = arith.extui %eq3A_308 : i1 to i32
        %cond3A_310 = arith.constant 0 : i32
        %cond3A_311 = arith.cmpi ne, %convert_element_type3A_309, %cond3A_310 : i32
        scf.if %cond3A_311 {
          %dma_wait3A_312 = arith.constant 0 : i32
          %dma_wait3A_313 = tpu.memref_slice %arg3[%select_n3A, %dma_wait3A_312] : memref<2560x128xi32, #tpu.memory_space<hbm>> -> memref<8x128xi32, #tpu.memory_space<hbm>>
          %dma_wait3A_314 = arith.constant 0 : i32
          %dma_wait3A_315 = tpu.memref_slice %arg3[%select_n3A, %dma_wait3A_314] : memref<2560x128xi32, #tpu.memory_space<hbm>> -> memref<8x128xi32, #tpu.memory_space<hbm>>
          tpu.wait_dma2 semaphore(%arg17 : memref<!tpu.dma_semaphore, #tpu.memory_space<semaphore_mem>>) src(%dma_wait3A_315 : memref<8x128xi32, #tpu.memory_space<hbm>>) dst(%arg8 : memref<8x128xi32, #tpu.memory_space<vmem>>)
          %dma_wait3A_316 = arith.constant 0 : i32
          %dma_wait3A_317 = tpu.memref_slice %arg4[%select_n3A, %dma_wait3A_316] : memref<2560x128xi32, #tpu.memory_space<hbm>> -> memref<8x128xi32, #tpu.memory_space<hbm>>
          %dma_wait3A_318 = arith.constant 0 : i32
          %dma_wait3A_319 = tpu.memref_slice %arg4[%select_n3A, %dma_wait3A_318] : memref<2560x128xi32, #tpu.memory_space<hbm>> -> memref<8x128xi32, #tpu.memory_space<hbm>>
          tpu.wait_dma2 semaphore(%arg17 : memref<!tpu.dma_semaphore, #tpu.memory_space<semaphore_mem>>) src(%dma_wait3A_319 : memref<8x128xi32, #tpu.memory_space<hbm>>) dst(%arg10 : memref<8x128xi32, #tpu.memory_space<vmem>>)
        } else {
        }
      } else {
      }
      %eq3A_240 = arith.constant 0 : i32
      %eq3A_241 = arith.cmpi eq, %rem3A_82, %eq3A_240 : i32
      %convert_element_type3A_242 = arith.extui %eq3A_241 : i1 to i32
      %cond3A_243 = arith.constant 0 : i32
      %cond3A_244 = arith.cmpi ne, %convert_element_type3A_242, %cond3A_243 : i32
      scf.if %cond3A_244 {
        %dma_start3A_302 = arith.constant 7 : i32
        %dma_start3A_303 = arith.constant 0 : i32
        %dma_start3A_304 = tpu.memref_slice %arg7[%dma_start3A_302, %dma_start3A_303] : memref<8x128xi32, #tpu.memory_space<vmem>> -> memref<1x128xi32, #tpu.memory_space<vmem>>
        %dma_start3A_305 = tpu.memref_squeeze %dma_start3A_304 : memref<1x128xi32, #tpu.memory_space<vmem>> -> memref<128xi32, #tpu.memory_space<vmem>>
        %dma_start3A_306 = arith.constant 0 : i32
        %dma_start3A_307 = arith.constant 0 : i32
        %dma_start3A_308 = tpu.memref_slice %arg2[%dma_start3A_306, %dma_start3A_307] : memref<10000x128xf32, #tpu.memory_space<hbm>> -> memref<10000x128xf32, #tpu.memory_space<hbm>>
        tpu.enqueue_indirect_dma source(%dma_start3A_308 : memref<10000x128xf32, #tpu.memory_space<hbm>>) target(%arg12 : memref<128x128xf32, #tpu.memory_space<vmem>>) offsets(%dma_start3A_305 : memref<128xi32, #tpu.memory_space<vmem>>) semaphore(%arg15 : memref<!tpu.dma_semaphore, #tpu.memory_space<semaphore_mem>>)
      } else {
      }
      %eq3A_245 = arith.constant 1 : i32
      %eq3A_246 = arith.cmpi eq, %rem3A_82, %eq3A_245 : i32
      %convert_element_type3A_247 = arith.extui %eq3A_246 : i1 to i32
      %cond3A_248 = arith.constant 0 : i32
      %cond3A_249 = arith.cmpi ne, %convert_element_type3A_247, %cond3A_248 : i32
      scf.if %cond3A_249 {
        %dma_start3A_302 = arith.constant 7 : i32
        %dma_start3A_303 = arith.constant 0 : i32
        %dma_start3A_304 = tpu.memref_slice %arg8[%dma_start3A_302, %dma_start3A_303] : memref<8x128xi32, #tpu.memory_space<vmem>> -> memref<1x128xi32, #tpu.memory_space<vmem>>
        %dma_start3A_305 = tpu.memref_squeeze %dma_start3A_304 : memref<1x128xi32, #tpu.memory_space<vmem>> -> memref<128xi32, #tpu.memory_space<vmem>>
        %dma_start3A_306 = arith.constant 0 : i32
        %dma_start3A_307 = arith.constant 0 : i32
        %dma_start3A_308 = tpu.memref_slice %arg2[%dma_start3A_306, %dma_start3A_307] : memref<10000x128xf32, #tpu.memory_space<hbm>> -> memref<10000x128xf32, #tpu.memory_space<hbm>>
        tpu.enqueue_indirect_dma source(%dma_start3A_308 : memref<10000x128xf32, #tpu.memory_space<hbm>>) target(%arg12 : memref<128x128xf32, #tpu.memory_space<vmem>>) offsets(%dma_start3A_305 : memref<128xi32, #tpu.memory_space<vmem>>) semaphore(%arg15 : memref<!tpu.dma_semaphore, #tpu.memory_space<semaphore_mem>>)
      } else {
      }
      %dma_wait3A_250 = arith.constant 0 : i32
      %dma_wait3A_251 = arith.constant 0 : i32
      %dma_wait3A_252 = tpu.memref_slice %arg7[%dma_wait3A_250, %dma_wait3A_251] : memref<8x128xi32, #tpu.memory_space<vmem>> -> memref<1x128xi32, #tpu.memory_space<vmem>>
      %dma_wait3A_253 = tpu.memref_squeeze %dma_wait3A_252 : memref<1x128xi32, #tpu.memory_space<vmem>> -> memref<128xi32, #tpu.memory_space<vmem>>
      %dma_wait3A_254 = arith.constant 0 : i32
      %dma_wait3A_255 = arith.constant 0 : i32
      %dma_wait3A_256 = tpu.memref_slice %arg2[%dma_wait3A_254, %dma_wait3A_255] : memref<10000x128xf32, #tpu.memory_space<hbm>> -> memref<10000x128xf32, #tpu.memory_space<hbm>>
      tpu.wait_indirect_dma semaphore(%arg14 : memref<!tpu.dma_semaphore, #tpu.memory_space<semaphore_mem>>) src(%dma_wait3A_256 : memref<10000x128xf32, #tpu.memory_space<hbm>>) dst(%arg11 : memref<128x128xf32, #tpu.memory_space<vmem>>)
      %eq3A_257 = arith.constant 0 : i32
      %eq3A_258 = arith.cmpi eq, %rem3A_82, %eq3A_257 : i32
      %convert_element_type3A_259 = arith.extui %eq3A_258 : i1 to i32
      %cond3A_260 = arith.constant 0 : i32
      %cond3A_261 = arith.cmpi ne, %convert_element_type3A_259, %cond3A_260 : i32
      scf.if %cond3A_261 {
        %run_scoped3A = arith.constant 6 : i32
        "tpu.region"() ({
          %run_scoped3A_302 = tpu.sem_alloc : memref<!tpu.dma_semaphore, #tpu.memory_space<semaphore_mem>>
          %dma_start3A_303 = arith.constant 0 : i32
          %dma_start3A_304 = tpu.memref_slice %arg9[%run_scoped3A, %dma_start3A_303] : memref<8x128xi32, #tpu.memory_space<vmem>> -> memref<1x128xi32, #tpu.memory_space<vmem>>
          %dma_start3A_305 = tpu.memref_squeeze %dma_start3A_304 : memref<1x128xi32, #tpu.memory_space<vmem>> -> memref<128xi32, #tpu.memory_space<vmem>>
          %dma_start3A_306 = arith.constant 0 : i32
          %dma_start3A_307 = arith.constant 0 : i32
          %dma_start3A_308 = tpu.memref_slice %arg13[%dma_start3A_306, %dma_start3A_307] : memref<10240x128xf32, #tpu.memory_space<vmem_shared>> -> memref<10240x128xf32, #tpu.memory_space<vmem_shared>>
          tpu.enqueue_indirect_dma source(%arg11 : memref<128x128xf32, #tpu.memory_space<vmem>>) target(%dma_start3A_308 : memref<10240x128xf32, #tpu.memory_space<vmem_shared>>) offsets(%dma_start3A_305 : memref<128xi32, #tpu.memory_space<vmem>>) semaphore(%run_scoped3A_302 : memref<!tpu.dma_semaphore, #tpu.memory_space<semaphore_mem>>) {add = true}
          %dma_wait3A_309 = arith.constant 0 : i32
          %dma_wait3A_310 = tpu.memref_slice %arg9[%run_scoped3A, %dma_wait3A_309] : memref<8x128xi32, #tpu.memory_space<vmem>> -> memref<1x128xi32, #tpu.memory_space<vmem>>
          %dma_wait3A_311 = tpu.memref_squeeze %dma_wait3A_310 : memref<1x128xi32, #tpu.memory_space<vmem>> -> memref<128xi32, #tpu.memory_space<vmem>>
          %dma_wait3A_312 = arith.constant 0 : i32
          %dma_wait3A_313 = arith.constant 0 : i32
          %dma_wait3A_314 = tpu.memref_slice %arg13[%dma_wait3A_312, %dma_wait3A_313] : memref<10240x128xf32, #tpu.memory_space<vmem_shared>> -> memref<10240x128xf32, #tpu.memory_space<vmem_shared>>
          tpu.wait_indirect_dma semaphore(%run_scoped3A_302 : memref<!tpu.dma_semaphore, #tpu.memory_space<semaphore_mem>>) src(%arg11 : memref<128x128xf32, #tpu.memory_space<vmem>>) dst(%dma_wait3A_314 : memref<10240x128xf32, #tpu.memory_space<vmem_shared>>)
          tpu.yield
        }) : () -> ()
      } else {
      }
      %eq3A_262 = arith.constant 1 : i32
      %eq3A_263 = arith.cmpi eq, %rem3A_82, %eq3A_262 : i32
      %convert_element_type3A_264 = arith.extui %eq3A_263 : i1 to i32
      %cond3A_265 = arith.constant 0 : i32
      %cond3A_266 = arith.cmpi ne, %convert_element_type3A_264, %cond3A_265 : i32
      scf.if %cond3A_266 {
        %run_scoped3A = arith.constant 6 : i32
        "tpu.region"() ({
          %run_scoped3A_302 = tpu.sem_alloc : memref<!tpu.dma_semaphore, #tpu.memory_space<semaphore_mem>>
          %dma_start3A_303 = arith.constant 0 : i32
          %dma_start3A_304 = tpu.memref_slice %arg10[%run_scoped3A, %dma_start3A_303] : memref<8x128xi32, #tpu.memory_space<vmem>> -> memref<1x128xi32, #tpu.memory_space<vmem>>
          %dma_start3A_305 = tpu.memref_squeeze %dma_start3A_304 : memref<1x128xi32, #tpu.memory_space<vmem>> -> memref<128xi32, #tpu.memory_space<vmem>>
          %dma_start3A_306 = arith.constant 0 : i32
          %dma_start3A_307 = arith.constant 0 : i32
          %dma_start3A_308 = tpu.memref_slice %arg13[%dma_start3A_306, %dma_start3A_307] : memref<10240x128xf32, #tpu.memory_space<vmem_shared>> -> memref<10240x128xf32, #tpu.memory_space<vmem_shared>>
          tpu.enqueue_indirect_dma source(%arg11 : memref<128x128xf32, #tpu.memory_space<vmem>>) target(%dma_start3A_308 : memref<10240x128xf32, #tpu.memory_space<vmem_shared>>) offsets(%dma_start3A_305 : memref<128xi32, #tpu.memory_space<vmem>>) semaphore(%run_scoped3A_302 : memref<!tpu.dma_semaphore, #tpu.memory_space<semaphore_mem>>) {add = true}
          %dma_wait3A_309 = arith.constant 0 : i32
          %dma_wait3A_310 = tpu.memref_slice %arg10[%run_scoped3A, %dma_wait3A_309] : memref<8x128xi32, #tpu.memory_space<vmem>> -> memref<1x128xi32, #tpu.memory_space<vmem>>
          %dma_wait3A_311 = tpu.memref_squeeze %dma_wait3A_310 : memref<1x128xi32, #tpu.memory_space<vmem>> -> memref<128xi32, #tpu.memory_space<vmem>>
          %dma_wait3A_312 = arith.constant 0 : i32
          %dma_wait3A_313 = arith.constant 0 : i32
          %dma_wait3A_314 = tpu.memref_slice %arg13[%dma_wait3A_312, %dma_wait3A_313] : memref<10240x128xf32, #tpu.memory_space<vmem_shared>> -> memref<10240x128xf32, #tpu.memory_space<vmem_shared>>
          tpu.wait_indirect_dma semaphore(%run_scoped3A_302 : memref<!tpu.dma_semaphore, #tpu.memory_space<semaphore_mem>>) src(%arg11 : memref<128x128xf32, #tpu.memory_space<vmem>>) dst(%dma_wait3A_314 : memref<10240x128xf32, #tpu.memory_space<vmem_shared>>)
          tpu.yield
        }) : () -> ()
      } else {
      }
      %sub3A_267 = arith.constant 1 : i32
      %sub3A_268 = arith.subi %select_n3A_8, %sub3A_267 : i32
      %lt3A_269 = arith.cmpi slt, %while3A_81, %sub3A_268 : i32
      %convert_element_type3A_270 = arith.extui %lt3A_269 : i1 to i32
      %cond3A_271 = arith.constant 0 : i32
      %cond3A_272 = arith.cmpi ne, %convert_element_type3A_270, %cond3A_271 : i32
      scf.if %cond3A_272 {
        %eq3A_302 = arith.constant 0 : i32
        %eq3A_303 = arith.cmpi eq, %sub3A_83, %eq3A_302 : i32
        %convert_element_type3A_304 = arith.extui %eq3A_303 : i1 to i32
        %cond3A_305 = arith.constant 0 : i32
        %cond3A_306 = arith.cmpi ne, %convert_element_type3A_304, %cond3A_305 : i32
        scf.if %cond3A_306 {
          %dma_start3A_312 = arith.constant 0 : i32
          %dma_start3A_313 = arith.constant 0 : i32
          %dma_start3A_314 = tpu.memref_slice %arg7[%dma_start3A_312, %dma_start3A_313] : memref<8x128xi32, #tpu.memory_space<vmem>> -> memref<1x128xi32, #tpu.memory_space<vmem>>
          %dma_start3A_315 = tpu.memref_squeeze %dma_start3A_314 : memref<1x128xi32, #tpu.memory_space<vmem>> -> memref<128xi32, #tpu.memory_space<vmem>>
          %dma_start3A_316 = arith.constant 0 : i32
          %dma_start3A_317 = arith.constant 0 : i32
          %dma_start3A_318 = tpu.memref_slice %arg2[%dma_start3A_316, %dma_start3A_317] : memref<10000x128xf32, #tpu.memory_space<hbm>> -> memref<10000x128xf32, #tpu.memory_space<hbm>>
          tpu.enqueue_indirect_dma source(%dma_start3A_318 : memref<10000x128xf32, #tpu.memory_space<hbm>>) target(%arg11 : memref<128x128xf32, #tpu.memory_space<vmem>>) offsets(%dma_start3A_315 : memref<128xi32, #tpu.memory_space<vmem>>) semaphore(%arg14 : memref<!tpu.dma_semaphore, #tpu.memory_space<semaphore_mem>>)
        } else {
        }
        %eq3A_307 = arith.constant 1 : i32
        %eq3A_308 = arith.cmpi eq, %sub3A_83, %eq3A_307 : i32
        %convert_element_type3A_309 = arith.extui %eq3A_308 : i1 to i32
        %cond3A_310 = arith.constant 0 : i32
        %cond3A_311 = arith.cmpi ne, %convert_element_type3A_309, %cond3A_310 : i32
        scf.if %cond3A_311 {
          %dma_start3A_312 = arith.constant 0 : i32
          %dma_start3A_313 = arith.constant 0 : i32
          %dma_start3A_314 = tpu.memref_slice %arg8[%dma_start3A_312, %dma_start3A_313] : memref<8x128xi32, #tpu.memory_space<vmem>> -> memref<1x128xi32, #tpu.memory_space<vmem>>
          %dma_start3A_315 = tpu.memref_squeeze %dma_start3A_314 : memref<1x128xi32, #tpu.memory_space<vmem>> -> memref<128xi32, #tpu.memory_space<vmem>>
          %dma_start3A_316 = arith.constant 0 : i32
          %dma_start3A_317 = arith.constant 0 : i32
          %dma_start3A_318 = tpu.memref_slice %arg2[%dma_start3A_316, %dma_start3A_317] : memref<10000x128xf32, #tpu.memory_space<hbm>> -> memref<10000x128xf32, #tpu.memory_space<hbm>>
          tpu.enqueue_indirect_dma source(%dma_start3A_318 : memref<10000x128xf32, #tpu.memory_space<hbm>>) target(%arg11 : memref<128x128xf32, #tpu.memory_space<vmem>>) offsets(%dma_start3A_315 : memref<128xi32, #tpu.memory_space<vmem>>) semaphore(%arg14 : memref<!tpu.dma_semaphore, #tpu.memory_space<semaphore_mem>>)
        } else {
        }
      } else {
      }
      %dma_wait3A_273 = arith.constant 0 : i32
      %dma_wait3A_274 = arith.constant 0 : i32
      %dma_wait3A_275 = tpu.memref_slice %arg7[%dma_wait3A_273, %dma_wait3A_274] : memref<8x128xi32, #tpu.memory_space<vmem>> -> memref<1x128xi32, #tpu.memory_space<vmem>>
      %dma_wait3A_276 = tpu.memref_squeeze %dma_wait3A_275 : memref<1x128xi32, #tpu.memory_space<vmem>> -> memref<128xi32, #tpu.memory_space<vmem>>
      %dma_wait3A_277 = arith.constant 0 : i32
      %dma_wait3A_278 = arith.constant 0 : i32
      %dma_wait3A_279 = tpu.memref_slice %arg2[%dma_wait3A_277, %dma_wait3A_278] : memref<10000x128xf32, #tpu.memory_space<hbm>> -> memref<10000x128xf32, #tpu.memory_space<hbm>>
      tpu.wait_indirect_dma semaphore(%arg15 : memref<!tpu.dma_semaphore, #tpu.memory_space<semaphore_mem>>) src(%dma_wait3A_279 : memref<10000x128xf32, #tpu.memory_space<hbm>>) dst(%arg12 : memref<128x128xf32, #tpu.memory_space<vmem>>)
      %eq3A_280 = arith.constant 0 : i32
      %eq3A_281 = arith.cmpi eq, %rem3A_82, %eq3A_280 : i32
      %convert_element_type3A_282 = arith.extui %eq3A_281 : i1 to i32
      %cond3A_283 = arith.constant 0 : i32
      %cond3A_284 = arith.cmpi ne, %convert_element_type3A_282, %cond3A_283 : i32
      scf.if %cond3A_284 {
        %run_scoped3A = arith.constant 7 : i32
        "tpu.region"() ({
          %run_scoped3A_302 = tpu.sem_alloc : memref<!tpu.dma_semaphore, #tpu.memory_space<semaphore_mem>>
          %dma_start3A_303 = arith.constant 0 : i32
          %dma_start3A_304 = tpu.memref_slice %arg9[%run_scoped3A, %dma_start3A_303] : memref<8x128xi32, #tpu.memory_space<vmem>> -> memref<1x128xi32, #tpu.memory_space<vmem>>
          %dma_start3A_305 = tpu.memref_squeeze %dma_start3A_304 : memref<1x128xi32, #tpu.memory_space<vmem>> -> memref<128xi32, #tpu.memory_space<vmem>>
          %dma_start3A_306 = arith.constant 0 : i32
          %dma_start3A_307 = arith.constant 0 : i32
          %dma_start3A_308 = tpu.memref_slice %arg13[%dma_start3A_306, %dma_start3A_307] : memref<10240x128xf32, #tpu.memory_space<vmem_shared>> -> memref<10240x128xf32, #tpu.memory_space<vmem_shared>>
          tpu.enqueue_indirect_dma source(%arg12 : memref<128x128xf32, #tpu.memory_space<vmem>>) target(%dma_start3A_308 : memref<10240x128xf32, #tpu.memory_space<vmem_shared>>) offsets(%dma_start3A_305 : memref<128xi32, #tpu.memory_space<vmem>>) semaphore(%run_scoped3A_302 : memref<!tpu.dma_semaphore, #tpu.memory_space<semaphore_mem>>) {add = true}
          %dma_wait3A_309 = arith.constant 0 : i32
          %dma_wait3A_310 = tpu.memref_slice %arg9[%run_scoped3A, %dma_wait3A_309] : memref<8x128xi32, #tpu.memory_space<vmem>> -> memref<1x128xi32, #tpu.memory_space<vmem>>
          %dma_wait3A_311 = tpu.memref_squeeze %dma_wait3A_310 : memref<1x128xi32, #tpu.memory_space<vmem>> -> memref<128xi32, #tpu.memory_space<vmem>>
          %dma_wait3A_312 = arith.constant 0 : i32
          %dma_wait3A_313 = arith.constant 0 : i32
          %dma_wait3A_314 = tpu.memref_slice %arg13[%dma_wait3A_312, %dma_wait3A_313] : memref<10240x128xf32, #tpu.memory_space<vmem_shared>> -> memref<10240x128xf32, #tpu.memory_space<vmem_shared>>
          tpu.wait_indirect_dma semaphore(%run_scoped3A_302 : memref<!tpu.dma_semaphore, #tpu.memory_space<semaphore_mem>>) src(%arg12 : memref<128x128xf32, #tpu.memory_space<vmem>>) dst(%dma_wait3A_314 : memref<10240x128xf32, #tpu.memory_space<vmem_shared>>)
          tpu.yield
        }) : () -> ()
      } else {
      }
      %eq3A_285 = arith.constant 1 : i32
      %eq3A_286 = arith.cmpi eq, %rem3A_82, %eq3A_285 : i32
      %convert_element_type3A_287 = arith.extui %eq3A_286 : i1 to i32
      %cond3A_288 = arith.constant 0 : i32
      %cond3A_289 = arith.cmpi ne, %convert_element_type3A_287, %cond3A_288 : i32
      scf.if %cond3A_289 {
        %run_scoped3A = arith.constant 7 : i32
        "tpu.region"() ({
          %run_scoped3A_302 = tpu.sem_alloc : memref<!tpu.dma_semaphore, #tpu.memory_space<semaphore_mem>>
          %dma_start3A_303 = arith.constant 0 : i32
          %dma_start3A_304 = tpu.memref_slice %arg10[%run_scoped3A, %dma_start3A_303] : memref<8x128xi32, #tpu.memory_space<vmem>> -> memref<1x128xi32, #tpu.memory_space<vmem>>
          %dma_start3A_305 = tpu.memref_squeeze %dma_start3A_304 : memref<1x128xi32, #tpu.memory_space<vmem>> -> memref<128xi32, #tpu.memory_space<vmem>>
          %dma_start3A_306 = arith.constant 0 : i32
          %dma_start3A_307 = arith.constant 0 : i32
          %dma_start3A_308 = tpu.memref_slice %arg13[%dma_start3A_306, %dma_start3A_307] : memref<10240x128xf32, #tpu.memory_space<vmem_shared>> -> memref<10240x128xf32, #tpu.memory_space<vmem_shared>>
          tpu.enqueue_indirect_dma source(%arg12 : memref<128x128xf32, #tpu.memory_space<vmem>>) target(%dma_start3A_308 : memref<10240x128xf32, #tpu.memory_space<vmem_shared>>) offsets(%dma_start3A_305 : memref<128xi32, #tpu.memory_space<vmem>>) semaphore(%run_scoped3A_302 : memref<!tpu.dma_semaphore, #tpu.memory_space<semaphore_mem>>) {add = true}
          %dma_wait3A_309 = arith.constant 0 : i32
          %dma_wait3A_310 = tpu.memref_slice %arg10[%run_scoped3A, %dma_wait3A_309] : memref<8x128xi32, #tpu.memory_space<vmem>> -> memref<1x128xi32, #tpu.memory_space<vmem>>
          %dma_wait3A_311 = tpu.memref_squeeze %dma_wait3A_310 : memref<1x128xi32, #tpu.memory_space<vmem>> -> memref<128xi32, #tpu.memory_space<vmem>>
          %dma_wait3A_312 = arith.constant 0 : i32
          %dma_wait3A_313 = arith.constant 0 : i32
          %dma_wait3A_314 = tpu.memref_slice %arg13[%dma_wait3A_312, %dma_wait3A_313] : memref<10240x128xf32, #tpu.memory_space<vmem_shared>> -> memref<10240x128xf32, #tpu.memory_space<vmem_shared>>
          tpu.wait_indirect_dma semaphore(%run_scoped3A_302 : memref<!tpu.dma_semaphore, #tpu.memory_space<semaphore_mem>>) src(%arg12 : memref<128x128xf32, #tpu.memory_space<vmem>>) dst(%dma_wait3A_314 : memref<10240x128xf32, #tpu.memory_space<vmem_shared>>)
          tpu.yield
        }) : () -> ()
      } else {
      }
      %sub3A_290 = arith.constant 1 : i32
      %sub3A_291 = arith.subi %select_n3A_8, %sub3A_290 : i32
      %lt3A_292 = arith.cmpi slt, %while3A_81, %sub3A_291 : i32
      %convert_element_type3A_293 = arith.extui %lt3A_292 : i1 to i32
      %cond3A_294 = arith.constant 0 : i32
      %cond3A_295 = arith.cmpi ne, %convert_element_type3A_293, %cond3A_294 : i32
      scf.if %cond3A_295 {
        %eq3A_302 = arith.constant 0 : i32
        %eq3A_303 = arith.cmpi eq, %sub3A_83, %eq3A_302 : i32
        %convert_element_type3A_304 = arith.extui %eq3A_303 : i1 to i32
        %cond3A_305 = arith.constant 0 : i32
        %cond3A_306 = arith.cmpi ne, %convert_element_type3A_304, %cond3A_305 : i32
        scf.if %cond3A_306 {
          %dma_start3A_312 = arith.constant 1 : i32
          %dma_start3A_313 = arith.constant 0 : i32
          %dma_start3A_314 = tpu.memref_slice %arg7[%dma_start3A_312, %dma_start3A_313] : memref<8x128xi32, #tpu.memory_space<vmem>> -> memref<1x128xi32, #tpu.memory_space<vmem>>
          %dma_start3A_315 = tpu.memref_squeeze %dma_start3A_314 : memref<1x128xi32, #tpu.memory_space<vmem>> -> memref<128xi32, #tpu.memory_space<vmem>>
          %dma_start3A_316 = arith.constant 0 : i32
          %dma_start3A_317 = arith.constant 0 : i32
          %dma_start3A_318 = tpu.memref_slice %arg2[%dma_start3A_316, %dma_start3A_317] : memref<10000x128xf32, #tpu.memory_space<hbm>> -> memref<10000x128xf32, #tpu.memory_space<hbm>>
          tpu.enqueue_indirect_dma source(%dma_start3A_318 : memref<10000x128xf32, #tpu.memory_space<hbm>>) target(%arg12 : memref<128x128xf32, #tpu.memory_space<vmem>>) offsets(%dma_start3A_315 : memref<128xi32, #tpu.memory_space<vmem>>) semaphore(%arg15 : memref<!tpu.dma_semaphore, #tpu.memory_space<semaphore_mem>>)
        } else {
        }
        %eq3A_307 = arith.constant 1 : i32
        %eq3A_308 = arith.cmpi eq, %sub3A_83, %eq3A_307 : i32
        %convert_element_type3A_309 = arith.extui %eq3A_308 : i1 to i32
        %cond3A_310 = arith.constant 0 : i32
        %cond3A_311 = arith.cmpi ne, %convert_element_type3A_309, %cond3A_310 : i32
        scf.if %cond3A_311 {
          %dma_start3A_312 = arith.constant 1 : i32
          %dma_start3A_313 = arith.constant 0 : i32
          %dma_start3A_314 = tpu.memref_slice %arg8[%dma_start3A_312, %dma_start3A_313] : memref<8x128xi32, #tpu.memory_space<vmem>> -> memref<1x128xi32, #tpu.memory_space<vmem>>
          %dma_start3A_315 = tpu.memref_squeeze %dma_start3A_314 : memref<1x128xi32, #tpu.memory_space<vmem>> -> memref<128xi32, #tpu.memory_space<vmem>>
          %dma_start3A_316 = arith.constant 0 : i32
          %dma_start3A_317 = arith.constant 0 : i32
          %dma_start3A_318 = tpu.memref_slice %arg2[%dma_start3A_316, %dma_start3A_317] : memref<10000x128xf32, #tpu.memory_space<hbm>> -> memref<10000x128xf32, #tpu.memory_space<hbm>>
          tpu.enqueue_indirect_dma source(%dma_start3A_318 : memref<10000x128xf32, #tpu.memory_space<hbm>>) target(%arg12 : memref<128x128xf32, #tpu.memory_space<vmem>>) offsets(%dma_start3A_315 : memref<128xi32, #tpu.memory_space<vmem>>) semaphore(%arg15 : memref<!tpu.dma_semaphore, #tpu.memory_space<semaphore_mem>>)
        } else {
        }
      } else {
      }
      %sub3A_296 = arith.constant 2 : i32
      %sub3A_297 = arith.subi %select_n3A_8, %sub3A_296 : i32
      %lt3A_298 = arith.cmpi slt, %while3A_81, %sub3A_297 : i32
      %convert_element_type3A_299 = arith.extui %lt3A_298 : i1 to i32
      %cond3A_300 = arith.constant 0 : i32
      %cond3A_301 = arith.cmpi ne, %convert_element_type3A_299, %cond3A_300 : i32
      scf.if %cond3A_301 {
        %add3A_302 = arith.constant 2 : i32
        %add3A_303 = arith.addi %while3A_81, %add3A_302 : i32
        %mul3A_304 = arith.constant 8 : i32
        %mul3A_305 = arith.muli %add3A_303, %mul3A_304 : i32
        %add3A_306 = arith.addi %select_n3A, %mul3A_305 : i32
        %eq3A_307 = arith.constant 0 : i32
        %eq3A_308 = arith.cmpi eq, %rem3A_82, %eq3A_307 : i32
        %convert_element_type3A_309 = arith.extui %eq3A_308 : i1 to i32
        %cond3A_310 = arith.constant 0 : i32
        %cond3A_311 = arith.cmpi ne, %convert_element_type3A_309, %cond3A_310 : i32
        scf.if %cond3A_311 {
          %dma_start3A_317 = arith.constant 0 : i32
          %dma_start3A_318 = tpu.memref_slice %arg3[%add3A_306, %dma_start3A_317] : memref<2560x128xi32, #tpu.memory_space<hbm>> -> memref<8x128xi32, #tpu.memory_space<hbm>>
          %dma_start3A_319 = arith.constant 0 : i32
          %dma_start3A_320 = tpu.memref_slice %arg3[%add3A_306, %dma_start3A_319] : memref<2560x128xi32, #tpu.memory_space<hbm>> -> memref<8x128xi32, #tpu.memory_space<hbm>>
          tpu.enqueue_dma source(%dma_start3A_320 : memref<8x128xi32, #tpu.memory_space<hbm>>) target(%arg7 : memref<8x128xi32, #tpu.memory_space<vmem>>) target_semaphore(%arg16 : memref<!tpu.dma_semaphore, #tpu.memory_space<semaphore_mem>>)
          %dma_start3A_321 = arith.constant 0 : i32
          %dma_start3A_322 = tpu.memref_slice %arg4[%add3A_306, %dma_start3A_321] : memref<2560x128xi32, #tpu.memory_space<hbm>> -> memref<8x128xi32, #tpu.memory_space<hbm>>
          %dma_start3A_323 = arith.constant 0 : i32
          %dma_start3A_324 = tpu.memref_slice %arg4[%add3A_306, %dma_start3A_323] : memref<2560x128xi32, #tpu.memory_space<hbm>> -> memref<8x128xi32, #tpu.memory_space<hbm>>
          tpu.enqueue_dma source(%dma_start3A_324 : memref<8x128xi32, #tpu.memory_space<hbm>>) target(%arg9 : memref<8x128xi32, #tpu.memory_space<vmem>>) target_semaphore(%arg16 : memref<!tpu.dma_semaphore, #tpu.memory_space<semaphore_mem>>)
        } else {
        }
        %eq3A_312 = arith.constant 1 : i32
        %eq3A_313 = arith.cmpi eq, %rem3A_82, %eq3A_312 : i32
        %convert_element_type3A_314 = arith.extui %eq3A_313 : i1 to i32
        %cond3A_315 = arith.constant 0 : i32
        %cond3A_316 = arith.cmpi ne, %convert_element_type3A_314, %cond3A_315 : i32
        scf.if %cond3A_316 {
          %dma_start3A_317 = arith.constant 0 : i32
          %dma_start3A_318 = tpu.memref_slice %arg3[%add3A_306, %dma_start3A_317] : memref<2560x128xi32, #tpu.memory_space<hbm>> -> memref<8x128xi32, #tpu.memory_space<hbm>>
          %dma_start3A_319 = arith.constant 0 : i32
          %dma_start3A_320 = tpu.memref_slice %arg3[%add3A_306, %dma_start3A_319] : memref<2560x128xi32, #tpu.memory_space<hbm>> -> memref<8x128xi32, #tpu.memory_space<hbm>>
          tpu.enqueue_dma source(%dma_start3A_320 : memref<8x128xi32, #tpu.memory_space<hbm>>) target(%arg8 : memref<8x128xi32, #tpu.memory_space<vmem>>) target_semaphore(%arg17 : memref<!tpu.dma_semaphore, #tpu.memory_space<semaphore_mem>>)
          %dma_start3A_321 = arith.constant 0 : i32
          %dma_start3A_322 = tpu.memref_slice %arg4[%add3A_306, %dma_start3A_321] : memref<2560x128xi32, #tpu.memory_space<hbm>> -> memref<8x128xi32, #tpu.memory_space<hbm>>
          %dma_start3A_323 = arith.constant 0 : i32
          %dma_start3A_324 = tpu.memref_slice %arg4[%add3A_306, %dma_start3A_323] : memref<2560x128xi32, #tpu.memory_space<hbm>> -> memref<8x128xi32, #tpu.memory_space<hbm>>
          tpu.enqueue_dma source(%dma_start3A_324 : memref<8x128xi32, #tpu.memory_space<hbm>>) target(%arg10 : memref<8x128xi32, #tpu.memory_space<vmem>>) target_semaphore(%arg17 : memref<!tpu.dma_semaphore, #tpu.memory_space<semaphore_mem>>)
        } else {
        }
      } else {
      }
    }
    %barrier3A_45 = arith.constant 0 : index
    tpu.barrier barrier_id(%barrier3A_45)
    %add3A_46 = arith.constant 0 : i32
    %add3A_47 = arith.addi %mul3A_10, %add3A_46 : i32
    "tpu.region"() ({
      %run_scoped3A = tpu.sem_alloc : memref<!tpu.dma_semaphore, #tpu.memory_space<semaphore_mem>>
      %dma_start3A_81 = arith.constant 0 : i32
      %dma_start3A_82 = tpu.memref_slice %arg13[%add3A_47, %dma_start3A_81] : memref<10240x128xf32, #tpu.memory_space<vmem_shared>> -> memref<128x128xf32, #tpu.memory_space<vmem_shared>>
      %dma_start3A_83 = arith.constant 0 : i32
      %dma_start3A_84 = tpu.memref_slice %arg13[%add3A_47, %dma_start3A_83] : memref<10240x128xf32, #tpu.memory_space<vmem_shared>> -> memref<128x128xf32, #tpu.memory_space<vmem_shared>>
      tpu.enqueue_dma source(%dma_start3A_84 : memref<128x128xf32, #tpu.memory_space<vmem_shared>>) target(%arg11 : memref<128x128xf32, #tpu.memory_space<vmem>>) target_semaphore(%run_scoped3A : memref<!tpu.dma_semaphore, #tpu.memory_space<semaphore_mem>>)
      %dma_wait3A = arith.constant 0 : i32
      %dma_wait3A_85 = tpu.memref_slice %arg13[%add3A_47, %dma_wait3A] : memref<10240x128xf32, #tpu.memory_space<vmem_shared>> -> memref<128x128xf32, #tpu.memory_space<vmem_shared>>
      %dma_wait3A_86 = arith.constant 0 : i32
      %dma_wait3A_87 = tpu.memref_slice %arg13[%add3A_47, %dma_wait3A_86] : memref<10240x128xf32, #tpu.memory_space<vmem_shared>> -> memref<128x128xf32, #tpu.memory_space<vmem_shared>>
      tpu.wait_dma2 semaphore(%run_scoped3A : memref<!tpu.dma_semaphore, #tpu.memory_space<semaphore_mem>>) src(%dma_wait3A_87 : memref<128x128xf32, #tpu.memory_space<vmem_shared>>) dst(%arg11 : memref<128x128xf32, #tpu.memory_space<vmem>>)
      tpu.yield
    }) : () -> ()
    %mul3A_48 = arith.constant 10240 : i32
    %mul3A_49 = arith.muli %arg0, %mul3A_48 : i32
    %add3A_50 = arith.addi %mul3A_49, %mul3A_10 : i32
    %add3A_51 = arith.constant 0 : i32
    %add3A_52 = arith.addi %add3A_50, %add3A_51 : i32
    "tpu.region"() ({
      %run_scoped3A = tpu.sem_alloc : memref<!tpu.dma_semaphore, #tpu.memory_space<semaphore_mem>>
      %dma_start3A_81 = arith.constant 0 : i32
      %dma_start3A_82 = tpu.memref_slice %arg6[%add3A_52, %dma_start3A_81] : memref<20480x128xf32, #tpu.memory_space<hbm>> -> memref<128x128xf32, #tpu.memory_space<hbm>>
      %dma_start3A_83 = arith.constant 0 : i32
      %dma_start3A_84 = tpu.memref_slice %arg6[%add3A_52, %dma_start3A_83] : memref<20480x128xf32, #tpu.memory_space<hbm>> -> memref<128x128xf32, #tpu.memory_space<hbm>>
      tpu.enqueue_dma source(%arg11 : memref<128x128xf32, #tpu.memory_space<vmem>>) target(%dma_start3A_84 : memref<128x128xf32, #tpu.memory_space<hbm>>) target_semaphore(%run_scoped3A : memref<!tpu.dma_semaphore, #tpu.memory_space<semaphore_mem>>)
      %dma_wait3A = arith.constant 0 : i32
      %dma_wait3A_85 = tpu.memref_slice %arg6[%add3A_52, %dma_wait3A] : memref<20480x128xf32, #tpu.memory_space<hbm>> -> memref<128x128xf32, #tpu.memory_space<hbm>>
      %dma_wait3A_86 = arith.constant 0 : i32
      %dma_wait3A_87 = tpu.memref_slice %arg6[%add3A_52, %dma_wait3A_86] : memref<20480x128xf32, #tpu.memory_space<hbm>> -> memref<128x128xf32, #tpu.memory_space<hbm>>
      tpu.wait_dma2 semaphore(%run_scoped3A : memref<!tpu.dma_semaphore, #tpu.memory_space<semaphore_mem>>) src(%arg11 : memref<128x128xf32, #tpu.memory_space<vmem>>) dst(%dma_wait3A_87 : memref<128x128xf32, #tpu.memory_space<hbm>>)
      tpu.yield
    }) : () -> ()
    %add3A_53 = arith.constant 128 : i32
    %add3A_54 = arith.addi %mul3A_10, %add3A_53 : i32
    "tpu.region"() ({
      %run_scoped3A = tpu.sem_alloc : memref<!tpu.dma_semaphore, #tpu.memory_space<semaphore_mem>>
      %dma_start3A_81 = arith.constant 0 : i32
      %dma_start3A_82 = tpu.memref_slice %arg13[%add3A_54, %dma_start3A_81] : memref<10240x128xf32, #tpu.memory_space<vmem_shared>> -> memref<128x128xf32, #tpu.memory_space<vmem_shared>>
      %dma_start3A_83 = arith.constant 0 : i32
      %dma_start3A_84 = tpu.memref_slice %arg13[%add3A_54, %dma_start3A_83] : memref<10240x128xf32, #tpu.memory_space<vmem_shared>> -> memref<128x128xf32, #tpu.memory_space<vmem_shared>>
      tpu.enqueue_dma source(%dma_start3A_84 : memref<128x128xf32, #tpu.memory_space<vmem_shared>>) target(%arg11 : memref<128x128xf32, #tpu.memory_space<vmem>>) target_semaphore(%run_scoped3A : memref<!tpu.dma_semaphore, #tpu.memory_space<semaphore_mem>>)
      %dma_wait3A = arith.constant 0 : i32
      %dma_wait3A_85 = tpu.memref_slice %arg13[%add3A_54, %dma_wait3A] : memref<10240x128xf32, #tpu.memory_space<vmem_shared>> -> memref<128x128xf32, #tpu.memory_space<vmem_shared>>
      %dma_wait3A_86 = arith.constant 0 : i32
      %dma_wait3A_87 = tpu.memref_slice %arg13[%add3A_54, %dma_wait3A_86] : memref<10240x128xf32, #tpu.memory_space<vmem_shared>> -> memref<128x128xf32, #tpu.memory_space<vmem_shared>>
      tpu.wait_dma2 semaphore(%run_scoped3A : memref<!tpu.dma_semaphore, #tpu.memory_space<semaphore_mem>>) src(%dma_wait3A_87 : memref<128x128xf32, #tpu.memory_space<vmem_shared>>) dst(%arg11 : memref<128x128xf32, #tpu.memory_space<vmem>>)
      tpu.yield
    }) : () -> ()
    %mul3A_55 = arith.constant 10240 : i32
    %mul3A_56 = arith.muli %arg0, %mul3A_55 : i32
    %add3A_57 = arith.addi %mul3A_56, %mul3A_10 : i32
    %add3A_58 = arith.constant 128 : i32
    %add3A_59 = arith.addi %add3A_57, %add3A_58 : i32
    "tpu.region"() ({
      %run_scoped3A = tpu.sem_alloc : memref<!tpu.dma_semaphore, #tpu.memory_space<semaphore_mem>>
      %dma_start3A_81 = arith.constant 0 : i32
      %dma_start3A_82 = tpu.memref_slice %arg6[%add3A_59, %dma_start3A_81] : memref<20480x128xf32, #tpu.memory_space<hbm>> -> memref<128x128xf32, #tpu.memory_space<hbm>>
      %dma_start3A_83 = arith.constant 0 : i32
      %dma_start3A_84 = tpu.memref_slice %arg6[%add3A_59, %dma_start3A_83] : memref<20480x128xf32, #tpu.memory_space<hbm>> -> memref<128x128xf32, #tpu.memory_space<hbm>>
      tpu.enqueue_dma source(%arg11 : memref<128x128xf32, #tpu.memory_space<vmem>>) target(%dma_start3A_84 : memref<128x128xf32, #tpu.memory_space<hbm>>) target_semaphore(%run_scoped3A : memref<!tpu.dma_semaphore, #tpu.memory_space<semaphore_mem>>)
      %dma_wait3A = arith.constant 0 : i32
      %dma_wait3A_85 = tpu.memref_slice %arg6[%add3A_59, %dma_wait3A] : memref<20480x128xf32, #tpu.memory_space<hbm>> -> memref<128x128xf32, #tpu.memory_space<hbm>>
      %dma_wait3A_86 = arith.constant 0 : i32
      %dma_wait3A_87 = tpu.memref_slice %arg6[%add3A_59, %dma_wait3A_86] : memref<20480x128xf32, #tpu.memory_space<hbm>> -> memref<128x128xf32, #tpu.memory_space<hbm>>
      tpu.wait_dma2 semaphore(%run_scoped3A : memref<!tpu.dma_semaphore, #tpu.memory_space<semaphore_mem>>) src(%arg11 : memref<128x128xf32, #tpu.memory_space<vmem>>) dst(%dma_wait3A_87 : memref<128x128xf32, #tpu.memory_space<hbm>>)
      tpu.yield
    }) : () -> ()
    %add3A_60 = arith.constant 256 : i32
    %add3A_61 = arith.addi %mul3A_10, %add3A_60 : i32
    "tpu.region"() ({
      %run_scoped3A = tpu.sem_alloc : memref<!tpu.dma_semaphore, #tpu.memory_space<semaphore_mem>>
      %dma_start3A_81 = arith.constant 0 : i32
      %dma_start3A_82 = tpu.memref_slice %arg13[%add3A_61, %dma_start3A_81] : memref<10240x128xf32, #tpu.memory_space<vmem_shared>> -> memref<128x128xf32, #tpu.memory_space<vmem_shared>>
      %dma_start3A_83 = arith.constant 0 : i32
      %dma_start3A_84 = tpu.memref_slice %arg13[%add3A_61, %dma_start3A_83] : memref<10240x128xf32, #tpu.memory_space<vmem_shared>> -> memref<128x128xf32, #tpu.memory_space<vmem_shared>>
      tpu.enqueue_dma source(%dma_start3A_84 : memref<128x128xf32, #tpu.memory_space<vmem_shared>>) target(%arg11 : memref<128x128xf32, #tpu.memory_space<vmem>>) target_semaphore(%run_scoped3A : memref<!tpu.dma_semaphore, #tpu.memory_space<semaphore_mem>>)
      %dma_wait3A = arith.constant 0 : i32
      %dma_wait3A_85 = tpu.memref_slice %arg13[%add3A_61, %dma_wait3A] : memref<10240x128xf32, #tpu.memory_space<vmem_shared>> -> memref<128x128xf32, #tpu.memory_space<vmem_shared>>
      %dma_wait3A_86 = arith.constant 0 : i32
      %dma_wait3A_87 = tpu.memref_slice %arg13[%add3A_61, %dma_wait3A_86] : memref<10240x128xf32, #tpu.memory_space<vmem_shared>> -> memref<128x128xf32, #tpu.memory_space<vmem_shared>>
      tpu.wait_dma2 semaphore(%run_scoped3A : memref<!tpu.dma_semaphore, #tpu.memory_space<semaphore_mem>>) src(%dma_wait3A_87 : memref<128x128xf32, #tpu.memory_space<vmem_shared>>) dst(%arg11 : memref<128x128xf32, #tpu.memory_space<vmem>>)
      tpu.yield
    }) : () -> ()
    %mul3A_62 = arith.constant 10240 : i32
    %mul3A_63 = arith.muli %arg0, %mul3A_62 : i32
    %add3A_64 = arith.addi %mul3A_63, %mul3A_10 : i32
    %add3A_65 = arith.constant 256 : i32
    %add3A_66 = arith.addi %add3A_64, %add3A_65 : i32
    "tpu.region"() ({
      %run_scoped3A = tpu.sem_alloc : memref<!tpu.dma_semaphore, #tpu.memory_space<semaphore_mem>>
      %dma_start3A_81 = arith.constant 0 : i32
      %dma_start3A_82 = tpu.memref_slice %arg6[%add3A_66, %dma_start3A_81] : memref<20480x128xf32, #tpu.memory_space<hbm>> -> memref<128x128xf32, #tpu.memory_space<hbm>>
      %dma_start3A_83 = arith.constant 0 : i32
      %dma_start3A_84 = tpu.memref_slice %arg6[%add3A_66, %dma_start3A_83] : memref<20480x128xf32, #tpu.memory_space<hbm>> -> memref<128x128xf32, #tpu.memory_space<hbm>>
      tpu.enqueue_dma source(%arg11 : memref<128x128xf32, #tpu.memory_space<vmem>>) target(%dma_start3A_84 : memref<128x128xf32, #tpu.memory_space<hbm>>) target_semaphore(%run_scoped3A : memref<!tpu.dma_semaphore, #tpu.memory_space<semaphore_mem>>)
      %dma_wait3A = arith.constant 0 : i32
      %dma_wait3A_85 = tpu.memref_slice %arg6[%add3A_66, %dma_wait3A] : memref<20480x128xf32, #tpu.memory_space<hbm>> -> memref<128x128xf32, #tpu.memory_space<hbm>>
      %dma_wait3A_86 = arith.constant 0 : i32
      %dma_wait3A_87 = tpu.memref_slice %arg6[%add3A_66, %dma_wait3A_86] : memref<20480x128xf32, #tpu.memory_space<hbm>> -> memref<128x128xf32, #tpu.memory_space<hbm>>
      tpu.wait_dma2 semaphore(%run_scoped3A : memref<!tpu.dma_semaphore, #tpu.memory_space<semaphore_mem>>) src(%arg11 : memref<128x128xf32, #tpu.memory_space<vmem>>) dst(%dma_wait3A_87 : memref<128x128xf32, #tpu.memory_space<hbm>>)
      tpu.yield
    }) : () -> ()
    %add3A_67 = arith.constant 384 : i32
    %add3A_68 = arith.addi %mul3A_10, %add3A_67 : i32
    "tpu.region"() ({
      %run_scoped3A = tpu.sem_alloc : memref<!tpu.dma_semaphore, #tpu.memory_space<semaphore_mem>>
      %dma_start3A_81 = arith.constant 0 : i32
      %dma_start3A_82 = tpu.memref_slice %arg13[%add3A_68, %dma_start3A_81] : memref<10240x128xf32, #tpu.memory_space<vmem_shared>> -> memref<128x128xf32, #tpu.memory_space<vmem_shared>>
      %dma_start3A_83 = arith.constant 0 : i32
      %dma_start3A_84 = tpu.memref_slice %arg13[%add3A_68, %dma_start3A_83] : memref<10240x128xf32, #tpu.memory_space<vmem_shared>> -> memref<128x128xf32, #tpu.memory_space<vmem_shared>>
      tpu.enqueue_dma source(%dma_start3A_84 : memref<128x128xf32, #tpu.memory_space<vmem_shared>>) target(%arg11 : memref<128x128xf32, #tpu.memory_space<vmem>>) target_semaphore(%run_scoped3A : memref<!tpu.dma_semaphore, #tpu.memory_space<semaphore_mem>>)
      %dma_wait3A = arith.constant 0 : i32
      %dma_wait3A_85 = tpu.memref_slice %arg13[%add3A_68, %dma_wait3A] : memref<10240x128xf32, #tpu.memory_space<vmem_shared>> -> memref<128x128xf32, #tpu.memory_space<vmem_shared>>
      %dma_wait3A_86 = arith.constant 0 : i32
      %dma_wait3A_87 = tpu.memref_slice %arg13[%add3A_68, %dma_wait3A_86] : memref<10240x128xf32, #tpu.memory_space<vmem_shared>> -> memref<128x128xf32, #tpu.memory_space<vmem_shared>>
      tpu.wait_dma2 semaphore(%run_scoped3A : memref<!tpu.dma_semaphore, #tpu.memory_space<semaphore_mem>>) src(%dma_wait3A_87 : memref<128x128xf32, #tpu.memory_space<vmem_shared>>) dst(%arg11 : memref<128x128xf32, #tpu.memory_space<vmem>>)
      tpu.yield
    }) : () -> ()
    %mul3A_69 = arith.constant 10240 : i32
    %mul3A_70 = arith.muli %arg0, %mul3A_69 : i32
    %add3A_71 = arith.addi %mul3A_70, %mul3A_10 : i32
    %add3A_72 = arith.constant 384 : i32
    %add3A_73 = arith.addi %add3A_71, %add3A_72 : i32
    "tpu.region"() ({
      %run_scoped3A = tpu.sem_alloc : memref<!tpu.dma_semaphore, #tpu.memory_space<semaphore_mem>>
      %dma_start3A_81 = arith.constant 0 : i32
      %dma_start3A_82 = tpu.memref_slice %arg6[%add3A_73, %dma_start3A_81] : memref<20480x128xf32, #tpu.memory_space<hbm>> -> memref<128x128xf32, #tpu.memory_space<hbm>>
      %dma_start3A_83 = arith.constant 0 : i32
      %dma_start3A_84 = tpu.memref_slice %arg6[%add3A_73, %dma_start3A_83] : memref<20480x128xf32, #tpu.memory_space<hbm>> -> memref<128x128xf32, #tpu.memory_space<hbm>>
      tpu.enqueue_dma source(%arg11 : memref<128x128xf32, #tpu.memory_space<vmem>>) target(%dma_start3A_84 : memref<128x128xf32, #tpu.memory_space<hbm>>) target_semaphore(%run_scoped3A : memref<!tpu.dma_semaphore, #tpu.memory_space<semaphore_mem>>)
      %dma_wait3A = arith.constant 0 : i32
      %dma_wait3A_85 = tpu.memref_slice %arg6[%add3A_73, %dma_wait3A] : memref<20480x128xf32, #tpu.memory_space<hbm>> -> memref<128x128xf32, #tpu.memory_space<hbm>>
      %dma_wait3A_86 = arith.constant 0 : i32
      %dma_wait3A_87 = tpu.memref_slice %arg6[%add3A_73, %dma_wait3A_86] : memref<20480x128xf32, #tpu.memory_space<hbm>> -> memref<128x128xf32, #tpu.memory_space<hbm>>
      tpu.wait_dma2 semaphore(%run_scoped3A : memref<!tpu.dma_semaphore, #tpu.memory_space<semaphore_mem>>) src(%arg11 : memref<128x128xf32, #tpu.memory_space<vmem>>) dst(%dma_wait3A_87 : memref<128x128xf32, #tpu.memory_space<hbm>>)
      tpu.yield
    }) : () -> ()
    %add3A_74 = arith.constant 512 : i32
    %add3A_75 = arith.addi %mul3A_10, %add3A_74 : i32
    "tpu.region"() ({
      %run_scoped3A = tpu.sem_alloc : memref<!tpu.dma_semaphore, #tpu.memory_space<semaphore_mem>>
      %dma_start3A_81 = arith.constant 0 : i32
      %dma_start3A_82 = tpu.memref_slice %arg13[%add3A_75, %dma_start3A_81] : memref<10240x128xf32, #tpu.memory_space<vmem_shared>> -> memref<128x128xf32, #tpu.memory_space<vmem_shared>>
      %dma_start3A_83 = arith.constant 0 : i32
      %dma_start3A_84 = tpu.memref_slice %arg13[%add3A_75, %dma_start3A_83] : memref<10240x128xf32, #tpu.memory_space<vmem_shared>> -> memref<128x128xf32, #tpu.memory_space<vmem_shared>>
      tpu.enqueue_dma source(%dma_start3A_84 : memref<128x128xf32, #tpu.memory_space<vmem_shared>>) target(%arg11 : memref<128x128xf32, #tpu.memory_space<vmem>>) target_semaphore(%run_scoped3A : memref<!tpu.dma_semaphore, #tpu.memory_space<semaphore_mem>>)
      %dma_wait3A = arith.constant 0 : i32
      %dma_wait3A_85 = tpu.memref_slice %arg13[%add3A_75, %dma_wait3A] : memref<10240x128xf32, #tpu.memory_space<vmem_shared>> -> memref<128x128xf32, #tpu.memory_space<vmem_shared>>
      %dma_wait3A_86 = arith.constant 0 : i32
      %dma_wait3A_87 = tpu.memref_slice %arg13[%add3A_75, %dma_wait3A_86] : memref<10240x128xf32, #tpu.memory_space<vmem_shared>> -> memref<128x128xf32, #tpu.memory_space<vmem_shared>>
      tpu.wait_dma2 semaphore(%run_scoped3A : memref<!tpu.dma_semaphore, #tpu.memory_space<semaphore_mem>>) src(%dma_wait3A_87 : memref<128x128xf32, #tpu.memory_space<vmem_shared>>) dst(%arg11 : memref<128x128xf32, #tpu.memory_space<vmem>>)
      tpu.yield
    }) : () -> ()
    %mul3A_76 = arith.constant 10240 : i32
    %mul3A_77 = arith.muli %arg0, %mul3A_76 : i32
    %add3A_78 = arith.addi %mul3A_77, %mul3A_10 : i32
    %add3A_79 = arith.constant 512 : i32
    %add3A_80 = arith.addi %add3A_78, %add3A_79 : i32
    "tpu.region"() ({
      %run_scoped3A = tpu.sem_alloc : memref<!tpu.dma_semaphore, #tpu.memory_space<semaphore_mem>>
      %dma_start3A_81 = arith.constant 0 : i32
      %dma_start3A_82 = tpu.memref_slice %arg6[%add3A_80, %dma_start3A_81] : memref<20480x128xf32, #tpu.memory_space<hbm>> -> memref<128x128xf32, #tpu.memory_space<hbm>>
      %dma_start3A_83 = arith.constant 0 : i32
      %dma_start3A_84 = tpu.memref_slice %arg6[%add3A_80, %dma_start3A_83] : memref<20480x128xf32, #tpu.memory_space<hbm>> -> memref<128x128xf32, #tpu.memory_space<hbm>>
      tpu.enqueue_dma source(%arg11 : memref<128x128xf32, #tpu.memory_space<vmem>>) target(%dma_start3A_84 : memref<128x128xf32, #tpu.memory_space<hbm>>) target_semaphore(%run_scoped3A : memref<!tpu.dma_semaphore, #tpu.memory_space<semaphore_mem>>)
      %dma_wait3A = arith.constant 0 : i32
      %dma_wait3A_85 = tpu.memref_slice %arg6[%add3A_80, %dma_wait3A] : memref<20480x128xf32, #tpu.memory_space<hbm>> -> memref<128x128xf32, #tpu.memory_space<hbm>>
      %dma_wait3A_86 = arith.constant 0 : i32
      %dma_wait3A_87 = tpu.memref_slice %arg6[%add3A_80, %dma_wait3A_86] : memref<20480x128xf32, #tpu.memory_space<hbm>> -> memref<128x128xf32, #tpu.memory_space<hbm>>
      tpu.wait_dma2 semaphore(%run_scoped3A : memref<!tpu.dma_semaphore, #tpu.memory_space<semaphore_mem>>) src(%arg11 : memref<128x128xf32, #tpu.memory_space<vmem>>) dst(%dma_wait3A_87 : memref<128x128xf32, #tpu.memory_space<hbm>>)
      tpu.yield
    }) : () -> ()
    return
  }
}

module attributes {stable_mosaic.version = 14 : i64} {
  func.func @_lin1_body(%arg0: i32, %arg1: memref<2000x128xf32, #tpu.memory_space<vmem>>, %arg2: memref<128x128xf32, #tpu.memory_space<vmem>>, %arg3: memref<1x128xf32, #tpu.memory_space<vmem>>, %arg4: memref<2x2000x1xf32, #tpu.memory_space<vmem>>, %arg5: memref<2000x128xf32, #tpu.memory_space<vmem>>, %arg6: memref<2000x128xf32, #tpu.memory_space<vmem>>) attributes {dimension_semantics = [#tpu.dimension_semantics<arbitrary>], iteration_bounds = array<i64: 5>, scalar_prefetch = 0 : i64, scratch_operands = 0 : i64, tpu.core_type = #tpu.core_type<tc>, window_params = [{transform_indices = @transform_0, window_bounds = array<i64: 2000, 128>}, {pipeline_mode = #tpu.pipeline_mode<synchronous>, transform_indices = @transform_1, window_bounds = array<i64: 128, 128>}, {pipeline_mode = #tpu.pipeline_mode<synchronous>, transform_indices = @transform_2, window_bounds = array<i64: 1, 128>}, {transform_indices = @transform_3, window_bounds = array<i64: 2, 2000, 1>}, {transform_indices = @transform_4, window_bounds = array<i64: 2000, 128>}, {transform_indices = @transform_5, window_bounds = array<i64: 2000, 128>}]} {
    %get3A = arith.constant 0 : index
    %get3A_0 = arith.constant 0 : index
    %get3A_1 = arith.constant 0 : index
    %get3A_2 = vector.load %arg4[%get3A, %get3A_0, %get3A_1] : memref<2x2000x1xf32, #tpu.memory_space<vmem>>, vector<1x2000x1xf32>
    %get3A_3 = vector.shape_cast %get3A_2 : vector<1x2000x1xf32> to vector<2000x1xf32>
    %get3A_4 = arith.constant 1 : index
    %get3A_5 = arith.constant 0 : index
    %get3A_6 = arith.constant 0 : index
    %get3A_7 = vector.load %arg4[%get3A_4, %get3A_5, %get3A_6] : memref<2x2000x1xf32, #tpu.memory_space<vmem>>, vector<1x2000x1xf32>
    %get3A_8 = vector.shape_cast %get3A_7 : vector<1x2000x1xf32> to vector<2000x1xf32>
    %add3A = arith.addf %get3A_3, %get3A_8 : vector<2000x1xf32>
    %add3A_9 = arith.constant 1.000000e+00 : f32
    %add3A_10 = vector.broadcast %add3A_9 : f32 to vector<2000x1xf32>
    %add3A_11 = arith.addf %add3A, %add3A_10 : vector<2000x1xf32>
    %rsqrt3A = math.rsqrt %add3A_11 : vector<2000x1xf32>
    %get3A_12 = arith.constant 0 : index
    %get3A_13 = arith.constant 0 : index
    %get3A_14 = vector.load %arg1[%get3A_12, %get3A_13] : memref<2000x128xf32, #tpu.memory_space<vmem>>, vector<2000x128xf32>
    %get3A_15 = arith.constant 0 : index
    %get3A_16 = arith.constant 0 : index
    %get3A_17 = vector.load %arg2[%get3A_15, %get3A_16] : memref<128x128xf32, #tpu.memory_space<vmem>>, vector<128x128xf32>
    %dot_general3A = arith.constant dense<0.000000e+00> : vector<2000x128xf32>
    %dot_general3A_18 = tpu.matmul %get3A_14, %get3A_17, %dot_general3A {dimension_numbers = #tpu.dot_dimension_numbers<[1], [0], [0], [1], [0, 0, 1, 1], [], []>, transpose_lhs_hint = false} : vector<2000x128xf32>, vector<128x128xf32>, vector<2000x128xf32> -> vector<2000x128xf32>
    %mul3A = vector.broadcast %rsqrt3A : vector<2000x1xf32> to vector<2000x128xf32>
    %mul3A_19 = arith.mulf %mul3A, %dot_general3A_18 : vector<2000x128xf32>
    %swap3A = arith.constant 0 : index
    %swap3A_20 = arith.constant 0 : index
    %swap3A_21 = vector.load %arg5[%swap3A, %swap3A_20] : memref<2000x128xf32, #tpu.memory_space<vmem>>, vector<2000x128xf32>
    tpu.vector_store %arg5[%swap3A, %swap3A_20], %mul3A_19 {strides = array<i32>} : memref<2000x128xf32, #tpu.memory_space<vmem>>, vector<2000x128xf32>,
    %mul3A_22 = arith.mulf %rsqrt3A, %rsqrt3A : vector<2000x1xf32>
    %mul3A_23 = vector.broadcast %mul3A_22 : vector<2000x1xf32> to vector<2000x128xf32>
    %mul3A_24 = arith.mulf %mul3A_23, %dot_general3A_18 : vector<2000x128xf32>
    %get3A_25 = arith.constant 0 : index
    %get3A_26 = arith.constant 0 : index
    %get3A_27 = vector.load %arg3[%get3A_25, %get3A_26] : memref<1x128xf32, #tpu.memory_space<vmem>>, vector<1x128xf32>
    %add3A_28 = vector.broadcast %get3A_27 : vector<1x128xf32> to vector<2000x128xf32>
    %add3A_29 = arith.addf %mul3A_24, %add3A_28 : vector<2000x128xf32>
    %swap3A_30 = arith.constant 0 : index
    %swap3A_31 = arith.constant 0 : index
    %swap3A_32 = vector.load %arg6[%swap3A_30, %swap3A_31] : memref<2000x128xf32, #tpu.memory_space<vmem>>, vector<2000x128xf32>
    tpu.vector_store %arg6[%swap3A_30, %swap3A_31], %add3A_29 {strides = array<i32>} : memref<2000x128xf32, #tpu.memory_space<vmem>>, vector<2000x128xf32>,
    return
  }
  func.func @transform_0(%arg0: i32) -> (i32, i32) {
    %c0_i32 = arith.constant 0 : i32
    %c0_i32_0 = arith.constant 0 : i32
    return %arg0, %c0_i32 : i32, i32
  }
  func.func @transform_1(%arg0: i32) -> (i32, i32) {
    %c0_i32 = arith.constant 0 : i32
    %c0_i32_0 = arith.constant 0 : i32
    %c0_i32_1 = arith.constant 0 : i32
    return %c0_i32, %c0_i32_0 : i32, i32
  }
  func.func @transform_2(%arg0: i32) -> (i32, i32) {
    %c0_i32 = arith.constant 0 : i32
    %c0_i32_0 = arith.constant 0 : i32
    %c0_i32_1 = arith.constant 0 : i32
    return %c0_i32, %c0_i32_0 : i32, i32
  }
  func.func @transform_3(%arg0: i32) -> (i32, i32, i32) {
    %c0_i32 = arith.constant 0 : i32
    %c0_i32_0 = arith.constant 0 : i32
    %c0_i32_1 = arith.constant 0 : i32
    return %c0_i32, %arg0, %c0_i32_0 : i32, i32, i32
  }
  func.func @transform_4(%arg0: i32) -> (i32, i32) {
    %c0_i32 = arith.constant 0 : i32
    %c0_i32_0 = arith.constant 0 : i32
    return %arg0, %c0_i32 : i32, i32
  }
  func.func @transform_5(%arg0: i32) -> (i32, i32) {
    %c0_i32 = arith.constant 0 : i32
    %c0_i32_0 = arith.constant 0 : i32
    return %arg0, %c0_i32 : i32, i32
  }
}

module attributes {stable_mosaic.version = 14 : i64} {
  func.func @_mid_body(%arg0: i32, %arg1: memref<2x2000x128xf32, #tpu.memory_space<vmem>>, %arg2: memref<2000x128xf32, #tpu.memory_space<vmem>>, %arg3: memref<128x128xf32, #tpu.memory_space<vmem>>, %arg4: memref<1x128xf32, #tpu.memory_space<vmem>>, %arg5: memref<2x2000x1xf32, #tpu.memory_space<vmem>>, %arg6: memref<2000x128xf32, #tpu.memory_space<vmem>>, %arg7: memref<2000x128xf32, #tpu.memory_space<vmem>>) attributes {dimension_semantics = [#tpu.dimension_semantics<arbitrary>], iteration_bounds = array<i64: 5>, scalar_prefetch = 0 : i64, scratch_operands = 0 : i64, tpu.core_type = #tpu.core_type<tc>, window_params = [{transform_indices = @transform_0, window_bounds = array<i64: 2, 2000, 128>}, {transform_indices = @transform_1, window_bounds = array<i64: 2000, 128>}, {pipeline_mode = #tpu.pipeline_mode<synchronous>, transform_indices = @transform_2, window_bounds = array<i64: 128, 128>}, {pipeline_mode = #tpu.pipeline_mode<synchronous>, transform_indices = @transform_3, window_bounds = array<i64: 1, 128>}, {transform_indices = @transform_4, window_bounds = array<i64: 2, 2000, 1>}, {transform_indices = @transform_5, window_bounds = array<i64: 2000, 128>}, {transform_indices = @transform_6, window_bounds = array<i64: 2000, 128>}]} {
    %get3A = arith.constant 0 : index
    %get3A_0 = arith.constant 0 : index
    %get3A_1 = arith.constant 0 : index
    %get3A_2 = vector.load %arg5[%get3A, %get3A_0, %get3A_1] : memref<2x2000x1xf32, #tpu.memory_space<vmem>>, vector<1x2000x1xf32>
    %get3A_3 = vector.shape_cast %get3A_2 : vector<1x2000x1xf32> to vector<2000x1xf32>
    %get3A_4 = arith.constant 1 : index
    %get3A_5 = arith.constant 0 : index
    %get3A_6 = arith.constant 0 : index
    %get3A_7 = vector.load %arg5[%get3A_4, %get3A_5, %get3A_6] : memref<2x2000x1xf32, #tpu.memory_space<vmem>>, vector<1x2000x1xf32>
    %get3A_8 = vector.shape_cast %get3A_7 : vector<1x2000x1xf32> to vector<2000x1xf32>
    %add3A = arith.addf %get3A_3, %get3A_8 : vector<2000x1xf32>
    %add3A_9 = arith.constant 1.000000e+00 : f32
    %add3A_10 = vector.broadcast %add3A_9 : f32 to vector<2000x1xf32>
    %add3A_11 = arith.addf %add3A, %add3A_10 : vector<2000x1xf32>
    %rsqrt3A = math.rsqrt %add3A_11 : vector<2000x1xf32>
    %get3A_12 = arith.constant 0 : index
    %get3A_13 = arith.constant 0 : index
    %get3A_14 = arith.constant 0 : index
    %get3A_15 = vector.load %arg1[%get3A_12, %get3A_13, %get3A_14] : memref<2x2000x128xf32, #tpu.memory_space<vmem>>, vector<1x2000x128xf32>
    %get3A_16 = vector.shape_cast %get3A_15 : vector<1x2000x128xf32> to vector<2000x128xf32>
    %get3A_17 = arith.constant 1 : index
    %get3A_18 = arith.constant 0 : index
    %get3A_19 = arith.constant 0 : index
    %get3A_20 = vector.load %arg1[%get3A_17, %get3A_18, %get3A_19] : memref<2x2000x128xf32, #tpu.memory_space<vmem>>, vector<1x2000x128xf32>
    %get3A_21 = vector.shape_cast %get3A_20 : vector<1x2000x128xf32> to vector<2000x128xf32>
    %add3A_22 = arith.addf %get3A_16, %get3A_21 : vector<2000x128xf32>
    %mul3A = vector.broadcast %rsqrt3A : vector<2000x1xf32> to vector<2000x128xf32>
    %mul3A_23 = arith.mulf %mul3A, %add3A_22 : vector<2000x128xf32>
    %get3A_24 = arith.constant 0 : index
    %get3A_25 = arith.constant 0 : index
    %get3A_26 = vector.load %arg2[%get3A_24, %get3A_25] : memref<2000x128xf32, #tpu.memory_space<vmem>>, vector<2000x128xf32>
    %add3A_27 = arith.addf %mul3A_23, %get3A_26 : vector<2000x128xf32>
    %max3A = arith.constant 0.000000e+00 : f32
    %max3A_28 = vector.broadcast %max3A : f32 to vector<2000x128xf32>
    %max3A_29 = arith.maximumf %add3A_27, %max3A_28 : vector<2000x128xf32>
    %get3A_30 = arith.constant 0 : index
    %get3A_31 = arith.constant 0 : index
    %get3A_32 = vector.load %arg3[%get3A_30, %get3A_31] : memref<128x128xf32, #tpu.memory_space<vmem>>, vector<128x128xf32>
    %dot_general3A = arith.constant dense<0.000000e+00> : vector<2000x128xf32>
    %dot_general3A_33 = tpu.matmul %max3A_29, %get3A_32, %dot_general3A {dimension_numbers = #tpu.dot_dimension_numbers<[1], [0], [0], [1], [0, 0, 1, 1], [], []>, transpose_lhs_hint = false} : vector<2000x128xf32>, vector<128x128xf32>, vector<2000x128xf32> -> vector<2000x128xf32>
    %mul3A_34 = vector.broadcast %rsqrt3A : vector<2000x1xf32> to vector<2000x128xf32>
    %mul3A_35 = arith.mulf %mul3A_34, %dot_general3A_33 : vector<2000x128xf32>
    %swap3A = arith.constant 0 : index
    %swap3A_36 = arith.constant 0 : index
    %swap3A_37 = vector.load %arg6[%swap3A, %swap3A_36] : memref<2000x128xf32, #tpu.memory_space<vmem>>, vector<2000x128xf32>
    tpu.vector_store %arg6[%swap3A, %swap3A_36], %mul3A_35 {strides = array<i32>} : memref<2000x128xf32, #tpu.memory_space<vmem>>, vector<2000x128xf32>,
    %mul3A_38 = arith.mulf %rsqrt3A, %rsqrt3A : vector<2000x1xf32>
    %mul3A_39 = vector.broadcast %mul3A_38 : vector<2000x1xf32> to vector<2000x128xf32>
    %mul3A_40 = arith.mulf %mul3A_39, %dot_general3A_33 : vector<2000x128xf32>
    %get3A_41 = arith.constant 0 : index
    %get3A_42 = arith.constant 0 : index
    %get3A_43 = vector.load %arg4[%get3A_41, %get3A_42] : memref<1x128xf32, #tpu.memory_space<vmem>>, vector<1x128xf32>
    %add3A_44 = vector.broadcast %get3A_43 : vector<1x128xf32> to vector<2000x128xf32>
    %add3A_45 = arith.addf %mul3A_40, %add3A_44 : vector<2000x128xf32>
    %swap3A_46 = arith.constant 0 : index
    %swap3A_47 = arith.constant 0 : index
    %swap3A_48 = vector.load %arg7[%swap3A_46, %swap3A_47] : memref<2000x128xf32, #tpu.memory_space<vmem>>, vector<2000x128xf32>
    tpu.vector_store %arg7[%swap3A_46, %swap3A_47], %add3A_45 {strides = array<i32>} : memref<2000x128xf32, #tpu.memory_space<vmem>>, vector<2000x128xf32>,
    return
  }
  func.func @transform_0(%arg0: i32) -> (i32, i32, i32) {
    %c0_i32 = arith.constant 0 : i32
    %c0_i32_0 = arith.constant 0 : i32
    %c0_i32_1 = arith.constant 0 : i32
    return %c0_i32, %arg0, %c0_i32_0 : i32, i32, i32
  }
  func.func @transform_1(%arg0: i32) -> (i32, i32) {
    %c0_i32 = arith.constant 0 : i32
    %c0_i32_0 = arith.constant 0 : i32
    return %arg0, %c0_i32 : i32, i32
  }
  func.func @transform_2(%arg0: i32) -> (i32, i32) {
    %c0_i32 = arith.constant 0 : i32
    %c0_i32_0 = arith.constant 0 : i32
    %c0_i32_1 = arith.constant 0 : i32
    return %c0_i32, %c0_i32_0 : i32, i32
  }
  func.func @transform_3(%arg0: i32) -> (i32, i32) {
    %c0_i32 = arith.constant 0 : i32
    %c0_i32_0 = arith.constant 0 : i32
    %c0_i32_1 = arith.constant 0 : i32
    return %c0_i32, %c0_i32_0 : i32, i32
  }
  func.func @transform_4(%arg0: i32) -> (i32, i32, i32) {
    %c0_i32 = arith.constant 0 : i32
    %c0_i32_0 = arith.constant 0 : i32
    %c0_i32_1 = arith.constant 0 : i32
    return %c0_i32, %arg0, %c0_i32_0 : i32, i32, i32
  }
  func.func @transform_5(%arg0: i32) -> (i32, i32) {
    %c0_i32 = arith.constant 0 : i32
    %c0_i32_0 = arith.constant 0 : i32
    return %arg0, %c0_i32 : i32, i32
  }
  func.func @transform_6(%arg0: i32) -> (i32, i32) {
    %c0_i32 = arith.constant 0 : i32
    %c0_i32_0 = arith.constant 0 : i32
    return %arg0, %c0_i32 : i32, i32
  }
}

module attributes {stable_mosaic.version = 14 : i64} {
  func.func @_fin_body(%arg0: i32, %arg1: memref<2x2000x128xf32, #tpu.memory_space<vmem>>, %arg2: memref<2000x128xf32, #tpu.memory_space<vmem>>, %arg3: memref<2x2000x1xf32, #tpu.memory_space<vmem>>, %arg4: memref<2000x128xf32, #tpu.memory_space<vmem>>) attributes {dimension_semantics = [#tpu.dimension_semantics<arbitrary>], iteration_bounds = array<i64: 5>, scalar_prefetch = 0 : i64, scratch_operands = 0 : i64, tpu.core_type = #tpu.core_type<tc>, window_params = [{transform_indices = @transform_0, window_bounds = array<i64: 2, 2000, 128>}, {transform_indices = @transform_1, window_bounds = array<i64: 2000, 128>}, {transform_indices = @transform_2, window_bounds = array<i64: 2, 2000, 1>}, {transform_indices = @transform_3, window_bounds = array<i64: 2000, 128>}]} {
    %get3A = arith.constant 0 : index
    %get3A_0 = arith.constant 0 : index
    %get3A_1 = arith.constant 0 : index
    %get3A_2 = vector.load %arg3[%get3A, %get3A_0, %get3A_1] : memref<2x2000x1xf32, #tpu.memory_space<vmem>>, vector<1x2000x1xf32>
    %get3A_3 = vector.shape_cast %get3A_2 : vector<1x2000x1xf32> to vector<2000x1xf32>
    %get3A_4 = arith.constant 1 : index
    %get3A_5 = arith.constant 0 : index
    %get3A_6 = arith.constant 0 : index
    %get3A_7 = vector.load %arg3[%get3A_4, %get3A_5, %get3A_6] : memref<2x2000x1xf32, #tpu.memory_space<vmem>>, vector<1x2000x1xf32>
    %get3A_8 = vector.shape_cast %get3A_7 : vector<1x2000x1xf32> to vector<2000x1xf32>
    %add3A = arith.addf %get3A_3, %get3A_8 : vector<2000x1xf32>
    %add3A_9 = arith.constant 1.000000e+00 : f32
    %add3A_10 = vector.broadcast %add3A_9 : f32 to vector<2000x1xf32>
    %add3A_11 = arith.addf %add3A, %add3A_10 : vector<2000x1xf32>
    %rsqrt3A = math.rsqrt %add3A_11 : vector<2000x1xf32>
    %get3A_12 = arith.constant 0 : index
    %get3A_13 = arith.constant 0 : index
    %get3A_14 = arith.constant 0 : index
    %get3A_15 = vector.load %arg1[%get3A_12, %get3A_13, %get3A_14] : memref<2x2000x128xf32, #tpu.memory_space<vmem>>, vector<1x2000x128xf32>
    %get3A_16 = vector.shape_cast %get3A_15 : vector<1x2000x128xf32> to vector<2000x128xf32>
    %get3A_17 = arith.constant 1 : index
    %get3A_18 = arith.constant 0 : index
    %get3A_19 = arith.constant 0 : index
    %get3A_20 = vector.load %arg1[%get3A_17, %get3A_18, %get3A_19] : memref<2x2000x128xf32, #tpu.memory_space<vmem>>, vector<1x2000x128xf32>
    %get3A_21 = vector.shape_cast %get3A_20 : vector<1x2000x128xf32> to vector<2000x128xf32>
    %add3A_22 = arith.addf %get3A_16, %get3A_21 : vector<2000x128xf32>
    %mul3A = vector.broadcast %rsqrt3A : vector<2000x1xf32> to vector<2000x128xf32>
    %mul3A_23 = arith.mulf %mul3A, %add3A_22 : vector<2000x128xf32>
    %get3A_24 = arith.constant 0 : index
    %get3A_25 = arith.constant 0 : index
    %get3A_26 = vector.load %arg2[%get3A_24, %get3A_25] : memref<2000x128xf32, #tpu.memory_space<vmem>>, vector<2000x128xf32>
    %add3A_27 = arith.addf %mul3A_23, %get3A_26 : vector<2000x128xf32>
    %swap3A = arith.constant 0 : index
    %swap3A_28 = arith.constant 0 : index
    %swap3A_29 = vector.load %arg4[%swap3A, %swap3A_28] : memref<2000x128xf32, #tpu.memory_space<vmem>>, vector<2000x128xf32>
    tpu.vector_store %arg4[%swap3A, %swap3A_28], %add3A_27 {strides = array<i32>} : memref<2000x128xf32, #tpu.memory_space<vmem>>, vector<2000x128xf32>,
    return
  }
  func.func @transform_0(%arg0: i32) -> (i32, i32, i32) {
    %c0_i32 = arith.constant 0 : i32
    %c0_i32_0 = arith.constant 0 : i32
    %c0_i32_1 = arith.constant 0 : i32
    return %c0_i32, %arg0, %c0_i32_0 : i32, i32, i32
  }
  func.func @transform_1(%arg0: i32) -> (i32, i32) {
    %c0_i32 = arith.constant 0 : i32
    %c0_i32_0 = arith.constant 0 : i32
    return %arg0, %c0_i32 : i32, i32
  }
  func.func @transform_2(%arg0: i32) -> (i32, i32, i32) {
    %c0_i32 = arith.constant 0 : i32
    %c0_i32_0 = arith.constant 0 : i32
    %c0_i32_1 = arith.constant 0 : i32
    return %c0_i32, %arg0, %c0_i32_0 : i32, i32, i32
  }
  func.func @transform_3(%arg0: i32) -> (i32, i32) {
    %c0_i32 = arith.constant 0 : i32
    %c0_i32_0 = arith.constant 0 : i32
    return %arg0, %c0_i32 : i32, i32
  }
}

</mosaic_0001>

<sc_bundles>
// kernel: kernel.11.cloned.1.call-start
scs
__scs_entry_jumppad:
0x0: {  	(pc) =	sbr.rel $0x88, $3  }
0x1: {  	(tag) =	ssettag $0x0;
	lr =	simm.s32 $0x1  }
0x2: {  	[smem:$0x3F9B] =	sst lr;
	_ =	strace $0xD0000000  }
0x3: {  	_ = 	snop  }
0x4: {  	_ = 	snop  }
0x5: {  	_ = 	snop  }
0x6: {  	_ = 	snop  }
0x7: {  	_ = 	snop  }
__scs_overlays_trampoline_lowered:
0x8: {  	[smem:$0x3FAA] =	sst s0  }
0x9: {  	[smem:$0x3FAB] =	sst s1  }
0xa: {  	[smem:$0x3FAC] =	sst s2  }
0xb: {  	[smem:$0x3FAD] =	sst s3  }
0xc: {  	[smem:$0x3FAE] =	sst s4  }
0xd: {  	[smem:$0x3FAF] =	sst s5  }
0xe: {  	[smem:$0x3FB0] =	sst s6  }
0xf: {  	[smem:$0x3FB1] =	sst s7  }
0x10: {  	[smem:$0x3FB2] =	sst s8  }
0x11: {  	[smem:$0x3FB3] =	sst s9;
	s0 =	simm.s32 @!p0 $0x0  }
0x12: {  	s1 =	sld [smem:$0x3F99];
	s0 =	simm.s32 @p0 $0x1  }
0x13: {  	[smem:$0x3FB4] =	sst s0;
	s0 =	simm.s32 @!p1 $0x0  }
0x14: {  	s2 =	sld [smem:$0x3F98];
	s0 =	simm.s32 @p1 $0x1  }
0x15: {  	[smem:$0x3FB5] =	sst s0;
	s0 =	simm.s32 @!p2 $0x0  }
0x16: {  	s3 =	sld [smem:$0x3FDB];
	s0 =	simm.s32 @p2 $0x1  }
0x17: {  	s4 =	simm.s32 $0x1BF5;
	[smem:$0x3FB7] =	sst s0  }
0x18: {  	s0 =	sld [smem:$0x3F9A];
	_ =	swait.ge [sflag:s4], $0x0  }
0x19: {  	s7 =	sld [smem:$0x3F9B]  }
0x1a: {  	s8 =	sadd.s32 $0xFFFFE003, lr  }
0x1b: {  	s9 =	sadd.s32 $0xFFFFFEF7, lr;
	s5 =	simm.s32 $0xFFFFFFFF;
	p2 =	slt.u32 s8, $0xFFFFF086  }
0x1c: {  	p1 =	slt.u32 s9, $0xF7A;
	s5 =	simm.s32 @!p2 $0x0  }
0x1d: {  	s5 =	simm.s32 @p1 $0x1;
	p0 =	seq.s32 s7, s2  }
0x1e: {  	s7 =	smul.u32 @!p0 $0xF7A, s2;
	p2 =	seq.s32 @!p0 s5, $0x0  }
0x1f: {  	s9 =	smul.u32 $0xF7A, s1;
	s8 =	simm.s32 @!p0 $0x1BF5;
	p2 =	por !p2, p0  }
0x20: {  	[sflag:s8] =	ssyncset.s32 @!p0 $0xFFFFF086;
	s6 =	sadd.s32 @!p0 s3, s7;
	s7 =	simm.s32 @!p0 $0x108  }
0x21: {  	s3 =	sadd.s32 s3, s9;
	s6 =	sadd.s32 @!p0 $0x88, s6;
	s7 =	simm.s32 @p2 $0x1082  }
0x22: {  	[simem:s7], [sflag:s8] =	dma.local @!p0 [hbm:s6], $0xF7A  }
0x23: {  	s9 =	sor.u32 $0xD0000000, s2;
	s6 =	simm.s32 $0x108;
	_ =	swait.ge @!p0 [sflag:s8], $0x0  }
0x24: {  	s3 =	sadd.s32 $0x88, s3;
	s6 =	simm.s32 @!p1 $0x1082;
	[sflag:s4] =	ssyncset.s32 $0xFFFFF086  }
0x25: {  	[simem:s6], [sflag:s4] =	dma.local [hbm:s3], $0xF7A  }
0x26: {  	[smem:$0x3F9B] =	sst s1;
	(tag) =	ssettag s2;
	_ =	strace s9  }
0x27: {  	s1 =	sld [smem:$0x3FAB]  }
0x28: {  	s2 =	sld [smem:$0x3FAC]  }
0x29: {  	s4 =	sld [smem:$0x3FAE]  }
0x2a: {  	p0 =	seq.s32 s5, $0x0;
	s5 =	sld [smem:$0x3FAF]  }
0x2b: {  	s6 =	sld [smem:$0x3FB0]  }
0x2c: {  	s7 =	sld [smem:$0x3FB1]  }
0x2d: {  	s3 =	simm.s32 $0x108;
	s8 =	sld [smem:$0x3FB2]  }
0x2e: {  	s3 =	simm.s32 @!p0 $0x1082;
	s9 =	sld [smem:$0x3FB3]  }
0x2f: {  	lr =	sadd.s32 s0, s3;
	s0 =	sld [smem:$0x3FAA]  }
0x30: {  	s3 =	sld [smem:$0x3FAD]  }
0x31: {  	[smem:$0x3FB6] =	sst s10  }
0x32: {  	s10 =	sld [smem:$0x3FB4];
	_ =	sdelay $0x3  }
0x33: {  	p0 =	seq.s32 s10, $0x1;
	s10 =	sld [smem:$0x3FB6];
	_ =	sdelay $0x3  }
0x34: {  	[smem:$0x3FB6] =	sst s10  }
0x35: {  	s10 =	sld [smem:$0x3FB5];
	_ =	sdelay $0x3  }
0x36: {  	p1 =	seq.s32 s10, $0x1;
	s10 =	sld [smem:$0x3FB6];
	_ =	sdelay $0x3  }
0x37: {  	[smem:$0x3FB6] =	sst s10  }
0x38: {  	s10 =	sld [smem:$0x3FB7]  }
0x39: {  	_ = 	snop;
	(pc) =	sbr.ind lr, $3  }
0x3a: {  	_ = 	snop  }
0x3b: {  	_ = 	snop  }
0x3c: {  	p2 =	seq.s32 s10, $0x1;
	s10 =	sld [smem:$0x3FB6]  }
0x3d: {  	_ =	shalt  }
0x3e: {  	_ =	shalt  }
0x3f: {  	_ =	shalt  }
0x40: {  	_ =	shalt  }
0x41: {  	_ =	shalt  }
0x42: {  	_ =	shalt  }
0x43: {  	_ =	shalt  }
0x44: {  	_ =	shalt  }
0x45: {  	_ =	shalt  }
0x46: {  	_ =	shalt  }
0x47: {  	_ =	shalt  }
0x48: {  	_ =	shalt  }
0x49: {  	_ =	shalt  }
0x4a: {  	_ =	shalt  }
0x4b: {  	_ =	shalt  }
0x4c: {  	_ =	shalt  }
0x4d: {  	_ =	shalt  }
0x4e: {  	_ =	shalt  }
0x4f: {  	_ =	shalt  }
0x50: {  	_ =	shalt  }
0x51: {  	_ =	shalt  }
0x52: {  	_ =	shalt  }
0x53: {  	_ =	shalt  }
0x54: {  	_ =	shalt  }
0x55: {  	_ =	shalt  }
0x56: {  	_ =	shalt  }
0x57: {  	_ =	shalt  }
0x58: {  	_ =	shalt  }
0x59: {  	_ =	shalt  }
0x5a: {  	_ =	shalt  }
0x5b: {  	_ =	shalt  }
0x5c: {  	_ =	shalt  }
0x5d: {  	_ =	shalt  }
0x5e: {  	_ =	shalt  }
0x5f: {  	_ =	shalt  }
0x60: {  	_ =	shalt  }
0x61: {  	_ =	shalt  }
0x62: {  	_ =	shalt  }
0x63: {  	_ =	shalt  }
0x64: {  	_ =	shalt  }
0x65: {  	_ =	shalt  }
0x66: {  	_ =	shalt  }
0x67: {  	_ =	shalt  }
0x68: {  	_ =	shalt  }
0x69: {  	_ =	shalt  }
0x6a: {  	_ =	shalt  }
0x6b: {  	_ =	shalt  }
0x6c: {  	_ =	shalt  }
0x6d: {  	_ =	shalt  }
0x6e: {  	_ =	shalt  }
0x6f: {  	_ =	shalt  }
0x70: {  	_ =	shalt  }
0x71: {  	_ =	shalt  }
0x72: {  	_ =	shalt  }
0x73: {  	_ =	shalt  }
0x74: {  	_ =	shalt  }
0x75: {  	_ =	shalt  }
0x76: {  	_ =	shalt  }
0x77: {  	_ =	shalt  }
0x78: {  	_ =	shalt  }
0x79: {  	_ =	shalt  }
0x7a: {  	_ =	shalt  }
0x7b: {  	_ =	shalt  }
0x7c: {  	_ =	shalt  }
0x7d: {  	_ =	shalt  }
0x7e: {  	_ =	shalt  }
0x7f: {  	_ =	shalt  }
0x80: {  	_ =	shalt  }
0x81: {  	_ =	shalt  }
0x82: {  	_ =	shalt  }
0x83: {  	_ =	shalt  }
0x84: {  	_ =	shalt  }
0x85: {  	_ =	shalt  }
0x86: {  	_ =	shalt  }
0x87: {  	_ =	shalt  }
.Lfunc_end0:
.L_simem_size_0:
called_computation.1_lowered:
.L_overlay_start_0:
0x88: {  	s2 =	sld [smem:$0x3FD9]  }
0x89: {  	s3 =	sld [smem:$0x3FFE];
	_ =	sdelay $0x1  }
0x8a: {  	s1 =	srdreg.scid  }
0x8b: {  	s0 =	sand.u32 $0x1, s1  }
0x8c: {  	s17 =	sshll.u32 s0, $0xA;
	s2 =	sadd.s32 s3, s2  }
0x8d: {  	s2 =	sadd.s32 s2, s17  }
0x8e: {  	[smem:$0x3FC2] =	sst s2  }
0x8f: {  	_ = 	snop  }
0x90: {  	s2 =	sld [smem:$0x3FD0];
	(tm) =	ssettm $0x1  }
0x91: {  	s18 =	sld [smem:$0x3FFB];
	_ =	sdelay $0x3  }
0x92: {  	_ =	strace s18  }
0x93: {  	s3 =	sld [smem:$0x3FFC];
	_ =	sdelay $0x3  }
0x94: {  	_ =	strace s3  }
0x95: {  	s3 =	sld [smem:$0x3FFD];
	_ =	sdelay $0x3  }
0x96: {  	_ =	strace s3  }
0x97: {  	_ =	strace $0x8FFFFFFF  }
0x98: {  	s19 =	sld [smem:$0x3FDB];
	_ =	sdelay $0x1  }
0x99: {  	s4 =	simm.s32 $_scs_section_size  }
0x9a: {  	s5 =	simm.s32 $_size__tile_overlayer_lowered;
	s6 =	simm.s32 $_tile_overlayer_lowered  }
0x9b: {  	s22 =	simm.s32 $0x1BFF;
	s21 =	sshll.u32 s6, $0x1;
	s3 =	sadd.s32 s4, s19  }
0x9c: {  	s7 =	simm.s32 $0x0;
	s20 =	sshll.u32 s5, $0x1;
	s5 =	sadd.s32 s21, s3  }
0x9d: {  	[timem:s7], [sflag:s22] =	dma.local [hbm:s5], s20  }
0x9e: {  	_ =	swait.ge [sflag:s22], s20  }
0x9f: {  	s4 =	ssub.s32 $0x0, s20;
	[sflag:s22] =	ssyncset.done $0x0  }
0xa0: {  	[sflag:s22] =	ssyncadd.s32 s4;
	_ =	sdelay $0x1  }
0xa1: {  	s23 =	simm.s32 $0x1B8B  }
0xa2: {  	_ =	swait.ge [sflag:s23], $0x1  }
0xa3: {  	[sflag:s23] =	ssyncset.done $0x0  }
0xa4: {  	s25 =	simm.s32 $0x1B8E;
	s24 =	sld [smem:$0x3FFE];
	[sflag:s23] =	ssyncadd.s32 $0xFFFFFFFF  }
0xa5: {  	s26 =	simm.s32 $execute0_lowered;
	[smem:$0x3FD2] =	sst s25  }
0xa6: {  	s5 =	sshll.u32 s26, $0x1;
	_ =	strace $0x80000049;
	[dreg:$0x1] =	wrdreg $0xFFFFFFFF  }
0xa7: {  	s28 =	simm.s32 $_size_execute0_lowered;
	s3 =	sadd.s32 s3, s5;
	[dreg:$0x0] =	wrdreg $0x0  }
0xa8: {  	s5 =	sshll.u32 s28, $0x1;
	[dreg:$0x2] =	wrdreg s3  }
0xa9: {  	[dreg:$0x3] =	wrdreg s5  }
0xaa: {  	[dreg:$0x4] =	wrdreg $0xC0  }
0xab: {  	_ =	task [dreg:s7], $0x5FFFF  }
0xac: {  	[dreg:$0x1] =	wrdreg $0xFFFFFFFF  }
0xad: {  	[dreg:$0x0] =	wrdreg $0x60  }
0xae: {  	[dreg:$0x2] =	wrdreg s2  }
0xaf: {  	[dreg:$0x3] =	wrdreg s24  }
0xb0: {  	[dreg:$0x4] =	wrdreg $0x90000  }
0xb1: {  	[dreg:$0x5] =	wrdreg $0x9  }
0xb2: {  	_ =	task.clear_ibuf [dreg:s7], $0x6FFFF;
	_ =	strace $0x90000049  }
0xb3: {  	s29 =	simm.s32 $0x9;
	_ =	strace $0x8000004B  }
0xb4: {  	_ =	swait.ge [sflag:s29], $0x1  }
0xb5: {  	[sflag:s29] =	ssyncadd.s32 $0xFFFFFFFF  }
0xb6: {  	_ =	strace $0x9000004B  }
0xb7: {  	_ =	sfence  }
0xb8: {  	s30 =	sld [smem:$0x0];
	_ =	sdelay $0x2  }
0xb9: {  	s31 =	sshll.u32 s1, $0xD;
	s1 =	sshrl.u32 s1, $0x2  }
0xba: {  	s3 =	sand.u32 $0x4000, s31;
	s1 =	sadd.s32 s1, s30  }
0xbb: {  	s0 =	sor.u32 s3, s0;
	s1 =	sshll.u32 s1, $0x11  }
0xbc: {  	s0 =	sor.u32 s1, s0  }
0xbd: {  	s0 =	sadd.s32 $0x8F2B, s0  }
0xbe: {  	[sflag:s0] =	ssyncadd.remote.s32 $0x1  }
0xbf: {  	_ =	sfence.sel $0xFFFF  }
0xc0: {  	[dreg:$0x0] =	wrdreg $0xFFFFFFFF;
	(pc) =	sbr.abs _section_cstart, $3  }
0xc1: {  	[dreg:$0x1] =	wrdreg $0xFFFFFFFF  }
0xc2: {  	_ =	task.clear_ibuf [dreg:s7], $0x2FFFF;
	_ =	strace $0x9FFFFFFF  }
0xc3: {  	(tm) =	ssettm $0x7FFFFFFF  }
tec
execute0_lowered:
.L_overlay_start_1:
0x0: {  	(tag) =	ssettag $0x1  }
0x1: {  	s1 =	rddreg [dreg:$0x0]  }
0x2: {  	s0 =	rddreg [dreg:$0x1];
	s2 =	srdreg.scid  }
0x3: {  	s10 =	stileid.u32;
	s3 =	rddreg [dreg:$0x2];
	s4 =	simm.s32 $0x0  }
0x4: {  	s30 =	simm.s32 $0x1000;
	s31 =	simm.s32 $0x5;
	s5 =	smul.u32 $0x280, s10  }
0x5: {  	s2 =	sand.u32 $0x1, s2;
	[smem:$0x7FF] =	sst s4;
	s8 =	smul.u32 $0x50000, s10  }
0x6: {  	s11 =	sadd.s32 $0x2000, s0;
	s12 =	sadd.s32 $0xC000, s0;
	s26 =	smul.u32 $0x4C00, s10  }
0x7: {  	s23 =	sadd.s32 $0x66000, s0;
	s7 =	sshll.u32 s10, $0x3;
	s6 =	smul.u32 $0x2800, s2  }
0x8: {  	_ =	strace $0x8000004A;
	[dreg:$0x6] =	wrdreg s23;
	s24 =	ssub.s32 $0x2, s2  }
0x9: {  	p0 =	seq.s32 s2, $0x0;
	s7 =	sor.u32 $0x980, s7;
	[dreg:$0x4] =	wrdreg s11  }
0xa: {  	[dreg:$0x5] =	wrdreg s12;
	s9 =	sshrl.u32 s24, $0x1;
	s25 =	sshrl.u32 s8, $0x2  }
0xb: {  	s5 =	sadd.s32 s5, s6;
	s6 =	ssub.s32 s24, s9;
	s14 =	sadd.s32 s25, s3  }
0xc: {  	s8 =	simm.s32 $0x13;
	s21 =	smax.u32 s6, $0x1;
	[dreg:$0x7] =	wrdreg s14  }
0xd: {  	s8 =	simm.s32 @!p0 $0x1;
	s15 =	sadd.s32 $0x4000, s14;
	[dreg:$0x16] =	wrdreg s21  }
0xe: {  	s5 =	sshll.u32 s5, $0x4;
	s23 =	sadd.s32 $0x8000, s14;
	[dreg:$0x8] =	wrdreg s15  }
0xf: {  	s24 =	sadd.s32 $0xC000, s14;
	s25 =	sadd.s32 $0x10000, s14;
	[dreg:$0x9] =	wrdreg s23  }
0x10: {  	s18 =	sadd.s32 $0xFFFFFFFF, s8;
	s0 =	sadd.s32 s5, s0;
	[dreg:$0xa] =	wrdreg s24  }
0x11: {  	s6 =	simm.s32 $0x680;
	[dreg:$0xb] =	wrdreg s25;
	s16 =	sadd.s32 $0x66800, s0  }
0x12: {  	s5 =	smul.u32 $0x98, s10;
	s17 =	sadd.s32 $0x67000, s0;
	[dreg:$0x11] =	wrdreg s16  }
0x13: {  	s21 =	simm.s32 $0x700;
	s19 =	sadd.s32 $0x67800, s0;
	[dreg:$0x12] =	wrdreg s17  }
0x14: {  	s20 =	sadd.s32 $0x68000, s0;
	s0 =	sadd.s32 $0x68800, s0;
	[dreg:$0x13] =	wrdreg s19  }
0x15: {  	s7 =	smov.u32 @p0 s5;
	s5 =	sshrl.u32 s26, $0x3;
	[dreg:$0x14] =	wrdreg s20  }
0x16: {  	p0 =	sne.s32 s2, $0x0;
	[dreg:$0x15] =	wrdreg s0;
	s26 =	sadd.s32 $0xFFFFFFFE, s8  }
0x17: {  	s2 =	simm.s32 $0x800;
	s0 =	simm.s32 $0x80;
	s16 =	simm.s32 $0x1  }
0x18: {  	s28 =	sshll.u32 s7, $0x4;
	s5 =	sadd.s32 $0x80, s5;
	s13 =	sadd.s32 $0x10, s7  }
0x19: {  	s29 =	sadd.s32 s11, s28;
	s11 =	sadd.s32 s11, s5;
	[dreg:$0x10] =	wrdreg s13  }
0x1a: {  	s20 =	simm.s32 $0x2;
	s5 =	sadd.s32 s12, s5;
	[dreg:$0xe] =	wrdreg s11  }
0x1b: {  	s19 =	simm.s32 $0x600;
	s17 =	simm.s32 $0xE00;
	[dreg:$0xf] =	wrdreg s5  }
.Ltmp0:
0x1c: {  	s9 =	sadd.s32 s12, s28;
	[dreg:$0xc] =	wrdreg s29;
	(pc) =	sbr.rel .LBB2_1-.Ltmp0, $4  }
0x1d: {  	s7 =	simm.s32 $0x5000;
	s22 =	sadd.s32 $0x100, s29;
	[dreg:$0xd] =	wrdreg s9  }
0x1e: {  	s13 =	simm.s32 $0xD00;
	s28 =	sadd.s32 $0x100, s9;
	[dreg:$0x17] =	wrdreg s22  }
0x1f: {  	s9 =	simm.s32 $0xC00;
	s29 =	simm.s32 $0x0;
	[dreg:$0x18] =	wrdreg s28  }
0x20: {  	s5 =	simm.s32 $0xD80;
	s22 =	simm.s32 $0xE80;
	[dreg:$0x19] =	wrdreg s29  }
.LBB2_14:
0x21: {  	[bflag:$0x0] =	sbarrier.arrive $0xFFFF  }
0x22: {  	s14 =	rddreg [dreg:$0x7]  }
0x23: {  	[tilespmem:s30], [sflag:$0x5] =	stream.linear.gather [spmem:s14], $0x4000, $0x38;
	[tilespmem:$0x1D000] =	vst v63  }
0x24: {  	_ =	swait.ge [sflag:s31], $0x4000  }
0x25: {  	[sflag:s31] =	ssyncset.done $0x0  }
0x26: {  	s10 =	rddreg [dreg:$0x11];
	[sflag:s31] =	ssyncadd.s32 $0xFFFFC000  }
0x27: {  	[hbm4b:s10+s4] =	stream.linear.scatter [tilespmem:s30], [sflag:$0x5], $0x4000, $0x38;
	[tilespmem:$0x1D000] =	vst v63  }
0x28: {  	_ =	swait.ge [sflag:s31], $0x4000  }
0x29: {  	[sflag:s31] =	ssyncset.done $0x0  }
0x2a: {  	s15 =	rddreg [dreg:$0x8];
	[sflag:s31] =	ssyncadd.s32 $0xFFFFC000  }
0x2b: {  	[tilespmem:s30], [sflag:$0x5] =	stream.linear.gather [spmem:s15], $0x4000, $0x38;
	[tilespmem:$0x1D000] =	vst v63  }
0x2c: {  	_ =	swait.ge [sflag:s31], $0x4000  }
0x2d: {  	[sflag:s31] =	ssyncset.done $0x0  }
0x2e: {  	s23 =	rddreg [dreg:$0x12];
	[sflag:s31] =	ssyncadd.s32 $0xFFFFC000  }
0x2f: {  	[hbm4b:s23+s4] =	stream.linear.scatter [tilespmem:s30], [sflag:$0x5], $0x4000, $0x38;
	[tilespmem:$0x1D000] =	vst v63  }
0x30: {  	_ =	swait.ge [sflag:s31], $0x4000  }
0x31: {  	[sflag:s31] =	ssyncset.done $0x0  }
0x32: {  	s23 =	rddreg [dreg:$0x9];
	[sflag:s31] =	ssyncadd.s32 $0xFFFFC000  }
0x33: {  	[tilespmem:s30], [sflag:$0x5] =	stream.linear.gather [spmem:s23], $0x4000, $0x38;
	[tilespmem:$0x1D000] =	vst v63  }
0x34: {  	_ =	swait.ge [sflag:s31], $0x4000  }
0x35: {  	[sflag:s31] =	ssyncset.done $0x0  }
0x36: {  	s24 =	rddreg [dreg:$0x13];
	[sflag:s31] =	ssyncadd.s32 $0xFFFFC000  }
0x37: {  	[hbm4b:s24+s4] =	stream.linear.scatter [tilespmem:s30], [sflag:$0x5], $0x4000, $0x38;
	[tilespmem:$0x1D000] =	vst v63  }
0x38: {  	_ =	swait.ge [sflag:s31], $0x4000  }
0x39: {  	[sflag:s31] =	ssyncset.done $0x0  }
0x3a: {  	s24 =	rddreg [dreg:$0xa];
	[sflag:s31] =	ssyncadd.s32 $0xFFFFC000  }
0x3b: {  	[tilespmem:s30], [sflag:$0x5] =	stream.linear.gather [spmem:s24], $0x4000, $0x38;
	[tilespmem:$0x1D000] =	vst v63  }
0x3c: {  	_ =	swait.ge [sflag:s31], $0x4000  }
0x3d: {  	[sflag:s31] =	ssyncset.done $0x0  }
0x3e: {  	s25 =	rddreg [dreg:$0x14];
	[sflag:s31] =	ssyncadd.s32 $0xFFFFC000  }
0x3f: {  	[hbm4b:s25+s4] =	stream.linear.scatter [tilespmem:s30], [sflag:$0x5], $0x4000, $0x38;
	[tilespmem:$0x1D000] =	vst v63  }
0x40: {  	_ =	swait.ge [sflag:s31], $0x4000  }
0x41: {  	[sflag:s31] =	ssyncset.done $0x0  }
0x42: {  	s25 =	rddreg [dreg:$0xb];
	[sflag:s31] =	ssyncadd.s32 $0xFFFFC000  }
0x43: {  	[tilespmem:s30], [sflag:$0x5] =	stream.linear.gather [spmem:s25], $0x4000, $0x38;
	[tilespmem:$0x1D000] =	vst v63  }
0x44: {  	_ =	swait.ge [sflag:s31], $0x4000  }
0x45: {  	[sflag:s31] =	ssyncset.done $0x0  }
0x46: {  	s28 =	rddreg [dreg:$0x15];
	[sflag:s31] =	ssyncadd.s32 $0xFFFFC000  }
0x47: {  	[hbm4b:s28+s4] =	stream.linear.scatter [tilespmem:s30], [sflag:$0x5], $0x4000, $0x38;
	[tilespmem:$0x1D000] =	vst v63  }
0x48: {  	_ =	swait.ge [sflag:s31], $0x4000  }
0x49: {  	s11 =	rddreg [dreg:$0x19]  }
0x4a: {  	s29 =	rddreg [dreg:$0x16];
	s11 =	sadd.s32 $0x1, s11  }
0x4b: {  	p1 =	sne.s32 s11, s29  }
.Ltmp1:
0x4c: {  	_ = 	snop;
	(pc) =	sbr.rel @!p1 .LBB2_15-.Ltmp1, $3  }
0x4d: {  	_ =	sdelay $0x1  }
0x4e: {  	[sflag:s31] =	ssyncset.done $0x0  }
0x4f: {  	[sflag:s31] =	ssyncadd.s32 $0xFFFFC000;
	[dreg:$0x19] =	wrdreg s11  }
.LBB2_1:
0x50: {  	s10 =	rddreg [dreg:$0x6]  }
0x51: {  	[tilespmem:s30], [sflag:$0x5] =	stream.linear.gather [hbm4b:s10+s4], $0x4000, $0x38;
	[tilespmem:$0x1D000] =	vst v63  }
0x52: {  	_ =	swait.ge [sflag:s31], $0x4000  }
0x53: {  	[sflag:s31] =	ssyncset.done $0x0  }
0x54: {  	[sflag:s31] =	ssyncadd.s32 $0xFFFFC000  }
0x55: {  	[spmem:s14] =	stream.linear.scatter [tilespmem:s30], [sflag:$0x5], $0x4000, $0x38;
	[tilespmem:$0x1D000] =	vst v63  }
0x56: {  	_ =	swait.ge [sflag:s31], $0x4000  }
0x57: {  	[sflag:s31] =	ssyncset.done $0x0  }
0x58: {  	[sflag:s31] =	ssyncadd.s32 $0xFFFFC000  }
0x59: {  	[spmem:s15] =	stream.linear.scatter [tilespmem:s30], [sflag:$0x5], $0x4000, $0x38;
	[tilespmem:$0x1D000] =	vst v63  }
0x5a: {  	_ =	swait.ge [sflag:s31], $0x4000  }
0x5b: {  	[sflag:s31] =	ssyncset.done $0x0  }
0x5c: {  	[sflag:s31] =	ssyncadd.s32 $0xFFFFC000  }
0x5d: {  	[spmem:s23] =	stream.linear.scatter [tilespmem:s30], [sflag:$0x5], $0x4000, $0x38;
	[tilespmem:$0x1D000] =	vst v63  }
0x5e: {  	_ =	swait.ge [sflag:s31], $0x4000  }
0x5f: {  	[sflag:s31] =	ssyncset.done $0x0  }
0x60: {  	[sflag:s31] =	ssyncadd.s32 $0xFFFFC000  }
0x61: {  	[spmem:s24] =	stream.linear.scatter [tilespmem:s30], [sflag:$0x5], $0x4000, $0x38;
	[tilespmem:$0x1D000] =	vst v63  }
0x62: {  	_ =	swait.ge [sflag:s31], $0x4000  }
0x63: {  	[sflag:s31] =	ssyncset.done $0x0  }
0x64: {  	[sflag:s31] =	ssyncadd.s32 $0xFFFFC000  }
0x65: {  	[spmem:s25] =	stream.linear.scatter [tilespmem:s30], [sflag:$0x5], $0x4000, $0x38;
	[tilespmem:$0x1D000] =	vst v63  }
0x66: {  	_ =	swait.ge [sflag:s31], $0x4000  }
0x67: {  	[sflag:s31] =	ssyncset.done $0x0  }
0x68: {  	[sflag:s31] =	ssyncadd.s32 $0xFFFFC000  }
0x69: {  	[bflag:$0x0] =	sbarrier.arrive $0xFFFF  }
0x6a: {  	s28 =	rddreg [dreg:$0xc]  }
0x6b: {  	[tilespmem:s4], [sflag:$0x5] =	stream.linear.gather [hbm4b:s28+s4], $0x400, $0x38;
	[tilespmem:$0x1D000] =	vst v63  }
0x6c: {  	_ =	swait.ge [sflag:s31], $0x400  }
0x6d: {  	[sflag:s31] =	ssyncset.done $0x0  }
0x6e: {  	s29 =	rddreg [dreg:$0xd];
	[sflag:s31] =	ssyncadd.s32 $0xFFFFFC00  }
0x6f: {  	[tilespmem:s2], [sflag:$0x5] =	stream.linear.gather [hbm4b:s29+s4], $0x400, $0x38;
	[tilespmem:$0x1D000] =	vst v63  }
0x70: {  	_ =	swait.ge [sflag:s31], $0x400  }
0x71: {  	[sflag:s31] =	ssyncset.done $0x0  }
0x72: {  	s12 =	rddreg [dreg:$0xe];
	[sflag:s31] =	ssyncadd.s32 $0xFFFFFC00  }
0x73: {  	[tilespmem:s30], [sflag:$0x1] =	stream.indirect.gather [hbm4b:s1+s0], $0x80, s4, s0, $0xb8;
	[tilespmem:$0x1D000] =	vst v63  }
0x74: {  	s23 =	rddreg [dreg:$0x18]  }
0x75: {  	[tilespmem:s7], [sflag:$0x2] =	stream.indirect.gather [hbm4b:s1+s0], $0x80, s0, s0, $0xb8;
	[tilespmem:$0x1D000] =	vst v63  }
.Ltmp2:
0x76: {  	s14 =	rddreg [dreg:$0x17];
	(pc) =	sbr.rel .LBB2_2-.Ltmp2, $4  }
0x77: {  	s11 =	simm.s32 @!p0 $0x400;
	s10 =	simm.s32 @!p0 $0x0;
	s24 =	rddreg [dreg:$0x10]  }
0x78: {  	[tilespmem:s11], [sflag:$0x4] =	stream.linear.gather @!p0 [hbm4b:s12+s10], $0x400, $0x38;
	[tilespmem:$0x1D000] =	vst v63  }
0x79: {  	s25 =	simm.s32 $0x0;
	s11 =	simm.s32 @!p0 $0xC00;
	s12 =	rddreg [dreg:$0xf]  }
0x7a: {  	[tilespmem:s11], [sflag:$0x4] =	stream.linear.gather @!p0 [hbm4b:s12+s10], $0x400, $0x38;
	[tilespmem:$0x1D000] =	vst v63  }
.LBB2_16:
0x7b: {  	s10 =	simm.s32 $0x380  }
0x7c: {  	[tilespmem:s7], [sflag:$0x2] =	stream.indirect.gather [hbm4b:s1+s0], $0x80, s10, s0, $0xb8;
	[tilespmem:$0x1D000] =	vst v63  }
0x7d: {  	_ =	swait.ge [sflag:s16], $0x4000  }
0x7e: {  	[sflag:s16] =	ssyncset.done $0x0  }
0x7f: {  	s28 =	simm.s32 $0xB00;
	[sflag:s16] =	ssyncadd.s32 $0xFFFFC000  }
0x80: {  	[spmem:s3] =	stream.indirect.scatter.add.f32 [tilespmem:s30], [sflag:$0x5], $0x80, s28, s0, $0xb8;
	[tilespmem:$0x1D000] =	vst v63  }
0x81: {  	_ =	swait.ge [sflag:s31], $0x4000  }
0x82: {  	[sflag:s31] =	ssyncset.done $0x0  }
0x83: {  	[sflag:s31] =	ssyncadd.s32 $0xFFFFC000  }
0x84: {  	_ =	swait.ge [sflag:s20], $0x4000  }
0x85: {  	[sflag:s20] =	ssyncset.done $0x0  }
0x86: {  	s29 =	simm.s32 $0xB80;
	[sflag:s20] =	ssyncadd.s32 $0xFFFFC000  }
0x87: {  	[spmem:s3] =	stream.indirect.scatter.add.f32 [tilespmem:s7], [sflag:$0x5], $0x80, s29, s0, $0xb8;
	[tilespmem:$0x1D000] =	vst v63  }
0x88: {  	_ =	swait.ge [sflag:s31], $0x4000  }
0x89: {  	[sflag:s31] =	ssyncset.done $0x0  }
0x8a: {  	[sflag:s31] =	ssyncadd.s32 $0xFFFFC000  }
.LBB2_13:
0x8b: {  	s25 =	sadd.s32 $0x1, s25  }
0x8c: {  	p1 =	sne.s32 s8, s25  }
.Ltmp3:
0x8d: {  	_ = 	snop;
	(pc) =	sbr.rel @!p1 .LBB2_14-.Ltmp3, $2  }
0x8e: {  	_ =	sdelay $0x2  }
0x8f: {  	s24 =	sadd.s32 $0x8, s24;
	s14 =	sadd.s32 $0x80, s14;
	s23 =	sadd.s32 $0x80, s23  }
.LBB2_2:
0x90: {  	s15 =	sand.u32 $0x1, s25  }
0x91: {  	p1 =	seq.s32 s15, $0x0  }
.Ltmp4:
0x92: {  	_ = 	snop;
	(pc) =	sbr.rel @!p1 .LBB2_3-.Ltmp4, $4  }
0x93: {  	_ = 	snop  }
0x94: {  	_ =	swait.ge [sflag:s16], $0x4000  }
0x95: {  	[sflag:s16] =	ssyncset.done $0x0  }
0x96: {  	[sflag:s16] =	ssyncadd.s32 $0xFFFFC000  }
0x97: {  	[spmem:s3] =	stream.indirect.scatter.add.f32 [tilespmem:s30], [sflag:$0x5], $0x80, s2, s0, $0xb8;
	[tilespmem:$0x1D000] =	vst v63  }
0x98: {  	_ =	swait.ge [sflag:s31], $0x4000  }
0x99: {  	[sflag:s31] =	ssyncset.done $0x0  }
0x9a: {  	s10 =	simm.s32 $0x100;
	[sflag:s31] =	ssyncadd.s32 $0xFFFFC000  }
0x9b: {  	[tilespmem:s30], [sflag:$0x1] =	stream.indirect.gather [hbm4b:s1+s0], $0x80, s10, s0, $0xb8;
	[tilespmem:$0x1D000] =	vst v63  }
0x9c: {  	_ =	swait.ge [sflag:s20], $0x4000  }
0x9d: {  	[sflag:s20] =	ssyncset.done $0x0  }
0x9e: {  	s29 =	simm.s32 $0x880;
	[sflag:s20] =	ssyncadd.s32 $0xFFFFC000  }
0x9f: {  	[spmem:s3] =	stream.indirect.scatter.add.f32 [tilespmem:s7], [sflag:$0x5], $0x80, s29, s0, $0xb8;
	[tilespmem:$0x1D000] =	vst v63  }
0xa0: {  	_ =	swait.ge [sflag:s31], $0x4000  }
0xa1: {  	[sflag:s31] =	ssyncset.done $0x0  }
0xa2: {  	s11 =	simm.s32 $0x180;
	[sflag:s31] =	ssyncadd.s32 $0xFFFFC000  }
0xa3: {  	[tilespmem:s7], [sflag:$0x2] =	stream.indirect.gather [hbm4b:s1+s0], $0x80, s11, s0, $0xb8;
	[tilespmem:$0x1D000] =	vst v63  }
0xa4: {  	_ =	swait.ge [sflag:s16], $0x4000  }
0xa5: {  	[sflag:s16] =	ssyncset.done $0x0  }
0xa6: {  	s12 =	simm.s32 $0x900;
	[sflag:s16] =	ssyncadd.s32 $0xFFFFC000  }
0xa7: {  	[spmem:s3] =	stream.indirect.scatter.add.f32 [tilespmem:s30], [sflag:$0x5], $0x80, s12, s0, $0xb8;
	[tilespmem:$0x1D000] =	vst v63  }
0xa8: {  	_ =	swait.ge [sflag:s31], $0x4000  }
0xa9: {  	[sflag:s31] =	ssyncset.done $0x0  }
0xaa: {  	s28 =	simm.s32 $0x200;
	[sflag:s31] =	ssyncadd.s32 $0xFFFFC000  }
0xab: {  	[tilespmem:s30], [sflag:$0x1] =	stream.indirect.gather [hbm4b:s1+s0], $0x80, s28, s0, $0xb8;
	[tilespmem:$0x1D000] =	vst v63  }
0xac: {  	_ =	swait.ge [sflag:s20], $0x4000  }
0xad: {  	[sflag:s20] =	ssyncset.done $0x0  }
0xae: {  	s29 =	simm.s32 $0x980;
	[sflag:s20] =	ssyncadd.s32 $0xFFFFC000  }
0xaf: {  	[spmem:s3] =	stream.indirect.scatter.add.f32 [tilespmem:s7], [sflag:$0x5], $0x80, s29, s0, $0xb8;
	[tilespmem:$0x1D000] =	vst v63  }
0xb0: {  	_ =	swait.ge [sflag:s31], $0x4000  }
0xb1: {  	[sflag:s31] =	ssyncset.done $0x0  }
0xb2: {  	s11 =	simm.s32 $0x280;
	[sflag:s31] =	ssyncadd.s32 $0xFFFFC000  }
0xb3: {  	[tilespmem:s7], [sflag:$0x2] =	stream.indirect.gather [hbm4b:s1+s0], $0x80, s11, s0, $0xb8;
	[tilespmem:$0x1D000] =	vst v63  }
0xb4: {  	_ =	swait.ge [sflag:s16], $0x4000  }
0xb5: {  	[sflag:s16] =	ssyncset.done $0x0  }
0xb6: {  	s12 =	simm.s32 $0xA00;
	[sflag:s16] =	ssyncadd.s32 $0xFFFFC000  }
0xb7: {  	[spmem:s3] =	stream.indirect.scatter.add.f32 [tilespmem:s30], [sflag:$0x5], $0x80, s12, s0, $0xb8;
	[tilespmem:$0x1D000] =	vst v63  }
0xb8: {  	_ =	swait.ge [sflag:s31], $0x4000  }
0xb9: {  	[sflag:s31] =	ssyncset.done $0x0  }
0xba: {  	s28 =	simm.s32 $0x300;
	[sflag:s31] =	ssyncadd.s32 $0xFFFFC000  }
0xbb: {  	[tilespmem:s30], [sflag:$0x1] =	stream.indirect.gather [hbm4b:s1+s0], $0x80, s28, s0, $0xb8;
	[tilespmem:$0x1D000] =	vst v63  }
0xbc: {  	_ =	swait.ge [sflag:s20], $0x4000  }
0xbd: {  	p1 =	slt.u32 s25, s18;
	[sflag:s20] =	ssyncset.done $0x0  }
.Ltmp5:
0xbe: {  	s29 =	simm.s32 $0xA80;
	[sflag:s20] =	ssyncadd.s32 $0xFFFFC000;
	(pc) =	sbr.rel @!p1 .LBB2_16-.Ltmp5, $4  }
0xbf: {  	[spmem:s3] =	stream.indirect.scatter.add.f32 [tilespmem:s7], [sflag:$0x5], $0x80, s29, s0, $0xb8;
	[tilespmem:$0x1D000] =	vst v63  }
0xc0: {  	_ =	swait.ge [sflag:s31], $0x4000  }
0xc1: {  	[sflag:s31] =	ssyncset.done $0x0  }
0xc2: {  	[sflag:s31] =	ssyncadd.s32 $0xFFFFC000  }
.Ltmp6:
0xc3: {  	(pc) =	sbr.rel .LBB2_7-.Ltmp6, $3  }
0xc4: {  	_ =	sdelay $0x1  }
0xc5: {  	s28 =	simm.s32 $0xB80;
	s29 =	simm.s32 $0x400  }
0xc6: {  	s10 =	simm.s32 $0xB00;
	s11 =	simm.s32 $0x380;
	s12 =	simm.s32 $0x4  }
.LBB2_3:
0xc7: {  	[spmem:s3] =	stream.indirect.scatter.add.f32 [tilespmem:s30], [sflag:$0x5], $0x80, s9, s0, $0xb8;
	[tilespmem:$0x1D000] =	vst v63  }
0xc8: {  	_ =	swait.ge [sflag:s31], $0x4000  }
0xc9: {  	[sflag:s31] =	ssyncset.done $0x0  }
0xca: {  	s10 =	simm.s32 $0x500;
	[sflag:s31] =	ssyncadd.s32 $0xFFFFC000  }
0xcb: {  	[tilespmem:s30], [sflag:$0x1] =	stream.indirect.gather [hbm4b:s1+s0], $0x80, s10, s0, $0xb8;
	[tilespmem:$0x1D000] =	vst v63  }
0xcc: {  	_ =	swait.ge [sflag:s20], $0x4000  }
0xcd: {  	[sflag:s20] =	ssyncset.done $0x0  }
0xce: {  	s28 =	simm.s32 $0xC80;
	[sflag:s20] =	ssyncadd.s32 $0xFFFFC000  }
0xcf: {  	[spmem:s3] =	stream.indirect.scatter.add.f32 [tilespmem:s7], [sflag:$0x5], $0x80, s28, s0, $0xb8;
	[tilespmem:$0x1D000] =	vst v63  }
0xd0: {  	_ =	swait.ge [sflag:s31], $0x4000  }
0xd1: {  	[sflag:s31] =	ssyncset.done $0x0  }
0xd2: {  	s29 =	simm.s32 $0x580;
	[sflag:s31] =	ssyncadd.s32 $0xFFFFC000  }
0xd3: {  	[tilespmem:s7], [sflag:$0x2] =	stream.indirect.gather [hbm4b:s1+s0], $0x80, s29, s0, $0xb8;
	[tilespmem:$0x1D000] =	vst v63  }
0xd4: {  	_ =	swait.ge [sflag:s16], $0x4000  }
0xd5: {  	[sflag:s16] =	ssyncset.done $0x0  }
0xd6: {  	[sflag:s16] =	ssyncadd.s32 $0xFFFFC000  }
0xd7: {  	[spmem:s3] =	stream.indirect.scatter.add.f32 [tilespmem:s30], [sflag:$0x5], $0x80, s13, s0, $0xb8;
	[tilespmem:$0x1D000] =	vst v63  }
0xd8: {  	_ =	swait.ge [sflag:s31], $0x4000  }
0xd9: {  	[sflag:s31] =	ssyncset.done $0x0  }
0xda: {  	[sflag:s31] =	ssyncadd.s32 $0xFFFFC000  }
0xdb: {  	[tilespmem:s30], [sflag:$0x1] =	stream.indirect.gather [hbm4b:s1+s0], $0x80, s19, s0, $0xb8;
	[tilespmem:$0x1D000] =	vst v63  }
0xdc: {  	_ =	swait.ge [sflag:s20], $0x4000  }
0xdd: {  	[sflag:s20] =	ssyncset.done $0x0  }
0xde: {  	[sflag:s20] =	ssyncadd.s32 $0xFFFFC000  }
0xdf: {  	[spmem:s3] =	stream.indirect.scatter.add.f32 [tilespmem:s7], [sflag:$0x5], $0x80, s5, s0, $0xb8;
	[tilespmem:$0x1D000] =	vst v63  }
0xe0: {  	_ =	swait.ge [sflag:s31], $0x4000  }
0xe1: {  	[sflag:s31] =	ssyncset.done $0x0  }
0xe2: {  	[sflag:s31] =	ssyncadd.s32 $0xFFFFC000  }
0xe3: {  	[tilespmem:s7], [sflag:$0x2] =	stream.indirect.gather [hbm4b:s1+s0], $0x80, s6, s0, $0xb8;
	[tilespmem:$0x1D000] =	vst v63  }
0xe4: {  	_ =	swait.ge [sflag:s16], $0x4000  }
0xe5: {  	[sflag:s16] =	ssyncset.done $0x0  }
0xe6: {  	[sflag:s16] =	ssyncadd.s32 $0xFFFFC000  }
0xe7: {  	[spmem:s3] =	stream.indirect.scatter.add.f32 [tilespmem:s30], [sflag:$0x5], $0x80, s17, s0, $0xb8;
	[tilespmem:$0x1D000] =	vst v63  }
0xe8: {  	_ =	swait.ge [sflag:s31], $0x4000  }
0xe9: {  	[sflag:s31] =	ssyncset.done $0x0  }
0xea: {  	[sflag:s31] =	ssyncadd.s32 $0xFFFFC000  }
0xeb: {  	[tilespmem:s30], [sflag:$0x1] =	stream.indirect.gather [hbm4b:s1+s0], $0x80, s21, s0, $0xb8;
	[tilespmem:$0x1D000] =	vst v63  }
0xec: {  	_ =	swait.ge [sflag:s20], $0x4000  }
0xed: {  	p1 =	slt.u32 s25, s18;
	[sflag:s20] =	ssyncset.done $0x0  }
.Ltmp7:
0xee: {  	[sflag:s20] =	ssyncadd.s32 $0xFFFFC000;
	(pc) =	sbr.rel @!p1 .LBB2_11-.Ltmp7, $4  }
0xef: {  	[spmem:s3] =	stream.indirect.scatter.add.f32 [tilespmem:s7], [sflag:$0x5], $0x80, s22, s0, $0xb8;
	[tilespmem:$0x1D000] =	vst v63  }
0xf0: {  	_ =	swait.ge [sflag:s31], $0x4000  }
0xf1: {  	[sflag:s31] =	ssyncset.done $0x0  }
0xf2: {  	[sflag:s31] =	ssyncadd.s32 $0xFFFFC000  }
0xf3: {  	s28 =	simm.s32 $0xF80;
	s29 =	simm.s32 $0x0  }
0xf4: {  	s10 =	simm.s32 $0xF00;
	s11 =	simm.s32 $0x780;
	s12 =	simm.s32 $0x3  }
.LBB2_7:
0xf5: {  	_ =	swait.ge [sflag:s12], $0x400  }
0xf6: {  	[sflag:s12] =	ssyncset.done $0x0  }
0xf7: {  	[sflag:s12] =	ssyncadd.s32 $0xFFFFFC00  }
0xf8: {  	_ =	swait.ge [sflag:s12], $0x400  }
0xf9: {  	[sflag:s12] =	ssyncset.done $0x0  }
0xfa: {  	[sflag:s12] =	ssyncadd.s32 $0xFFFFFC00  }
0xfb: {  	[tilespmem:s7], [sflag:$0x2] =	stream.indirect.gather [hbm4b:s1+s0], $0x80, s11, s0, $0xb8;
	[tilespmem:$0x1D000] =	vst v63  }
0xfc: {  	_ =	swait.ge [sflag:s16], $0x4000  }
0xfd: {  	[sflag:s16] =	ssyncset.done $0x0  }
0xfe: {  	[sflag:s16] =	ssyncadd.s32 $0xFFFFC000  }
0xff: {  	[spmem:s3] =	stream.indirect.scatter.add.f32 [tilespmem:s30], [sflag:$0x5], $0x80, s10, s0, $0xb8;
	[tilespmem:$0x1D000] =	vst v63  }
0x100: {  	_ =	swait.ge [sflag:s31], $0x4000  }
0x101: {  	[sflag:s31] =	ssyncset.done $0x0  }
0x102: {  	[sflag:s31] =	ssyncadd.s32 $0xFFFFC000  }
0x103: {  	[tilespmem:s30], [sflag:$0x1] =	stream.indirect.gather [hbm4b:s1+s0], $0x80, s29, s0, $0xb8;
	[tilespmem:$0x1D000] =	vst v63  }
0x104: {  	_ =	swait.ge [sflag:s20], $0x4000  }
0x105: {  	p1 =	seq.s32 s15, $0x1;
	s10 =	simm.s32 $0x80;
	[sflag:s20] =	ssyncset.done $0x0  }
0x106: {  	s10 =	simm.s32 @!p1 $0x480;
	p1 =	slt.s32 s25, s26;
	[sflag:s20] =	ssyncadd.s32 $0xFFFFC000  }
0x107: {  	[spmem:s3] =	stream.indirect.scatter.add.f32 [tilespmem:s7], [sflag:$0x5], $0x80, s28, s0, $0xb8;
	[tilespmem:$0x1D000] =	vst v63  }
.Ltmp8:
0x108: {  	_ = 	snop;
	(pc) =	sbr.rel @!p1 .LBB2_13-.Ltmp8, $4  }
0x109: {  	_ =	swait.ge [sflag:s31], $0x4000  }
0x10a: {  	[sflag:s31] =	ssyncset.done $0x0  }
0x10b: {  	[sflag:s31] =	ssyncadd.s32 $0xFFFFC000  }
0x10c: {  	[tilespmem:s7], [sflag:$0x2] =	stream.indirect.gather [hbm4b:s1+s0], $0x80, s10, s0, $0xb8;
	[tilespmem:$0x1D000] =	vst v63  }
0x10d: {  	p1 =	sne.s32 s15, $0x0  }
.Ltmp9:
0x10e: {  	_ = 	snop;
	(pc) =	sbr.rel @p1 .LBB2_9-.Ltmp9, $1  }
0x10f: {  	_ =	sdelay $0x3  }
.Ltmp10:
0x110: {  	(pc) =	sbr.rel .LBB2_13-.Ltmp10, $4  }
0x111: {  	_ = 	snop  }
0x112: {  	[tilespmem:s4], [sflag:$0x3] =	stream.linear.gather [hbm4b:s14+s4], $0x400, $0x38;
	[tilespmem:$0x1D000] =	vst v63  }
0x113: {  	_ = 	snop  }
0x114: {  	[tilespmem:s2], [sflag:$0x3] =	stream.linear.gather [hbm4b:s23+s4], $0x400, $0x38;
	[tilespmem:$0x1D000] =	vst v63  }
.LBB2_11:
0x115: {  	s10 =	simm.s32 $0x780  }
0x116: {  	[tilespmem:s7], [sflag:$0x2] =	stream.indirect.gather [hbm4b:s1+s0], $0x80, s10, s0, $0xb8;
	[tilespmem:$0x1D000] =	vst v63  }
0x117: {  	_ =	swait.ge [sflag:s16], $0x4000  }
0x118: {  	[sflag:s16] =	ssyncset.done $0x0  }
0x119: {  	s28 =	simm.s32 $0xF00;
	[sflag:s16] =	ssyncadd.s32 $0xFFFFC000  }
0x11a: {  	[spmem:s3] =	stream.indirect.scatter.add.f32 [tilespmem:s30], [sflag:$0x5], $0x80, s28, s0, $0xb8;
	[tilespmem:$0x1D000] =	vst v63  }
0x11b: {  	_ =	swait.ge [sflag:s31], $0x4000  }
0x11c: {  	[sflag:s31] =	ssyncset.done $0x0  }
0x11d: {  	[sflag:s31] =	ssyncadd.s32 $0xFFFFC000  }
0x11e: {  	_ =	swait.ge [sflag:s20], $0x4000  }
0x11f: {  	[sflag:s20] =	ssyncset.done $0x0  }
0x120: {  	s29 =	simm.s32 $0xF80;
	p1 =	slt.s32 s25, s26;
	[sflag:s20] =	ssyncadd.s32 $0xFFFFC000  }
0x121: {  	[spmem:s3] =	stream.indirect.scatter.add.f32 [tilespmem:s7], [sflag:$0x5], $0x80, s29, s0, $0xb8;
	[tilespmem:$0x1D000] =	vst v63  }
.Ltmp11:
0x122: {  	_ = 	snop;
	(pc) =	sbr.rel @!p1 .LBB2_13-.Ltmp11, $4  }
.Ltmp12:
0x123: {  	_ = 	snop;
	(pc) =	sbr.rel @p1 .LBB2_12-.Ltmp12, $4  }
0x124: {  	_ =	swait.ge [sflag:s31], $0x4000  }
0x125: {  	[sflag:s31] =	ssyncset.done $0x0  }
0x126: {  	s10 =	smov.u32 s24;
	[sflag:s31] =	ssyncadd.s32 $0xFFFFC000  }
0x127: {  	_ = 	snop  }
.LBB2_9:
0x128: {  	s10 =	sshll.u32 s25, $0x3;
	s11 =	rddreg [dreg:$0x10]  }
0x129: {  	s10 =	sadd.s32 s10, s11  }
.LBB2_12:
.Ltmp13:
0x12a: {  	s10 =	sshll.u32 s10, $0x4;
	s11 =	rddreg [dreg:$0x4];
	(pc) =	sbr.rel .LBB2_13-.Ltmp13, $4  }
0x12b: {  	s12 =	simm.s32 $0x400;
	s29 =	rddreg [dreg:$0x5];
	s11 =	sadd.s32 s11, s10  }
0x12c: {  	[tilespmem:s12], [sflag:$0x4] =	stream.linear.gather [hbm4b:s11+s4], $0x400, $0x38;
	[tilespmem:$0x1D000] =	vst v63  }
0x12d: {  	s10 =	sadd.s32 s29, s10  }
0x12e: {  	[tilespmem:s9], [sflag:$0x4] =	stream.linear.gather [hbm4b:s10+s4], $0x400, $0x38;
	[tilespmem:$0x1D000] =	vst v63  }
.LBB2_15:
0x12f: {  	_ =	sfence.sel $0x180000  }
0x130: {  	[bflag:$0x0] =	sbarrier.arrive $0xFFFF  }
0x131: {  	_ =	strace $0x9000004A  }
0x132: {  	s0 =	stileid.u32;
	[bflag:$0x2] =	sbarrier.arrive $0xFFFF  }
0x133: {  	p0 =	sne.s32 s0, $0x0;
	s0 =	rddreg [dreg:$0x3]  }
0x134: {  	s0 =	sadd.s32 @!p0 $0x100000, s0  }
0x135: {  	[sflag:s0] =	ssyncadd.tile.s32 @!p0 $0x1;
	_ =	shalt  }
.Lfunc_end2:
_tile_overlayer_lowered:
.L_overlay_start_2:
0x136: {  	(tag) =	ssettag $0x2  }
0x137: {  	s0 =	rddreg [dreg:$0x0];
	s2 =	stileid.u32  }
0x138: {  	s1 =	rddreg [dreg:$0x1];
	p0 =	sne.s32 s2, $0x0  }
0x139: {  	s3 =	rddreg [dreg:$0x2];
	[bflag:$0x3] =	sbarrier.arrive $0xFFFF;
	s2 =	simm.s32 @!p0 $0x1C05  }
0x13a: {  	[timem:s3], [sflag:s2] =	dma.local @!p0 [hbm:s0], s1  }
0x13b: {  	s0 =	simm.s32 @!p0 $0x5  }
0x13c: {  	_ =	swait.ge @!p0 [sflag:s0], s1  }
0x13d: {  	s1 =	ssub.s32 @!p0 $0x0, s1;
	[sflag:s0] =	ssyncset.done @!p0 $0x0  }
0x13e: {  	[sflag:s0] =	ssyncadd.s32 @!p0 s1  }
0x13f: {  	[bflag:$0x3] =	sbarrier.arrive $0xFFFF  }
0x140: {  	_ =	shalt  }

// kernel: kernel.14.cloned.1.call-start
scs
__scs_entry_jumppad:
0x0: {  	(pc) =	sbr.rel $0x88, $3  }
0x1: {  	(tag) =	ssettag $0x0;
	lr =	simm.s32 $0x1  }
0x2: {  	[smem:$0x3F9B] =	sst lr;
	_ =	strace $0xD0000000  }
0x3: {  	_ = 	snop  }
0x4: {  	_ = 	snop  }
0x5: {  	_ = 	snop  }
0x6: {  	_ = 	snop  }
0x7: {  	_ = 	snop  }
__scs_overlays_trampoline_lowered:
0x8: {  	[smem:$0x3FAA] =	sst s0  }
0x9: {  	[smem:$0x3FAB] =	sst s1  }
0xa: {  	[smem:$0x3FAC] =	sst s2  }
0xb: {  	[smem:$0x3FAD] =	sst s3  }
0xc: {  	[smem:$0x3FAE] =	sst s4  }
0xd: {  	[smem:$0x3FAF] =	sst s5  }
0xe: {  	[smem:$0x3FB0] =	sst s6  }
0xf: {  	[smem:$0x3FB1] =	sst s7  }
0x10: {  	[smem:$0x3FB2] =	sst s8  }
0x11: {  	[smem:$0x3FB3] =	sst s9;
	s0 =	simm.s32 @!p0 $0x0  }
0x12: {  	s1 =	sld [smem:$0x3F99];
	s0 =	simm.s32 @p0 $0x1  }
0x13: {  	[smem:$0x3FB4] =	sst s0;
	s0 =	simm.s32 @!p1 $0x0  }
0x14: {  	s2 =	sld [smem:$0x3F98];
	s0 =	simm.s32 @p1 $0x1  }
0x15: {  	[smem:$0x3FB5] =	sst s0;
	s0 =	simm.s32 @!p2 $0x0  }
0x16: {  	s3 =	sld [smem:$0x3FDB];
	s0 =	simm.s32 @p2 $0x1  }
0x17: {  	s4 =	simm.s32 $0x1BF5;
	[smem:$0x3FB7] =	sst s0  }
0x18: {  	s0 =	sld [smem:$0x3F9A];
	_ =	swait.ge [sflag:s4], $0x0  }
0x19: {  	s7 =	sld [smem:$0x3F9B]  }
0x1a: {  	s8 =	sadd.s32 $0xFFFFE003, lr  }
0x1b: {  	s9 =	sadd.s32 $0xFFFFFEF7, lr;
	s5 =	simm.s32 $0xFFFFFFFF;
	p2 =	slt.u32 s8, $0xFFFFF086  }
0x1c: {  	p1 =	slt.u32 s9, $0xF7A;
	s5 =	simm.s32 @!p2 $0x0  }
0x1d: {  	s5 =	simm.s32 @p1 $0x1;
	p0 =	seq.s32 s7, s2  }
0x1e: {  	s7 =	smul.u32 @!p0 $0xF7A, s2;
	p2 =	seq.s32 @!p0 s5, $0x0  }
0x1f: {  	s9 =	smul.u32 $0xF7A, s1;
	s8 =	simm.s32 @!p0 $0x1BF5;
	p2 =	por !p2, p0  }
0x20: {  	[sflag:s8] =	ssyncset.s32 @!p0 $0xFFFFF086;
	s6 =	sadd.s32 @!p0 s3, s7;
	s7 =	simm.s32 @!p0 $0x108  }
0x21: {  	s3 =	sadd.s32 s3, s9;
	s6 =	sadd.s32 @!p0 $0x88, s6;
	s7 =	simm.s32 @p2 $0x1082  }
0x22: {  	[simem:s7], [sflag:s8] =	dma.local @!p0 [hbm:s6], $0xF7A  }
0x23: {  	s9 =	sor.u32 $0xD0000000, s2;
	s6 =	simm.s32 $0x108;
	_ =	swait.ge @!p0 [sflag:s8], $0x0  }
0x24: {  	s3 =	sadd.s32 $0x88, s3;
	s6 =	simm.s32 @!p1 $0x1082;
	[sflag:s4] =	ssyncset.s32 $0xFFFFF086  }
0x25: {  	[simem:s6], [sflag:s4] =	dma.local [hbm:s3], $0xF7A  }
0x26: {  	[smem:$0x3F9B] =	sst s1;
	(tag) =	ssettag s2;
	_ =	strace s9  }
0x27: {  	s1 =	sld [smem:$0x3FAB]  }
0x28: {  	s2 =	sld [smem:$0x3FAC]  }
0x29: {  	s4 =	sld [smem:$0x3FAE]  }
0x2a: {  	p0 =	seq.s32 s5, $0x0;
	s5 =	sld [smem:$0x3FAF]  }
0x2b: {  	s6 =	sld [smem:$0x3FB0]  }
0x2c: {  	s7 =	sld [smem:$0x3FB1]  }
0x2d: {  	s3 =	simm.s32 $0x108;
	s8 =	sld [smem:$0x3FB2]  }
0x2e: {  	s3 =	simm.s32 @!p0 $0x1082;
	s9 =	sld [smem:$0x3FB3]  }
0x2f: {  	lr =	sadd.s32 s0, s3;
	s0 =	sld [smem:$0x3FAA]  }
0x30: {  	s3 =	sld [smem:$0x3FAD]  }
0x31: {  	[smem:$0x3FB6] =	sst s10  }
0x32: {  	s10 =	sld [smem:$0x3FB4];
	_ =	sdelay $0x3  }
0x33: {  	p0 =	seq.s32 s10, $0x1;
	s10 =	sld [smem:$0x3FB6];
	_ =	sdelay $0x3  }
0x34: {  	[smem:$0x3FB6] =	sst s10  }
0x35: {  	s10 =	sld [smem:$0x3FB5];
	_ =	sdelay $0x3  }
0x36: {  	p1 =	seq.s32 s10, $0x1;
	s10 =	sld [smem:$0x3FB6];
	_ =	sdelay $0x3  }
0x37: {  	[smem:$0x3FB6] =	sst s10  }
0x38: {  	s10 =	sld [smem:$0x3FB7]  }
0x39: {  	_ = 	snop;
	(pc) =	sbr.ind lr, $3  }
0x3a: {  	_ = 	snop  }
0x3b: {  	_ = 	snop  }
0x3c: {  	p2 =	seq.s32 s10, $0x1;
	s10 =	sld [smem:$0x3FB6]  }
0x3d: {  	_ =	shalt  }
0x3e: {  	_ =	shalt  }
0x3f: {  	_ =	shalt  }
0x40: {  	_ =	shalt  }
0x41: {  	_ =	shalt  }
0x42: {  	_ =	shalt  }
0x43: {  	_ =	shalt  }
0x44: {  	_ =	shalt  }
0x45: {  	_ =	shalt  }
0x46: {  	_ =	shalt  }
0x47: {  	_ =	shalt  }
0x48: {  	_ =	shalt  }
0x49: {  	_ =	shalt  }
0x4a: {  	_ =	shalt  }
0x4b: {  	_ =	shalt  }
0x4c: {  	_ =	shalt  }
0x4d: {  	_ =	shalt  }
0x4e: {  	_ =	shalt  }
0x4f: {  	_ =	shalt  }
0x50: {  	_ =	shalt  }
0x51: {  	_ =	shalt  }
0x52: {  	_ =	shalt  }
0x53: {  	_ =	shalt  }
0x54: {  	_ =	shalt  }
0x55: {  	_ =	shalt  }
0x56: {  	_ =	shalt  }
0x57: {  	_ =	shalt  }
0x58: {  	_ =	shalt  }
0x59: {  	_ =	shalt  }
0x5a: {  	_ =	shalt  }
0x5b: {  	_ =	shalt  }
0x5c: {  	_ =	shalt  }
0x5d: {  	_ =	shalt  }
0x5e: {  	_ =	shalt  }
0x5f: {  	_ =	shalt  }
0x60: {  	_ =	shalt  }
0x61: {  	_ =	shalt  }
0x62: {  	_ =	shalt  }
0x63: {  	_ =	shalt  }
0x64: {  	_ =	shalt  }
0x65: {  	_ =	shalt  }
0x66: {  	_ =	shalt  }
0x67: {  	_ =	shalt  }
0x68: {  	_ =	shalt  }
0x69: {  	_ =	shalt  }
0x6a: {  	_ =	shalt  }
0x6b: {  	_ =	shalt  }
0x6c: {  	_ =	shalt  }
0x6d: {  	_ =	shalt  }
0x6e: {  	_ =	shalt  }
0x6f: {  	_ =	shalt  }
0x70: {  	_ =	shalt  }
0x71: {  	_ =	shalt  }
0x72: {  	_ =	shalt  }
0x73: {  	_ =	shalt  }
0x74: {  	_ =	shalt  }
0x75: {  	_ =	shalt  }
0x76: {  	_ =	shalt  }
0x77: {  	_ =	shalt  }
0x78: {  	_ =	shalt  }
0x79: {  	_ =	shalt  }
0x7a: {  	_ =	shalt  }
0x7b: {  	_ =	shalt  }
0x7c: {  	_ =	shalt  }
0x7d: {  	_ =	shalt  }
0x7e: {  	_ =	shalt  }
0x7f: {  	_ =	shalt  }
0x80: {  	_ =	shalt  }
0x81: {  	_ =	shalt  }
0x82: {  	_ =	shalt  }
0x83: {  	_ =	shalt  }
0x84: {  	_ =	shalt  }
0x85: {  	_ =	shalt  }
0x86: {  	_ =	shalt  }
0x87: {  	_ =	shalt  }
.Lfunc_end0:
.L_simem_size_0:
called_computation.2_lowered:
.L_overlay_start_0:
0x88: {  	s2 =	sld [smem:$0x3FD9]  }
0x89: {  	s3 =	sld [smem:$0x3FFE];
	_ =	sdelay $0x1  }
0x8a: {  	s1 =	srdreg.scid  }
0x8b: {  	s0 =	sand.u32 $0x1, s1  }
0x8c: {  	s17 =	sshll.u32 s0, $0xA;
	s2 =	sadd.s32 s3, s2  }
0x8d: {  	s2 =	sadd.s32 s2, s17  }
0x8e: {  	[smem:$0x3FC2] =	sst s2  }
0x8f: {  	_ = 	snop  }
0x90: {  	s2 =	sld [smem:$0x3FD0];
	(tm) =	ssettm $0x1  }
0x91: {  	s18 =	sld [smem:$0x3FFB];
	_ =	sdelay $0x3  }
0x92: {  	_ =	strace s18  }
0x93: {  	s3 =	sld [smem:$0x3FFC];
	_ =	sdelay $0x3  }
0x94: {  	_ =	strace s3  }
0x95: {  	s3 =	sld [smem:$0x3FFD];
	_ =	sdelay $0x3  }
0x96: {  	_ =	strace s3  }
0x97: {  	_ =	strace $0x8FFFFFFF  }
0x98: {  	s19 =	sld [smem:$0x3FDB];
	_ =	sdelay $0x1  }
0x99: {  	s4 =	simm.s32 $_scs_section_size  }
0x9a: {  	s5 =	simm.s32 $_size__tile_overlayer_lowered;
	s6 =	simm.s32 $_tile_overlayer_lowered  }
0x9b: {  	s22 =	simm.s32 $0x1BFF;
	s21 =	sshll.u32 s6, $0x1;
	s3 =	sadd.s32 s4, s19  }
0x9c: {  	s7 =	simm.s32 $0x0;
	s20 =	sshll.u32 s5, $0x1;
	s5 =	sadd.s32 s21, s3  }
0x9d: {  	[timem:s7], [sflag:s22] =	dma.local [hbm:s5], s20  }
0x9e: {  	_ =	swait.ge [sflag:s22], s20  }
0x9f: {  	s4 =	ssub.s32 $0x0, s20;
	[sflag:s22] =	ssyncset.done $0x0  }
0xa0: {  	[sflag:s22] =	ssyncadd.s32 s4;
	_ =	sdelay $0x1  }
0xa1: {  	s23 =	simm.s32 $0x1B8B  }
0xa2: {  	_ =	swait.ge [sflag:s23], $0x1  }
0xa3: {  	[sflag:s23] =	ssyncset.done $0x0  }
0xa4: {  	s25 =	simm.s32 $0x1B8E;
	s24 =	sld [smem:$0x3FFE];
	[sflag:s23] =	ssyncadd.s32 $0xFFFFFFFF  }
0xa5: {  	s26 =	simm.s32 $execute0_lowered;
	[smem:$0x3FD2] =	sst s25  }
0xa6: {  	s5 =	sshll.u32 s26, $0x1;
	_ =	strace $0x8000004C;
	[dreg:$0x1] =	wrdreg $0xFFFFFFFF  }
0xa7: {  	s28 =	simm.s32 $_size_execute0_lowered;
	s3 =	sadd.s32 s3, s5;
	[dreg:$0x0] =	wrdreg $0x0  }
0xa8: {  	s5 =	sshll.u32 s28, $0x1;
	[dreg:$0x2] =	wrdreg s3  }
0xa9: {  	[dreg:$0x3] =	wrdreg s5  }
0xaa: {  	[dreg:$0x4] =	wrdreg $0xC0  }
0xab: {  	_ =	task [dreg:s7], $0x5FFFF  }
0xac: {  	[dreg:$0x1] =	wrdreg $0xFFFFFFFF  }
0xad: {  	[dreg:$0x0] =	wrdreg $0x60  }
0xae: {  	[dreg:$0x2] =	wrdreg s2  }
0xaf: {  	[dreg:$0x3] =	wrdreg s24  }
0xb0: {  	[dreg:$0x4] =	wrdreg $0x90000  }
0xb1: {  	[dreg:$0x5] =	wrdreg $0x9  }
0xb2: {  	_ =	task.clear_ibuf [dreg:s7], $0x6FFFF;
	_ =	strace $0x9000004C  }
0xb3: {  	s29 =	simm.s32 $0x9;
	_ =	strace $0x8000004E  }
0xb4: {  	_ =	swait.ge [sflag:s29], $0x1  }
0xb5: {  	[sflag:s29] =	ssyncadd.s32 $0xFFFFFFFF  }
0xb6: {  	_ =	strace $0x9000004E  }
0xb7: {  	_ =	sfence  }
0xb8: {  	s30 =	sld [smem:$0x0];
	_ =	sdelay $0x2  }
0xb9: {  	s31 =	sshll.u32 s1, $0xD;
	s1 =	sshrl.u32 s1, $0x2  }
0xba: {  	s3 =	sand.u32 $0x4000, s31;
	s1 =	sadd.s32 s1, s30  }
0xbb: {  	s0 =	sor.u32 s3, s0;
	s1 =	sshll.u32 s1, $0x11  }
0xbc: {  	s0 =	sor.u32 s1, s0  }
0xbd: {  	s0 =	sadd.s32 $0x8F2B, s0  }
0xbe: {  	[sflag:s0] =	ssyncadd.remote.s32 $0x1  }
0xbf: {  	_ =	sfence.sel $0xFFFF  }
0xc0: {  	[dreg:$0x0] =	wrdreg $0xFFFFFFFF;
	(pc) =	sbr.abs _section_cstart, $3  }
0xc1: {  	[dreg:$0x1] =	wrdreg $0xFFFFFFFF  }
0xc2: {  	_ =	task.clear_ibuf [dreg:s7], $0x2FFFF;
	_ =	strace $0x9FFFFFFF  }
0xc3: {  	(tm) =	ssettm $0x7FFFFFFF  }
tec
execute0_lowered:
.L_overlay_start_1:
0x0: {  	(tag) =	ssettag $0x1  }
0x1: {  	s1 =	rddreg [dreg:$0x0]  }
0x2: {  	s0 =	rddreg [dreg:$0x1];
	s2 =	srdreg.scid  }
0x3: {  	s10 =	stileid.u32;
	s3 =	rddreg [dreg:$0x2];
	s4 =	simm.s32 $0x0  }
0x4: {  	s30 =	simm.s32 $0x1000;
	s31 =	simm.s32 $0x5;
	s5 =	smul.u32 $0x280, s10  }
0x5: {  	s2 =	sand.u32 $0x1, s2;
	[smem:$0x7FF] =	sst s4;
	s8 =	smul.u32 $0x50000, s10  }
0x6: {  	s11 =	sadd.s32 $0x2000, s0;
	s12 =	sadd.s32 $0xC000, s0;
	s26 =	smul.u32 $0x4C00, s10  }
0x7: {  	s23 =	sadd.s32 $0x66000, s0;
	s7 =	sshll.u32 s10, $0x3;
	s6 =	smul.u32 $0x2800, s2  }
0x8: {  	_ =	strace $0x8000004D;
	[dreg:$0x6] =	wrdreg s23;
	s24 =	ssub.s32 $0x2, s2  }
0x9: {  	p0 =	seq.s32 s2, $0x0;
	s7 =	sor.u32 $0x980, s7;
	[dreg:$0x4] =	wrdreg s11  }
0xa: {  	[dreg:$0x5] =	wrdreg s12;
	s9 =	sshrl.u32 s24, $0x1;
	s25 =	sshrl.u32 s8, $0x2  }
0xb: {  	s5 =	sadd.s32 s5, s6;
	s6 =	ssub.s32 s24, s9;
	s14 =	sadd.s32 s25, s3  }
0xc: {  	s8 =	simm.s32 $0x13;
	s21 =	smax.u32 s6, $0x1;
	[dreg:$0x7] =	wrdreg s14  }
0xd: {  	s8 =	simm.s32 @!p0 $0x1;
	s15 =	sadd.s32 $0x4000, s14;
	[dreg:$0x16] =	wrdreg s21  }
0xe: {  	s5 =	sshll.u32 s5, $0x4;
	s23 =	sadd.s32 $0x8000, s14;
	[dreg:$0x8] =	wrdreg s15  }
0xf: {  	s24 =	sadd.s32 $0xC000, s14;
	s25 =	sadd.s32 $0x10000, s14;
	[dreg:$0x9] =	wrdreg s23  }
0x10: {  	s18 =	sadd.s32 $0xFFFFFFFF, s8;
	s0 =	sadd.s32 s5, s0;
	[dreg:$0xa] =	wrdreg s24  }
0x11: {  	s6 =	simm.s32 $0x680;
	[dreg:$0xb] =	wrdreg s25;
	s16 =	sadd.s32 $0x66800, s0  }
0x12: {  	s5 =	smul.u32 $0x98, s10;
	s17 =	sadd.s32 $0x67000, s0;
	[dreg:$0x11] =	wrdreg s16  }
0x13: {  	s21 =	simm.s32 $0x700;
	s19 =	sadd.s32 $0x67800, s0;
	[dreg:$0x12] =	wrdreg s17  }
0x14: {  	s20 =	sadd.s32 $0x68000, s0;
	s0 =	sadd.s32 $0x68800, s0;
	[dreg:$0x13] =	wrdreg s19  }
0x15: {  	s7 =	smov.u32 @p0 s5;
	s5 =	sshrl.u32 s26, $0x3;
	[dreg:$0x14] =	wrdreg s20  }
0x16: {  	p0 =	sne.s32 s2, $0x0;
	[dreg:$0x15] =	wrdreg s0;
	s26 =	sadd.s32 $0xFFFFFFFE, s8  }
0x17: {  	s2 =	simm.s32 $0x800;
	s0 =	simm.s32 $0x80;
	s16 =	simm.s32 $0x1  }
0x18: {  	s28 =	sshll.u32 s7, $0x4;
	s5 =	sadd.s32 $0x80, s5;
	s13 =	sadd.s32 $0x10, s7  }
0x19: {  	s29 =	sadd.s32 s11, s28;
	s11 =	sadd.s32 s11, s5;
	[dreg:$0x10] =	wrdreg s13  }
0x1a: {  	s20 =	simm.s32 $0x2;
	s5 =	sadd.s32 s12, s5;
	[dreg:$0xe] =	wrdreg s11  }
0x1b: {  	s19 =	simm.s32 $0x600;
	s17 =	simm.s32 $0xE00;
	[dreg:$0xf] =	wrdreg s5  }
.Ltmp0:
0x1c: {  	s9 =	sadd.s32 s12, s28;
	[dreg:$0xc] =	wrdreg s29;
	(pc) =	sbr.rel .LBB2_1-.Ltmp0, $4  }
0x1d: {  	s7 =	simm.s32 $0x5000;
	s22 =	sadd.s32 $0x100, s29;
	[dreg:$0xd] =	wrdreg s9  }
0x1e: {  	s13 =	simm.s32 $0xD00;
	s28 =	sadd.s32 $0x100, s9;
	[dreg:$0x17] =	wrdreg s22  }
0x1f: {  	s9 =	simm.s32 $0xC00;
	s29 =	simm.s32 $0x0;
	[dreg:$0x18] =	wrdreg s28  }
0x20: {  	s5 =	simm.s32 $0xD80;
	s22 =	simm.s32 $0xE80;
	[dreg:$0x19] =	wrdreg s29  }
.LBB2_14:
0x21: {  	[bflag:$0x0] =	sbarrier.arrive $0xFFFF  }
0x22: {  	s14 =	rddreg [dreg:$0x7]  }
0x23: {  	[tilespmem:s30], [sflag:$0x5] =	stream.linear.gather [spmem:s14], $0x4000, $0x38;
	[tilespmem:$0x1D000] =	vst v63  }
0x24: {  	_ =	swait.ge [sflag:s31], $0x4000  }
0x25: {  	[sflag:s31] =	ssyncset.done $0x0  }
0x26: {  	s10 =	rddreg [dreg:$0x11];
	[sflag:s31] =	ssyncadd.s32 $0xFFFFC000  }
0x27: {  	[hbm4b:s10+s4] =	stream.linear.scatter [tilespmem:s30], [sflag:$0x5], $0x4000, $0x38;
	[tilespmem:$0x1D000] =	vst v63  }
0x28: {  	_ =	swait.ge [sflag:s31], $0x4000  }
0x29: {  	[sflag:s31] =	ssyncset.done $0x0  }
0x2a: {  	s15 =	rddreg [dreg:$0x8];
	[sflag:s31] =	ssyncadd.s32 $0xFFFFC000  }
0x2b: {  	[tilespmem:s30], [sflag:$0x5] =	stream.linear.gather [spmem:s15], $0x4000, $0x38;
	[tilespmem:$0x1D000] =	vst v63  }
0x2c: {  	_ =	swait.ge [sflag:s31], $0x4000  }
0x2d: {  	[sflag:s31] =	ssyncset.done $0x0  }
0x2e: {  	s23 =	rddreg [dreg:$0x12];
	[sflag:s31] =	ssyncadd.s32 $0xFFFFC000  }
0x2f: {  	[hbm4b:s23+s4] =	stream.linear.scatter [tilespmem:s30], [sflag:$0x5], $0x4000, $0x38;
	[tilespmem:$0x1D000] =	vst v63  }
0x30: {  	_ =	swait.ge [sflag:s31], $0x4000  }
0x31: {  	[sflag:s31] =	ssyncset.done $0x0  }
0x32: {  	s23 =	rddreg [dreg:$0x9];
	[sflag:s31] =	ssyncadd.s32 $0xFFFFC000  }
0x33: {  	[tilespmem:s30], [sflag:$0x5] =	stream.linear.gather [spmem:s23], $0x4000, $0x38;
	[tilespmem:$0x1D000] =	vst v63  }
0x34: {  	_ =	swait.ge [sflag:s31], $0x4000  }
0x35: {  	[sflag:s31] =	ssyncset.done $0x0  }
0x36: {  	s24 =	rddreg [dreg:$0x13];
	[sflag:s31] =	ssyncadd.s32 $0xFFFFC000  }
0x37: {  	[hbm4b:s24+s4] =	stream.linear.scatter [tilespmem:s30], [sflag:$0x5], $0x4000, $0x38;
	[tilespmem:$0x1D000] =	vst v63  }
0x38: {  	_ =	swait.ge [sflag:s31], $0x4000  }
0x39: {  	[sflag:s31] =	ssyncset.done $0x0  }
0x3a: {  	s24 =	rddreg [dreg:$0xa];
	[sflag:s31] =	ssyncadd.s32 $0xFFFFC000  }
0x3b: {  	[tilespmem:s30], [sflag:$0x5] =	stream.linear.gather [spmem:s24], $0x4000, $0x38;
	[tilespmem:$0x1D000] =	vst v63  }
0x3c: {  	_ =	swait.ge [sflag:s31], $0x4000  }
0x3d: {  	[sflag:s31] =	ssyncset.done $0x0  }
0x3e: {  	s25 =	rddreg [dreg:$0x14];
	[sflag:s31] =	ssyncadd.s32 $0xFFFFC000  }
0x3f: {  	[hbm4b:s25+s4] =	stream.linear.scatter [tilespmem:s30], [sflag:$0x5], $0x4000, $0x38;
	[tilespmem:$0x1D000] =	vst v63  }
0x40: {  	_ =	swait.ge [sflag:s31], $0x4000  }
0x41: {  	[sflag:s31] =	ssyncset.done $0x0  }
0x42: {  	s25 =	rddreg [dreg:$0xb];
	[sflag:s31] =	ssyncadd.s32 $0xFFFFC000  }
0x43: {  	[tilespmem:s30], [sflag:$0x5] =	stream.linear.gather [spmem:s25], $0x4000, $0x38;
	[tilespmem:$0x1D000] =	vst v63  }
0x44: {  	_ =	swait.ge [sflag:s31], $0x4000  }
0x45: {  	[sflag:s31] =	ssyncset.done $0x0  }
0x46: {  	s28 =	rddreg [dreg:$0x15];
	[sflag:s31] =	ssyncadd.s32 $0xFFFFC000  }
0x47: {  	[hbm4b:s28+s4] =	stream.linear.scatter [tilespmem:s30], [sflag:$0x5], $0x4000, $0x38;
	[tilespmem:$0x1D000] =	vst v63  }
0x48: {  	_ =	swait.ge [sflag:s31], $0x4000  }
0x49: {  	s11 =	rddreg [dreg:$0x19]  }
0x4a: {  	s29 =	rddreg [dreg:$0x16];
	s11 =	sadd.s32 $0x1, s11  }
0x4b: {  	p1 =	sne.s32 s11, s29  }
.Ltmp1:
0x4c: {  	_ = 	snop;
	(pc) =	sbr.rel @!p1 .LBB2_15-.Ltmp1, $3  }
0x4d: {  	_ =	sdelay $0x1  }
0x4e: {  	[sflag:s31] =	ssyncset.done $0x0  }
0x4f: {  	[sflag:s31] =	ssyncadd.s32 $0xFFFFC000;
	[dreg:$0x19] =	wrdreg s11  }
.LBB2_1:
0x50: {  	s10 =	rddreg [dreg:$0x6]  }
0x51: {  	[tilespmem:s30], [sflag:$0x5] =	stream.linear.gather [hbm4b:s10+s4], $0x4000, $0x38;
	[tilespmem:$0x1D000] =	vst v63  }
0x52: {  	_ =	swait.ge [sflag:s31], $0x4000  }
0x53: {  	[sflag:s31] =	ssyncset.done $0x0  }
0x54: {  	[sflag:s31] =	ssyncadd.s32 $0xFFFFC000  }
0x55: {  	[spmem:s14] =	stream.linear.scatter [tilespmem:s30], [sflag:$0x5], $0x4000, $0x38;
	[tilespmem:$0x1D000] =	vst v63  }
0x56: {  	_ =	swait.ge [sflag:s31], $0x4000  }
0x57: {  	[sflag:s31] =	ssyncset.done $0x0  }
0x58: {  	[sflag:s31] =	ssyncadd.s32 $0xFFFFC000  }
0x59: {  	[spmem:s15] =	stream.linear.scatter [tilespmem:s30], [sflag:$0x5], $0x4000, $0x38;
	[tilespmem:$0x1D000] =	vst v63  }
0x5a: {  	_ =	swait.ge [sflag:s31], $0x4000  }
0x5b: {  	[sflag:s31] =	ssyncset.done $0x0  }
0x5c: {  	[sflag:s31] =	ssyncadd.s32 $0xFFFFC000  }
0x5d: {  	[spmem:s23] =	stream.linear.scatter [tilespmem:s30], [sflag:$0x5], $0x4000, $0x38;
	[tilespmem:$0x1D000] =	vst v63  }
0x5e: {  	_ =	swait.ge [sflag:s31], $0x4000  }
0x5f: {  	[sflag:s31] =	ssyncset.done $0x0  }
0x60: {  	[sflag:s31] =	ssyncadd.s32 $0xFFFFC000  }
0x61: {  	[spmem:s24] =	stream.linear.scatter [tilespmem:s30], [sflag:$0x5], $0x4000, $0x38;
	[tilespmem:$0x1D000] =	vst v63  }
0x62: {  	_ =	swait.ge [sflag:s31], $0x4000  }
0x63: {  	[sflag:s31] =	ssyncset.done $0x0  }
0x64: {  	[sflag:s31] =	ssyncadd.s32 $0xFFFFC000  }
0x65: {  	[spmem:s25] =	stream.linear.scatter [tilespmem:s30], [sflag:$0x5], $0x4000, $0x38;
	[tilespmem:$0x1D000] =	vst v63  }
0x66: {  	_ =	swait.ge [sflag:s31], $0x4000  }
0x67: {  	[sflag:s31] =	ssyncset.done $0x0  }
0x68: {  	[sflag:s31] =	ssyncadd.s32 $0xFFFFC000  }
0x69: {  	[bflag:$0x0] =	sbarrier.arrive $0xFFFF  }
0x6a: {  	s28 =	rddreg [dreg:$0xc]  }
0x6b: {  	[tilespmem:s4], [sflag:$0x5] =	stream.linear.gather [hbm4b:s28+s4], $0x400, $0x38;
	[tilespmem:$0x1D000] =	vst v63  }
0x6c: {  	_ =	swait.ge [sflag:s31], $0x400  }
0x6d: {  	[sflag:s31] =	ssyncset.done $0x0  }
0x6e: {  	s29 =	rddreg [dreg:$0xd];
	[sflag:s31] =	ssyncadd.s32 $0xFFFFFC00  }
0x6f: {  	[tilespmem:s2], [sflag:$0x5] =	stream.linear.gather [hbm4b:s29+s4], $0x400, $0x38;
	[tilespmem:$0x1D000] =	vst v63  }
0x70: {  	_ =	swait.ge [sflag:s31], $0x400  }
0x71: {  	[sflag:s31] =	ssyncset.done $0x0  }
0x72: {  	s12 =	rddreg [dreg:$0xe];
	[sflag:s31] =	ssyncadd.s32 $0xFFFFFC00  }
0x73: {  	[tilespmem:s30], [sflag:$0x1] =	stream.indirect.gather [hbm4b:s1+s0], $0x80, s4, s0, $0xb8;
	[tilespmem:$0x1D000] =	vst v63  }
0x74: {  	s23 =	rddreg [dreg:$0x18]  }
0x75: {  	[tilespmem:s7], [sflag:$0x2] =	stream.indirect.gather [hbm4b:s1+s0], $0x80, s0, s0, $0xb8;
	[tilespmem:$0x1D000] =	vst v63  }
.Ltmp2:
0x76: {  	s14 =	rddreg [dreg:$0x17];
	(pc) =	sbr.rel .LBB2_2-.Ltmp2, $4  }
0x77: {  	s11 =	simm.s32 @!p0 $0x400;
	s10 =	simm.s32 @!p0 $0x0;
	s24 =	rddreg [dreg:$0x10]  }
0x78: {  	[tilespmem:s11], [sflag:$0x4] =	stream.linear.gather @!p0 [hbm4b:s12+s10], $0x400, $0x38;
	[tilespmem:$0x1D000] =	vst v63  }
0x79: {  	s25 =	simm.s32 $0x0;
	s11 =	simm.s32 @!p0 $0xC00;
	s12 =	rddreg [dreg:$0xf]  }
0x7a: {  	[tilespmem:s11], [sflag:$0x4] =	stream.linear.gather @!p0 [hbm4b:s12+s10], $0x400, $0x38;
	[tilespmem:$0x1D000] =	vst v63  }
.LBB2_16:
0x7b: {  	s10 =	simm.s32 $0x380  }
0x7c: {  	[tilespmem:s7], [sflag:$0x2] =	stream.indirect.gather [hbm4b:s1+s0], $0x80, s10, s0, $0xb8;
	[tilespmem:$0x1D000] =	vst v63  }
0x7d: {  	_ =	swait.ge [sflag:s16], $0x4000  }
0x7e: {  	[sflag:s16] =	ssyncset.done $0x0  }
0x7f: {  	s28 =	simm.s32 $0xB00;
	[sflag:s16] =	ssyncadd.s32 $0xFFFFC000  }
0x80: {  	[spmem:s3] =	stream.indirect.scatter.add.f32 [tilespmem:s30], [sflag:$0x5], $0x80, s28, s0, $0xb8;
	[tilespmem:$0x1D000] =	vst v63  }
0x81: {  	_ =	swait.ge [sflag:s31], $0x4000  }
0x82: {  	[sflag:s31] =	ssyncset.done $0x0  }
0x83: {  	[sflag:s31] =	ssyncadd.s32 $0xFFFFC000  }
0x84: {  	_ =	swait.ge [sflag:s20], $0x4000  }
0x85: {  	[sflag:s20] =	ssyncset.done $0x0  }
0x86: {  	s29 =	simm.s32 $0xB80;
	[sflag:s20] =	ssyncadd.s32 $0xFFFFC000  }
0x87: {  	[spmem:s3] =	stream.indirect.scatter.add.f32 [tilespmem:s7], [sflag:$0x5], $0x80, s29, s0, $0xb8;
	[tilespmem:$0x1D000] =	vst v63  }
0x88: {  	_ =	swait.ge [sflag:s31], $0x4000  }
0x89: {  	[sflag:s31] =	ssyncset.done $0x0  }
0x8a: {  	[sflag:s31] =	ssyncadd.s32 $0xFFFFC000  }
.LBB2_13:
0x8b: {  	s25 =	sadd.s32 $0x1, s25  }
0x8c: {  	p1 =	sne.s32 s8, s25  }
.Ltmp3:
0x8d: {  	_ = 	snop;
	(pc) =	sbr.rel @!p1 .LBB2_14-.Ltmp3, $2  }
0x8e: {  	_ =	sdelay $0x2  }
0x8f: {  	s24 =	sadd.s32 $0x8, s24;
	s14 =	sadd.s32 $0x80, s14;
	s23 =	sadd.s32 $0x80, s23  }
.LBB2_2:
0x90: {  	s15 =	sand.u32 $0x1, s25  }
0x91: {  	p1 =	seq.s32 s15, $0x0  }
.Ltmp4:
0x92: {  	_ = 	snop;
	(pc) =	sbr.rel @!p1 .LBB2_3-.Ltmp4, $4  }
0x93: {  	_ = 	snop  }
0x94: {  	_ =	swait.ge [sflag:s16], $0x4000  }
0x95: {  	[sflag:s16] =	ssyncset.done $0x0  }
0x96: {  	[sflag:s16] =	ssyncadd.s32 $0xFFFFC000  }
0x97: {  	[spmem:s3] =	stream.indirect.scatter.add.f32 [tilespmem:s30], [sflag:$0x5], $0x80, s2, s0, $0xb8;
	[tilespmem:$0x1D000] =	vst v63  }
0x98: {  	_ =	swait.ge [sflag:s31], $0x4000  }
0x99: {  	[sflag:s31] =	ssyncset.done $0x0  }
0x9a: {  	s10 =	simm.s32 $0x100;
	[sflag:s31] =	ssyncadd.s32 $0xFFFFC000  }
0x9b: {  	[tilespmem:s30], [sflag:$0x1] =	stream.indirect.gather [hbm4b:s1+s0], $0x80, s10, s0, $0xb8;
	[tilespmem:$0x1D000] =	vst v63  }
0x9c: {  	_ =	swait.ge [sflag:s20], $0x4000  }
0x9d: {  	[sflag:s20] =	ssyncset.done $0x0  }
0x9e: {  	s29 =	simm.s32 $0x880;
	[sflag:s20] =	ssyncadd.s32 $0xFFFFC000  }
0x9f: {  	[spmem:s3] =	stream.indirect.scatter.add.f32 [tilespmem:s7], [sflag:$0x5], $0x80, s29, s0, $0xb8;
	[tilespmem:$0x1D000] =	vst v63  }
0xa0: {  	_ =	swait.ge [sflag:s31], $0x4000  }
0xa1: {  	[sflag:s31] =	ssyncset.done $0x0  }
0xa2: {  	s11 =	simm.s32 $0x180;
	[sflag:s31] =	ssyncadd.s32 $0xFFFFC000  }
0xa3: {  	[tilespmem:s7], [sflag:$0x2] =	stream.indirect.gather [hbm4b:s1+s0], $0x80, s11, s0, $0xb8;
	[tilespmem:$0x1D000] =	vst v63  }
0xa4: {  	_ =	swait.ge [sflag:s16], $0x4000  }
0xa5: {  	[sflag:s16] =	ssyncset.done $0x0  }
0xa6: {  	s12 =	simm.s32 $0x900;
	[sflag:s16] =	ssyncadd.s32 $0xFFFFC000  }
0xa7: {  	[spmem:s3] =	stream.indirect.scatter.add.f32 [tilespmem:s30], [sflag:$0x5], $0x80, s12, s0, $0xb8;
	[tilespmem:$0x1D000] =	vst v63  }
0xa8: {  	_ =	swait.ge [sflag:s31], $0x4000  }
0xa9: {  	[sflag:s31] =	ssyncset.done $0x0  }
0xaa: {  	s28 =	simm.s32 $0x200;
	[sflag:s31] =	ssyncadd.s32 $0xFFFFC000  }
0xab: {  	[tilespmem:s30], [sflag:$0x1] =	stream.indirect.gather [hbm4b:s1+s0], $0x80, s28, s0, $0xb8;
	[tilespmem:$0x1D000] =	vst v63  }
0xac: {  	_ =	swait.ge [sflag:s20], $0x4000  }
0xad: {  	[sflag:s20] =	ssyncset.done $0x0  }
0xae: {  	s29 =	simm.s32 $0x980;
	[sflag:s20] =	ssyncadd.s32 $0xFFFFC000  }
0xaf: {  	[spmem:s3] =	stream.indirect.scatter.add.f32 [tilespmem:s7], [sflag:$0x5], $0x80, s29, s0, $0xb8;
	[tilespmem:$0x1D000] =	vst v63  }
0xb0: {  	_ =	swait.ge [sflag:s31], $0x4000  }
0xb1: {  	[sflag:s31] =	ssyncset.done $0x0  }
0xb2: {  	s11 =	simm.s32 $0x280;
	[sflag:s31] =	ssyncadd.s32 $0xFFFFC000  }
0xb3: {  	[tilespmem:s7], [sflag:$0x2] =	stream.indirect.gather [hbm4b:s1+s0], $0x80, s11, s0, $0xb8;
	[tilespmem:$0x1D000] =	vst v63  }
0xb4: {  	_ =	swait.ge [sflag:s16], $0x4000  }
0xb5: {  	[sflag:s16] =	ssyncset.done $0x0  }
0xb6: {  	s12 =	simm.s32 $0xA00;
	[sflag:s16] =	ssyncadd.s32 $0xFFFFC000  }
0xb7: {  	[spmem:s3] =	stream.indirect.scatter.add.f32 [tilespmem:s30], [sflag:$0x5], $0x80, s12, s0, $0xb8;
	[tilespmem:$0x1D000] =	vst v63  }
0xb8: {  	_ =	swait.ge [sflag:s31], $0x4000  }
0xb9: {  	[sflag:s31] =	ssyncset.done $0x0  }
0xba: {  	s28 =	simm.s32 $0x300;
	[sflag:s31] =	ssyncadd.s32 $0xFFFFC000  }
0xbb: {  	[tilespmem:s30], [sflag:$0x1] =	stream.indirect.gather [hbm4b:s1+s0], $0x80, s28, s0, $0xb8;
	[tilespmem:$0x1D000] =	vst v63  }
0xbc: {  	_ =	swait.ge [sflag:s20], $0x4000  }
0xbd: {  	p1 =	slt.u32 s25, s18;
	[sflag:s20] =	ssyncset.done $0x0  }
.Ltmp5:
0xbe: {  	s29 =	simm.s32 $0xA80;
	[sflag:s20] =	ssyncadd.s32 $0xFFFFC000;
	(pc) =	sbr.rel @!p1 .LBB2_16-.Ltmp5, $4  }
0xbf: {  	[spmem:s3] =	stream.indirect.scatter.add.f32 [tilespmem:s7], [sflag:$0x5], $0x80, s29, s0, $0xb8;
	[tilespmem:$0x1D000] =	vst v63  }
0xc0: {  	_ =	swait.ge [sflag:s31], $0x4000  }
0xc1: {  	[sflag:s31] =	ssyncset.done $0x0  }
0xc2: {  	[sflag:s31] =	ssyncadd.s32 $0xFFFFC000  }
.Ltmp6:
0xc3: {  	(pc) =	sbr.rel .LBB2_7-.Ltmp6, $3  }
0xc4: {  	_ =	sdelay $0x1  }
0xc5: {  	s28 =	simm.s32 $0xB80;
	s29 =	simm.s32 $0x400  }
0xc6: {  	s10 =	simm.s32 $0xB00;
	s11 =	simm.s32 $0x380;
	s12 =	simm.s32 $0x4  }
.LBB2_3:
0xc7: {  	[spmem:s3] =	stream.indirect.scatter.add.f32 [tilespmem:s30], [sflag:$0x5], $0x80, s9, s0, $0xb8;
	[tilespmem:$0x1D000] =	vst v63  }
0xc8: {  	_ =	swait.ge [sflag:s31], $0x4000  }
0xc9: {  	[sflag:s31] =	ssyncset.done $0x0  }
0xca: {  	s10 =	simm.s32 $0x500;
	[sflag:s31] =	ssyncadd.s32 $0xFFFFC000  }
0xcb: {  	[tilespmem:s30], [sflag:$0x1] =	stream.indirect.gather [hbm4b:s1+s0], $0x80, s10, s0, $0xb8;
	[tilespmem:$0x1D000] =	vst v63  }
0xcc: {  	_ =	swait.ge [sflag:s20], $0x4000  }
0xcd: {  	[sflag:s20] =	ssyncset.done $0x0  }
0xce: {  	s28 =	simm.s32 $0xC80;
	[sflag:s20] =	ssyncadd.s32 $0xFFFFC000  }
0xcf: {  	[spmem:s3] =	stream.indirect.scatter.add.f32 [tilespmem:s7], [sflag:$0x5], $0x80, s28, s0, $0xb8;
	[tilespmem:$0x1D000] =	vst v63  }
0xd0: {  	_ =	swait.ge [sflag:s31], $0x4000  }
0xd1: {  	[sflag:s31] =	ssyncset.done $0x0  }
0xd2: {  	s29 =	simm.s32 $0x580;
	[sflag:s31] =	ssyncadd.s32 $0xFFFFC000  }
0xd3: {  	[tilespmem:s7], [sflag:$0x2] =	stream.indirect.gather [hbm4b:s1+s0], $0x80, s29, s0, $0xb8;
	[tilespmem:$0x1D000] =	vst v63  }
0xd4: {  	_ =	swait.ge [sflag:s16], $0x4000  }
0xd5: {  	[sflag:s16] =	ssyncset.done $0x0  }
0xd6: {  	[sflag:s16] =	ssyncadd.s32 $0xFFFFC000  }
0xd7: {  	[spmem:s3] =	stream.indirect.scatter.add.f32 [tilespmem:s30], [sflag:$0x5], $0x80, s13, s0, $0xb8;
	[tilespmem:$0x1D000] =	vst v63  }
0xd8: {  	_ =	swait.ge [sflag:s31], $0x4000  }
0xd9: {  	[sflag:s31] =	ssyncset.done $0x0  }
0xda: {  	[sflag:s31] =	ssyncadd.s32 $0xFFFFC000  }
0xdb: {  	[tilespmem:s30], [sflag:$0x1] =	stream.indirect.gather [hbm4b:s1+s0], $0x80, s19, s0, $0xb8;
	[tilespmem:$0x1D000] =	vst v63  }
0xdc: {  	_ =	swait.ge [sflag:s20], $0x4000  }
0xdd: {  	[sflag:s20] =	ssyncset.done $0x0  }
0xde: {  	[sflag:s20] =	ssyncadd.s32 $0xFFFFC000  }
0xdf: {  	[spmem:s3] =	stream.indirect.scatter.add.f32 [tilespmem:s7], [sflag:$0x5], $0x80, s5, s0, $0xb8;
	[tilespmem:$0x1D000] =	vst v63  }
0xe0: {  	_ =	swait.ge [sflag:s31], $0x4000  }
0xe1: {  	[sflag:s31] =	ssyncset.done $0x0  }
0xe2: {  	[sflag:s31] =	ssyncadd.s32 $0xFFFFC000  }
0xe3: {  	[tilespmem:s7], [sflag:$0x2] =	stream.indirect.gather [hbm4b:s1+s0], $0x80, s6, s0, $0xb8;
	[tilespmem:$0x1D000] =	vst v63  }
0xe4: {  	_ =	swait.ge [sflag:s16], $0x4000  }
0xe5: {  	[sflag:s16] =	ssyncset.done $0x0  }
0xe6: {  	[sflag:s16] =	ssyncadd.s32 $0xFFFFC000  }
0xe7: {  	[spmem:s3] =	stream.indirect.scatter.add.f32 [tilespmem:s30], [sflag:$0x5], $0x80, s17, s0, $0xb8;
	[tilespmem:$0x1D000] =	vst v63  }
0xe8: {  	_ =	swait.ge [sflag:s31], $0x4000  }
0xe9: {  	[sflag:s31] =	ssyncset.done $0x0  }
0xea: {  	[sflag:s31] =	ssyncadd.s32 $0xFFFFC000  }
0xeb: {  	[tilespmem:s30], [sflag:$0x1] =	stream.indirect.gather [hbm4b:s1+s0], $0x80, s21, s0, $0xb8;
	[tilespmem:$0x1D000] =	vst v63  }
0xec: {  	_ =	swait.ge [sflag:s20], $0x4000  }
0xed: {  	p1 =	slt.u32 s25, s18;
	[sflag:s20] =	ssyncset.done $0x0  }
.Ltmp7:
0xee: {  	[sflag:s20] =	ssyncadd.s32 $0xFFFFC000;
	(pc) =	sbr.rel @!p1 .LBB2_11-.Ltmp7, $4  }
0xef: {  	[spmem:s3] =	stream.indirect.scatter.add.f32 [tilespmem:s7], [sflag:$0x5], $0x80, s22, s0, $0xb8;
	[tilespmem:$0x1D000] =	vst v63  }
0xf0: {  	_ =	swait.ge [sflag:s31], $0x4000  }
0xf1: {  	[sflag:s31] =	ssyncset.done $0x0  }
0xf2: {  	[sflag:s31] =	ssyncadd.s32 $0xFFFFC000  }
0xf3: {  	s28 =	simm.s32 $0xF80;
	s29 =	simm.s32 $0x0  }
0xf4: {  	s10 =	simm.s32 $0xF00;
	s11 =	simm.s32 $0x780;
	s12 =	simm.s32 $0x3  }
.LBB2_7:
0xf5: {  	_ =	swait.ge [sflag:s12], $0x400  }
0xf6: {  	[sflag:s12] =	ssyncset.done $0x0  }
0xf7: {  	[sflag:s12] =	ssyncadd.s32 $0xFFFFFC00  }
0xf8: {  	_ =	swait.ge [sflag:s12], $0x400  }
0xf9: {  	[sflag:s12] =	ssyncset.done $0x0  }
0xfa: {  	[sflag:s12] =	ssyncadd.s32 $0xFFFFFC00  }
0xfb: {  	[tilespmem:s7], [sflag:$0x2] =	stream.indirect.gather [hbm4b:s1+s0], $0x80, s11, s0, $0xb8;
	[tilespmem:$0x1D000] =	vst v63  }
0xfc: {  	_ =	swait.ge [sflag:s16], $0x4000  }
0xfd: {  	[sflag:s16] =	ssyncset.done $0x0  }
0xfe: {  	[sflag:s16] =	ssyncadd.s32 $0xFFFFC000  }
0xff: {  	[spmem:s3] =	stream.indirect.scatter.add.f32 [tilespmem:s30], [sflag:$0x5], $0x80, s10, s0, $0xb8;
	[tilespmem:$0x1D000] =	vst v63  }
0x100: {  	_ =	swait.ge [sflag:s31], $0x4000  }
0x101: {  	[sflag:s31] =	ssyncset.done $0x0  }
0x102: {  	[sflag:s31] =	ssyncadd.s32 $0xFFFFC000  }
0x103: {  	[tilespmem:s30], [sflag:$0x1] =	stream.indirect.gather [hbm4b:s1+s0], $0x80, s29, s0, $0xb8;
	[tilespmem:$0x1D000] =	vst v63  }
0x104: {  	_ =	swait.ge [sflag:s20], $0x4000  }
0x105: {  	p1 =	seq.s32 s15, $0x1;
	s10 =	simm.s32 $0x80;
	[sflag:s20] =	ssyncset.done $0x0  }
0x106: {  	s10 =	simm.s32 @!p1 $0x480;
	p1 =	slt.s32 s25, s26;
	[sflag:s20] =	ssyncadd.s32 $0xFFFFC000  }
0x107: {  	[spmem:s3] =	stream.indirect.scatter.add.f32 [tilespmem:s7], [sflag:$0x5], $0x80, s28, s0, $0xb8;
	[tilespmem:$0x1D000] =	vst v63  }
.Ltmp8:
0x108: {  	_ = 	snop;
	(pc) =	sbr.rel @!p1 .LBB2_13-.Ltmp8, $4  }
0x109: {  	_ =	swait.ge [sflag:s31], $0x4000  }
0x10a: {  	[sflag:s31] =	ssyncset.done $0x0  }
0x10b: {  	[sflag:s31] =	ssyncadd.s32 $0xFFFFC000  }
0x10c: {  	[tilespmem:s7], [sflag:$0x2] =	stream.indirect.gather [hbm4b:s1+s0], $0x80, s10, s0, $0xb8;
	[tilespmem:$0x1D000] =	vst v63  }
0x10d: {  	p1 =	sne.s32 s15, $0x0  }
.Ltmp9:
0x10e: {  	_ = 	snop;
	(pc) =	sbr.rel @p1 .LBB2_9-.Ltmp9, $1  }
0x10f: {  	_ =	sdelay $0x3  }
.Ltmp10:
0x110: {  	(pc) =	sbr.rel .LBB2_13-.Ltmp10, $4  }
0x111: {  	_ = 	snop  }
0x112: {  	[tilespmem:s4], [sflag:$0x3] =	stream.linear.gather [hbm4b:s14+s4], $0x400, $0x38;
	[tilespmem:$0x1D000] =	vst v63  }
0x113: {  	_ = 	snop  }
0x114: {  	[tilespmem:s2], [sflag:$0x3] =	stream.linear.gather [hbm4b:s23+s4], $0x400, $0x38;
	[tilespmem:$0x1D000] =	vst v63  }
.LBB2_11:
0x115: {  	s10 =	simm.s32 $0x780  }
0x116: {  	[tilespmem:s7], [sflag:$0x2] =	stream.indirect.gather [hbm4b:s1+s0], $0x80, s10, s0, $0xb8;
	[tilespmem:$0x1D000] =	vst v63  }
0x117: {  	_ =	swait.ge [sflag:s16], $0x4000  }
0x118: {  	[sflag:s16] =	ssyncset.done $0x0  }
0x119: {  	s28 =	simm.s32 $0xF00;
	[sflag:s16] =	ssyncadd.s32 $0xFFFFC000  }
0x11a: {  	[spmem:s3] =	stream.indirect.scatter.add.f32 [tilespmem:s30], [sflag:$0x5], $0x80, s28, s0, $0xb8;
	[tilespmem:$0x1D000] =	vst v63  }
0x11b: {  	_ =	swait.ge [sflag:s31], $0x4000  }
0x11c: {  	[sflag:s31] =	ssyncset.done $0x0  }
0x11d: {  	[sflag:s31] =	ssyncadd.s32 $0xFFFFC000  }
0x11e: {  	_ =	swait.ge [sflag:s20], $0x4000  }
0x11f: {  	[sflag:s20] =	ssyncset.done $0x0  }
0x120: {  	s29 =	simm.s32 $0xF80;
	p1 =	slt.s32 s25, s26;
	[sflag:s20] =	ssyncadd.s32 $0xFFFFC000  }
0x121: {  	[spmem:s3] =	stream.indirect.scatter.add.f32 [tilespmem:s7], [sflag:$0x5], $0x80, s29, s0, $0xb8;
	[tilespmem:$0x1D000] =	vst v63  }
.Ltmp11:
0x122: {  	_ = 	snop;
	(pc) =	sbr.rel @!p1 .LBB2_13-.Ltmp11, $4  }
.Ltmp12:
0x123: {  	_ = 	snop;
	(pc) =	sbr.rel @p1 .LBB2_12-.Ltmp12, $4  }
0x124: {  	_ =	swait.ge [sflag:s31], $0x4000  }
0x125: {  	[sflag:s31] =	ssyncset.done $0x0  }
0x126: {  	s10 =	smov.u32 s24;
	[sflag:s31] =	ssyncadd.s32 $0xFFFFC000  }
0x127: {  	_ = 	snop  }
.LBB2_9:
0x128: {  	s10 =	sshll.u32 s25, $0x3;
	s11 =	rddreg [dreg:$0x10]  }
0x129: {  	s10 =	sadd.s32 s10, s11  }
.LBB2_12:
.Ltmp13:
0x12a: {  	s10 =	sshll.u32 s10, $0x4;
	s11 =	rddreg [dreg:$0x4];
	(pc) =	sbr.rel .LBB2_13-.Ltmp13, $4  }
0x12b: {  	s12 =	simm.s32 $0x400;
	s29 =	rddreg [dreg:$0x5];
	s11 =	sadd.s32 s11, s10  }
0x12c: {  	[tilespmem:s12], [sflag:$0x4] =	stream.linear.gather [hbm4b:s11+s4], $0x400, $0x38;
	[tilespmem:$0x1D000] =	vst v63  }
0x12d: {  	s10 =	sadd.s32 s29, s10  }
0x12e: {  	[tilespmem:s9], [sflag:$0x4] =	stream.linear.gather [hbm4b:s10+s4], $0x400, $0x38;
	[tilespmem:$0x1D000] =	vst v63  }
.LBB2_15:
0x12f: {  	_ =	sfence.sel $0x180000  }
0x130: {  	[bflag:$0x0] =	sbarrier.arrive $0xFFFF  }
0x131: {  	_ =	strace $0x9000004D  }
0x132: {  	s0 =	stileid.u32;
	[bflag:$0x2] =	sbarrier.arrive $0xFFFF  }
0x133: {  	p0 =	sne.s32 s0, $0x0;
	s0 =	rddreg [dreg:$0x3]  }
0x134: {  	s0 =	sadd.s32 @!p0 $0x100000, s0  }
0x135: {  	[sflag:s0] =	ssyncadd.tile.s32 @!p0 $0x1;
	_ =	shalt  }
.Lfunc_end2:
_tile_overlayer_lowered:
.L_overlay_start_2:
0x136: {  	(tag) =	ssettag $0x2  }
0x137: {  	s0 =	rddreg [dreg:$0x0];
	s2 =	stileid.u32  }
0x138: {  	s1 =	rddreg [dreg:$0x1];
	p0 =	sne.s32 s2, $0x0  }
0x139: {  	s3 =	rddreg [dreg:$0x2];
	[bflag:$0x3] =	sbarrier.arrive $0xFFFF;
	s2 =	simm.s32 @!p0 $0x1C05  }
0x13a: {  	[timem:s3], [sflag:s2] =	dma.local @!p0 [hbm:s0], s1  }
0x13b: {  	s0 =	simm.s32 @!p0 $0x5  }
0x13c: {  	_ =	swait.ge @!p0 [sflag:s0], s1  }
0x13d: {  	s1 =	ssub.s32 @!p0 $0x0, s1;
	[sflag:s0] =	ssyncset.done @!p0 $0x0  }
0x13e: {  	[sflag:s0] =	ssyncadd.s32 @!p0 s1  }
0x13f: {  	[bflag:$0x3] =	sbarrier.arrive $0xFFFF  }
0x140: {  	_ =	shalt  }

// kernel: kernel.8.cloned.1.call-start
scs
__scs_entry_jumppad:
0x0: {  	(pc) =	sbr.rel $0x88, $3  }
0x1: {  	(tag) =	ssettag $0x0;
	lr =	simm.s32 $0x1  }
0x2: {  	[smem:$0x3F9B] =	sst lr;
	_ =	strace $0xD0000000  }
0x3: {  	_ = 	snop  }
0x4: {  	_ = 	snop  }
0x5: {  	_ = 	snop  }
0x6: {  	_ = 	snop  }
0x7: {  	_ = 	snop  }
__scs_overlays_trampoline_lowered:
0x8: {  	[smem:$0x3FAA] =	sst s0  }
0x9: {  	[smem:$0x3FAB] =	sst s1  }
0xa: {  	[smem:$0x3FAC] =	sst s2  }
0xb: {  	[smem:$0x3FAD] =	sst s3  }
0xc: {  	[smem:$0x3FAE] =	sst s4  }
0xd: {  	[smem:$0x3FAF] =	sst s5  }
0xe: {  	[smem:$0x3FB0] =	sst s6  }
0xf: {  	[smem:$0x3FB1] =	sst s7  }
0x10: {  	[smem:$0x3FB2] =	sst s8  }
0x11: {  	[smem:$0x3FB3] =	sst s9;
	s0 =	simm.s32 @!p0 $0x0  }
0x12: {  	s1 =	sld [smem:$0x3F99];
	s0 =	simm.s32 @p0 $0x1  }
0x13: {  	[smem:$0x3FB4] =	sst s0;
	s0 =	simm.s32 @!p1 $0x0  }
0x14: {  	s2 =	sld [smem:$0x3F98];
	s0 =	simm.s32 @p1 $0x1  }
0x15: {  	[smem:$0x3FB5] =	sst s0;
	s0 =	simm.s32 @!p2 $0x0  }
0x16: {  	s3 =	sld [smem:$0x3FDB];
	s0 =	simm.s32 @p2 $0x1  }
0x17: {  	s4 =	simm.s32 $0x1BF5;
	[smem:$0x3FB7] =	sst s0  }
0x18: {  	s0 =	sld [smem:$0x3F9A];
	_ =	swait.ge [sflag:s4], $0x0  }
0x19: {  	s7 =	sld [smem:$0x3F9B]  }
0x1a: {  	s8 =	sadd.s32 $0xFFFFE003, lr  }
0x1b: {  	s9 =	sadd.s32 $0xFFFFFEF7, lr;
	s5 =	simm.s32 $0xFFFFFFFF;
	p2 =	slt.u32 s8, $0xFFFFF086  }
0x1c: {  	p1 =	slt.u32 s9, $0xF7A;
	s5 =	simm.s32 @!p2 $0x0  }
0x1d: {  	s5 =	simm.s32 @p1 $0x1;
	p0 =	seq.s32 s7, s2  }
0x1e: {  	s7 =	smul.u32 @!p0 $0xF7A, s2;
	p2 =	seq.s32 @!p0 s5, $0x0  }
0x1f: {  	s9 =	smul.u32 $0xF7A, s1;
	s8 =	simm.s32 @!p0 $0x1BF5;
	p2 =	por !p2, p0  }
0x20: {  	[sflag:s8] =	ssyncset.s32 @!p0 $0xFFFFF086;
	s6 =	sadd.s32 @!p0 s3, s7;
	s7 =	simm.s32 @!p0 $0x108  }
0x21: {  	s3 =	sadd.s32 s3, s9;
	s6 =	sadd.s32 @!p0 $0x88, s6;
	s7 =	simm.s32 @p2 $0x1082  }
0x22: {  	[simem:s7], [sflag:s8] =	dma.local @!p0 [hbm:s6], $0xF7A  }
0x23: {  	s9 =	sor.u32 $0xD0000000, s2;
	s6 =	simm.s32 $0x108;
	_ =	swait.ge @!p0 [sflag:s8], $0x0  }
0x24: {  	s3 =	sadd.s32 $0x88, s3;
	s6 =	simm.s32 @!p1 $0x1082;
	[sflag:s4] =	ssyncset.s32 $0xFFFFF086  }
0x25: {  	[simem:s6], [sflag:s4] =	dma.local [hbm:s3], $0xF7A  }
0x26: {  	[smem:$0x3F9B] =	sst s1;
	(tag) =	ssettag s2;
	_ =	strace s9  }
0x27: {  	s1 =	sld [smem:$0x3FAB]  }
0x28: {  	s2 =	sld [smem:$0x3FAC]  }
0x29: {  	s4 =	sld [smem:$0x3FAE]  }
0x2a: {  	p0 =	seq.s32 s5, $0x0;
	s5 =	sld [smem:$0x3FAF]  }
0x2b: {  	s6 =	sld [smem:$0x3FB0]  }
0x2c: {  	s7 =	sld [smem:$0x3FB1]  }
0x2d: {  	s3 =	simm.s32 $0x108;
	s8 =	sld [smem:$0x3FB2]  }
0x2e: {  	s3 =	simm.s32 @!p0 $0x1082;
	s9 =	sld [smem:$0x3FB3]  }
0x2f: {  	lr =	sadd.s32 s0, s3;
	s0 =	sld [smem:$0x3FAA]  }
0x30: {  	s3 =	sld [smem:$0x3FAD]  }
0x31: {  	[smem:$0x3FB6] =	sst s10  }
0x32: {  	s10 =	sld [smem:$0x3FB4];
	_ =	sdelay $0x3  }
0x33: {  	p0 =	seq.s32 s10, $0x1;
	s10 =	sld [smem:$0x3FB6];
	_ =	sdelay $0x3  }
0x34: {  	[smem:$0x3FB6] =	sst s10  }
0x35: {  	s10 =	sld [smem:$0x3FB5];
	_ =	sdelay $0x3  }
0x36: {  	p1 =	seq.s32 s10, $0x1;
	s10 =	sld [smem:$0x3FB6];
	_ =	sdelay $0x3  }
0x37: {  	[smem:$0x3FB6] =	sst s10  }
0x38: {  	s10 =	sld [smem:$0x3FB7]  }
0x39: {  	_ = 	snop;
	(pc) =	sbr.ind lr, $3  }
0x3a: {  	_ = 	snop  }
0x3b: {  	_ = 	snop  }
0x3c: {  	p2 =	seq.s32 s10, $0x1;
	s10 =	sld [smem:$0x3FB6]  }
0x3d: {  	_ =	shalt  }
0x3e: {  	_ =	shalt  }
0x3f: {  	_ =	shalt  }
0x40: {  	_ =	shalt  }
0x41: {  	_ =	shalt  }
0x42: {  	_ =	shalt  }
0x43: {  	_ =	shalt  }
0x44: {  	_ =	shalt  }
0x45: {  	_ =	shalt  }
0x46: {  	_ =	shalt  }
0x47: {  	_ =	shalt  }
0x48: {  	_ =	shalt  }
0x49: {  	_ =	shalt  }
0x4a: {  	_ =	shalt  }
0x4b: {  	_ =	shalt  }
0x4c: {  	_ =	shalt  }
0x4d: {  	_ =	shalt  }
0x4e: {  	_ =	shalt  }
0x4f: {  	_ =	shalt  }
0x50: {  	_ =	shalt  }
0x51: {  	_ =	shalt  }
0x52: {  	_ =	shalt  }
0x53: {  	_ =	shalt  }
0x54: {  	_ =	shalt  }
0x55: {  	_ =	shalt  }
0x56: {  	_ =	shalt  }
0x57: {  	_ =	shalt  }
0x58: {  	_ =	shalt  }
0x59: {  	_ =	shalt  }
0x5a: {  	_ =	shalt  }
0x5b: {  	_ =	shalt  }
0x5c: {  	_ =	shalt  }
0x5d: {  	_ =	shalt  }
0x5e: {  	_ =	shalt  }
0x5f: {  	_ =	shalt  }
0x60: {  	_ =	shalt  }
0x61: {  	_ =	shalt  }
0x62: {  	_ =	shalt  }
0x63: {  	_ =	shalt  }
0x64: {  	_ =	shalt  }
0x65: {  	_ =	shalt  }
0x66: {  	_ =	shalt  }
0x67: {  	_ =	shalt  }
0x68: {  	_ =	shalt  }
0x69: {  	_ =	shalt  }
0x6a: {  	_ =	shalt  }
0x6b: {  	_ =	shalt  }
0x6c: {  	_ =	shalt  }
0x6d: {  	_ =	shalt  }
0x6e: {  	_ =	shalt  }
0x6f: {  	_ =	shalt  }
0x70: {  	_ =	shalt  }
0x71: {  	_ =	shalt  }
0x72: {  	_ =	shalt  }
0x73: {  	_ =	shalt  }
0x74: {  	_ =	shalt  }
0x75: {  	_ =	shalt  }
0x76: {  	_ =	shalt  }
0x77: {  	_ =	shalt  }
0x78: {  	_ =	shalt  }
0x79: {  	_ =	shalt  }
0x7a: {  	_ =	shalt  }
0x7b: {  	_ =	shalt  }
0x7c: {  	_ =	shalt  }
0x7d: {  	_ =	shalt  }
0x7e: {  	_ =	shalt  }
0x7f: {  	_ =	shalt  }
0x80: {  	_ =	shalt  }
0x81: {  	_ =	shalt  }
0x82: {  	_ =	shalt  }
0x83: {  	_ =	shalt  }
0x84: {  	_ =	shalt  }
0x85: {  	_ =	shalt  }
0x86: {  	_ =	shalt  }
0x87: {  	_ =	shalt  }
.Lfunc_end0:
.L_simem_size_0:
called_computation_lowered:
.L_overlay_start_0:
0x88: {  	s2 =	sld [smem:$0x3FD9]  }
0x89: {  	s3 =	sld [smem:$0x3FFE];
	_ =	sdelay $0x1  }
0x8a: {  	s1 =	srdreg.scid  }
0x8b: {  	s0 =	sand.u32 $0x1, s1  }
0x8c: {  	s17 =	sshll.u32 s0, $0xA;
	s2 =	sadd.s32 s3, s2  }
0x8d: {  	s2 =	sadd.s32 s2, s17  }
0x8e: {  	[smem:$0x3FC2] =	sst s2  }
0x8f: {  	_ = 	snop  }
0x90: {  	s2 =	sld [smem:$0x3FD0];
	(tm) =	ssettm $0x1  }
0x91: {  	s18 =	sld [smem:$0x3FFB];
	_ =	sdelay $0x3  }
0x92: {  	_ =	strace s18  }
0x93: {  	s3 =	sld [smem:$0x3FFC];
	_ =	sdelay $0x3  }
0x94: {  	_ =	strace s3  }
0x95: {  	s3 =	sld [smem:$0x3FFD];
	_ =	sdelay $0x3  }
0x96: {  	_ =	strace s3  }
0x97: {  	_ =	strace $0x8FFFFFFF  }
0x98: {  	s19 =	sld [smem:$0x3FDB];
	_ =	sdelay $0x1  }
0x99: {  	s4 =	simm.s32 $_scs_section_size  }
0x9a: {  	s5 =	simm.s32 $_size__tile_overlayer_lowered;
	s6 =	simm.s32 $_tile_overlayer_lowered  }
0x9b: {  	s22 =	simm.s32 $0x1BFF;
	s21 =	sshll.u32 s6, $0x1;
	s3 =	sadd.s32 s4, s19  }
0x9c: {  	s7 =	simm.s32 $0x0;
	s20 =	sshll.u32 s5, $0x1;
	s5 =	sadd.s32 s21, s3  }
0x9d: {  	[timem:s7], [sflag:s22] =	dma.local [hbm:s5], s20  }
0x9e: {  	_ =	swait.ge [sflag:s22], s20  }
0x9f: {  	s4 =	ssub.s32 $0x0, s20;
	[sflag:s22] =	ssyncset.done $0x0  }
0xa0: {  	[sflag:s22] =	ssyncadd.s32 s4;
	_ =	sdelay $0x1  }
0xa1: {  	s23 =	simm.s32 $0x1B8B  }
0xa2: {  	_ =	swait.ge [sflag:s23], $0x1  }
0xa3: {  	[sflag:s23] =	ssyncset.done $0x0  }
0xa4: {  	s25 =	simm.s32 $0x1B8E;
	s24 =	sld [smem:$0x3FFE];
	[sflag:s23] =	ssyncadd.s32 $0xFFFFFFFF  }
0xa5: {  	s26 =	simm.s32 $execute0_lowered;
	[smem:$0x3FD2] =	sst s25  }
0xa6: {  	s5 =	sshll.u32 s26, $0x1;
	_ =	strace $0x80000046;
	[dreg:$0x1] =	wrdreg $0xFFFFFFFF  }
0xa7: {  	s28 =	simm.s32 $_size_execute0_lowered;
	s3 =	sadd.s32 s3, s5;
	[dreg:$0x0] =	wrdreg $0x0  }
0xa8: {  	s5 =	sshll.u32 s28, $0x1;
	[dreg:$0x2] =	wrdreg s3  }
0xa9: {  	[dreg:$0x3] =	wrdreg s5  }
0xaa: {  	[dreg:$0x4] =	wrdreg $0xC0  }
0xab: {  	_ =	task [dreg:s7], $0x5FFFF  }
0xac: {  	[dreg:$0x1] =	wrdreg $0xFFFFFFFF  }
0xad: {  	[dreg:$0x0] =	wrdreg $0x60  }
0xae: {  	[dreg:$0x2] =	wrdreg s24  }
0xaf: {  	[dreg:$0x3] =	wrdreg s2  }
0xb0: {  	[dreg:$0x4] =	wrdreg $0x50800  }
0xb1: {  	[dreg:$0x5] =	wrdreg $0x9  }
0xb2: {  	_ =	task.clear_ibuf [dreg:s7], $0x6FFFF;
	_ =	strace $0x90000046  }
0xb3: {  	s29 =	simm.s32 $0x9;
	_ =	strace $0x80000048  }
0xb4: {  	_ =	swait.ge [sflag:s29], $0x1  }
0xb5: {  	[sflag:s29] =	ssyncadd.s32 $0xFFFFFFFF  }
0xb6: {  	_ =	strace $0x90000048  }
0xb7: {  	_ =	sfence  }
0xb8: {  	s30 =	sld [smem:$0x0];
	_ =	sdelay $0x2  }
0xb9: {  	s31 =	sshll.u32 s1, $0xD;
	s1 =	sshrl.u32 s1, $0x2  }
0xba: {  	s3 =	sand.u32 $0x4000, s31;
	s1 =	sadd.s32 s1, s30  }
0xbb: {  	s0 =	sor.u32 s3, s0;
	s1 =	sshll.u32 s1, $0x11  }
0xbc: {  	s0 =	sor.u32 s1, s0  }
0xbd: {  	s0 =	sadd.s32 $0x8F2B, s0  }
0xbe: {  	[sflag:s0] =	ssyncadd.remote.s32 $0x1  }
0xbf: {  	_ =	sfence.sel $0xFFFF  }
0xc0: {  	[dreg:$0x0] =	wrdreg $0xFFFFFFFF;
	(pc) =	sbr.abs _section_cstart, $3  }
0xc1: {  	[dreg:$0x1] =	wrdreg $0xFFFFFFFF  }
0xc2: {  	_ =	task.clear_ibuf [dreg:s7], $0x2FFFF;
	_ =	strace $0x9FFFFFFF  }
0xc3: {  	(tm) =	ssettm $0x7FFFFFFF  }
tec
execute0_lowered:
.L_overlay_start_1:
0x0: {  	(tag) =	ssettag $0x1  }
0x1: {  	s3 =	rddreg [dreg:$0x0]  }
0x2: {  	s0 =	srdreg.scid;
	s4 =	rddreg [dreg:$0x1]  }
0x3: {  	s1 =	rddreg [dreg:$0x2];
	s7 =	stileid.u32;
	s10 =	simm.s32 $0x0  }
0x4: {  	s5 =	sand.u32 $0x1, s0;
	s0 =	rddreg [dreg:$0x3];
	p0 =	sne.s32 s7, $0x0  }
0x5: {  	s2 =	sshll.u32 s5, $0x4;
	s8 =	ssub.s32 $0x2, s5;
	s5 =	smul.u32 $0x500, s5  }
0x6: {  	s6 =	sor.u32 s7, s2;
	s2 =	simm.s32 $0x0;
	s9 =	sshrl.u32 s8, $0x1  }
0x7: {  	s7 =	simm.s32 $0x2800;
	s6 =	smul.u32 $0x500, s6;
	[smem:$0x7FF] =	sst s2  }
0x8: {  	v0 =	vlaneseq.u32;
	s31 =	ssub.s32 s8, s9;
	s4 =	sadd.s32 s4, s5;
	s8 =	simm.s32 $0x50  }
0x9: {  	v5 =	vimm.f32 $0.0e+00;
	v6 =	vimm.f32 $1.000000000e+00;
	v1 =	vor.u32 $0x10, v0;
	s9 =	simm.s32 $0x5000;
	_ =	strace $0x80000047;
	s3 =	sadd.s32 s6, s3  }
0xa: {  	v2 =	vor.u32 $0x20, v0;
	v3 =	vor.u32 $0x30, v0;
	v4 =	vor.u32 $0x40, v0;
	s5 =	smax.u32 s31, $0x1;
	s6 =	simm.s32 $0x1;
	s3 =	sadd.s32 $0xC000, s3  }
.LBB2_1:
0xb: {  	[tilespmem:s2], [sflag:$0x1] =	stream.linear.gather [hbm4b:s3+s2], $0x2800, $0x38;
	[tilespmem:$0x5300] =	vst v63  }
0xc: {  	_ =	swait.ge [sflag:s6], $0x2800  }
0xd: {  	[sflag:s6] =	ssyncset.done $0x0  }
0xe: {  	[sflag:s6] =	ssyncadd.s32 $0xFFFFD800  }
0xf: {  	[tilespmem:$0x5000] =	vst v0  }
0x10: {  	[tilespmem:$0x5010] =	vst v1  }
0x11: {  	[tilespmem:$0x5020] =	vst v2  }
0x12: {  	[tilespmem:$0x5030] =	vst v3  }
0x13: {  	s11 =	simm.s32 $0x0;
	s12 =	simm.s32 $0x200;
	[tilespmem:$0x5040] =	vst v4  }
.LBB2_2:
0x14: {  	p1 =	sne.s32 s12, $0x9E00;
	[tilespmem:s11+$0x2870] =	vst v5  }
0x15: {  	[tilespmem:s11+$0x2800] =	vst v5  }
0x16: {  	[tilespmem:s11+$0x2810] =	vst v5  }
.Ltmp0:
0x17: {  	[tilespmem:s11+$0x2820] =	vst v5;
	(pc) =	sbr.rel @p1 .LBB2_2-.Ltmp0, $4  }
0x18: {  	[tilespmem:s11+$0x2830] =	vst v5  }
0x19: {  	[tilespmem:s11+$0x2840] =	vst v5  }
0x1a: {  	[tilespmem:s11+$0x2850] =	vst v5  }
0x1b: {  	[tilespmem:s11+$0x2860] =	vst v5;
	s11 =	sshra.s32 s12, $0x2;
	s12 =	sadd.s32 $0x200, s12  }
0x1c: {  	[tilespmem:s11+$0x2870] =	vst v5  }
0x1d: {  	[tilespmem:s11+$0x2800] =	vst v5  }
0x1e: {  	[tilespmem:s11+$0x2810] =	vst v5  }
0x1f: {  	[tilespmem:s11+$0x2820] =	vst v5  }
0x20: {  	[tilespmem:s11+$0x2830] =	vst v5  }
0x21: {  	[tilespmem:s11+$0x2840] =	vst v5  }
0x22: {  	[tilespmem:s11+$0x2850] =	vst v5  }
0x23: {  	[tilespmem:s11+$0x2860] =	vst v5;
	s11 =	simm.s32 @!p0 $0x2800  }
0x24: {  	[spmem:s1] =	stream.linear.scatter @!p0 [tilespmem:s11], [sflag:$0x1], $0x2800, $0x38;
	[tilespmem:$0x5300] =	vst v63  }
0x25: {  	s11 =	simm.s32 @!p0 $0x1  }
0x26: {  	_ =	swait.ge @!p0 [sflag:s11], $0x2800  }
0x27: {  	[sflag:s11] =	ssyncset.done @!p0 $0x0  }
0x28: {  	[sflag:s11] =	ssyncadd.s32 @!p0 $0xFFFFD800  }
0x29: {  	s11 =	simm.s32 $0x0;
	[bflag:$0x0] =	sbarrier.arrive $0xFFFF  }
.LBB2_4:
0x2a: {  	s12 =	sshra.s32 s11, $0x2  }
0x2b: {  	v7 =	vld [tilespmem:s12+$0x0];
	_ =	sdelay $0x7  }
0x2c: {  	[tilespmem:v7+s7+$0x0] =	vst.idx.add.f32.msk $0xffff, v6  }
0x2d: {  	v7 =	vld [tilespmem:s12+$0x10];
	_ =	sdelay $0x7  }
0x2e: {  	[tilespmem:v7+s7+$0x0] =	vst.idx.add.f32.msk $0xffff, v6  }
0x2f: {  	v7 =	vld [tilespmem:s12+$0x20];
	_ =	sdelay $0x7  }
0x30: {  	[tilespmem:v7+s7+$0x0] =	vst.idx.add.f32.msk $0xffff, v6  }
0x31: {  	v7 =	vld [tilespmem:s12+$0x30];
	_ =	sdelay $0x7  }
0x32: {  	[tilespmem:v7+s7+$0x0] =	vst.idx.add.f32.msk $0xffff, v6  }
0x33: {  	v7 =	vld [tilespmem:s12+$0x40];
	_ =	sdelay $0x7  }
0x34: {  	[tilespmem:v7+s7+$0x0] =	vst.idx.add.f32.msk $0xffff, v6  }
0x35: {  	v7 =	vld [tilespmem:s12+$0x50];
	_ =	sdelay $0x7  }
0x36: {  	[tilespmem:v7+s7+$0x0] =	vst.idx.add.f32.msk $0xffff, v6  }
0x37: {  	v7 =	vld [tilespmem:s12+$0x60];
	_ =	sdelay $0x7  }
0x38: {  	[tilespmem:v7+s7+$0x0] =	vst.idx.add.f32.msk $0xffff, v6  }
0x39: {  	v7 =	vld [tilespmem:s12+$0x70];
	_ =	sdelay $0x2  }
0x3a: {  	p1 =	sne.s32 s11, $0x9E00  }
.Ltmp1:
0x3b: {  	_ = 	snop;
	(pc) =	sbr.rel @p1 .LBB2_4-.Ltmp1, $2  }
0x3c: {  	_ =	sdelay $0x2  }
0x3d: {  	s11 =	sadd.s32 $0x200, s11;
	[tilespmem:v7+s7+$0x0] =	vst.idx.add.f32.msk $0xffff, v6  }
0x3e: {  	[spmem:s1] =	stream.indirect.scatter.add.f32 [tilespmem:s7], [sflag:$0x1], $0x80, s9, s8, $0xb8;
	[tilespmem:$0x5300] =	vst v63  }
0x3f: {  	_ =	swait.ge [sflag:s6], $0x2800  }
0x40: {  	[sflag:s6] =	ssyncset.done $0x0  }
0x41: {  	[sflag:s6] =	ssyncadd.s32 $0xFFFFD800  }
0x42: {  	s11 =	simm.s32 @!p0 $0x2800;
	s12 =	simm.s32 @!p0 $0x1;
	[bflag:$0x0] =	sbarrier.arrive $0xFFFF  }
0x43: {  	[tilespmem:s11], [sflag:$0x1] =	stream.linear.gather @!p0 [spmem:s1], $0x2800, $0x38;
	[tilespmem:$0x5300] =	vst v63  }
0x44: {  	s10 =	sadd.s32 $0x1, s10;
	_ =	swait.ge @!p0 [sflag:s12], $0x2800  }
0x45: {  	p1 =	sne.s32 s10, s5;
	[sflag:s12] =	ssyncset.done @!p0 $0x0  }
.Ltmp2:
0x46: {  	s13 =	simm.s32 @!p0 $0x0;
	[sflag:s12] =	ssyncadd.s32 @!p0 $0xFFFFD800;
	(pc) =	sbr.rel @p1 .LBB2_1-.Ltmp2, $4  }
0x47: {  	[hbm4b:s4+s13] =	stream.linear.scatter @!p0 [tilespmem:s11], [sflag:$0x1], $0x2800, $0x38;
	[tilespmem:$0x5300] =	vst v63  }
0x48: {  	_ =	swait.ge @!p0 [sflag:s12], $0x2800  }
0x49: {  	[sflag:s12] =	ssyncset.done @!p0 $0x0  }
0x4a: {  	[sflag:s12] =	ssyncadd.s32 @!p0 $0xFFFFD800  }
0x4b: {  	_ =	sfence.sel $0x180000  }
0x4c: {  	[bflag:$0x0] =	sbarrier.arrive $0xFFFF  }
0x4d: {  	_ =	strace $0x90000047  }
0x4e: {  	s0 =	sadd.s32 @!p0 $0x100000, s0;
	[bflag:$0x2] =	sbarrier.arrive $0xFFFF  }
0x4f: {  	[sflag:s0] =	ssyncadd.tile.s32 @!p0 $0x1;
	_ =	shalt  }
.Lfunc_end2:
_tile_overlayer_lowered:
.L_overlay_start_2:
0x50: {  	(tag) =	ssettag $0x2  }
0x51: {  	s0 =	rddreg [dreg:$0x0];
	s2 =	stileid.u32  }
0x52: {  	s1 =	rddreg [dreg:$0x1];
	p0 =	sne.s32 s2, $0x0  }
0x53: {  	s3 =	rddreg [dreg:$0x2];
	[bflag:$0x3] =	sbarrier.arrive $0xFFFF;
	s2 =	simm.s32 @!p0 $0x1C01  }
0x54: {  	[timem:s3], [sflag:s2] =	dma.local @!p0 [hbm:s0], s1  }
0x55: {  	s0 =	simm.s32 @!p0 $0x1  }
0x56: {  	_ =	swait.ge @!p0 [sflag:s0], s1  }
0x57: {  	s1 =	ssub.s32 @!p0 $0x0, s1;
	[sflag:s0] =	ssyncset.done @!p0 $0x0  }
0x58: {  	[sflag:s0] =	ssyncadd.s32 @!p0 s1  }
0x59: {  	[bflag:$0x3] =	sbarrier.arrive $0xFFFF  }
0x5a: {  	_ =	shalt  }

</sc_bundles>
